<compile_context>
chip_gen: v7x
topology: tpu7x:2x2x1
jax: 0.10.2.dev20260603
libtpu: 0.0.44.dev20260713+nightly
codegen_flags: <defaults>
</compile_context>

<pallas_src>
import jax
import jax.numpy as jnp
from jax import lax
from jax.experimental import pallas as pl
from jax.experimental.pallas import tpu as pltpu
from jax.experimental.pallas import tpu_sc as plsc

F = 26
HB = F // 2
V1 = 1001
D = 16
B = 4096
RW = F * D
XS = 32
BIAS_SLOT = 1 + V1 * 31

_INFO = plsc.get_sparse_core_info()
NC, NS = _INFO.num_cores, _INFO.num_subcores
NW = NC * NS
SPT = B // NW
CH = 4
NCHUNK = SPT // CH
NACC = 8

_GDN = lax.GatherDimensionNumbers(
    offset_dims=(), collapsed_slice_dims=(0,), start_index_map=(0,))


def _shuffle16(v, idx):
    return lax.gather(v, idx[:, None], dimension_numbers=_GDN,
                      slice_sizes=(1,),
                      mode=lax.GatherScatterMode.PROMISE_IN_BOUNDS)


def _lane_sum(v):
    for dist in (8, 4, 2, 1):
        v = v + _shuffle16(v, lax.iota(jnp.int32, D) ^ dist)
    return v


def _unpack2(w):
    lo = plsc.bitcast(lax.shift_left(w, 16), jnp.float32)
    hi = plsc.bitcast(lax.bitwise_and(w, jnp.int32(-65536)), jnp.float32)
    return lo, hi


def _tile_body(table, idxs, wext, out, idx_v, w_v, buf0, buf1, out_v,
               sem0, sem1):
    wid = lax.axis_index("s") * NC + lax.axis_index("c")
    pltpu.sync_copy(idxs.at[pl.ds(wid * SPT * XS, SPT * XS)], idx_v)
    pltpu.sync_copy(wext, w_v)

    def start_chunk(c, buf, sem):
        for s in range(CH):
            pltpu.async_copy(
                table.at[idx_v.at[pl.ds((c * CH + s) * XS, F)]],
                buf.at[pl.ds(s * F, F)], sem)

    def wait_chunk(c, buf, sem):
        for s in range(CH):
            pltpu.make_async_copy(
                table.at[idx_v.at[pl.ds((c * CH + s) * XS, F)]],
                buf.at[pl.ds(s * F, F)], sem).wait()

    start_chunk(0, buf0, sem0)
    start_chunk(1, buf1, sem1)

    zero = jnp.zeros((D,), jnp.float32)
    iota = lax.iota(jnp.int32, D)

    def do_chunk(c, outvec, buf, sem):
        wait_chunk(c, buf, sem)

        def s_body(s, ov):
            rb = s * F

            def k_body(kb, accs):
                accs = list(accs)
                for ib in range(HB):
                    jb = lax.rem(ib + kb, HB)
                    a_lo, a_hi = _unpack2(buf[rb + 2 * ib,
                                              pl.ds(D * jb, D)])
                    c_lo, c_hi = _unpack2(buf[rb + 2 * ib + 1,
                                              pl.ds(D * jb, D)])
                    b_lo, b_hi = _unpack2(buf[rb + 2 * jb,
                                              pl.ds(D * ib, D)])
                    d_lo, d_hi = _unpack2(buf[rb + 2 * jb + 1,
                                              pl.ds(D * ib, D)])
                    n = (4 * ib) % NACC
                    accs[n] = accs[n] + a_lo * b_lo
                    accs[(n + 1) % NACC] = accs[(n + 1) % NACC] + a_hi * d_lo
                    accs[(n + 2) % NACC] = accs[(n + 2) % NACC] + c_lo * b_hi
                    accs[(n + 3) % NACC] = accs[(n + 3) % NACC] + c_hi * d_hi
                return tuple(accs)

            accs = list(lax.fori_loop(1, HB // 2 + 1, k_body, (zero,) * NACC))

            for ib in range(HB):
                _, a_hi = _unpack2(buf[rb + 2 * ib, pl.ds(D * ib, D)])
                b_lo, _ = _unpack2(buf[rb + 2 * ib + 1, pl.ds(D * ib, D)])
                accs[ib % NACC] = accs[ib % NACC] + a_hi * b_lo

            ib0 = (c * CH + s) * XS
            xf0 = (idx_v[pl.ds(ib0, D)] - V1 * iota).astype(jnp.float32)
            xf1 = (idx_v[pl.ds(ib0 + D, D)] - V1 * (D + iota)).astype(
                jnp.float32)
            tot = xf0 * w_v[pl.ds(0, D)] + xf1 * w_v[pl.ds(D, D)]
            for a in accs:
                tot = tot + a
            r = _lane_sum(tot)
            lane = (c * CH + s) % D
            return jnp.where(iota == lane, r, ov)

        return lax.fori_loop(0, CH, s_body, outvec)

    def g_body(g, outvec):
        c0 = 2 * g
        c1 = 2 * g + 1
        outvec = do_chunk(c0, outvec, buf0, sem0)

        @pl.when(g < NCHUNK // 2 - 1)
        def _():
            start_chunk(c0 + 2, buf0, sem0)

        outvec = do_chunk(c1, outvec, buf1, sem1)

        @pl.when(g < NCHUNK // 2 - 1)
        def _():
            start_chunk(c1 + 2, buf1, sem1)

        flush = c1 % 4 == 3

        @pl.when(flush)
        def _():
            out_v[pl.ds((c1 - 3) * CH, D)] = outvec

        return jnp.where(flush, zero, outvec)

    lax.fori_loop(0, NCHUNK // 2, g_body, zero)
    pltpu.sync_copy(out_v, out.at[pl.ds(wid * SPT, SPT)])


_sc_call = pl.kernel(
    _tile_body,
    out_type=jax.ShapeDtypeStruct((B,), jnp.float32),
    mesh=plsc.VectorSubcoreMesh(core_axis_name="c", subcore_axis_name="s"),
    scratch_types=[
        pltpu.VMEM((SPT * XS,), jnp.int32),
        pltpu.VMEM((128,), jnp.float32),
        pltpu.VMEM((CH * F, RW // 2), jnp.int32),
        pltpu.VMEM((CH * F, RW // 2), jnp.int32),
        pltpu.VMEM((SPT,), jnp.float32),
        pltpu.SemaphoreType.DMA,
        pltpu.SemaphoreType.DMA,
    ],
    compiler_params=pltpu.CompilerParams(use_tc_tiling_on_sc=False, needs_layout_passes=False),
)


def kernel(sparse_inputs, emb, W, b):
    x = sparse_inputs.astype(jnp.int32)
    table = emb.transpose(0, 2, 1, 3).reshape(F * V1, HB, 2, D)
    table = table.transpose(0, 1, 3, 2).reshape(F * V1, RW)
    table = table.astype(jnp.bfloat16)
    table = lax.bitcast_convert_type(
        table.reshape(F * V1, RW // 2, 2), jnp.int32)
    idxp = x + jnp.arange(F, dtype=jnp.int32) * V1
    idxs = jnp.concatenate(
        [idxp, jnp.zeros((B, XS - F - 1), jnp.int32),
         jnp.full((B, 1), BIAS_SLOT, jnp.int32)], axis=1).reshape(B * XS)
    wext = jnp.concatenate(
        [W[:, 0], jnp.zeros((5,), jnp.float32), b,
         jnp.zeros((96,), jnp.float32)])
    return _sc_call(table, idxs, wext)

# --- scband reference (transcript-rebuilt; emitter-appended) ---
"""Pipeline reference for scband-field-aware-factorization-machine-74380243632883 (READ-ONLY COPY).

The authoritative reference and input builder live on the scoring server;
editing this copy changes nothing except your own understanding.
"""

import jax, jax.numpy as jnp
import numpy as np

F_FIELDS = 26
VOCAB = 1000
EMBED_DIM = 16
BATCH = 4096


def setup_inputs(seed: int = 0) -> dict:
    key = jax.random.key(seed)
    k1, k2, k3, k4 = jax.random.split(key, 4)
    sparse_inputs = jax.random.randint(k1, (BATCH, F_FIELDS), 0, VOCAB)
    # emb[i, j] corresponds to torch module's self.embeddings[f'{feat_i}_to_{j}'],
    # each of shape (feature_size + 1, embed_dim)
    emb = jax.random.normal(k2, (F_FIELDS, F_FIELDS, VOCAB + 1, EMBED_DIM), dtype=jnp.float32) * 0.05
    W = jax.random.normal(k3, (F_FIELDS, 1), dtype=jnp.float32) * 0.1
    b = jax.random.normal(k4, (1,), dtype=jnp.float32) * 0.1
    return {"sparse_inputs": sparse_inputs, "emb": emb, "W": W, "b": b}


def reference(sparse_inputs, emb, W, b):
    x = sparse_inputs
    linear_part = (x.astype(jnp.float32) @ W + b).squeeze(-1)
    interactions = []
    for i in range(F_FIELDS):
        for j in range(i + 1, F_FIELDS):
            vi_fj = jnp.take(emb[i, j], x[:, i], axis=0)
            vj_fi = jnp.take(emb[j, i], x[:, j], axis=0)
            interactions.append((vi_fj * vj_fi).sum(axis=1))
    pairwise = jnp.stack(interactions, axis=1).sum(axis=1)
    return linear_part + pairwise

if __name__ == "__main__":
    import jax
    _d = setup_inputs()
    print(jax.jit(kernel)(*tuple(_d.values())))

</pallas_src>

<mosaic_0001>
#map = affine_map<(d0, d1) -> (0, 0)>
#map1 = affine_map<(d0, d1) -> (0)>
module attributes {stable_mosaic.version = 14 : i64} {
  func.func @_tile_body(%arg0: i32, %arg1: i32, %arg2: memref<26026x208xi32, #tpu.memory_space<hbm>>, %arg3: memref<131072xi32, #tpu.memory_space<hbm>>, %arg4: memref<128xf32, #tpu.memory_space<hbm>>, %arg5: memref<4096xf32, #tpu.memory_space<hbm>>, %arg6: memref<4096xi32, #tpu.memory_space<vmem>>, %arg7: memref<128xf32, #tpu.memory_space<vmem>>, %arg8: memref<104x208xi32, #tpu.memory_space<vmem>>, %arg9: memref<104x208xi32, #tpu.memory_space<vmem>>, %arg10: memref<128xf32, #tpu.memory_space<vmem>>, %arg11: memref<!tpu.dma_semaphore, #tpu.memory_space<semaphore_mem>>, %arg12: memref<!tpu.dma_semaphore, #tpu.memory_space<semaphore_mem>>) attributes {dimension_semantics = [#tpu.dimension_semantics<core_parallel>, #tpu.dimension_semantics<subcore_parallel>], iteration_bounds = array<i64: 2, 16>, scalar_prefetch = 0 : i64, scratch_operands = 7 : i64, tpu.core_type = #tpu.core_type<sc_vector_subcore>, window_params = [{transform_indices = #map}, {transform_indices = #map1}, {transform_indices = #map1}, {transform_indices = #map1}]} {
    %mul3A = arith.constant 2 : i32
    %mul3A_0 = arith.muli %arg1, %mul3A : i32
    %add3A = arith.addi %mul3A_0, %arg0 : i32
    %mul3A_1 = arith.constant 128 : i32
    %mul3A_2 = arith.muli %add3A, %mul3A_1 : i32
    %mul3A_3 = arith.constant 32 : i32
    %mul3A_4 = arith.muli %mul3A_2, %mul3A_3 : i32
    "tpu.region"() ({
      %run_scoped3A = tpu.sem_alloc : memref<!tpu.dma_semaphore, #tpu.memory_space<semaphore_mem>>
      %dma_start3A_76 = tpu.memref_slice %arg3[%mul3A_4] : memref<131072xi32, #tpu.memory_space<hbm>> -> memref<4096xi32, #tpu.memory_space<hbm>>
      %dma_start3A_77 = tpu.memref_slice %arg3[%mul3A_4] : memref<131072xi32, #tpu.memory_space<hbm>> -> memref<4096xi32, #tpu.memory_space<hbm>>
      tpu.enqueue_dma source(%dma_start3A_77 : memref<4096xi32, #tpu.memory_space<hbm>>) target(%arg6 : memref<4096xi32, #tpu.memory_space<vmem>>) target_semaphore(%run_scoped3A : memref<!tpu.dma_semaphore, #tpu.memory_space<semaphore_mem>>)
      %dma_wait3A = tpu.memref_slice %arg3[%mul3A_4] : memref<131072xi32, #tpu.memory_space<hbm>> -> memref<4096xi32, #tpu.memory_space<hbm>>
      %dma_wait3A_78 = tpu.memref_slice %arg3[%mul3A_4] : memref<131072xi32, #tpu.memory_space<hbm>> -> memref<4096xi32, #tpu.memory_space<hbm>>
      tpu.wait_dma2 semaphore(%run_scoped3A : memref<!tpu.dma_semaphore, #tpu.memory_space<semaphore_mem>>) src(%dma_wait3A_78 : memref<4096xi32, #tpu.memory_space<hbm>>) dst(%arg6 : memref<4096xi32, #tpu.memory_space<vmem>>)
      tpu.yield
    }) : () -> ()
    "tpu.region"() ({
      %run_scoped3A = tpu.sem_alloc : memref<!tpu.dma_semaphore, #tpu.memory_space<semaphore_mem>>
      tpu.enqueue_dma source(%arg4 : memref<128xf32, #tpu.memory_space<hbm>>) target(%arg7 : memref<128xf32, #tpu.memory_space<vmem>>) target_semaphore(%run_scoped3A : memref<!tpu.dma_semaphore, #tpu.memory_space<semaphore_mem>>)
      tpu.wait_dma2 semaphore(%run_scoped3A : memref<!tpu.dma_semaphore, #tpu.memory_space<semaphore_mem>>) src(%arg4 : memref<128xf32, #tpu.memory_space<hbm>>) dst(%arg7 : memref<128xf32, #tpu.memory_space<vmem>>)
      tpu.yield
    }) : () -> ()
    %dma_start3A = arith.constant 0 : i32
    %dma_start3A_5 = arith.constant 0 : i32
    %dma_start3A_6 = tpu.memref_slice %arg8[%dma_start3A, %dma_start3A_5] : memref<104x208xi32, #tpu.memory_space<vmem>> -> memref<26x208xi32, #tpu.memory_space<vmem>>
    %dma_start3A_7 = arith.constant 0 : i32
    %dma_start3A_8 = tpu.memref_slice %arg6[%dma_start3A_7] : memref<4096xi32, #tpu.memory_space<vmem>> -> memref<26xi32, #tpu.memory_space<vmem>>
    %dma_start3A_9 = arith.constant 0 : i32
    %dma_start3A_10 = arith.constant 0 : i32
    %dma_start3A_11 = tpu.memref_slice %arg2[%dma_start3A_9, %dma_start3A_10] : memref<26026x208xi32, #tpu.memory_space<hbm>> -> memref<26026x208xi32, #tpu.memory_space<hbm>>
    tpu.enqueue_indirect_dma source(%dma_start3A_11 : memref<26026x208xi32, #tpu.memory_space<hbm>>) target(%dma_start3A_6 : memref<26x208xi32, #tpu.memory_space<vmem>>) offsets(%dma_start3A_8 : memref<26xi32, #tpu.memory_space<vmem>>) semaphore(%arg11 : memref<!tpu.dma_semaphore, #tpu.memory_space<semaphore_mem>>)
    %dma_start3A_12 = arith.constant 26 : i32
    %dma_start3A_13 = arith.constant 0 : i32
    %dma_start3A_14 = tpu.memref_slice %arg8[%dma_start3A_12, %dma_start3A_13] : memref<104x208xi32, #tpu.memory_space<vmem>> -> memref<26x208xi32, #tpu.memory_space<vmem>>
    %dma_start3A_15 = arith.constant 32 : i32
    %dma_start3A_16 = tpu.memref_slice %arg6[%dma_start3A_15] : memref<4096xi32, #tpu.memory_space<vmem>> -> memref<26xi32, #tpu.memory_space<vmem>>
    %dma_start3A_17 = arith.constant 0 : i32
    %dma_start3A_18 = arith.constant 0 : i32
    %dma_start3A_19 = tpu.memref_slice %arg2[%dma_start3A_17, %dma_start3A_18] : memref<26026x208xi32, #tpu.memory_space<hbm>> -> memref<26026x208xi32, #tpu.memory_space<hbm>>
    tpu.enqueue_indirect_dma source(%dma_start3A_19 : memref<26026x208xi32, #tpu.memory_space<hbm>>) target(%dma_start3A_14 : memref<26x208xi32, #tpu.memory_space<vmem>>) offsets(%dma_start3A_16 : memref<26xi32, #tpu.memory_space<vmem>>) semaphore(%arg11 : memref<!tpu.dma_semaphore, #tpu.memory_space<semaphore_mem>>)
    %dma_start3A_20 = arith.constant 52 : i32
    %dma_start3A_21 = arith.constant 0 : i32
    %dma_start3A_22 = tpu.memref_slice %arg8[%dma_start3A_20, %dma_start3A_21] : memref<104x208xi32, #tpu.memory_space<vmem>> -> memref<26x208xi32, #tpu.memory_space<vmem>>
    %dma_start3A_23 = arith.constant 64 : i32
    %dma_start3A_24 = tpu.memref_slice %arg6[%dma_start3A_23] : memref<4096xi32, #tpu.memory_space<vmem>> -> memref<26xi32, #tpu.memory_space<vmem>>
    %dma_start3A_25 = arith.constant 0 : i32
    %dma_start3A_26 = arith.constant 0 : i32
    %dma_start3A_27 = tpu.memref_slice %arg2[%dma_start3A_25, %dma_start3A_26] : memref<26026x208xi32, #tpu.memory_space<hbm>> -> memref<26026x208xi32, #tpu.memory_space<hbm>>
    tpu.enqueue_indirect_dma source(%dma_start3A_27 : memref<26026x208xi32, #tpu.memory_space<hbm>>) target(%dma_start3A_22 : memref<26x208xi32, #tpu.memory_space<vmem>>) offsets(%dma_start3A_24 : memref<26xi32, #tpu.memory_space<vmem>>) semaphore(%arg11 : memref<!tpu.dma_semaphore, #tpu.memory_space<semaphore_mem>>)
    %dma_start3A_28 = arith.constant 78 : i32
    %dma_start3A_29 = arith.constant 0 : i32
    %dma_start3A_30 = tpu.memref_slice %arg8[%dma_start3A_28, %dma_start3A_29] : memref<104x208xi32, #tpu.memory_space<vmem>> -> memref<26x208xi32, #tpu.memory_space<vmem>>
    %dma_start3A_31 = arith.constant 96 : i32
    %dma_start3A_32 = tpu.memref_slice %arg6[%dma_start3A_31] : memref<4096xi32, #tpu.memory_space<vmem>> -> memref<26xi32, #tpu.memory_space<vmem>>
    %dma_start3A_33 = arith.constant 0 : i32
    %dma_start3A_34 = arith.constant 0 : i32
    %dma_start3A_35 = tpu.memref_slice %arg2[%dma_start3A_33, %dma_start3A_34] : memref<26026x208xi32, #tpu.memory_space<hbm>> -> memref<26026x208xi32, #tpu.memory_space<hbm>>
    tpu.enqueue_indirect_dma source(%dma_start3A_35 : memref<26026x208xi32, #tpu.memory_space<hbm>>) target(%dma_start3A_30 : memref<26x208xi32, #tpu.memory_space<vmem>>) offsets(%dma_start3A_32 : memref<26xi32, #tpu.memory_space<vmem>>) semaphore(%arg11 : memref<!tpu.dma_semaphore, #tpu.memory_space<semaphore_mem>>)
    %dma_start3A_36 = arith.constant 0 : i32
    %dma_start3A_37 = arith.constant 0 : i32
    %dma_start3A_38 = tpu.memref_slice %arg9[%dma_start3A_36, %dma_start3A_37] : memref<104x208xi32, #tpu.memory_space<vmem>> -> memref<26x208xi32, #tpu.memory_space<vmem>>
    %dma_start3A_39 = arith.constant 128 : i32
    %dma_start3A_40 = tpu.memref_slice %arg6[%dma_start3A_39] : memref<4096xi32, #tpu.memory_space<vmem>> -> memref<26xi32, #tpu.memory_space<vmem>>
    %dma_start3A_41 = arith.constant 0 : i32
    %dma_start3A_42 = arith.constant 0 : i32
    %dma_start3A_43 = tpu.memref_slice %arg2[%dma_start3A_41, %dma_start3A_42] : memref<26026x208xi32, #tpu.memory_space<hbm>> -> memref<26026x208xi32, #tpu.memory_space<hbm>>
    tpu.enqueue_indirect_dma source(%dma_start3A_43 : memref<26026x208xi32, #tpu.memory_space<hbm>>) target(%dma_start3A_38 : memref<26x208xi32, #tpu.memory_space<vmem>>) offsets(%dma_start3A_40 : memref<26xi32, #tpu.memory_space<vmem>>) semaphore(%arg12 : memref<!tpu.dma_semaphore, #tpu.memory_space<semaphore_mem>>)
    %dma_start3A_44 = arith.constant 26 : i32
    %dma_start3A_45 = arith.constant 0 : i32
    %dma_start3A_46 = tpu.memref_slice %arg9[%dma_start3A_44, %dma_start3A_45] : memref<104x208xi32, #tpu.memory_space<vmem>> -> memref<26x208xi32, #tpu.memory_space<vmem>>
    %dma_start3A_47 = arith.constant 160 : i32
    %dma_start3A_48 = tpu.memref_slice %arg6[%dma_start3A_47] : memref<4096xi32, #tpu.memory_space<vmem>> -> memref<26xi32, #tpu.memory_space<vmem>>
    %dma_start3A_49 = arith.constant 0 : i32
    %dma_start3A_50 = arith.constant 0 : i32
    %dma_start3A_51 = tpu.memref_slice %arg2[%dma_start3A_49, %dma_start3A_50] : memref<26026x208xi32, #tpu.memory_space<hbm>> -> memref<26026x208xi32, #tpu.memory_space<hbm>>
    tpu.enqueue_indirect_dma source(%dma_start3A_51 : memref<26026x208xi32, #tpu.memory_space<hbm>>) target(%dma_start3A_46 : memref<26x208xi32, #tpu.memory_space<vmem>>) offsets(%dma_start3A_48 : memref<26xi32, #tpu.memory_space<vmem>>) semaphore(%arg12 : memref<!tpu.dma_semaphore, #tpu.memory_space<semaphore_mem>>)
    %dma_start3A_52 = arith.constant 52 : i32
    %dma_start3A_53 = arith.constant 0 : i32
    %dma_start3A_54 = tpu.memref_slice %arg9[%dma_start3A_52, %dma_start3A_53] : memref<104x208xi32, #tpu.memory_space<vmem>> -> memref<26x208xi32, #tpu.memory_space<vmem>>
    %dma_start3A_55 = arith.constant 192 : i32
    %dma_start3A_56 = tpu.memref_slice %arg6[%dma_start3A_55] : memref<4096xi32, #tpu.memory_space<vmem>> -> memref<26xi32, #tpu.memory_space<vmem>>
    %dma_start3A_57 = arith.constant 0 : i32
    %dma_start3A_58 = arith.constant 0 : i32
    %dma_start3A_59 = tpu.memref_slice %arg2[%dma_start3A_57, %dma_start3A_58] : memref<26026x208xi32, #tpu.memory_space<hbm>> -> memref<26026x208xi32, #tpu.memory_space<hbm>>
    tpu.enqueue_indirect_dma source(%dma_start3A_59 : memref<26026x208xi32, #tpu.memory_space<hbm>>) target(%dma_start3A_54 : memref<26x208xi32, #tpu.memory_space<vmem>>) offsets(%dma_start3A_56 : memref<26xi32, #tpu.memory_space<vmem>>) semaphore(%arg12 : memref<!tpu.dma_semaphore, #tpu.memory_space<semaphore_mem>>)
    %dma_start3A_60 = arith.constant 78 : i32
    %dma_start3A_61 = arith.constant 0 : i32
    %dma_start3A_62 = tpu.memref_slice %arg9[%dma_start3A_60, %dma_start3A_61] : memref<104x208xi32, #tpu.memory_space<vmem>> -> memref<26x208xi32, #tpu.memory_space<vmem>>
    %dma_start3A_63 = arith.constant 224 : i32
    %dma_start3A_64 = tpu.memref_slice %arg6[%dma_start3A_63] : memref<4096xi32, #tpu.memory_space<vmem>> -> memref<26xi32, #tpu.memory_space<vmem>>
    %dma_start3A_65 = arith.constant 0 : i32
    %dma_start3A_66 = arith.constant 0 : i32
    %dma_start3A_67 = tpu.memref_slice %arg2[%dma_start3A_65, %dma_start3A_66] : memref<26026x208xi32, #tpu.memory_space<hbm>> -> memref<26026x208xi32, #tpu.memory_space<hbm>>
    tpu.enqueue_indirect_dma source(%dma_start3A_67 : memref<26026x208xi32, #tpu.memory_space<hbm>>) target(%dma_start3A_62 : memref<26x208xi32, #tpu.memory_space<vmem>>) offsets(%dma_start3A_64 : memref<26xi32, #tpu.memory_space<vmem>>) semaphore(%arg12 : memref<!tpu.dma_semaphore, #tpu.memory_space<semaphore_mem>>)
    %broadcast_in_dim3A = arith.constant 0.000000e+00 : f32
    %broadcast_in_dim3A_68 = vector.broadcast %broadcast_in_dim3A : f32 to vector<16xf32>
    %iota3A = tpu.iota {dimensions = array<i32: 0>} : vector<16xi32>
    %scan3A = arith.constant 0 : i32
    %scan3A_69 = arith.constant 16 : i32
    %scan3A_70 = arith.addi %scan3A, %scan3A_69 : i32
    %scan3A_71 = arith.constant 1 : i32
    %scan3A_72 = scf.for %scan3A_76 = %scan3A to %scan3A_70 step %scan3A_71 iter_args(%scan3A_77 = %broadcast_in_dim3A_68) -> (vector<16xf32>)  : i32 {
      %mul3A_78 = arith.constant 2 : i32
      %mul3A_79 = arith.muli %mul3A_78, %scan3A_76 : i32
      %mul3A_80 = arith.constant 2 : i32
      %mul3A_81 = arith.muli %mul3A_80, %scan3A_76 : i32
      %add3A_82 = arith.constant 1 : i32
      %add3A_83 = arith.addi %mul3A_81, %add3A_82 : i32
      %mul3A_84 = arith.constant 4 : i32
      %mul3A_85 = arith.muli %mul3A_79, %mul3A_84 : i32
      %add3A_86 = arith.constant 0 : i32
      %add3A_87 = arith.addi %mul3A_85, %add3A_86 : i32
      %mul3A_88 = arith.constant 32 : i32
      %mul3A_89 = arith.muli %add3A_87, %mul3A_88 : i32
      %dma_wait3A = arith.constant 0 : i32
      %dma_wait3A_90 = arith.constant 0 : i32
      %dma_wait3A_91 = tpu.memref_slice %arg8[%dma_wait3A, %dma_wait3A_90] : memref<104x208xi32, #tpu.memory_space<vmem>> -> memref<26x208xi32, #tpu.memory_space<vmem>>
      %dma_wait3A_92 = tpu.memref_slice %arg6[%mul3A_89] : memref<4096xi32, #tpu.memory_space<vmem>> -> memref<26xi32, #tpu.memory_space<vmem>>
      %dma_wait3A_93 = arith.constant 0 : i32
      %dma_wait3A_94 = arith.constant 0 : i32
      %dma_wait3A_95 = tpu.memref_slice %arg2[%dma_wait3A_93, %dma_wait3A_94] : memref<26026x208xi32, #tpu.memory_space<hbm>> -> memref<26026x208xi32, #tpu.memory_space<hbm>>
      tpu.wait_indirect_dma semaphore(%arg11 : memref<!tpu.dma_semaphore, #tpu.memory_space<semaphore_mem>>) src(%dma_wait3A_95 : memref<26026x208xi32, #tpu.memory_space<hbm>>) dst(%dma_wait3A_91 : memref<26x208xi32, #tpu.memory_space<vmem>>)
      %mul3A_96 = arith.constant 4 : i32
      %mul3A_97 = arith.muli %mul3A_79, %mul3A_96 : i32
      %add3A_98 = arith.constant 1 : i32
      %add3A_99 = arith.addi %mul3A_97, %add3A_98 : i32
      %mul3A_100 = arith.constant 32 : i32
      %mul3A_101 = arith.muli %add3A_99, %mul3A_100 : i32
      %dma_wait3A_102 = arith.constant 26 : i32
      %dma_wait3A_103 = arith.constant 0 : i32
      %dma_wait3A_104 = tpu.memref_slice %arg8[%dma_wait3A_102, %dma_wait3A_103] : memref<104x208xi32, #tpu.memory_space<vmem>> -> memref<26x208xi32, #tpu.memory_space<vmem>>
      %dma_wait3A_105 = tpu.memref_slice %arg6[%mul3A_101] : memref<4096xi32, #tpu.memory_space<vmem>> -> memref<26xi32, #tpu.memory_space<vmem>>
      %dma_wait3A_106 = arith.constant 0 : i32
      %dma_wait3A_107 = arith.constant 0 : i32
      %dma_wait3A_108 = tpu.memref_slice %arg2[%dma_wait3A_106, %dma_wait3A_107] : memref<26026x208xi32, #tpu.memory_space<hbm>> -> memref<26026x208xi32, #tpu.memory_space<hbm>>
      tpu.wait_indirect_dma semaphore(%arg11 : memref<!tpu.dma_semaphore, #tpu.memory_space<semaphore_mem>>) src(%dma_wait3A_108 : memref<26026x208xi32, #tpu.memory_space<hbm>>) dst(%dma_wait3A_104 : memref<26x208xi32, #tpu.memory_space<vmem>>)
      %mul3A_109 = arith.constant 4 : i32
      %mul3A_110 = arith.muli %mul3A_79, %mul3A_109 : i32
      %add3A_111 = arith.constant 2 : i32
      %add3A_112 = arith.addi %mul3A_110, %add3A_111 : i32
      %mul3A_113 = arith.constant 32 : i32
      %mul3A_114 = arith.muli %add3A_112, %mul3A_113 : i32
      %dma_wait3A_115 = arith.constant 52 : i32
      %dma_wait3A_116 = arith.constant 0 : i32
      %dma_wait3A_117 = tpu.memref_slice %arg8[%dma_wait3A_115, %dma_wait3A_116] : memref<104x208xi32, #tpu.memory_space<vmem>> -> memref<26x208xi32, #tpu.memory_space<vmem>>
      %dma_wait3A_118 = tpu.memref_slice %arg6[%mul3A_114] : memref<4096xi32, #tpu.memory_space<vmem>> -> memref<26xi32, #tpu.memory_space<vmem>>
      %dma_wait3A_119 = arith.constant 0 : i32
      %dma_wait3A_120 = arith.constant 0 : i32
      %dma_wait3A_121 = tpu.memref_slice %arg2[%dma_wait3A_119, %dma_wait3A_120] : memref<26026x208xi32, #tpu.memory_space<hbm>> -> memref<26026x208xi32, #tpu.memory_space<hbm>>
      tpu.wait_indirect_dma semaphore(%arg11 : memref<!tpu.dma_semaphore, #tpu.memory_space<semaphore_mem>>) src(%dma_wait3A_121 : memref<26026x208xi32, #tpu.memory_space<hbm>>) dst(%dma_wait3A_117 : memref<26x208xi32, #tpu.memory_space<vmem>>)
      %mul3A_122 = arith.constant 4 : i32
      %mul3A_123 = arith.muli %mul3A_79, %mul3A_122 : i32
      %add3A_124 = arith.constant 3 : i32
      %add3A_125 = arith.addi %mul3A_123, %add3A_124 : i32
      %mul3A_126 = arith.constant 32 : i32
      %mul3A_127 = arith.muli %add3A_125, %mul3A_126 : i32
      %dma_wait3A_128 = arith.constant 78 : i32
      %dma_wait3A_129 = arith.constant 0 : i32
      %dma_wait3A_130 = tpu.memref_slice %arg8[%dma_wait3A_128, %dma_wait3A_129] : memref<104x208xi32, #tpu.memory_space<vmem>> -> memref<26x208xi32, #tpu.memory_space<vmem>>
      %dma_wait3A_131 = tpu.memref_slice %arg6[%mul3A_127] : memref<4096xi32, #tpu.memory_space<vmem>> -> memref<26xi32, #tpu.memory_space<vmem>>
      %dma_wait3A_132 = arith.constant 0 : i32
      %dma_wait3A_133 = arith.constant 0 : i32
      %dma_wait3A_134 = tpu.memref_slice %arg2[%dma_wait3A_132, %dma_wait3A_133] : memref<26026x208xi32, #tpu.memory_space<hbm>> -> memref<26026x208xi32, #tpu.memory_space<hbm>>
      tpu.wait_indirect_dma semaphore(%arg11 : memref<!tpu.dma_semaphore, #tpu.memory_space<semaphore_mem>>) src(%dma_wait3A_134 : memref<26026x208xi32, #tpu.memory_space<hbm>>) dst(%dma_wait3A_130 : memref<26x208xi32, #tpu.memory_space<vmem>>)
      %scan3A_135 = arith.constant 0 : i32
      %scan3A_136 = arith.constant 4 : i32
      %scan3A_137 = arith.addi %scan3A_135, %scan3A_136 : i32
      %scan3A_138 = arith.constant 1 : i32
      %scan3A_139 = scf.for %scan3A_222 = %scan3A_135 to %scan3A_137 step %scan3A_138 iter_args(%scan3A_223 = %scan3A_77) -> (vector<16xf32>)  : i32 {
        %mul3A_224 = arith.constant 26 : i32
        %mul3A_225 = arith.muli %scan3A_222, %mul3A_224 : i32
        %scan3A_226 = arith.constant 1 : i32
        %scan3A_227 = arith.constant 6 : i32
        %scan3A_228 = arith.addi %scan3A_226, %scan3A_227 : i32
        %scan3A_229 = arith.constant 1 : i32
        %scan3A_230:8 = scf.for %scan3A_709 = %scan3A_226 to %scan3A_228 step %scan3A_229 iter_args(%scan3A_710 = %broadcast_in_dim3A_68, %scan3A_711 = %broadcast_in_dim3A_68, %scan3A_712 = %broadcast_in_dim3A_68, %scan3A_713 = %broadcast_in_dim3A_68, %scan3A_714 = %broadcast_in_dim3A_68, %scan3A_715 = %broadcast_in_dim3A_68, %scan3A_716 = %broadcast_in_dim3A_68, %scan3A_717 = %broadcast_in_dim3A_68) -> (vector<16xf32>, vector<16xf32>, vector<16xf32>, vector<16xf32>, vector<16xf32>, vector<16xf32>, vector<16xf32>, vector<16xf32>)  : i32 {
          %add3A_718 = arith.constant 0 : i32
          %add3A_719 = arith.addi %add3A_718, %scan3A_709 : i32
          %rem3A_720 = arith.constant 13 : i32
          %rem3A_721 = arith.remsi %add3A_719, %rem3A_720 : i32
          %add3A_722 = arith.constant 0 : i32
          %add3A_723 = arith.addi %mul3A_225, %add3A_722 : i32
          %mul3A_724 = arith.constant 16 : i32
          %mul3A_725 = arith.muli %mul3A_724, %rem3A_721 : i32
          %get3A_726 = arith.index_cast %add3A_723 : i32 to index
          %get3A_727 = arith.index_cast %mul3A_725 : i32 to index
          %get3A_728 = tpu.vector_load %arg8[%get3A_726, %get3A_727] {strides = array<i32>} : memref<104x208xi32, #tpu.memory_space<vmem>>, vector<16xi32>,
          %shift_left3A_729 = arith.constant 16 : i32
          %shift_left3A_730 = vector.broadcast %shift_left3A_729 : i32 to vector<16xi32>
          %shift_left3A_731 = arith.shli %get3A_728, %shift_left3A_730 : vector<16xi32>
          %bitcast3A_732 = vector.bitcast %shift_left3A_731 : vector<16xi32> to vector<16xf32>
          %and3A_733 = arith.constant -65536 : i32
          %and3A_734 = vector.broadcast %and3A_733 : i32 to vector<16xi32>
          %and3A_735 = arith.andi %get3A_728, %and3A_734 : vector<16xi32>
          %bitcast3A_736 = vector.bitcast %and3A_735 : vector<16xi32> to vector<16xf32>
          %add3A_737 = arith.constant 0 : i32
          %add3A_738 = arith.addi %mul3A_225, %add3A_737 : i32
          %add3A_739 = arith.constant 1 : i32
          %add3A_740 = arith.addi %add3A_738, %add3A_739 : i32
          %mul3A_741 = arith.constant 16 : i32
          %mul3A_742 = arith.muli %mul3A_741, %rem3A_721 : i32
          %get3A_743 = arith.index_cast %add3A_740 : i32 to index
          %get3A_744 = arith.index_cast %mul3A_742 : i32 to index
          %get3A_745 = tpu.vector_load %arg8[%get3A_743, %get3A_744] {strides = array<i32>} : memref<104x208xi32, #tpu.memory_space<vmem>>, vector<16xi32>,
          %shift_left3A_746 = arith.constant 16 : i32
          %shift_left3A_747 = vector.broadcast %shift_left3A_746 : i32 to vector<16xi32>
          %shift_left3A_748 = arith.shli %get3A_745, %shift_left3A_747 : vector<16xi32>
          %bitcast3A_749 = vector.bitcast %shift_left3A_748 : vector<16xi32> to vector<16xf32>
          %and3A_750 = arith.constant -65536 : i32
          %and3A_751 = vector.broadcast %and3A_750 : i32 to vector<16xi32>
          %and3A_752 = arith.andi %get3A_745, %and3A_751 : vector<16xi32>
          %bitcast3A_753 = vector.bitcast %and3A_752 : vector<16xi32> to vector<16xf32>
          %mul3A_754 = arith.constant 2 : i32
          %mul3A_755 = arith.muli %mul3A_754, %rem3A_721 : i32
          %add3A_756 = arith.addi %mul3A_225, %mul3A_755 : i32
          %get3A_757 = arith.index_cast %add3A_756 : i32 to index
          %get3A_758 = arith.constant 0 : index
          %get3A_759 = tpu.vector_load %arg8[%get3A_757, %get3A_758] {strides = array<i32>} : memref<104x208xi32, #tpu.memory_space<vmem>>, vector<16xi32>,
          %shift_left3A_760 = arith.constant 16 : i32
          %shift_left3A_761 = vector.broadcast %shift_left3A_760 : i32 to vector<16xi32>
          %shift_left3A_762 = arith.shli %get3A_759, %shift_left3A_761 : vector<16xi32>
          %bitcast3A_763 = vector.bitcast %shift_left3A_762 : vector<16xi32> to vector<16xf32>
          %and3A_764 = arith.constant -65536 : i32
          %and3A_765 = vector.broadcast %and3A_764 : i32 to vector<16xi32>
          %and3A_766 = arith.andi %get3A_759, %and3A_765 : vector<16xi32>
          %bitcast3A_767 = vector.bitcast %and3A_766 : vector<16xi32> to vector<16xf32>
          %mul3A_768 = arith.constant 2 : i32
          %mul3A_769 = arith.muli %mul3A_768, %rem3A_721 : i32
          %add3A_770 = arith.addi %mul3A_225, %mul3A_769 : i32
          %add3A_771 = arith.constant 1 : i32
          %add3A_772 = arith.addi %add3A_770, %add3A_771 : i32
          %get3A_773 = arith.index_cast %add3A_772 : i32 to index
          %get3A_774 = arith.constant 0 : index
          %get3A_775 = tpu.vector_load %arg8[%get3A_773, %get3A_774] {strides = array<i32>} : memref<104x208xi32, #tpu.memory_space<vmem>>, vector<16xi32>,
          %shift_left3A_776 = arith.constant 16 : i32
          %shift_left3A_777 = vector.broadcast %shift_left3A_776 : i32 to vector<16xi32>
          %shift_left3A_778 = arith.shli %get3A_775, %shift_left3A_777 : vector<16xi32>
          %bitcast3A_779 = vector.bitcast %shift_left3A_778 : vector<16xi32> to vector<16xf32>
          %and3A_780 = arith.constant -65536 : i32
          %and3A_781 = vector.broadcast %and3A_780 : i32 to vector<16xi32>
          %and3A_782 = arith.andi %get3A_775, %and3A_781 : vector<16xi32>
          %bitcast3A_783 = vector.bitcast %and3A_782 : vector<16xi32> to vector<16xf32>
          %mul3A_784 = arith.mulf %bitcast3A_732, %bitcast3A_763 : vector<16xf32>
          %add3A_785 = arith.addf %scan3A_710, %mul3A_784 : vector<16xf32>
          %mul3A_786 = arith.mulf %bitcast3A_736, %bitcast3A_779 : vector<16xf32>
          %add3A_787 = arith.addf %scan3A_711, %mul3A_786 : vector<16xf32>
          %mul3A_788 = arith.mulf %bitcast3A_749, %bitcast3A_767 : vector<16xf32>
          %add3A_789 = arith.addf %scan3A_712, %mul3A_788 : vector<16xf32>
          %mul3A_790 = arith.mulf %bitcast3A_753, %bitcast3A_783 : vector<16xf32>
          %add3A_791 = arith.addf %scan3A_713, %mul3A_790 : vector<16xf32>
          %add3A_792 = arith.constant 1 : i32
          %add3A_793 = arith.addi %add3A_792, %scan3A_709 : i32
          %rem3A_794 = arith.constant 13 : i32
          %rem3A_795 = arith.remsi %add3A_793, %rem3A_794 : i32
          %add3A_796 = arith.constant 2 : i32
          %add3A_797 = arith.addi %mul3A_225, %add3A_796 : i32
          %mul3A_798 = arith.constant 16 : i32
          %mul3A_799 = arith.muli %mul3A_798, %rem3A_795 : i32
          %get3A_800 = arith.index_cast %add3A_797 : i32 to index
          %get3A_801 = arith.index_cast %mul3A_799 : i32 to index
          %get3A_802 = tpu.vector_load %arg8[%get3A_800, %get3A_801] {strides = array<i32>} : memref<104x208xi32, #tpu.memory_space<vmem>>, vector<16xi32>,
          %shift_left3A_803 = arith.constant 16 : i32
          %shift_left3A_804 = vector.broadcast %shift_left3A_803 : i32 to vector<16xi32>
          %shift_left3A_805 = arith.shli %get3A_802, %shift_left3A_804 : vector<16xi32>
          %bitcast3A_806 = vector.bitcast %shift_left3A_805 : vector<16xi32> to vector<16xf32>
          %and3A_807 = arith.constant -65536 : i32
          %and3A_808 = vector.broadcast %and3A_807 : i32 to vector<16xi32>
          %and3A_809 = arith.andi %get3A_802, %and3A_808 : vector<16xi32>
          %bitcast3A_810 = vector.bitcast %and3A_809 : vector<16xi32> to vector<16xf32>
          %add3A_811 = arith.constant 2 : i32
          %add3A_812 = arith.addi %mul3A_225, %add3A_811 : i32
          %add3A_813 = arith.constant 1 : i32
          %add3A_814 = arith.addi %add3A_812, %add3A_813 : i32
          %mul3A_815 = arith.constant 16 : i32
          %mul3A_816 = arith.muli %mul3A_815, %rem3A_795 : i32
          %get3A_817 = arith.index_cast %add3A_814 : i32 to index
          %get3A_818 = arith.index_cast %mul3A_816 : i32 to index
          %get3A_819 = tpu.vector_load %arg8[%get3A_817, %get3A_818] {strides = array<i32>} : memref<104x208xi32, #tpu.memory_space<vmem>>, vector<16xi32>,
          %shift_left3A_820 = arith.constant 16 : i32
          %shift_left3A_821 = vector.broadcast %shift_left3A_820 : i32 to vector<16xi32>
          %shift_left3A_822 = arith.shli %get3A_819, %shift_left3A_821 : vector<16xi32>
          %bitcast3A_823 = vector.bitcast %shift_left3A_822 : vector<16xi32> to vector<16xf32>
          %and3A_824 = arith.constant -65536 : i32
          %and3A_825 = vector.broadcast %and3A_824 : i32 to vector<16xi32>
          %and3A_826 = arith.andi %get3A_819, %and3A_825 : vector<16xi32>
          %bitcast3A_827 = vector.bitcast %and3A_826 : vector<16xi32> to vector<16xf32>
          %mul3A_828 = arith.constant 2 : i32
          %mul3A_829 = arith.muli %mul3A_828, %rem3A_795 : i32
          %add3A_830 = arith.addi %mul3A_225, %mul3A_829 : i32
          %get3A_831 = arith.index_cast %add3A_830 : i32 to index
          %get3A_832 = arith.constant 16 : index
          %get3A_833 = tpu.vector_load %arg8[%get3A_831, %get3A_832] {strides = array<i32>} : memref<104x208xi32, #tpu.memory_space<vmem>>, vector<16xi32>,
          %shift_left3A_834 = arith.constant 16 : i32
          %shift_left3A_835 = vector.broadcast %shift_left3A_834 : i32 to vector<16xi32>
          %shift_left3A_836 = arith.shli %get3A_833, %shift_left3A_835 : vector<16xi32>
          %bitcast3A_837 = vector.bitcast %shift_left3A_836 : vector<16xi32> to vector<16xf32>
          %and3A_838 = arith.constant -65536 : i32
          %and3A_839 = vector.broadcast %and3A_838 : i32 to vector<16xi32>
          %and3A_840 = arith.andi %get3A_833, %and3A_839 : vector<16xi32>
          %bitcast3A_841 = vector.bitcast %and3A_840 : vector<16xi32> to vector<16xf32>
          %mul3A_842 = arith.constant 2 : i32
          %mul3A_843 = arith.muli %mul3A_842, %rem3A_795 : i32
          %add3A_844 = arith.addi %mul3A_225, %mul3A_843 : i32
          %add3A_845 = arith.constant 1 : i32
          %add3A_846 = arith.addi %add3A_844, %add3A_845 : i32
          %get3A_847 = arith.index_cast %add3A_846 : i32 to index
          %get3A_848 = arith.constant 16 : index
          %get3A_849 = tpu.vector_load %arg8[%get3A_847, %get3A_848] {strides = array<i32>} : memref<104x208xi32, #tpu.memory_space<vmem>>, vector<16xi32>,
          %shift_left3A_850 = arith.constant 16 : i32
          %shift_left3A_851 = vector.broadcast %shift_left3A_850 : i32 to vector<16xi32>
          %shift_left3A_852 = arith.shli %get3A_849, %shift_left3A_851 : vector<16xi32>
          %bitcast3A_853 = vector.bitcast %shift_left3A_852 : vector<16xi32> to vector<16xf32>
          %and3A_854 = arith.constant -65536 : i32
          %and3A_855 = vector.broadcast %and3A_854 : i32 to vector<16xi32>
          %and3A_856 = arith.andi %get3A_849, %and3A_855 : vector<16xi32>
          %bitcast3A_857 = vector.bitcast %and3A_856 : vector<16xi32> to vector<16xf32>
          %mul3A_858 = arith.mulf %bitcast3A_806, %bitcast3A_837 : vector<16xf32>
          %add3A_859 = arith.addf %scan3A_714, %mul3A_858 : vector<16xf32>
          %mul3A_860 = arith.mulf %bitcast3A_810, %bitcast3A_853 : vector<16xf32>
          %add3A_861 = arith.addf %scan3A_715, %mul3A_860 : vector<16xf32>
          %mul3A_862 = arith.mulf %bitcast3A_823, %bitcast3A_841 : vector<16xf32>
          %add3A_863 = arith.addf %scan3A_716, %mul3A_862 : vector<16xf32>
          %mul3A_864 = arith.mulf %bitcast3A_827, %bitcast3A_857 : vector<16xf32>
          %add3A_865 = arith.addf %scan3A_717, %mul3A_864 : vector<16xf32>
          %add3A_866 = arith.constant 2 : i32
          %add3A_867 = arith.addi %add3A_866, %scan3A_709 : i32
          %rem3A_868 = arith.constant 13 : i32
          %rem3A_869 = arith.remsi %add3A_867, %rem3A_868 : i32
          %add3A_870 = arith.constant 4 : i32
          %add3A_871 = arith.addi %mul3A_225, %add3A_870 : i32
          %mul3A_872 = arith.constant 16 : i32
          %mul3A_873 = arith.muli %mul3A_872, %rem3A_869 : i32
          %get3A_874 = arith.index_cast %add3A_871 : i32 to index
          %get3A_875 = arith.index_cast %mul3A_873 : i32 to index
          %get3A_876 = tpu.vector_load %arg8[%get3A_874, %get3A_875] {strides = array<i32>} : memref<104x208xi32, #tpu.memory_space<vmem>>, vector<16xi32>,
          %shift_left3A_877 = arith.constant 16 : i32
          %shift_left3A_878 = vector.broadcast %shift_left3A_877 : i32 to vector<16xi32>
          %shift_left3A_879 = arith.shli %get3A_876, %shift_left3A_878 : vector<16xi32>
          %bitcast3A_880 = vector.bitcast %shift_left3A_879 : vector<16xi32> to vector<16xf32>
          %and3A_881 = arith.constant -65536 : i32
          %and3A_882 = vector.broadcast %and3A_881 : i32 to vector<16xi32>
          %and3A_883 = arith.andi %get3A_876, %and3A_882 : vector<16xi32>
          %bitcast3A_884 = vector.bitcast %and3A_883 : vector<16xi32> to vector<16xf32>
          %add3A_885 = arith.constant 4 : i32
          %add3A_886 = arith.addi %mul3A_225, %add3A_885 : i32
          %add3A_887 = arith.constant 1 : i32
          %add3A_888 = arith.addi %add3A_886, %add3A_887 : i32
          %mul3A_889 = arith.constant 16 : i32
          %mul3A_890 = arith.muli %mul3A_889, %rem3A_869 : i32
          %get3A_891 = arith.index_cast %add3A_888 : i32 to index
          %get3A_892 = arith.index_cast %mul3A_890 : i32 to index
          %get3A_893 = tpu.vector_load %arg8[%get3A_891, %get3A_892] {strides = array<i32>} : memref<104x208xi32, #tpu.memory_space<vmem>>, vector<16xi32>,
          %shift_left3A_894 = arith.constant 16 : i32
          %shift_left3A_895 = vector.broadcast %shift_left3A_894 : i32 to vector<16xi32>
          %shift_left3A_896 = arith.shli %get3A_893, %shift_left3A_895 : vector<16xi32>
          %bitcast3A_897 = vector.bitcast %shift_left3A_896 : vector<16xi32> to vector<16xf32>
          %and3A_898 = arith.constant -65536 : i32
          %and3A_899 = vector.broadcast %and3A_898 : i32 to vector<16xi32>
          %and3A_900 = arith.andi %get3A_893, %and3A_899 : vector<16xi32>
          %bitcast3A_901 = vector.bitcast %and3A_900 : vector<16xi32> to vector<16xf32>
          %mul3A_902 = arith.constant 2 : i32
          %mul3A_903 = arith.muli %mul3A_902, %rem3A_869 : i32
          %add3A_904 = arith.addi %mul3A_225, %mul3A_903 : i32
          %get3A_905 = arith.index_cast %add3A_904 : i32 to index
          %get3A_906 = arith.constant 32 : index
          %get3A_907 = tpu.vector_load %arg8[%get3A_905, %get3A_906] {strides = array<i32>} : memref<104x208xi32, #tpu.memory_space<vmem>>, vector<16xi32>,
          %shift_left3A_908 = arith.constant 16 : i32
          %shift_left3A_909 = vector.broadcast %shift_left3A_908 : i32 to vector<16xi32>
          %shift_left3A_910 = arith.shli %get3A_907, %shift_left3A_909 : vector<16xi32>
          %bitcast3A_911 = vector.bitcast %shift_left3A_910 : vector<16xi32> to vector<16xf32>
          %and3A_912 = arith.constant -65536 : i32
          %and3A_913 = vector.broadcast %and3A_912 : i32 to vector<16xi32>
          %and3A_914 = arith.andi %get3A_907, %and3A_913 : vector<16xi32>
          %bitcast3A_915 = vector.bitcast %and3A_914 : vector<16xi32> to vector<16xf32>
          %mul3A_916 = arith.constant 2 : i32
          %mul3A_917 = arith.muli %mul3A_916, %rem3A_869 : i32
          %add3A_918 = arith.addi %mul3A_225, %mul3A_917 : i32
          %add3A_919 = arith.constant 1 : i32
          %add3A_920 = arith.addi %add3A_918, %add3A_919 : i32
          %get3A_921 = arith.index_cast %add3A_920 : i32 to index
          %get3A_922 = arith.constant 32 : index
          %get3A_923 = tpu.vector_load %arg8[%get3A_921, %get3A_922] {strides = array<i32>} : memref<104x208xi32, #tpu.memory_space<vmem>>, vector<16xi32>,
          %shift_left3A_924 = arith.constant 16 : i32
          %shift_left3A_925 = vector.broadcast %shift_left3A_924 : i32 to vector<16xi32>
          %shift_left3A_926 = arith.shli %get3A_923, %shift_left3A_925 : vector<16xi32>
          %bitcast3A_927 = vector.bitcast %shift_left3A_926 : vector<16xi32> to vector<16xf32>
          %and3A_928 = arith.constant -65536 : i32
          %and3A_929 = vector.broadcast %and3A_928 : i32 to vector<16xi32>
          %and3A_930 = arith.andi %get3A_923, %and3A_929 : vector<16xi32>
          %bitcast3A_931 = vector.bitcast %and3A_930 : vector<16xi32> to vector<16xf32>
          %mul3A_932 = arith.mulf %bitcast3A_880, %bitcast3A_911 : vector<16xf32>
          %add3A_933 = arith.addf %add3A_785, %mul3A_932 : vector<16xf32>
          %mul3A_934 = arith.mulf %bitcast3A_884, %bitcast3A_927 : vector<16xf32>
          %add3A_935 = arith.addf %add3A_787, %mul3A_934 : vector<16xf32>
          %mul3A_936 = arith.mulf %bitcast3A_897, %bitcast3A_915 : vector<16xf32>
          %add3A_937 = arith.addf %add3A_789, %mul3A_936 : vector<16xf32>
          %mul3A_938 = arith.mulf %bitcast3A_901, %bitcast3A_931 : vector<16xf32>
          %add3A_939 = arith.addf %add3A_791, %mul3A_938 : vector<16xf32>
          %add3A_940 = arith.constant 3 : i32
          %add3A_941 = arith.addi %add3A_940, %scan3A_709 : i32
          %rem3A_942 = arith.constant 13 : i32
          %rem3A_943 = arith.remsi %add3A_941, %rem3A_942 : i32
          %add3A_944 = arith.constant 6 : i32
          %add3A_945 = arith.addi %mul3A_225, %add3A_944 : i32
          %mul3A_946 = arith.constant 16 : i32
          %mul3A_947 = arith.muli %mul3A_946, %rem3A_943 : i32
          %get3A_948 = arith.index_cast %add3A_945 : i32 to index
          %get3A_949 = arith.index_cast %mul3A_947 : i32 to index
          %get3A_950 = tpu.vector_load %arg8[%get3A_948, %get3A_949] {strides = array<i32>} : memref<104x208xi32, #tpu.memory_space<vmem>>, vector<16xi32>,
          %shift_left3A_951 = arith.constant 16 : i32
          %shift_left3A_952 = vector.broadcast %shift_left3A_951 : i32 to vector<16xi32>
          %shift_left3A_953 = arith.shli %get3A_950, %shift_left3A_952 : vector<16xi32>
          %bitcast3A_954 = vector.bitcast %shift_left3A_953 : vector<16xi32> to vector<16xf32>
          %and3A_955 = arith.constant -65536 : i32
          %and3A_956 = vector.broadcast %and3A_955 : i32 to vector<16xi32>
          %and3A_957 = arith.andi %get3A_950, %and3A_956 : vector<16xi32>
          %bitcast3A_958 = vector.bitcast %and3A_957 : vector<16xi32> to vector<16xf32>
          %add3A_959 = arith.constant 6 : i32
          %add3A_960 = arith.addi %mul3A_225, %add3A_959 : i32
          %add3A_961 = arith.constant 1 : i32
          %add3A_962 = arith.addi %add3A_960, %add3A_961 : i32
          %mul3A_963 = arith.constant 16 : i32
          %mul3A_964 = arith.muli %mul3A_963, %rem3A_943 : i32
          %get3A_965 = arith.index_cast %add3A_962 : i32 to index
          %get3A_966 = arith.index_cast %mul3A_964 : i32 to index
          %get3A_967 = tpu.vector_load %arg8[%get3A_965, %get3A_966] {strides = array<i32>} : memref<104x208xi32, #tpu.memory_space<vmem>>, vector<16xi32>,
          %shift_left3A_968 = arith.constant 16 : i32
          %shift_left3A_969 = vector.broadcast %shift_left3A_968 : i32 to vector<16xi32>
          %shift_left3A_970 = arith.shli %get3A_967, %shift_left3A_969 : vector<16xi32>
          %bitcast3A_971 = vector.bitcast %shift_left3A_970 : vector<16xi32> to vector<16xf32>
          %and3A_972 = arith.constant -65536 : i32
          %and3A_973 = vector.broadcast %and3A_972 : i32 to vector<16xi32>
          %and3A_974 = arith.andi %get3A_967, %and3A_973 : vector<16xi32>
          %bitcast3A_975 = vector.bitcast %and3A_974 : vector<16xi32> to vector<16xf32>
          %mul3A_976 = arith.constant 2 : i32
          %mul3A_977 = arith.muli %mul3A_976, %rem3A_943 : i32
          %add3A_978 = arith.addi %mul3A_225, %mul3A_977 : i32
          %get3A_979 = arith.index_cast %add3A_978 : i32 to index
          %get3A_980 = arith.constant 48 : index
          %get3A_981 = tpu.vector_load %arg8[%get3A_979, %get3A_980] {strides = array<i32>} : memref<104x208xi32, #tpu.memory_space<vmem>>, vector<16xi32>,
          %shift_left3A_982 = arith.constant 16 : i32
          %shift_left3A_983 = vector.broadcast %shift_left3A_982 : i32 to vector<16xi32>
          %shift_left3A_984 = arith.shli %get3A_981, %shift_left3A_983 : vector<16xi32>
          %bitcast3A_985 = vector.bitcast %shift_left3A_984 : vector<16xi32> to vector<16xf32>
          %and3A_986 = arith.constant -65536 : i32
          %and3A_987 = vector.broadcast %and3A_986 : i32 to vector<16xi32>
          %and3A_988 = arith.andi %get3A_981, %and3A_987 : vector<16xi32>
          %bitcast3A_989 = vector.bitcast %and3A_988 : vector<16xi32> to vector<16xf32>
          %mul3A_990 = arith.constant 2 : i32
          %mul3A_991 = arith.muli %mul3A_990, %rem3A_943 : i32
          %add3A_992 = arith.addi %mul3A_225, %mul3A_991 : i32
          %add3A_993 = arith.constant 1 : i32
          %add3A_994 = arith.addi %add3A_992, %add3A_993 : i32
          %get3A_995 = arith.index_cast %add3A_994 : i32 to index
          %get3A_996 = arith.constant 48 : index
          %get3A_997 = tpu.vector_load %arg8[%get3A_995, %get3A_996] {strides = array<i32>} : memref<104x208xi32, #tpu.memory_space<vmem>>, vector<16xi32>,
          %shift_left3A_998 = arith.constant 16 : i32
          %shift_left3A_999 = vector.broadcast %shift_left3A_998 : i32 to vector<16xi32>
          %shift_left3A_1000 = arith.shli %get3A_997, %shift_left3A_999 : vector<16xi32>
          %bitcast3A_1001 = vector.bitcast %shift_left3A_1000 : vector<16xi32> to vector<16xf32>
          %and3A_1002 = arith.constant -65536 : i32
          %and3A_1003 = vector.broadcast %and3A_1002 : i32 to vector<16xi32>
          %and3A_1004 = arith.andi %get3A_997, %and3A_1003 : vector<16xi32>
          %bitcast3A_1005 = vector.bitcast %and3A_1004 : vector<16xi32> to vector<16xf32>
          %mul3A_1006 = arith.mulf %bitcast3A_954, %bitcast3A_985 : vector<16xf32>
          %add3A_1007 = arith.addf %add3A_859, %mul3A_1006 : vector<16xf32>
          %mul3A_1008 = arith.mulf %bitcast3A_958, %bitcast3A_1001 : vector<16xf32>
          %add3A_1009 = arith.addf %add3A_861, %mul3A_1008 : vector<16xf32>
          %mul3A_1010 = arith.mulf %bitcast3A_971, %bitcast3A_989 : vector<16xf32>
          %add3A_1011 = arith.addf %add3A_863, %mul3A_1010 : vector<16xf32>
          %mul3A_1012 = arith.mulf %bitcast3A_975, %bitcast3A_1005 : vector<16xf32>
          %add3A_1013 = arith.addf %add3A_865, %mul3A_1012 : vector<16xf32>
          %add3A_1014 = arith.constant 4 : i32
          %add3A_1015 = arith.addi %add3A_1014, %scan3A_709 : i32
          %rem3A_1016 = arith.constant 13 : i32
          %rem3A_1017 = arith.remsi %add3A_1015, %rem3A_1016 : i32
          %add3A_1018 = arith.constant 8 : i32
          %add3A_1019 = arith.addi %mul3A_225, %add3A_1018 : i32
          %mul3A_1020 = arith.constant 16 : i32
          %mul3A_1021 = arith.muli %mul3A_1020, %rem3A_1017 : i32
          %get3A_1022 = arith.index_cast %add3A_1019 : i32 to index
          %get3A_1023 = arith.index_cast %mul3A_1021 : i32 to index
          %get3A_1024 = tpu.vector_load %arg8[%get3A_1022, %get3A_1023] {strides = array<i32>} : memref<104x208xi32, #tpu.memory_space<vmem>>, vector<16xi32>,
          %shift_left3A_1025 = arith.constant 16 : i32
          %shift_left3A_1026 = vector.broadcast %shift_left3A_1025 : i32 to vector<16xi32>
          %shift_left3A_1027 = arith.shli %get3A_1024, %shift_left3A_1026 : vector<16xi32>
          %bitcast3A_1028 = vector.bitcast %shift_left3A_1027 : vector<16xi32> to vector<16xf32>
          %and3A_1029 = arith.constant -65536 : i32
          %and3A_1030 = vector.broadcast %and3A_1029 : i32 to vector<16xi32>
          %and3A_1031 = arith.andi %get3A_1024, %and3A_1030 : vector<16xi32>
          %bitcast3A_1032 = vector.bitcast %and3A_1031 : vector<16xi32> to vector<16xf32>
          %add3A_1033 = arith.constant 8 : i32
          %add3A_1034 = arith.addi %mul3A_225, %add3A_1033 : i32
          %add3A_1035 = arith.constant 1 : i32
          %add3A_1036 = arith.addi %add3A_1034, %add3A_1035 : i32
          %mul3A_1037 = arith.constant 16 : i32
          %mul3A_1038 = arith.muli %mul3A_1037, %rem3A_1017 : i32
          %get3A_1039 = arith.index_cast %add3A_1036 : i32 to index
          %get3A_1040 = arith.index_cast %mul3A_1038 : i32 to index
          %get3A_1041 = tpu.vector_load %arg8[%get3A_1039, %get3A_1040] {strides = array<i32>} : memref<104x208xi32, #tpu.memory_space<vmem>>, vector<16xi32>,
          %shift_left3A_1042 = arith.constant 16 : i32
          %shift_left3A_1043 = vector.broadcast %shift_left3A_1042 : i32 to vector<16xi32>
          %shift_left3A_1044 = arith.shli %get3A_1041, %shift_left3A_1043 : vector<16xi32>
          %bitcast3A_1045 = vector.bitcast %shift_left3A_1044 : vector<16xi32> to vector<16xf32>
          %and3A_1046 = arith.constant -65536 : i32
          %and3A_1047 = vector.broadcast %and3A_1046 : i32 to vector<16xi32>
          %and3A_1048 = arith.andi %get3A_1041, %and3A_1047 : vector<16xi32>
          %bitcast3A_1049 = vector.bitcast %and3A_1048 : vector<16xi32> to vector<16xf32>
          %mul3A_1050 = arith.constant 2 : i32
          %mul3A_1051 = arith.muli %mul3A_1050, %rem3A_1017 : i32
          %add3A_1052 = arith.addi %mul3A_225, %mul3A_1051 : i32
          %get3A_1053 = arith.index_cast %add3A_1052 : i32 to index
          %get3A_1054 = arith.constant 64 : index
          %get3A_1055 = tpu.vector_load %arg8[%get3A_1053, %get3A_1054] {strides = array<i32>} : memref<104x208xi32, #tpu.memory_space<vmem>>, vector<16xi32>,
          %shift_left3A_1056 = arith.constant 16 : i32
          %shift_left3A_1057 = vector.broadcast %shift_left3A_1056 : i32 to vector<16xi32>
          %shift_left3A_1058 = arith.shli %get3A_1055, %shift_left3A_1057 : vector<16xi32>
          %bitcast3A_1059 = vector.bitcast %shift_left3A_1058 : vector<16xi32> to vector<16xf32>
          %and3A_1060 = arith.constant -65536 : i32
          %and3A_1061 = vector.broadcast %and3A_1060 : i32 to vector<16xi32>
          %and3A_1062 = arith.andi %get3A_1055, %and3A_1061 : vector<16xi32>
          %bitcast3A_1063 = vector.bitcast %and3A_1062 : vector<16xi32> to vector<16xf32>
          %mul3A_1064 = arith.constant 2 : i32
          %mul3A_1065 = arith.muli %mul3A_1064, %rem3A_1017 : i32
          %add3A_1066 = arith.addi %mul3A_225, %mul3A_1065 : i32
          %add3A_1067 = arith.constant 1 : i32
          %add3A_1068 = arith.addi %add3A_1066, %add3A_1067 : i32
          %get3A_1069 = arith.index_cast %add3A_1068 : i32 to index
          %get3A_1070 = arith.constant 64 : index
          %get3A_1071 = tpu.vector_load %arg8[%get3A_1069, %get3A_1070] {strides = array<i32>} : memref<104x208xi32, #tpu.memory_space<vmem>>, vector<16xi32>,
          %shift_left3A_1072 = arith.constant 16 : i32
          %shift_left3A_1073 = vector.broadcast %shift_left3A_1072 : i32 to vector<16xi32>
          %shift_left3A_1074 = arith.shli %get3A_1071, %shift_left3A_1073 : vector<16xi32>
          %bitcast3A_1075 = vector.bitcast %shift_left3A_1074 : vector<16xi32> to vector<16xf32>
          %and3A_1076 = arith.constant -65536 : i32
          %and3A_1077 = vector.broadcast %and3A_1076 : i32 to vector<16xi32>
          %and3A_1078 = arith.andi %get3A_1071, %and3A_1077 : vector<16xi32>
          %bitcast3A_1079 = vector.bitcast %and3A_1078 : vector<16xi32> to vector<16xf32>
          %mul3A_1080 = arith.mulf %bitcast3A_1028, %bitcast3A_1059 : vector<16xf32>
          %add3A_1081 = arith.addf %add3A_933, %mul3A_1080 : vector<16xf32>
          %mul3A_1082 = arith.mulf %bitcast3A_1032, %bitcast3A_1075 : vector<16xf32>
          %add3A_1083 = arith.addf %add3A_935, %mul3A_1082 : vector<16xf32>
          %mul3A_1084 = arith.mulf %bitcast3A_1045, %bitcast3A_1063 : vector<16xf32>
          %add3A_1085 = arith.addf %add3A_937, %mul3A_1084 : vector<16xf32>
          %mul3A_1086 = arith.mulf %bitcast3A_1049, %bitcast3A_1079 : vector<16xf32>
          %add3A_1087 = arith.addf %add3A_939, %mul3A_1086 : vector<16xf32>
          %add3A_1088 = arith.constant 5 : i32
          %add3A_1089 = arith.addi %add3A_1088, %scan3A_709 : i32
          %rem3A_1090 = arith.constant 13 : i32
          %rem3A_1091 = arith.remsi %add3A_1089, %rem3A_1090 : i32
          %add3A_1092 = arith.constant 10 : i32
          %add3A_1093 = arith.addi %mul3A_225, %add3A_1092 : i32
          %mul3A_1094 = arith.constant 16 : i32
          %mul3A_1095 = arith.muli %mul3A_1094, %rem3A_1091 : i32
          %get3A_1096 = arith.index_cast %add3A_1093 : i32 to index
          %get3A_1097 = arith.index_cast %mul3A_1095 : i32 to index
          %get3A_1098 = tpu.vector_load %arg8[%get3A_1096, %get3A_1097] {strides = array<i32>} : memref<104x208xi32, #tpu.memory_space<vmem>>, vector<16xi32>,
          %shift_left3A_1099 = arith.constant 16 : i32
          %shift_left3A_1100 = vector.broadcast %shift_left3A_1099 : i32 to vector<16xi32>
          %shift_left3A_1101 = arith.shli %get3A_1098, %shift_left3A_1100 : vector<16xi32>
          %bitcast3A_1102 = vector.bitcast %shift_left3A_1101 : vector<16xi32> to vector<16xf32>
          %and3A_1103 = arith.constant -65536 : i32
          %and3A_1104 = vector.broadcast %and3A_1103 : i32 to vector<16xi32>
          %and3A_1105 = arith.andi %get3A_1098, %and3A_1104 : vector<16xi32>
          %bitcast3A_1106 = vector.bitcast %and3A_1105 : vector<16xi32> to vector<16xf32>
          %add3A_1107 = arith.constant 10 : i32
          %add3A_1108 = arith.addi %mul3A_225, %add3A_1107 : i32
          %add3A_1109 = arith.constant 1 : i32
          %add3A_1110 = arith.addi %add3A_1108, %add3A_1109 : i32
          %mul3A_1111 = arith.constant 16 : i32
          %mul3A_1112 = arith.muli %mul3A_1111, %rem3A_1091 : i32
          %get3A_1113 = arith.index_cast %add3A_1110 : i32 to index
          %get3A_1114 = arith.index_cast %mul3A_1112 : i32 to index
          %get3A_1115 = tpu.vector_load %arg8[%get3A_1113, %get3A_1114] {strides = array<i32>} : memref<104x208xi32, #tpu.memory_space<vmem>>, vector<16xi32>,
          %shift_left3A_1116 = arith.constant 16 : i32
          %shift_left3A_1117 = vector.broadcast %shift_left3A_1116 : i32 to vector<16xi32>
          %shift_left3A_1118 = arith.shli %get3A_1115, %shift_left3A_1117 : vector<16xi32>
          %bitcast3A_1119 = vector.bitcast %shift_left3A_1118 : vector<16xi32> to vector<16xf32>
          %and3A_1120 = arith.constant -65536 : i32
          %and3A_1121 = vector.broadcast %and3A_1120 : i32 to vector<16xi32>
          %and3A_1122 = arith.andi %get3A_1115, %and3A_1121 : vector<16xi32>
          %bitcast3A_1123 = vector.bitcast %and3A_1122 : vector<16xi32> to vector<16xf32>
          %mul3A_1124 = arith.constant 2 : i32
          %mul3A_1125 = arith.muli %mul3A_1124, %rem3A_1091 : i32
          %add3A_1126 = arith.addi %mul3A_225, %mul3A_1125 : i32
          %get3A_1127 = arith.index_cast %add3A_1126 : i32 to index
          %get3A_1128 = arith.constant 80 : index
          %get3A_1129 = tpu.vector_load %arg8[%get3A_1127, %get3A_1128] {strides = array<i32>} : memref<104x208xi32, #tpu.memory_space<vmem>>, vector<16xi32>,
          %shift_left3A_1130 = arith.constant 16 : i32
          %shift_left3A_1131 = vector.broadcast %shift_left3A_1130 : i32 to vector<16xi32>
          %shift_left3A_1132 = arith.shli %get3A_1129, %shift_left3A_1131 : vector<16xi32>
          %bitcast3A_1133 = vector.bitcast %shift_left3A_1132 : vector<16xi32> to vector<16xf32>
          %and3A_1134 = arith.constant -65536 : i32
          %and3A_1135 = vector.broadcast %and3A_1134 : i32 to vector<16xi32>
          %and3A_1136 = arith.andi %get3A_1129, %and3A_1135 : vector<16xi32>
          %bitcast3A_1137 = vector.bitcast %and3A_1136 : vector<16xi32> to vector<16xf32>
          %mul3A_1138 = arith.constant 2 : i32
          %mul3A_1139 = arith.muli %mul3A_1138, %rem3A_1091 : i32
          %add3A_1140 = arith.addi %mul3A_225, %mul3A_1139 : i32
          %add3A_1141 = arith.constant 1 : i32
          %add3A_1142 = arith.addi %add3A_1140, %add3A_1141 : i32
          %get3A_1143 = arith.index_cast %add3A_1142 : i32 to index
          %get3A_1144 = arith.constant 80 : index
          %get3A_1145 = tpu.vector_load %arg8[%get3A_1143, %get3A_1144] {strides = array<i32>} : memref<104x208xi32, #tpu.memory_space<vmem>>, vector<16xi32>,
          %shift_left3A_1146 = arith.constant 16 : i32
          %shift_left3A_1147 = vector.broadcast %shift_left3A_1146 : i32 to vector<16xi32>
          %shift_left3A_1148 = arith.shli %get3A_1145, %shift_left3A_1147 : vector<16xi32>
          %bitcast3A_1149 = vector.bitcast %shift_left3A_1148 : vector<16xi32> to vector<16xf32>
          %and3A_1150 = arith.constant -65536 : i32
          %and3A_1151 = vector.broadcast %and3A_1150 : i32 to vector<16xi32>
          %and3A_1152 = arith.andi %get3A_1145, %and3A_1151 : vector<16xi32>
          %bitcast3A_1153 = vector.bitcast %and3A_1152 : vector<16xi32> to vector<16xf32>
          %mul3A_1154 = arith.mulf %bitcast3A_1102, %bitcast3A_1133 : vector<16xf32>
          %add3A_1155 = arith.addf %add3A_1007, %mul3A_1154 : vector<16xf32>
          %mul3A_1156 = arith.mulf %bitcast3A_1106, %bitcast3A_1149 : vector<16xf32>
          %add3A_1157 = arith.addf %add3A_1009, %mul3A_1156 : vector<16xf32>
          %mul3A_1158 = arith.mulf %bitcast3A_1119, %bitcast3A_1137 : vector<16xf32>
          %add3A_1159 = arith.addf %add3A_1011, %mul3A_1158 : vector<16xf32>
          %mul3A_1160 = arith.mulf %bitcast3A_1123, %bitcast3A_1153 : vector<16xf32>
          %add3A_1161 = arith.addf %add3A_1013, %mul3A_1160 : vector<16xf32>
          %add3A_1162 = arith.constant 6 : i32
          %add3A_1163 = arith.addi %add3A_1162, %scan3A_709 : i32
          %rem3A_1164 = arith.constant 13 : i32
          %rem3A_1165 = arith.remsi %add3A_1163, %rem3A_1164 : i32
          %add3A_1166 = arith.constant 12 : i32
          %add3A_1167 = arith.addi %mul3A_225, %add3A_1166 : i32
          %mul3A_1168 = arith.constant 16 : i32
          %mul3A_1169 = arith.muli %mul3A_1168, %rem3A_1165 : i32
          %get3A_1170 = arith.index_cast %add3A_1167 : i32 to index
          %get3A_1171 = arith.index_cast %mul3A_1169 : i32 to index
          %get3A_1172 = tpu.vector_load %arg8[%get3A_1170, %get3A_1171] {strides = array<i32>} : memref<104x208xi32, #tpu.memory_space<vmem>>, vector<16xi32>,
          %shift_left3A_1173 = arith.constant 16 : i32
          %shift_left3A_1174 = vector.broadcast %shift_left3A_1173 : i32 to vector<16xi32>
          %shift_left3A_1175 = arith.shli %get3A_1172, %shift_left3A_1174 : vector<16xi32>
          %bitcast3A_1176 = vector.bitcast %shift_left3A_1175 : vector<16xi32> to vector<16xf32>
          %and3A_1177 = arith.constant -65536 : i32
          %and3A_1178 = vector.broadcast %and3A_1177 : i32 to vector<16xi32>
          %and3A_1179 = arith.andi %get3A_1172, %and3A_1178 : vector<16xi32>
          %bitcast3A_1180 = vector.bitcast %and3A_1179 : vector<16xi32> to vector<16xf32>
          %add3A_1181 = arith.constant 12 : i32
          %add3A_1182 = arith.addi %mul3A_225, %add3A_1181 : i32
          %add3A_1183 = arith.constant 1 : i32
          %add3A_1184 = arith.addi %add3A_1182, %add3A_1183 : i32
          %mul3A_1185 = arith.constant 16 : i32
          %mul3A_1186 = arith.muli %mul3A_1185, %rem3A_1165 : i32
          %get3A_1187 = arith.index_cast %add3A_1184 : i32 to index
          %get3A_1188 = arith.index_cast %mul3A_1186 : i32 to index
          %get3A_1189 = tpu.vector_load %arg8[%get3A_1187, %get3A_1188] {strides = array<i32>} : memref<104x208xi32, #tpu.memory_space<vmem>>, vector<16xi32>,
          %shift_left3A_1190 = arith.constant 16 : i32
          %shift_left3A_1191 = vector.broadcast %shift_left3A_1190 : i32 to vector<16xi32>
          %shift_left3A_1192 = arith.shli %get3A_1189, %shift_left3A_1191 : vector<16xi32>
          %bitcast3A_1193 = vector.bitcast %shift_left3A_1192 : vector<16xi32> to vector<16xf32>
          %and3A_1194 = arith.constant -65536 : i32
          %and3A_1195 = vector.broadcast %and3A_1194 : i32 to vector<16xi32>
          %and3A_1196 = arith.andi %get3A_1189, %and3A_1195 : vector<16xi32>
          %bitcast3A_1197 = vector.bitcast %and3A_1196 : vector<16xi32> to vector<16xf32>
          %mul3A_1198 = arith.constant 2 : i32
          %mul3A_1199 = arith.muli %mul3A_1198, %rem3A_1165 : i32
          %add3A_1200 = arith.addi %mul3A_225, %mul3A_1199 : i32
          %get3A_1201 = arith.index_cast %add3A_1200 : i32 to index
          %get3A_1202 = arith.constant 96 : index
          %get3A_1203 = tpu.vector_load %arg8[%get3A_1201, %get3A_1202] {strides = array<i32>} : memref<104x208xi32, #tpu.memory_space<vmem>>, vector<16xi32>,
          %shift_left3A_1204 = arith.constant 16 : i32
          %shift_left3A_1205 = vector.broadcast %shift_left3A_1204 : i32 to vector<16xi32>
          %shift_left3A_1206 = arith.shli %get3A_1203, %shift_left3A_1205 : vector<16xi32>
          %bitcast3A_1207 = vector.bitcast %shift_left3A_1206 : vector<16xi32> to vector<16xf32>
          %and3A_1208 = arith.constant -65536 : i32
          %and3A_1209 = vector.broadcast %and3A_1208 : i32 to vector<16xi32>
          %and3A_1210 = arith.andi %get3A_1203, %and3A_1209 : vector<16xi32>
          %bitcast3A_1211 = vector.bitcast %and3A_1210 : vector<16xi32> to vector<16xf32>
          %mul3A_1212 = arith.constant 2 : i32
          %mul3A_1213 = arith.muli %mul3A_1212, %rem3A_1165 : i32
          %add3A_1214 = arith.addi %mul3A_225, %mul3A_1213 : i32
          %add3A_1215 = arith.constant 1 : i32
          %add3A_1216 = arith.addi %add3A_1214, %add3A_1215 : i32
          %get3A_1217 = arith.index_cast %add3A_1216 : i32 to index
          %get3A_1218 = arith.constant 96 : index
          %get3A_1219 = tpu.vector_load %arg8[%get3A_1217, %get3A_1218] {strides = array<i32>} : memref<104x208xi32, #tpu.memory_space<vmem>>, vector<16xi32>,
          %shift_left3A_1220 = arith.constant 16 : i32
          %shift_left3A_1221 = vector.broadcast %shift_left3A_1220 : i32 to vector<16xi32>
          %shift_left3A_1222 = arith.shli %get3A_1219, %shift_left3A_1221 : vector<16xi32>
          %bitcast3A_1223 = vector.bitcast %shift_left3A_1222 : vector<16xi32> to vector<16xf32>
          %and3A_1224 = arith.constant -65536 : i32
          %and3A_1225 = vector.broadcast %and3A_1224 : i32 to vector<16xi32>
          %and3A_1226 = arith.andi %get3A_1219, %and3A_1225 : vector<16xi32>
          %bitcast3A_1227 = vector.bitcast %and3A_1226 : vector<16xi32> to vector<16xf32>
          %mul3A_1228 = arith.mulf %bitcast3A_1176, %bitcast3A_1207 : vector<16xf32>
          %add3A_1229 = arith.addf %add3A_1081, %mul3A_1228 : vector<16xf32>
          %mul3A_1230 = arith.mulf %bitcast3A_1180, %bitcast3A_1223 : vector<16xf32>
          %add3A_1231 = arith.addf %add3A_1083, %mul3A_1230 : vector<16xf32>
          %mul3A_1232 = arith.mulf %bitcast3A_1193, %bitcast3A_1211 : vector<16xf32>
          %add3A_1233 = arith.addf %add3A_1085, %mul3A_1232 : vector<16xf32>
          %mul3A_1234 = arith.mulf %bitcast3A_1197, %bitcast3A_1227 : vector<16xf32>
          %add3A_1235 = arith.addf %add3A_1087, %mul3A_1234 : vector<16xf32>
          %add3A_1236 = arith.constant 7 : i32
          %add3A_1237 = arith.addi %add3A_1236, %scan3A_709 : i32
          %rem3A_1238 = arith.constant 13 : i32
          %rem3A_1239 = arith.remsi %add3A_1237, %rem3A_1238 : i32
          %add3A_1240 = arith.constant 14 : i32
          %add3A_1241 = arith.addi %mul3A_225, %add3A_1240 : i32
          %mul3A_1242 = arith.constant 16 : i32
          %mul3A_1243 = arith.muli %mul3A_1242, %rem3A_1239 : i32
          %get3A_1244 = arith.index_cast %add3A_1241 : i32 to index
          %get3A_1245 = arith.index_cast %mul3A_1243 : i32 to index
          %get3A_1246 = tpu.vector_load %arg8[%get3A_1244, %get3A_1245] {strides = array<i32>} : memref<104x208xi32, #tpu.memory_space<vmem>>, vector<16xi32>,
          %shift_left3A_1247 = arith.constant 16 : i32
          %shift_left3A_1248 = vector.broadcast %shift_left3A_1247 : i32 to vector<16xi32>
          %shift_left3A_1249 = arith.shli %get3A_1246, %shift_left3A_1248 : vector<16xi32>
          %bitcast3A_1250 = vector.bitcast %shift_left3A_1249 : vector<16xi32> to vector<16xf32>
          %and3A_1251 = arith.constant -65536 : i32
          %and3A_1252 = vector.broadcast %and3A_1251 : i32 to vector<16xi32>
          %and3A_1253 = arith.andi %get3A_1246, %and3A_1252 : vector<16xi32>
          %bitcast3A_1254 = vector.bitcast %and3A_1253 : vector<16xi32> to vector<16xf32>
          %add3A_1255 = arith.constant 14 : i32
          %add3A_1256 = arith.addi %mul3A_225, %add3A_1255 : i32
          %add3A_1257 = arith.constant 1 : i32
          %add3A_1258 = arith.addi %add3A_1256, %add3A_1257 : i32
          %mul3A_1259 = arith.constant 16 : i32
          %mul3A_1260 = arith.muli %mul3A_1259, %rem3A_1239 : i32
          %get3A_1261 = arith.index_cast %add3A_1258 : i32 to index
          %get3A_1262 = arith.index_cast %mul3A_1260 : i32 to index
          %get3A_1263 = tpu.vector_load %arg8[%get3A_1261, %get3A_1262] {strides = array<i32>} : memref<104x208xi32, #tpu.memory_space<vmem>>, vector<16xi32>,
          %shift_left3A_1264 = arith.constant 16 : i32
          %shift_left3A_1265 = vector.broadcast %shift_left3A_1264 : i32 to vector<16xi32>
          %shift_left3A_1266 = arith.shli %get3A_1263, %shift_left3A_1265 : vector<16xi32>
          %bitcast3A_1267 = vector.bitcast %shift_left3A_1266 : vector<16xi32> to vector<16xf32>
          %and3A_1268 = arith.constant -65536 : i32
          %and3A_1269 = vector.broadcast %and3A_1268 : i32 to vector<16xi32>
          %and3A_1270 = arith.andi %get3A_1263, %and3A_1269 : vector<16xi32>
          %bitcast3A_1271 = vector.bitcast %and3A_1270 : vector<16xi32> to vector<16xf32>
          %mul3A_1272 = arith.constant 2 : i32
          %mul3A_1273 = arith.muli %mul3A_1272, %rem3A_1239 : i32
          %add3A_1274 = arith.addi %mul3A_225, %mul3A_1273 : i32
          %get3A_1275 = arith.index_cast %add3A_1274 : i32 to index
          %get3A_1276 = arith.constant 112 : index
          %get3A_1277 = tpu.vector_load %arg8[%get3A_1275, %get3A_1276] {strides = array<i32>} : memref<104x208xi32, #tpu.memory_space<vmem>>, vector<16xi32>,
          %shift_left3A_1278 = arith.constant 16 : i32
          %shift_left3A_1279 = vector.broadcast %shift_left3A_1278 : i32 to vector<16xi32>
          %shift_left3A_1280 = arith.shli %get3A_1277, %shift_left3A_1279 : vector<16xi32>
          %bitcast3A_1281 = vector.bitcast %shift_left3A_1280 : vector<16xi32> to vector<16xf32>
          %and3A_1282 = arith.constant -65536 : i32
          %and3A_1283 = vector.broadcast %and3A_1282 : i32 to vector<16xi32>
          %and3A_1284 = arith.andi %get3A_1277, %and3A_1283 : vector<16xi32>
          %bitcast3A_1285 = vector.bitcast %and3A_1284 : vector<16xi32> to vector<16xf32>
          %mul3A_1286 = arith.constant 2 : i32
          %mul3A_1287 = arith.muli %mul3A_1286, %rem3A_1239 : i32
          %add3A_1288 = arith.addi %mul3A_225, %mul3A_1287 : i32
          %add3A_1289 = arith.constant 1 : i32
          %add3A_1290 = arith.addi %add3A_1288, %add3A_1289 : i32
          %get3A_1291 = arith.index_cast %add3A_1290 : i32 to index
          %get3A_1292 = arith.constant 112 : index
          %get3A_1293 = tpu.vector_load %arg8[%get3A_1291, %get3A_1292] {strides = array<i32>} : memref<104x208xi32, #tpu.memory_space<vmem>>, vector<16xi32>,
          %shift_left3A_1294 = arith.constant 16 : i32
          %shift_left3A_1295 = vector.broadcast %shift_left3A_1294 : i32 to vector<16xi32>
          %shift_left3A_1296 = arith.shli %get3A_1293, %shift_left3A_1295 : vector<16xi32>
          %bitcast3A_1297 = vector.bitcast %shift_left3A_1296 : vector<16xi32> to vector<16xf32>
          %and3A_1298 = arith.constant -65536 : i32
          %and3A_1299 = vector.broadcast %and3A_1298 : i32 to vector<16xi32>
          %and3A_1300 = arith.andi %get3A_1293, %and3A_1299 : vector<16xi32>
          %bitcast3A_1301 = vector.bitcast %and3A_1300 : vector<16xi32> to vector<16xf32>
          %mul3A_1302 = arith.mulf %bitcast3A_1250, %bitcast3A_1281 : vector<16xf32>
          %add3A_1303 = arith.addf %add3A_1155, %mul3A_1302 : vector<16xf32>
          %mul3A_1304 = arith.mulf %bitcast3A_1254, %bitcast3A_1297 : vector<16xf32>
          %add3A_1305 = arith.addf %add3A_1157, %mul3A_1304 : vector<16xf32>
          %mul3A_1306 = arith.mulf %bitcast3A_1267, %bitcast3A_1285 : vector<16xf32>
          %add3A_1307 = arith.addf %add3A_1159, %mul3A_1306 : vector<16xf32>
          %mul3A_1308 = arith.mulf %bitcast3A_1271, %bitcast3A_1301 : vector<16xf32>
          %add3A_1309 = arith.addf %add3A_1161, %mul3A_1308 : vector<16xf32>
          %add3A_1310 = arith.constant 8 : i32
          %add3A_1311 = arith.addi %add3A_1310, %scan3A_709 : i32
          %rem3A_1312 = arith.constant 13 : i32
          %rem3A_1313 = arith.remsi %add3A_1311, %rem3A_1312 : i32
          %add3A_1314 = arith.constant 16 : i32
          %add3A_1315 = arith.addi %mul3A_225, %add3A_1314 : i32
          %mul3A_1316 = arith.constant 16 : i32
          %mul3A_1317 = arith.muli %mul3A_1316, %rem3A_1313 : i32
          %get3A_1318 = arith.index_cast %add3A_1315 : i32 to index
          %get3A_1319 = arith.index_cast %mul3A_1317 : i32 to index
          %get3A_1320 = tpu.vector_load %arg8[%get3A_1318, %get3A_1319] {strides = array<i32>} : memref<104x208xi32, #tpu.memory_space<vmem>>, vector<16xi32>,
          %shift_left3A_1321 = arith.constant 16 : i32
          %shift_left3A_1322 = vector.broadcast %shift_left3A_1321 : i32 to vector<16xi32>
          %shift_left3A_1323 = arith.shli %get3A_1320, %shift_left3A_1322 : vector<16xi32>
          %bitcast3A_1324 = vector.bitcast %shift_left3A_1323 : vector<16xi32> to vector<16xf32>
          %and3A_1325 = arith.constant -65536 : i32
          %and3A_1326 = vector.broadcast %and3A_1325 : i32 to vector<16xi32>
          %and3A_1327 = arith.andi %get3A_1320, %and3A_1326 : vector<16xi32>
          %bitcast3A_1328 = vector.bitcast %and3A_1327 : vector<16xi32> to vector<16xf32>
          %add3A_1329 = arith.constant 16 : i32
          %add3A_1330 = arith.addi %mul3A_225, %add3A_1329 : i32
          %add3A_1331 = arith.constant 1 : i32
          %add3A_1332 = arith.addi %add3A_1330, %add3A_1331 : i32
          %mul3A_1333 = arith.constant 16 : i32
          %mul3A_1334 = arith.muli %mul3A_1333, %rem3A_1313 : i32
          %get3A_1335 = arith.index_cast %add3A_1332 : i32 to index
          %get3A_1336 = arith.index_cast %mul3A_1334 : i32 to index
          %get3A_1337 = tpu.vector_load %arg8[%get3A_1335, %get3A_1336] {strides = array<i32>} : memref<104x208xi32, #tpu.memory_space<vmem>>, vector<16xi32>,
          %shift_left3A_1338 = arith.constant 16 : i32
          %shift_left3A_1339 = vector.broadcast %shift_left3A_1338 : i32 to vector<16xi32>
          %shift_left3A_1340 = arith.shli %get3A_1337, %shift_left3A_1339 : vector<16xi32>
          %bitcast3A_1341 = vector.bitcast %shift_left3A_1340 : vector<16xi32> to vector<16xf32>
          %and3A_1342 = arith.constant -65536 : i32
          %and3A_1343 = vector.broadcast %and3A_1342 : i32 to vector<16xi32>
          %and3A_1344 = arith.andi %get3A_1337, %and3A_1343 : vector<16xi32>
          %bitcast3A_1345 = vector.bitcast %and3A_1344 : vector<16xi32> to vector<16xf32>
          %mul3A_1346 = arith.constant 2 : i32
          %mul3A_1347 = arith.muli %mul3A_1346, %rem3A_1313 : i32
          %add3A_1348 = arith.addi %mul3A_225, %mul3A_1347 : i32
          %get3A_1349 = arith.index_cast %add3A_1348 : i32 to index
          %get3A_1350 = arith.constant 128 : index
          %get3A_1351 = tpu.vector_load %arg8[%get3A_1349, %get3A_1350] {strides = array<i32>} : memref<104x208xi32, #tpu.memory_space<vmem>>, vector<16xi32>,
          %shift_left3A_1352 = arith.constant 16 : i32
          %shift_left3A_1353 = vector.broadcast %shift_left3A_1352 : i32 to vector<16xi32>
          %shift_left3A_1354 = arith.shli %get3A_1351, %shift_left3A_1353 : vector<16xi32>
          %bitcast3A_1355 = vector.bitcast %shift_left3A_1354 : vector<16xi32> to vector<16xf32>
          %and3A_1356 = arith.constant -65536 : i32
          %and3A_1357 = vector.broadcast %and3A_1356 : i32 to vector<16xi32>
          %and3A_1358 = arith.andi %get3A_1351, %and3A_1357 : vector<16xi32>
          %bitcast3A_1359 = vector.bitcast %and3A_1358 : vector<16xi32> to vector<16xf32>
          %mul3A_1360 = arith.constant 2 : i32
          %mul3A_1361 = arith.muli %mul3A_1360, %rem3A_1313 : i32
          %add3A_1362 = arith.addi %mul3A_225, %mul3A_1361 : i32
          %add3A_1363 = arith.constant 1 : i32
          %add3A_1364 = arith.addi %add3A_1362, %add3A_1363 : i32
          %get3A_1365 = arith.index_cast %add3A_1364 : i32 to index
          %get3A_1366 = arith.constant 128 : index
          %get3A_1367 = tpu.vector_load %arg8[%get3A_1365, %get3A_1366] {strides = array<i32>} : memref<104x208xi32, #tpu.memory_space<vmem>>, vector<16xi32>,
          %shift_left3A_1368 = arith.constant 16 : i32
          %shift_left3A_1369 = vector.broadcast %shift_left3A_1368 : i32 to vector<16xi32>
          %shift_left3A_1370 = arith.shli %get3A_1367, %shift_left3A_1369 : vector<16xi32>
          %bitcast3A_1371 = vector.bitcast %shift_left3A_1370 : vector<16xi32> to vector<16xf32>
          %and3A_1372 = arith.constant -65536 : i32
          %and3A_1373 = vector.broadcast %and3A_1372 : i32 to vector<16xi32>
          %and3A_1374 = arith.andi %get3A_1367, %and3A_1373 : vector<16xi32>
          %bitcast3A_1375 = vector.bitcast %and3A_1374 : vector<16xi32> to vector<16xf32>
          %mul3A_1376 = arith.mulf %bitcast3A_1324, %bitcast3A_1355 : vector<16xf32>
          %add3A_1377 = arith.addf %add3A_1229, %mul3A_1376 : vector<16xf32>
          %mul3A_1378 = arith.mulf %bitcast3A_1328, %bitcast3A_1371 : vector<16xf32>
          %add3A_1379 = arith.addf %add3A_1231, %mul3A_1378 : vector<16xf32>
          %mul3A_1380 = arith.mulf %bitcast3A_1341, %bitcast3A_1359 : vector<16xf32>
          %add3A_1381 = arith.addf %add3A_1233, %mul3A_1380 : vector<16xf32>
          %mul3A_1382 = arith.mulf %bitcast3A_1345, %bitcast3A_1375 : vector<16xf32>
          %add3A_1383 = arith.addf %add3A_1235, %mul3A_1382 : vector<16xf32>
          %add3A_1384 = arith.constant 9 : i32
          %add3A_1385 = arith.addi %add3A_1384, %scan3A_709 : i32
          %rem3A_1386 = arith.constant 13 : i32
          %rem3A_1387 = arith.remsi %add3A_1385, %rem3A_1386 : i32
          %add3A_1388 = arith.constant 18 : i32
          %add3A_1389 = arith.addi %mul3A_225, %add3A_1388 : i32
          %mul3A_1390 = arith.constant 16 : i32
          %mul3A_1391 = arith.muli %mul3A_1390, %rem3A_1387 : i32
          %get3A_1392 = arith.index_cast %add3A_1389 : i32 to index
          %get3A_1393 = arith.index_cast %mul3A_1391 : i32 to index
          %get3A_1394 = tpu.vector_load %arg8[%get3A_1392, %get3A_1393] {strides = array<i32>} : memref<104x208xi32, #tpu.memory_space<vmem>>, vector<16xi32>,
          %shift_left3A_1395 = arith.constant 16 : i32
          %shift_left3A_1396 = vector.broadcast %shift_left3A_1395 : i32 to vector<16xi32>
          %shift_left3A_1397 = arith.shli %get3A_1394, %shift_left3A_1396 : vector<16xi32>
          %bitcast3A_1398 = vector.bitcast %shift_left3A_1397 : vector<16xi32> to vector<16xf32>
          %and3A_1399 = arith.constant -65536 : i32
          %and3A_1400 = vector.broadcast %and3A_1399 : i32 to vector<16xi32>
          %and3A_1401 = arith.andi %get3A_1394, %and3A_1400 : vector<16xi32>
          %bitcast3A_1402 = vector.bitcast %and3A_1401 : vector<16xi32> to vector<16xf32>
          %add3A_1403 = arith.constant 18 : i32
          %add3A_1404 = arith.addi %mul3A_225, %add3A_1403 : i32
          %add3A_1405 = arith.constant 1 : i32
          %add3A_1406 = arith.addi %add3A_1404, %add3A_1405 : i32
          %mul3A_1407 = arith.constant 16 : i32
          %mul3A_1408 = arith.muli %mul3A_1407, %rem3A_1387 : i32
          %get3A_1409 = arith.index_cast %add3A_1406 : i32 to index
          %get3A_1410 = arith.index_cast %mul3A_1408 : i32 to index
          %get3A_1411 = tpu.vector_load %arg8[%get3A_1409, %get3A_1410] {strides = array<i32>} : memref<104x208xi32, #tpu.memory_space<vmem>>, vector<16xi32>,
          %shift_left3A_1412 = arith.constant 16 : i32
          %shift_left3A_1413 = vector.broadcast %shift_left3A_1412 : i32 to vector<16xi32>
          %shift_left3A_1414 = arith.shli %get3A_1411, %shift_left3A_1413 : vector<16xi32>
          %bitcast3A_1415 = vector.bitcast %shift_left3A_1414 : vector<16xi32> to vector<16xf32>
          %and3A_1416 = arith.constant -65536 : i32
          %and3A_1417 = vector.broadcast %and3A_1416 : i32 to vector<16xi32>
          %and3A_1418 = arith.andi %get3A_1411, %and3A_1417 : vector<16xi32>
          %bitcast3A_1419 = vector.bitcast %and3A_1418 : vector<16xi32> to vector<16xf32>
          %mul3A_1420 = arith.constant 2 : i32
          %mul3A_1421 = arith.muli %mul3A_1420, %rem3A_1387 : i32
          %add3A_1422 = arith.addi %mul3A_225, %mul3A_1421 : i32
          %get3A_1423 = arith.index_cast %add3A_1422 : i32 to index
          %get3A_1424 = arith.constant 144 : index
          %get3A_1425 = tpu.vector_load %arg8[%get3A_1423, %get3A_1424] {strides = array<i32>} : memref<104x208xi32, #tpu.memory_space<vmem>>, vector<16xi32>,
          %shift_left3A_1426 = arith.constant 16 : i32
          %shift_left3A_1427 = vector.broadcast %shift_left3A_1426 : i32 to vector<16xi32>
          %shift_left3A_1428 = arith.shli %get3A_1425, %shift_left3A_1427 : vector<16xi32>
          %bitcast3A_1429 = vector.bitcast %shift_left3A_1428 : vector<16xi32> to vector<16xf32>
          %and3A_1430 = arith.constant -65536 : i32
          %and3A_1431 = vector.broadcast %and3A_1430 : i32 to vector<16xi32>
          %and3A_1432 = arith.andi %get3A_1425, %and3A_1431 : vector<16xi32>
          %bitcast3A_1433 = vector.bitcast %and3A_1432 : vector<16xi32> to vector<16xf32>
          %mul3A_1434 = arith.constant 2 : i32
          %mul3A_1435 = arith.muli %mul3A_1434, %rem3A_1387 : i32
          %add3A_1436 = arith.addi %mul3A_225, %mul3A_1435 : i32
          %add3A_1437 = arith.constant 1 : i32
          %add3A_1438 = arith.addi %add3A_1436, %add3A_1437 : i32
          %get3A_1439 = arith.index_cast %add3A_1438 : i32 to index
          %get3A_1440 = arith.constant 144 : index
          %get3A_1441 = tpu.vector_load %arg8[%get3A_1439, %get3A_1440] {strides = array<i32>} : memref<104x208xi32, #tpu.memory_space<vmem>>, vector<16xi32>,
          %shift_left3A_1442 = arith.constant 16 : i32
          %shift_left3A_1443 = vector.broadcast %shift_left3A_1442 : i32 to vector<16xi32>
          %shift_left3A_1444 = arith.shli %get3A_1441, %shift_left3A_1443 : vector<16xi32>
          %bitcast3A_1445 = vector.bitcast %shift_left3A_1444 : vector<16xi32> to vector<16xf32>
          %and3A_1446 = arith.constant -65536 : i32
          %and3A_1447 = vector.broadcast %and3A_1446 : i32 to vector<16xi32>
          %and3A_1448 = arith.andi %get3A_1441, %and3A_1447 : vector<16xi32>
          %bitcast3A_1449 = vector.bitcast %and3A_1448 : vector<16xi32> to vector<16xf32>
          %mul3A_1450 = arith.mulf %bitcast3A_1398, %bitcast3A_1429 : vector<16xf32>
          %add3A_1451 = arith.addf %add3A_1303, %mul3A_1450 : vector<16xf32>
          %mul3A_1452 = arith.mulf %bitcast3A_1402, %bitcast3A_1445 : vector<16xf32>
          %add3A_1453 = arith.addf %add3A_1305, %mul3A_1452 : vector<16xf32>
          %mul3A_1454 = arith.mulf %bitcast3A_1415, %bitcast3A_1433 : vector<16xf32>
          %add3A_1455 = arith.addf %add3A_1307, %mul3A_1454 : vector<16xf32>
          %mul3A_1456 = arith.mulf %bitcast3A_1419, %bitcast3A_1449 : vector<16xf32>
          %add3A_1457 = arith.addf %add3A_1309, %mul3A_1456 : vector<16xf32>
          %add3A_1458 = arith.constant 10 : i32
          %add3A_1459 = arith.addi %add3A_1458, %scan3A_709 : i32
          %rem3A_1460 = arith.constant 13 : i32
          %rem3A_1461 = arith.remsi %add3A_1459, %rem3A_1460 : i32
          %add3A_1462 = arith.constant 20 : i32
          %add3A_1463 = arith.addi %mul3A_225, %add3A_1462 : i32
          %mul3A_1464 = arith.constant 16 : i32
          %mul3A_1465 = arith.muli %mul3A_1464, %rem3A_1461 : i32
          %get3A_1466 = arith.index_cast %add3A_1463 : i32 to index
          %get3A_1467 = arith.index_cast %mul3A_1465 : i32 to index
          %get3A_1468 = tpu.vector_load %arg8[%get3A_1466, %get3A_1467] {strides = array<i32>} : memref<104x208xi32, #tpu.memory_space<vmem>>, vector<16xi32>,
          %shift_left3A_1469 = arith.constant 16 : i32
          %shift_left3A_1470 = vector.broadcast %shift_left3A_1469 : i32 to vector<16xi32>
          %shift_left3A_1471 = arith.shli %get3A_1468, %shift_left3A_1470 : vector<16xi32>
          %bitcast3A_1472 = vector.bitcast %shift_left3A_1471 : vector<16xi32> to vector<16xf32>
          %and3A_1473 = arith.constant -65536 : i32
          %and3A_1474 = vector.broadcast %and3A_1473 : i32 to vector<16xi32>
          %and3A_1475 = arith.andi %get3A_1468, %and3A_1474 : vector<16xi32>
          %bitcast3A_1476 = vector.bitcast %and3A_1475 : vector<16xi32> to vector<16xf32>
          %add3A_1477 = arith.constant 20 : i32
          %add3A_1478 = arith.addi %mul3A_225, %add3A_1477 : i32
          %add3A_1479 = arith.constant 1 : i32
          %add3A_1480 = arith.addi %add3A_1478, %add3A_1479 : i32
          %mul3A_1481 = arith.constant 16 : i32
          %mul3A_1482 = arith.muli %mul3A_1481, %rem3A_1461 : i32
          %get3A_1483 = arith.index_cast %add3A_1480 : i32 to index
          %get3A_1484 = arith.index_cast %mul3A_1482 : i32 to index
          %get3A_1485 = tpu.vector_load %arg8[%get3A_1483, %get3A_1484] {strides = array<i32>} : memref<104x208xi32, #tpu.memory_space<vmem>>, vector<16xi32>,
          %shift_left3A_1486 = arith.constant 16 : i32
          %shift_left3A_1487 = vector.broadcast %shift_left3A_1486 : i32 to vector<16xi32>
          %shift_left3A_1488 = arith.shli %get3A_1485, %shift_left3A_1487 : vector<16xi32>
          %bitcast3A_1489 = vector.bitcast %shift_left3A_1488 : vector<16xi32> to vector<16xf32>
          %and3A_1490 = arith.constant -65536 : i32
          %and3A_1491 = vector.broadcast %and3A_1490 : i32 to vector<16xi32>
          %and3A_1492 = arith.andi %get3A_1485, %and3A_1491 : vector<16xi32>
          %bitcast3A_1493 = vector.bitcast %and3A_1492 : vector<16xi32> to vector<16xf32>
          %mul3A_1494 = arith.constant 2 : i32
          %mul3A_1495 = arith.muli %mul3A_1494, %rem3A_1461 : i32
          %add3A_1496 = arith.addi %mul3A_225, %mul3A_1495 : i32
          %get3A_1497 = arith.index_cast %add3A_1496 : i32 to index
          %get3A_1498 = arith.constant 160 : index
          %get3A_1499 = tpu.vector_load %arg8[%get3A_1497, %get3A_1498] {strides = array<i32>} : memref<104x208xi32, #tpu.memory_space<vmem>>, vector<16xi32>,
          %shift_left3A_1500 = arith.constant 16 : i32
          %shift_left3A_1501 = vector.broadcast %shift_left3A_1500 : i32 to vector<16xi32>
          %shift_left3A_1502 = arith.shli %get3A_1499, %shift_left3A_1501 : vector<16xi32>
          %bitcast3A_1503 = vector.bitcast %shift_left3A_1502 : vector<16xi32> to vector<16xf32>
          %and3A_1504 = arith.constant -65536 : i32
          %and3A_1505 = vector.broadcast %and3A_1504 : i32 to vector<16xi32>
          %and3A_1506 = arith.andi %get3A_1499, %and3A_1505 : vector<16xi32>
          %bitcast3A_1507 = vector.bitcast %and3A_1506 : vector<16xi32> to vector<16xf32>
          %mul3A_1508 = arith.constant 2 : i32
          %mul3A_1509 = arith.muli %mul3A_1508, %rem3A_1461 : i32
          %add3A_1510 = arith.addi %mul3A_225, %mul3A_1509 : i32
          %add3A_1511 = arith.constant 1 : i32
          %add3A_1512 = arith.addi %add3A_1510, %add3A_1511 : i32
          %get3A_1513 = arith.index_cast %add3A_1512 : i32 to index
          %get3A_1514 = arith.constant 160 : index
          %get3A_1515 = tpu.vector_load %arg8[%get3A_1513, %get3A_1514] {strides = array<i32>} : memref<104x208xi32, #tpu.memory_space<vmem>>, vector<16xi32>,
          %shift_left3A_1516 = arith.constant 16 : i32
          %shift_left3A_1517 = vector.broadcast %shift_left3A_1516 : i32 to vector<16xi32>
          %shift_left3A_1518 = arith.shli %get3A_1515, %shift_left3A_1517 : vector<16xi32>
          %bitcast3A_1519 = vector.bitcast %shift_left3A_1518 : vector<16xi32> to vector<16xf32>
          %and3A_1520 = arith.constant -65536 : i32
          %and3A_1521 = vector.broadcast %and3A_1520 : i32 to vector<16xi32>
          %and3A_1522 = arith.andi %get3A_1515, %and3A_1521 : vector<16xi32>
          %bitcast3A_1523 = vector.bitcast %and3A_1522 : vector<16xi32> to vector<16xf32>
          %mul3A_1524 = arith.mulf %bitcast3A_1472, %bitcast3A_1503 : vector<16xf32>
          %add3A_1525 = arith.addf %add3A_1377, %mul3A_1524 : vector<16xf32>
          %mul3A_1526 = arith.mulf %bitcast3A_1476, %bitcast3A_1519 : vector<16xf32>
          %add3A_1527 = arith.addf %add3A_1379, %mul3A_1526 : vector<16xf32>
          %mul3A_1528 = arith.mulf %bitcast3A_1489, %bitcast3A_1507 : vector<16xf32>
          %add3A_1529 = arith.addf %add3A_1381, %mul3A_1528 : vector<16xf32>
          %mul3A_1530 = arith.mulf %bitcast3A_1493, %bitcast3A_1523 : vector<16xf32>
          %add3A_1531 = arith.addf %add3A_1383, %mul3A_1530 : vector<16xf32>
          %add3A_1532 = arith.constant 11 : i32
          %add3A_1533 = arith.addi %add3A_1532, %scan3A_709 : i32
          %rem3A_1534 = arith.constant 13 : i32
          %rem3A_1535 = arith.remsi %add3A_1533, %rem3A_1534 : i32
          %add3A_1536 = arith.constant 22 : i32
          %add3A_1537 = arith.addi %mul3A_225, %add3A_1536 : i32
          %mul3A_1538 = arith.constant 16 : i32
          %mul3A_1539 = arith.muli %mul3A_1538, %rem3A_1535 : i32
          %get3A_1540 = arith.index_cast %add3A_1537 : i32 to index
          %get3A_1541 = arith.index_cast %mul3A_1539 : i32 to index
          %get3A_1542 = tpu.vector_load %arg8[%get3A_1540, %get3A_1541] {strides = array<i32>} : memref<104x208xi32, #tpu.memory_space<vmem>>, vector<16xi32>,
          %shift_left3A_1543 = arith.constant 16 : i32
          %shift_left3A_1544 = vector.broadcast %shift_left3A_1543 : i32 to vector<16xi32>
          %shift_left3A_1545 = arith.shli %get3A_1542, %shift_left3A_1544 : vector<16xi32>
          %bitcast3A_1546 = vector.bitcast %shift_left3A_1545 : vector<16xi32> to vector<16xf32>
          %and3A_1547 = arith.constant -65536 : i32
          %and3A_1548 = vector.broadcast %and3A_1547 : i32 to vector<16xi32>
          %and3A_1549 = arith.andi %get3A_1542, %and3A_1548 : vector<16xi32>
          %bitcast3A_1550 = vector.bitcast %and3A_1549 : vector<16xi32> to vector<16xf32>
          %add3A_1551 = arith.constant 22 : i32
          %add3A_1552 = arith.addi %mul3A_225, %add3A_1551 : i32
          %add3A_1553 = arith.constant 1 : i32
          %add3A_1554 = arith.addi %add3A_1552, %add3A_1553 : i32
          %mul3A_1555 = arith.constant 16 : i32
          %mul3A_1556 = arith.muli %mul3A_1555, %rem3A_1535 : i32
          %get3A_1557 = arith.index_cast %add3A_1554 : i32 to index
          %get3A_1558 = arith.index_cast %mul3A_1556 : i32 to index
          %get3A_1559 = tpu.vector_load %arg8[%get3A_1557, %get3A_1558] {strides = array<i32>} : memref<104x208xi32, #tpu.memory_space<vmem>>, vector<16xi32>,
          %shift_left3A_1560 = arith.constant 16 : i32
          %shift_left3A_1561 = vector.broadcast %shift_left3A_1560 : i32 to vector<16xi32>
          %shift_left3A_1562 = arith.shli %get3A_1559, %shift_left3A_1561 : vector<16xi32>
          %bitcast3A_1563 = vector.bitcast %shift_left3A_1562 : vector<16xi32> to vector<16xf32>
          %and3A_1564 = arith.constant -65536 : i32
          %and3A_1565 = vector.broadcast %and3A_1564 : i32 to vector<16xi32>
          %and3A_1566 = arith.andi %get3A_1559, %and3A_1565 : vector<16xi32>
          %bitcast3A_1567 = vector.bitcast %and3A_1566 : vector<16xi32> to vector<16xf32>
          %mul3A_1568 = arith.constant 2 : i32
          %mul3A_1569 = arith.muli %mul3A_1568, %rem3A_1535 : i32
          %add3A_1570 = arith.addi %mul3A_225, %mul3A_1569 : i32
          %get3A_1571 = arith.index_cast %add3A_1570 : i32 to index
          %get3A_1572 = arith.constant 176 : index
          %get3A_1573 = tpu.vector_load %arg8[%get3A_1571, %get3A_1572] {strides = array<i32>} : memref<104x208xi32, #tpu.memory_space<vmem>>, vector<16xi32>,
          %shift_left3A_1574 = arith.constant 16 : i32
          %shift_left3A_1575 = vector.broadcast %shift_left3A_1574 : i32 to vector<16xi32>
          %shift_left3A_1576 = arith.shli %get3A_1573, %shift_left3A_1575 : vector<16xi32>
          %bitcast3A_1577 = vector.bitcast %shift_left3A_1576 : vector<16xi32> to vector<16xf32>
          %and3A_1578 = arith.constant -65536 : i32
          %and3A_1579 = vector.broadcast %and3A_1578 : i32 to vector<16xi32>
          %and3A_1580 = arith.andi %get3A_1573, %and3A_1579 : vector<16xi32>
          %bitcast3A_1581 = vector.bitcast %and3A_1580 : vector<16xi32> to vector<16xf32>
          %mul3A_1582 = arith.constant 2 : i32
          %mul3A_1583 = arith.muli %mul3A_1582, %rem3A_1535 : i32
          %add3A_1584 = arith.addi %mul3A_225, %mul3A_1583 : i32
          %add3A_1585 = arith.constant 1 : i32
          %add3A_1586 = arith.addi %add3A_1584, %add3A_1585 : i32
          %get3A_1587 = arith.index_cast %add3A_1586 : i32 to index
          %get3A_1588 = arith.constant 176 : index
          %get3A_1589 = tpu.vector_load %arg8[%get3A_1587, %get3A_1588] {strides = array<i32>} : memref<104x208xi32, #tpu.memory_space<vmem>>, vector<16xi32>,
          %shift_left3A_1590 = arith.constant 16 : i32
          %shift_left3A_1591 = vector.broadcast %shift_left3A_1590 : i32 to vector<16xi32>
          %shift_left3A_1592 = arith.shli %get3A_1589, %shift_left3A_1591 : vector<16xi32>
          %bitcast3A_1593 = vector.bitcast %shift_left3A_1592 : vector<16xi32> to vector<16xf32>
          %and3A_1594 = arith.constant -65536 : i32
          %and3A_1595 = vector.broadcast %and3A_1594 : i32 to vector<16xi32>
          %and3A_1596 = arith.andi %get3A_1589, %and3A_1595 : vector<16xi32>
          %bitcast3A_1597 = vector.bitcast %and3A_1596 : vector<16xi32> to vector<16xf32>
          %mul3A_1598 = arith.mulf %bitcast3A_1546, %bitcast3A_1577 : vector<16xf32>
          %add3A_1599 = arith.addf %add3A_1451, %mul3A_1598 : vector<16xf32>
          %mul3A_1600 = arith.mulf %bitcast3A_1550, %bitcast3A_1593 : vector<16xf32>
          %add3A_1601 = arith.addf %add3A_1453, %mul3A_1600 : vector<16xf32>
          %mul3A_1602 = arith.mulf %bitcast3A_1563, %bitcast3A_1581 : vector<16xf32>
          %add3A_1603 = arith.addf %add3A_1455, %mul3A_1602 : vector<16xf32>
          %mul3A_1604 = arith.mulf %bitcast3A_1567, %bitcast3A_1597 : vector<16xf32>
          %add3A_1605 = arith.addf %add3A_1457, %mul3A_1604 : vector<16xf32>
          %add3A_1606 = arith.constant 12 : i32
          %add3A_1607 = arith.addi %add3A_1606, %scan3A_709 : i32
          %rem3A_1608 = arith.constant 13 : i32
          %rem3A_1609 = arith.remsi %add3A_1607, %rem3A_1608 : i32
          %add3A_1610 = arith.constant 24 : i32
          %add3A_1611 = arith.addi %mul3A_225, %add3A_1610 : i32
          %mul3A_1612 = arith.constant 16 : i32
          %mul3A_1613 = arith.muli %mul3A_1612, %rem3A_1609 : i32
          %get3A_1614 = arith.index_cast %add3A_1611 : i32 to index
          %get3A_1615 = arith.index_cast %mul3A_1613 : i32 to index
          %get3A_1616 = tpu.vector_load %arg8[%get3A_1614, %get3A_1615] {strides = array<i32>} : memref<104x208xi32, #tpu.memory_space<vmem>>, vector<16xi32>,
          %shift_left3A_1617 = arith.constant 16 : i32
          %shift_left3A_1618 = vector.broadcast %shift_left3A_1617 : i32 to vector<16xi32>
          %shift_left3A_1619 = arith.shli %get3A_1616, %shift_left3A_1618 : vector<16xi32>
          %bitcast3A_1620 = vector.bitcast %shift_left3A_1619 : vector<16xi32> to vector<16xf32>
          %and3A_1621 = arith.constant -65536 : i32
          %and3A_1622 = vector.broadcast %and3A_1621 : i32 to vector<16xi32>
          %and3A_1623 = arith.andi %get3A_1616, %and3A_1622 : vector<16xi32>
          %bitcast3A_1624 = vector.bitcast %and3A_1623 : vector<16xi32> to vector<16xf32>
          %add3A_1625 = arith.constant 24 : i32
          %add3A_1626 = arith.addi %mul3A_225, %add3A_1625 : i32
          %add3A_1627 = arith.constant 1 : i32
          %add3A_1628 = arith.addi %add3A_1626, %add3A_1627 : i32
          %mul3A_1629 = arith.constant 16 : i32
          %mul3A_1630 = arith.muli %mul3A_1629, %rem3A_1609 : i32
          %get3A_1631 = arith.index_cast %add3A_1628 : i32 to index
          %get3A_1632 = arith.index_cast %mul3A_1630 : i32 to index
          %get3A_1633 = tpu.vector_load %arg8[%get3A_1631, %get3A_1632] {strides = array<i32>} : memref<104x208xi32, #tpu.memory_space<vmem>>, vector<16xi32>,
          %shift_left3A_1634 = arith.constant 16 : i32
          %shift_left3A_1635 = vector.broadcast %shift_left3A_1634 : i32 to vector<16xi32>
          %shift_left3A_1636 = arith.shli %get3A_1633, %shift_left3A_1635 : vector<16xi32>
          %bitcast3A_1637 = vector.bitcast %shift_left3A_1636 : vector<16xi32> to vector<16xf32>
          %and3A_1638 = arith.constant -65536 : i32
          %and3A_1639 = vector.broadcast %and3A_1638 : i32 to vector<16xi32>
          %and3A_1640 = arith.andi %get3A_1633, %and3A_1639 : vector<16xi32>
          %bitcast3A_1641 = vector.bitcast %and3A_1640 : vector<16xi32> to vector<16xf32>
          %mul3A_1642 = arith.constant 2 : i32
          %mul3A_1643 = arith.muli %mul3A_1642, %rem3A_1609 : i32
          %add3A_1644 = arith.addi %mul3A_225, %mul3A_1643 : i32
          %get3A_1645 = arith.index_cast %add3A_1644 : i32 to index
          %get3A_1646 = arith.constant 192 : index
          %get3A_1647 = tpu.vector_load %arg8[%get3A_1645, %get3A_1646] {strides = array<i32>} : memref<104x208xi32, #tpu.memory_space<vmem>>, vector<16xi32>,
          %shift_left3A_1648 = arith.constant 16 : i32
          %shift_left3A_1649 = vector.broadcast %shift_left3A_1648 : i32 to vector<16xi32>
          %shift_left3A_1650 = arith.shli %get3A_1647, %shift_left3A_1649 : vector<16xi32>
          %bitcast3A_1651 = vector.bitcast %shift_left3A_1650 : vector<16xi32> to vector<16xf32>
          %and3A_1652 = arith.constant -65536 : i32
          %and3A_1653 = vector.broadcast %and3A_1652 : i32 to vector<16xi32>
          %and3A_1654 = arith.andi %get3A_1647, %and3A_1653 : vector<16xi32>
          %bitcast3A_1655 = vector.bitcast %and3A_1654 : vector<16xi32> to vector<16xf32>
          %mul3A_1656 = arith.constant 2 : i32
          %mul3A_1657 = arith.muli %mul3A_1656, %rem3A_1609 : i32
          %add3A_1658 = arith.addi %mul3A_225, %mul3A_1657 : i32
          %add3A_1659 = arith.constant 1 : i32
          %add3A_1660 = arith.addi %add3A_1658, %add3A_1659 : i32
          %get3A_1661 = arith.index_cast %add3A_1660 : i32 to index
          %get3A_1662 = arith.constant 192 : index
          %get3A_1663 = tpu.vector_load %arg8[%get3A_1661, %get3A_1662] {strides = array<i32>} : memref<104x208xi32, #tpu.memory_space<vmem>>, vector<16xi32>,
          %shift_left3A_1664 = arith.constant 16 : i32
          %shift_left3A_1665 = vector.broadcast %shift_left3A_1664 : i32 to vector<16xi32>
          %shift_left3A_1666 = arith.shli %get3A_1663, %shift_left3A_1665 : vector<16xi32>
          %bitcast3A_1667 = vector.bitcast %shift_left3A_1666 : vector<16xi32> to vector<16xf32>
          %and3A_1668 = arith.constant -65536 : i32
          %and3A_1669 = vector.broadcast %and3A_1668 : i32 to vector<16xi32>
          %and3A_1670 = arith.andi %get3A_1663, %and3A_1669 : vector<16xi32>
          %bitcast3A_1671 = vector.bitcast %and3A_1670 : vector<16xi32> to vector<16xf32>
          %mul3A_1672 = arith.mulf %bitcast3A_1620, %bitcast3A_1651 : vector<16xf32>
          %add3A_1673 = arith.addf %add3A_1525, %mul3A_1672 : vector<16xf32>
          %mul3A_1674 = arith.mulf %bitcast3A_1624, %bitcast3A_1667 : vector<16xf32>
          %add3A_1675 = arith.addf %add3A_1527, %mul3A_1674 : vector<16xf32>
          %mul3A_1676 = arith.mulf %bitcast3A_1637, %bitcast3A_1655 : vector<16xf32>
          %add3A_1677 = arith.addf %add3A_1529, %mul3A_1676 : vector<16xf32>
          %mul3A_1678 = arith.mulf %bitcast3A_1641, %bitcast3A_1671 : vector<16xf32>
          %add3A_1679 = arith.addf %add3A_1531, %mul3A_1678 : vector<16xf32>
          scf.yield %add3A_1673, %add3A_1675, %add3A_1677, %add3A_1679, %add3A_1599, %add3A_1601, %add3A_1603, %add3A_1605 : vector<16xf32>, vector<16xf32>, vector<16xf32>, vector<16xf32>, vector<16xf32>, vector<16xf32>, vector<16xf32>, vector<16xf32>
        }
        %scan3A_231 = arith.constant 6 : i32
        %add3A_232 = arith.constant 0 : i32
        %add3A_233 = arith.addi %mul3A_225, %add3A_232 : i32
        %get3A = arith.index_cast %add3A_233 : i32 to index
        %get3A_234 = arith.constant 0 : index
        %get3A_235 = tpu.vector_load %arg8[%get3A, %get3A_234] {strides = array<i32>} : memref<104x208xi32, #tpu.memory_space<vmem>>, vector<16xi32>,
        %shift_left3A = arith.constant 16 : i32
        %shift_left3A_236 = vector.broadcast %shift_left3A : i32 to vector<16xi32>
        %shift_left3A_237 = arith.shli %get3A_235, %shift_left3A_236 : vector<16xi32>
        %bitcast3A = vector.bitcast %shift_left3A_237 : vector<16xi32> to vector<16xf32>
        %and3A_238 = arith.constant -65536 : i32
        %and3A_239 = vector.broadcast %and3A_238 : i32 to vector<16xi32>
        %and3A_240 = arith.andi %get3A_235, %and3A_239 : vector<16xi32>
        %bitcast3A_241 = vector.bitcast %and3A_240 : vector<16xi32> to vector<16xf32>
        %add3A_242 = arith.constant 0 : i32
        %add3A_243 = arith.addi %mul3A_225, %add3A_242 : i32
        %add3A_244 = arith.constant 1 : i32
        %add3A_245 = arith.addi %add3A_243, %add3A_244 : i32
        %get3A_246 = arith.index_cast %add3A_245 : i32 to index
        %get3A_247 = arith.constant 0 : index
        %get3A_248 = tpu.vector_load %arg8[%get3A_246, %get3A_247] {strides = array<i32>} : memref<104x208xi32, #tpu.memory_space<vmem>>, vector<16xi32>,
        %shift_left3A_249 = arith.constant 16 : i32
        %shift_left3A_250 = vector.broadcast %shift_left3A_249 : i32 to vector<16xi32>
        %shift_left3A_251 = arith.shli %get3A_248, %shift_left3A_250 : vector<16xi32>
        %bitcast3A_252 = vector.bitcast %shift_left3A_251 : vector<16xi32> to vector<16xf32>
        %and3A_253 = arith.constant -65536 : i32
        %and3A_254 = vector.broadcast %and3A_253 : i32 to vector<16xi32>
        %and3A_255 = arith.andi %get3A_248, %and3A_254 : vector<16xi32>
        %bitcast3A_256 = vector.bitcast %and3A_255 : vector<16xi32> to vector<16xf32>
        %mul3A_257 = arith.mulf %bitcast3A_241, %bitcast3A_252 : vector<16xf32>
        %add3A_258 = arith.addf %scan3A_230#0, %mul3A_257 : vector<16xf32>
        %add3A_259 = arith.constant 2 : i32
        %add3A_260 = arith.addi %mul3A_225, %add3A_259 : i32
        %get3A_261 = arith.index_cast %add3A_260 : i32 to index
        %get3A_262 = arith.constant 16 : index
        %get3A_263 = tpu.vector_load %arg8[%get3A_261, %get3A_262] {strides = array<i32>} : memref<104x208xi32, #tpu.memory_space<vmem>>, vector<16xi32>,
        %shift_left3A_264 = arith.constant 16 : i32
        %shift_left3A_265 = vector.broadcast %shift_left3A_264 : i32 to vector<16xi32>
        %shift_left3A_266 = arith.shli %get3A_263, %shift_left3A_265 : vector<16xi32>
        %bitcast3A_267 = vector.bitcast %shift_left3A_266 : vector<16xi32> to vector<16xf32>
        %and3A_268 = arith.constant -65536 : i32
        %and3A_269 = vector.broadcast %and3A_268 : i32 to vector<16xi32>
        %and3A_270 = arith.andi %get3A_263, %and3A_269 : vector<16xi32>
        %bitcast3A_271 = vector.bitcast %and3A_270 : vector<16xi32> to vector<16xf32>
        %add3A_272 = arith.constant 2 : i32
        %add3A_273 = arith.addi %mul3A_225, %add3A_272 : i32
        %add3A_274 = arith.constant 1 : i32
        %add3A_275 = arith.addi %add3A_273, %add3A_274 : i32
        %get3A_276 = arith.index_cast %add3A_275 : i32 to index
        %get3A_277 = arith.constant 16 : index
        %get3A_278 = tpu.vector_load %arg8[%get3A_276, %get3A_277] {strides = array<i32>} : memref<104x208xi32, #tpu.memory_space<vmem>>, vector<16xi32>,
        %shift_left3A_279 = arith.constant 16 : i32
        %shift_left3A_280 = vector.broadcast %shift_left3A_279 : i32 to vector<16xi32>
        %shift_left3A_281 = arith.shli %get3A_278, %shift_left3A_280 : vector<16xi32>
        %bitcast3A_282 = vector.bitcast %shift_left3A_281 : vector<16xi32> to vector<16xf32>
        %and3A_283 = arith.constant -65536 : i32
        %and3A_284 = vector.broadcast %and3A_283 : i32 to vector<16xi32>
        %and3A_285 = arith.andi %get3A_278, %and3A_284 : vector<16xi32>
        %bitcast3A_286 = vector.bitcast %and3A_285 : vector<16xi32> to vector<16xf32>
        %mul3A_287 = arith.mulf %bitcast3A_271, %bitcast3A_282 : vector<16xf32>
        %add3A_288 = arith.addf %scan3A_230#1, %mul3A_287 : vector<16xf32>
        %add3A_289 = arith.constant 4 : i32
        %add3A_290 = arith.addi %mul3A_225, %add3A_289 : i32
        %get3A_291 = arith.index_cast %add3A_290 : i32 to index
        %get3A_292 = arith.constant 32 : index
        %get3A_293 = tpu.vector_load %arg8[%get3A_291, %get3A_292] {strides = array<i32>} : memref<104x208xi32, #tpu.memory_space<vmem>>, vector<16xi32>,
        %shift_left3A_294 = arith.constant 16 : i32
        %shift_left3A_295 = vector.broadcast %shift_left3A_294 : i32 to vector<16xi32>
        %shift_left3A_296 = arith.shli %get3A_293, %shift_left3A_295 : vector<16xi32>
        %bitcast3A_297 = vector.bitcast %shift_left3A_296 : vector<16xi32> to vector<16xf32>
        %and3A_298 = arith.constant -65536 : i32
        %and3A_299 = vector.broadcast %and3A_298 : i32 to vector<16xi32>
        %and3A_300 = arith.andi %get3A_293, %and3A_299 : vector<16xi32>
        %bitcast3A_301 = vector.bitcast %and3A_300 : vector<16xi32> to vector<16xf32>
        %add3A_302 = arith.constant 4 : i32
        %add3A_303 = arith.addi %mul3A_225, %add3A_302 : i32
        %add3A_304 = arith.constant 1 : i32
        %add3A_305 = arith.addi %add3A_303, %add3A_304 : i32
        %get3A_306 = arith.index_cast %add3A_305 : i32 to index
        %get3A_307 = arith.constant 32 : index
        %get3A_308 = tpu.vector_load %arg8[%get3A_306, %get3A_307] {strides = array<i32>} : memref<104x208xi32, #tpu.memory_space<vmem>>, vector<16xi32>,
        %shift_left3A_309 = arith.constant 16 : i32
        %shift_left3A_310 = vector.broadcast %shift_left3A_309 : i32 to vector<16xi32>
        %shift_left3A_311 = arith.shli %get3A_308, %shift_left3A_310 : vector<16xi32>
        %bitcast3A_312 = vector.bitcast %shift_left3A_311 : vector<16xi32> to vector<16xf32>
        %and3A_313 = arith.constant -65536 : i32
        %and3A_314 = vector.broadcast %and3A_313 : i32 to vector<16xi32>
        %and3A_315 = arith.andi %get3A_308, %and3A_314 : vector<16xi32>
        %bitcast3A_316 = vector.bitcast %and3A_315 : vector<16xi32> to vector<16xf32>
        %mul3A_317 = arith.mulf %bitcast3A_301, %bitcast3A_312 : vector<16xf32>
        %add3A_318 = arith.addf %scan3A_230#2, %mul3A_317 : vector<16xf32>
        %add3A_319 = arith.constant 6 : i32
        %add3A_320 = arith.addi %mul3A_225, %add3A_319 : i32
        %get3A_321 = arith.index_cast %add3A_320 : i32 to index
        %get3A_322 = arith.constant 48 : index
        %get3A_323 = tpu.vector_load %arg8[%get3A_321, %get3A_322] {strides = array<i32>} : memref<104x208xi32, #tpu.memory_space<vmem>>, vector<16xi32>,
        %shift_left3A_324 = arith.constant 16 : i32
        %shift_left3A_325 = vector.broadcast %shift_left3A_324 : i32 to vector<16xi32>
        %shift_left3A_326 = arith.shli %get3A_323, %shift_left3A_325 : vector<16xi32>
        %bitcast3A_327 = vector.bitcast %shift_left3A_326 : vector<16xi32> to vector<16xf32>
        %and3A_328 = arith.constant -65536 : i32
        %and3A_329 = vector.broadcast %and3A_328 : i32 to vector<16xi32>
        %and3A_330 = arith.andi %get3A_323, %and3A_329 : vector<16xi32>
        %bitcast3A_331 = vector.bitcast %and3A_330 : vector<16xi32> to vector<16xf32>
        %add3A_332 = arith.constant 6 : i32
        %add3A_333 = arith.addi %mul3A_225, %add3A_332 : i32
        %add3A_334 = arith.constant 1 : i32
        %add3A_335 = arith.addi %add3A_333, %add3A_334 : i32
        %get3A_336 = arith.index_cast %add3A_335 : i32 to index
        %get3A_337 = arith.constant 48 : index
        %get3A_338 = tpu.vector_load %arg8[%get3A_336, %get3A_337] {strides = array<i32>} : memref<104x208xi32, #tpu.memory_space<vmem>>, vector<16xi32>,
        %shift_left3A_339 = arith.constant 16 : i32
        %shift_left3A_340 = vector.broadcast %shift_left3A_339 : i32 to vector<16xi32>
        %shift_left3A_341 = arith.shli %get3A_338, %shift_left3A_340 : vector<16xi32>
        %bitcast3A_342 = vector.bitcast %shift_left3A_341 : vector<16xi32> to vector<16xf32>
        %and3A_343 = arith.constant -65536 : i32
        %and3A_344 = vector.broadcast %and3A_343 : i32 to vector<16xi32>
        %and3A_345 = arith.andi %get3A_338, %and3A_344 : vector<16xi32>
        %bitcast3A_346 = vector.bitcast %and3A_345 : vector<16xi32> to vector<16xf32>
        %mul3A_347 = arith.mulf %bitcast3A_331, %bitcast3A_342 : vector<16xf32>
        %add3A_348 = arith.addf %scan3A_230#3, %mul3A_347 : vector<16xf32>
        %add3A_349 = arith.constant 8 : i32
        %add3A_350 = arith.addi %mul3A_225, %add3A_349 : i32
        %get3A_351 = arith.index_cast %add3A_350 : i32 to index
        %get3A_352 = arith.constant 64 : index
        %get3A_353 = tpu.vector_load %arg8[%get3A_351, %get3A_352] {strides = array<i32>} : memref<104x208xi32, #tpu.memory_space<vmem>>, vector<16xi32>,
        %shift_left3A_354 = arith.constant 16 : i32
        %shift_left3A_355 = vector.broadcast %shift_left3A_354 : i32 to vector<16xi32>
        %shift_left3A_356 = arith.shli %get3A_353, %shift_left3A_355 : vector<16xi32>
        %bitcast3A_357 = vector.bitcast %shift_left3A_356 : vector<16xi32> to vector<16xf32>
        %and3A_358 = arith.constant -65536 : i32
        %and3A_359 = vector.broadcast %and3A_358 : i32 to vector<16xi32>
        %and3A_360 = arith.andi %get3A_353, %and3A_359 : vector<16xi32>
        %bitcast3A_361 = vector.bitcast %and3A_360 : vector<16xi32> to vector<16xf32>
        %add3A_362 = arith.constant 8 : i32
        %add3A_363 = arith.addi %mul3A_225, %add3A_362 : i32
        %add3A_364 = arith.constant 1 : i32
        %add3A_365 = arith.addi %add3A_363, %add3A_364 : i32
        %get3A_366 = arith.index_cast %add3A_365 : i32 to index
        %get3A_367 = arith.constant 64 : index
        %get3A_368 = tpu.vector_load %arg8[%get3A_366, %get3A_367] {strides = array<i32>} : memref<104x208xi32, #tpu.memory_space<vmem>>, vector<16xi32>,
        %shift_left3A_369 = arith.constant 16 : i32
        %shift_left3A_370 = vector.broadcast %shift_left3A_369 : i32 to vector<16xi32>
        %shift_left3A_371 = arith.shli %get3A_368, %shift_left3A_370 : vector<16xi32>
        %bitcast3A_372 = vector.bitcast %shift_left3A_371 : vector<16xi32> to vector<16xf32>
        %and3A_373 = arith.constant -65536 : i32
        %and3A_374 = vector.broadcast %and3A_373 : i32 to vector<16xi32>
        %and3A_375 = arith.andi %get3A_368, %and3A_374 : vector<16xi32>
        %bitcast3A_376 = vector.bitcast %and3A_375 : vector<16xi32> to vector<16xf32>
        %mul3A_377 = arith.mulf %bitcast3A_361, %bitcast3A_372 : vector<16xf32>
        %add3A_378 = arith.addf %scan3A_230#4, %mul3A_377 : vector<16xf32>
        %add3A_379 = arith.constant 10 : i32
        %add3A_380 = arith.addi %mul3A_225, %add3A_379 : i32
        %get3A_381 = arith.index_cast %add3A_380 : i32 to index
        %get3A_382 = arith.constant 80 : index
        %get3A_383 = tpu.vector_load %arg8[%get3A_381, %get3A_382] {strides = array<i32>} : memref<104x208xi32, #tpu.memory_space<vmem>>, vector<16xi32>,
        %shift_left3A_384 = arith.constant 16 : i32
        %shift_left3A_385 = vector.broadcast %shift_left3A_384 : i32 to vector<16xi32>
        %shift_left3A_386 = arith.shli %get3A_383, %shift_left3A_385 : vector<16xi32>
        %bitcast3A_387 = vector.bitcast %shift_left3A_386 : vector<16xi32> to vector<16xf32>
        %and3A_388 = arith.constant -65536 : i32
        %and3A_389 = vector.broadcast %and3A_388 : i32 to vector<16xi32>
        %and3A_390 = arith.andi %get3A_383, %and3A_389 : vector<16xi32>
        %bitcast3A_391 = vector.bitcast %and3A_390 : vector<16xi32> to vector<16xf32>
        %add3A_392 = arith.constant 10 : i32
        %add3A_393 = arith.addi %mul3A_225, %add3A_392 : i32
        %add3A_394 = arith.constant 1 : i32
        %add3A_395 = arith.addi %add3A_393, %add3A_394 : i32
        %get3A_396 = arith.index_cast %add3A_395 : i32 to index
        %get3A_397 = arith.constant 80 : index
        %get3A_398 = tpu.vector_load %arg8[%get3A_396, %get3A_397] {strides = array<i32>} : memref<104x208xi32, #tpu.memory_space<vmem>>, vector<16xi32>,
        %shift_left3A_399 = arith.constant 16 : i32
        %shift_left3A_400 = vector.broadcast %shift_left3A_399 : i32 to vector<16xi32>
        %shift_left3A_401 = arith.shli %get3A_398, %shift_left3A_400 : vector<16xi32>
        %bitcast3A_402 = vector.bitcast %shift_left3A_401 : vector<16xi32> to vector<16xf32>
        %and3A_403 = arith.constant -65536 : i32
        %and3A_404 = vector.broadcast %and3A_403 : i32 to vector<16xi32>
        %and3A_405 = arith.andi %get3A_398, %and3A_404 : vector<16xi32>
        %bitcast3A_406 = vector.bitcast %and3A_405 : vector<16xi32> to vector<16xf32>
        %mul3A_407 = arith.mulf %bitcast3A_391, %bitcast3A_402 : vector<16xf32>
        %add3A_408 = arith.addf %scan3A_230#5, %mul3A_407 : vector<16xf32>
        %add3A_409 = arith.constant 12 : i32
        %add3A_410 = arith.addi %mul3A_225, %add3A_409 : i32
        %get3A_411 = arith.index_cast %add3A_410 : i32 to index
        %get3A_412 = arith.constant 96 : index
        %get3A_413 = tpu.vector_load %arg8[%get3A_411, %get3A_412] {strides = array<i32>} : memref<104x208xi32, #tpu.memory_space<vmem>>, vector<16xi32>,
        %shift_left3A_414 = arith.constant 16 : i32
        %shift_left3A_415 = vector.broadcast %shift_left3A_414 : i32 to vector<16xi32>
        %shift_left3A_416 = arith.shli %get3A_413, %shift_left3A_415 : vector<16xi32>
        %bitcast3A_417 = vector.bitcast %shift_left3A_416 : vector<16xi32> to vector<16xf32>
        %and3A_418 = arith.constant -65536 : i32
        %and3A_419 = vector.broadcast %and3A_418 : i32 to vector<16xi32>
        %and3A_420 = arith.andi %get3A_413, %and3A_419 : vector<16xi32>
        %bitcast3A_421 = vector.bitcast %and3A_420 : vector<16xi32> to vector<16xf32>
        %add3A_422 = arith.constant 12 : i32
        %add3A_423 = arith.addi %mul3A_225, %add3A_422 : i32
        %add3A_424 = arith.constant 1 : i32
        %add3A_425 = arith.addi %add3A_423, %add3A_424 : i32
        %get3A_426 = arith.index_cast %add3A_425 : i32 to index
        %get3A_427 = arith.constant 96 : index
        %get3A_428 = tpu.vector_load %arg8[%get3A_426, %get3A_427] {strides = array<i32>} : memref<104x208xi32, #tpu.memory_space<vmem>>, vector<16xi32>,
        %shift_left3A_429 = arith.constant 16 : i32
        %shift_left3A_430 = vector.broadcast %shift_left3A_429 : i32 to vector<16xi32>
        %shift_left3A_431 = arith.shli %get3A_428, %shift_left3A_430 : vector<16xi32>
        %bitcast3A_432 = vector.bitcast %shift_left3A_431 : vector<16xi32> to vector<16xf32>
        %and3A_433 = arith.constant -65536 : i32
        %and3A_434 = vector.broadcast %and3A_433 : i32 to vector<16xi32>
        %and3A_435 = arith.andi %get3A_428, %and3A_434 : vector<16xi32>
        %bitcast3A_436 = vector.bitcast %and3A_435 : vector<16xi32> to vector<16xf32>
        %mul3A_437 = arith.mulf %bitcast3A_421, %bitcast3A_432 : vector<16xf32>
        %add3A_438 = arith.addf %scan3A_230#6, %mul3A_437 : vector<16xf32>
        %add3A_439 = arith.constant 14 : i32
        %add3A_440 = arith.addi %mul3A_225, %add3A_439 : i32
        %get3A_441 = arith.index_cast %add3A_440 : i32 to index
        %get3A_442 = arith.constant 112 : index
        %get3A_443 = tpu.vector_load %arg8[%get3A_441, %get3A_442] {strides = array<i32>} : memref<104x208xi32, #tpu.memory_space<vmem>>, vector<16xi32>,
        %shift_left3A_444 = arith.constant 16 : i32
        %shift_left3A_445 = vector.broadcast %shift_left3A_444 : i32 to vector<16xi32>
        %shift_left3A_446 = arith.shli %get3A_443, %shift_left3A_445 : vector<16xi32>
        %bitcast3A_447 = vector.bitcast %shift_left3A_446 : vector<16xi32> to vector<16xf32>
        %and3A_448 = arith.constant -65536 : i32
        %and3A_449 = vector.broadcast %and3A_448 : i32 to vector<16xi32>
        %and3A_450 = arith.andi %get3A_443, %and3A_449 : vector<16xi32>
        %bitcast3A_451 = vector.bitcast %and3A_450 : vector<16xi32> to vector<16xf32>
        %add3A_452 = arith.constant 14 : i32
        %add3A_453 = arith.addi %mul3A_225, %add3A_452 : i32
        %add3A_454 = arith.constant 1 : i32
        %add3A_455 = arith.addi %add3A_453, %add3A_454 : i32
        %get3A_456 = arith.index_cast %add3A_455 : i32 to index
        %get3A_457 = arith.constant 112 : index
        %get3A_458 = tpu.vector_load %arg8[%get3A_456, %get3A_457] {strides = array<i32>} : memref<104x208xi32, #tpu.memory_space<vmem>>, vector<16xi32>,
        %shift_left3A_459 = arith.constant 16 : i32
        %shift_left3A_460 = vector.broadcast %shift_left3A_459 : i32 to vector<16xi32>
        %shift_left3A_461 = arith.shli %get3A_458, %shift_left3A_460 : vector<16xi32>
        %bitcast3A_462 = vector.bitcast %shift_left3A_461 : vector<16xi32> to vector<16xf32>
        %and3A_463 = arith.constant -65536 : i32
        %and3A_464 = vector.broadcast %and3A_463 : i32 to vector<16xi32>
        %and3A_465 = arith.andi %get3A_458, %and3A_464 : vector<16xi32>
        %bitcast3A_466 = vector.bitcast %and3A_465 : vector<16xi32> to vector<16xf32>
        %mul3A_467 = arith.mulf %bitcast3A_451, %bitcast3A_462 : vector<16xf32>
        %add3A_468 = arith.addf %scan3A_230#7, %mul3A_467 : vector<16xf32>
        %add3A_469 = arith.constant 16 : i32
        %add3A_470 = arith.addi %mul3A_225, %add3A_469 : i32
        %get3A_471 = arith.index_cast %add3A_470 : i32 to index
        %get3A_472 = arith.constant 128 : index
        %get3A_473 = tpu.vector_load %arg8[%get3A_471, %get3A_472] {strides = array<i32>} : memref<104x208xi32, #tpu.memory_space<vmem>>, vector<16xi32>,
        %shift_left3A_474 = arith.constant 16 : i32
        %shift_left3A_475 = vector.broadcast %shift_left3A_474 : i32 to vector<16xi32>
        %shift_left3A_476 = arith.shli %get3A_473, %shift_left3A_475 : vector<16xi32>
        %bitcast3A_477 = vector.bitcast %shift_left3A_476 : vector<16xi32> to vector<16xf32>
        %and3A_478 = arith.constant -65536 : i32
        %and3A_479 = vector.broadcast %and3A_478 : i32 to vector<16xi32>
        %and3A_480 = arith.andi %get3A_473, %and3A_479 : vector<16xi32>
        %bitcast3A_481 = vector.bitcast %and3A_480 : vector<16xi32> to vector<16xf32>
        %add3A_482 = arith.constant 16 : i32
        %add3A_483 = arith.addi %mul3A_225, %add3A_482 : i32
        %add3A_484 = arith.constant 1 : i32
        %add3A_485 = arith.addi %add3A_483, %add3A_484 : i32
        %get3A_486 = arith.index_cast %add3A_485 : i32 to index
        %get3A_487 = arith.constant 128 : index
        %get3A_488 = tpu.vector_load %arg8[%get3A_486, %get3A_487] {strides = array<i32>} : memref<104x208xi32, #tpu.memory_space<vmem>>, vector<16xi32>,
        %shift_left3A_489 = arith.constant 16 : i32
        %shift_left3A_490 = vector.broadcast %shift_left3A_489 : i32 to vector<16xi32>
        %shift_left3A_491 = arith.shli %get3A_488, %shift_left3A_490 : vector<16xi32>
        %bitcast3A_492 = vector.bitcast %shift_left3A_491 : vector<16xi32> to vector<16xf32>
        %and3A_493 = arith.constant -65536 : i32
        %and3A_494 = vector.broadcast %and3A_493 : i32 to vector<16xi32>
        %and3A_495 = arith.andi %get3A_488, %and3A_494 : vector<16xi32>
        %bitcast3A_496 = vector.bitcast %and3A_495 : vector<16xi32> to vector<16xf32>
        %mul3A_497 = arith.mulf %bitcast3A_481, %bitcast3A_492 : vector<16xf32>
        %add3A_498 = arith.addf %add3A_258, %mul3A_497 : vector<16xf32>
        %add3A_499 = arith.constant 18 : i32
        %add3A_500 = arith.addi %mul3A_225, %add3A_499 : i32
        %get3A_501 = arith.index_cast %add3A_500 : i32 to index
        %get3A_502 = arith.constant 144 : index
        %get3A_503 = tpu.vector_load %arg8[%get3A_501, %get3A_502] {strides = array<i32>} : memref<104x208xi32, #tpu.memory_space<vmem>>, vector<16xi32>,
        %shift_left3A_504 = arith.constant 16 : i32
        %shift_left3A_505 = vector.broadcast %shift_left3A_504 : i32 to vector<16xi32>
        %shift_left3A_506 = arith.shli %get3A_503, %shift_left3A_505 : vector<16xi32>
        %bitcast3A_507 = vector.bitcast %shift_left3A_506 : vector<16xi32> to vector<16xf32>
        %and3A_508 = arith.constant -65536 : i32
        %and3A_509 = vector.broadcast %and3A_508 : i32 to vector<16xi32>
        %and3A_510 = arith.andi %get3A_503, %and3A_509 : vector<16xi32>
        %bitcast3A_511 = vector.bitcast %and3A_510 : vector<16xi32> to vector<16xf32>
        %add3A_512 = arith.constant 18 : i32
        %add3A_513 = arith.addi %mul3A_225, %add3A_512 : i32
        %add3A_514 = arith.constant 1 : i32
        %add3A_515 = arith.addi %add3A_513, %add3A_514 : i32
        %get3A_516 = arith.index_cast %add3A_515 : i32 to index
        %get3A_517 = arith.constant 144 : index
        %get3A_518 = tpu.vector_load %arg8[%get3A_516, %get3A_517] {strides = array<i32>} : memref<104x208xi32, #tpu.memory_space<vmem>>, vector<16xi32>,
        %shift_left3A_519 = arith.constant 16 : i32
        %shift_left3A_520 = vector.broadcast %shift_left3A_519 : i32 to vector<16xi32>
        %shift_left3A_521 = arith.shli %get3A_518, %shift_left3A_520 : vector<16xi32>
        %bitcast3A_522 = vector.bitcast %shift_left3A_521 : vector<16xi32> to vector<16xf32>
        %and3A_523 = arith.constant -65536 : i32
        %and3A_524 = vector.broadcast %and3A_523 : i32 to vector<16xi32>
        %and3A_525 = arith.andi %get3A_518, %and3A_524 : vector<16xi32>
        %bitcast3A_526 = vector.bitcast %and3A_525 : vector<16xi32> to vector<16xf32>
        %mul3A_527 = arith.mulf %bitcast3A_511, %bitcast3A_522 : vector<16xf32>
        %add3A_528 = arith.addf %add3A_288, %mul3A_527 : vector<16xf32>
        %add3A_529 = arith.constant 20 : i32
        %add3A_530 = arith.addi %mul3A_225, %add3A_529 : i32
        %get3A_531 = arith.index_cast %add3A_530 : i32 to index
        %get3A_532 = arith.constant 160 : index
        %get3A_533 = tpu.vector_load %arg8[%get3A_531, %get3A_532] {strides = array<i32>} : memref<104x208xi32, #tpu.memory_space<vmem>>, vector<16xi32>,
        %shift_left3A_534 = arith.constant 16 : i32
        %shift_left3A_535 = vector.broadcast %shift_left3A_534 : i32 to vector<16xi32>
        %shift_left3A_536 = arith.shli %get3A_533, %shift_left3A_535 : vector<16xi32>
        %bitcast3A_537 = vector.bitcast %shift_left3A_536 : vector<16xi32> to vector<16xf32>
        %and3A_538 = arith.constant -65536 : i32
        %and3A_539 = vector.broadcast %and3A_538 : i32 to vector<16xi32>
        %and3A_540 = arith.andi %get3A_533, %and3A_539 : vector<16xi32>
        %bitcast3A_541 = vector.bitcast %and3A_540 : vector<16xi32> to vector<16xf32>
        %add3A_542 = arith.constant 20 : i32
        %add3A_543 = arith.addi %mul3A_225, %add3A_542 : i32
        %add3A_544 = arith.constant 1 : i32
        %add3A_545 = arith.addi %add3A_543, %add3A_544 : i32
        %get3A_546 = arith.index_cast %add3A_545 : i32 to index
        %get3A_547 = arith.constant 160 : index
        %get3A_548 = tpu.vector_load %arg8[%get3A_546, %get3A_547] {strides = array<i32>} : memref<104x208xi32, #tpu.memory_space<vmem>>, vector<16xi32>,
        %shift_left3A_549 = arith.constant 16 : i32
        %shift_left3A_550 = vector.broadcast %shift_left3A_549 : i32 to vector<16xi32>
        %shift_left3A_551 = arith.shli %get3A_548, %shift_left3A_550 : vector<16xi32>
        %bitcast3A_552 = vector.bitcast %shift_left3A_551 : vector<16xi32> to vector<16xf32>
        %and3A_553 = arith.constant -65536 : i32
        %and3A_554 = vector.broadcast %and3A_553 : i32 to vector<16xi32>
        %and3A_555 = arith.andi %get3A_548, %and3A_554 : vector<16xi32>
        %bitcast3A_556 = vector.bitcast %and3A_555 : vector<16xi32> to vector<16xf32>
        %mul3A_557 = arith.mulf %bitcast3A_541, %bitcast3A_552 : vector<16xf32>
        %add3A_558 = arith.addf %add3A_318, %mul3A_557 : vector<16xf32>
        %add3A_559 = arith.constant 22 : i32
        %add3A_560 = arith.addi %mul3A_225, %add3A_559 : i32
        %get3A_561 = arith.index_cast %add3A_560 : i32 to index
        %get3A_562 = arith.constant 176 : index
        %get3A_563 = tpu.vector_load %arg8[%get3A_561, %get3A_562] {strides = array<i32>} : memref<104x208xi32, #tpu.memory_space<vmem>>, vector<16xi32>,
        %shift_left3A_564 = arith.constant 16 : i32
        %shift_left3A_565 = vector.broadcast %shift_left3A_564 : i32 to vector<16xi32>
        %shift_left3A_566 = arith.shli %get3A_563, %shift_left3A_565 : vector<16xi32>
        %bitcast3A_567 = vector.bitcast %shift_left3A_566 : vector<16xi32> to vector<16xf32>
        %and3A_568 = arith.constant -65536 : i32
        %and3A_569 = vector.broadcast %and3A_568 : i32 to vector<16xi32>
        %and3A_570 = arith.andi %get3A_563, %and3A_569 : vector<16xi32>
        %bitcast3A_571 = vector.bitcast %and3A_570 : vector<16xi32> to vector<16xf32>
        %add3A_572 = arith.constant 22 : i32
        %add3A_573 = arith.addi %mul3A_225, %add3A_572 : i32
        %add3A_574 = arith.constant 1 : i32
        %add3A_575 = arith.addi %add3A_573, %add3A_574 : i32
        %get3A_576 = arith.index_cast %add3A_575 : i32 to index
        %get3A_577 = arith.constant 176 : index
        %get3A_578 = tpu.vector_load %arg8[%get3A_576, %get3A_577] {strides = array<i32>} : memref<104x208xi32, #tpu.memory_space<vmem>>, vector<16xi32>,
        %shift_left3A_579 = arith.constant 16 : i32
        %shift_left3A_580 = vector.broadcast %shift_left3A_579 : i32 to vector<16xi32>
        %shift_left3A_581 = arith.shli %get3A_578, %shift_left3A_580 : vector<16xi32>
        %bitcast3A_582 = vector.bitcast %shift_left3A_581 : vector<16xi32> to vector<16xf32>
        %and3A_583 = arith.constant -65536 : i32
        %and3A_584 = vector.broadcast %and3A_583 : i32 to vector<16xi32>
        %and3A_585 = arith.andi %get3A_578, %and3A_584 : vector<16xi32>
        %bitcast3A_586 = vector.bitcast %and3A_585 : vector<16xi32> to vector<16xf32>
        %mul3A_587 = arith.mulf %bitcast3A_571, %bitcast3A_582 : vector<16xf32>
        %add3A_588 = arith.addf %add3A_348, %mul3A_587 : vector<16xf32>
        %add3A_589 = arith.constant 24 : i32
        %add3A_590 = arith.addi %mul3A_225, %add3A_589 : i32
        %get3A_591 = arith.index_cast %add3A_590 : i32 to index
        %get3A_592 = arith.constant 192 : index
        %get3A_593 = tpu.vector_load %arg8[%get3A_591, %get3A_592] {strides = array<i32>} : memref<104x208xi32, #tpu.memory_space<vmem>>, vector<16xi32>,
        %shift_left3A_594 = arith.constant 16 : i32
        %shift_left3A_595 = vector.broadcast %shift_left3A_594 : i32 to vector<16xi32>
        %shift_left3A_596 = arith.shli %get3A_593, %shift_left3A_595 : vector<16xi32>
        %bitcast3A_597 = vector.bitcast %shift_left3A_596 : vector<16xi32> to vector<16xf32>
        %and3A_598 = arith.constant -65536 : i32
        %and3A_599 = vector.broadcast %and3A_598 : i32 to vector<16xi32>
        %and3A_600 = arith.andi %get3A_593, %and3A_599 : vector<16xi32>
        %bitcast3A_601 = vector.bitcast %and3A_600 : vector<16xi32> to vector<16xf32>
        %add3A_602 = arith.constant 24 : i32
        %add3A_603 = arith.addi %mul3A_225, %add3A_602 : i32
        %add3A_604 = arith.constant 1 : i32
        %add3A_605 = arith.addi %add3A_603, %add3A_604 : i32
        %get3A_606 = arith.index_cast %add3A_605 : i32 to index
        %get3A_607 = arith.constant 192 : index
        %get3A_608 = tpu.vector_load %arg8[%get3A_606, %get3A_607] {strides = array<i32>} : memref<104x208xi32, #tpu.memory_space<vmem>>, vector<16xi32>,
        %shift_left3A_609 = arith.constant 16 : i32
        %shift_left3A_610 = vector.broadcast %shift_left3A_609 : i32 to vector<16xi32>
        %shift_left3A_611 = arith.shli %get3A_608, %shift_left3A_610 : vector<16xi32>
        %bitcast3A_612 = vector.bitcast %shift_left3A_611 : vector<16xi32> to vector<16xf32>
        %and3A_613 = arith.constant -65536 : i32
        %and3A_614 = vector.broadcast %and3A_613 : i32 to vector<16xi32>
        %and3A_615 = arith.andi %get3A_608, %and3A_614 : vector<16xi32>
        %bitcast3A_616 = vector.bitcast %and3A_615 : vector<16xi32> to vector<16xf32>
        %mul3A_617 = arith.mulf %bitcast3A_601, %bitcast3A_612 : vector<16xf32>
        %add3A_618 = arith.addf %add3A_378, %mul3A_617 : vector<16xf32>
        %mul3A_619 = arith.constant 4 : i32
        %mul3A_620 = arith.muli %mul3A_79, %mul3A_619 : i32
        %add3A_621 = arith.addi %mul3A_620, %scan3A_222 : i32
        %mul3A_622 = arith.constant 32 : i32
        %mul3A_623 = arith.muli %add3A_621, %mul3A_622 : i32
        %get3A_624 = arith.index_cast %mul3A_623 : i32 to index
        %get3A_625 = tpu.vector_load %arg6[%get3A_624] {strides = array<i32>} : memref<4096xi32, #tpu.memory_space<vmem>>, vector<16xi32>,
        %mul3A_626 = arith.constant 1001 : i32
        %mul3A_627 = vector.broadcast %mul3A_626 : i32 to vector<16xi32>
        %mul3A_628 = arith.muli %mul3A_627, %iota3A : vector<16xi32>
        %sub3A = arith.subi %get3A_625, %mul3A_628 : vector<16xi32>
        %convert_element_type3A_629 = arith.sitofp %sub3A : vector<16xi32> to vector<16xf32>
        %add3A_630 = arith.constant 16 : i32
        %add3A_631 = arith.addi %mul3A_623, %add3A_630 : i32
        %get3A_632 = arith.index_cast %add3A_631 : i32 to index
        %get3A_633 = tpu.vector_load %arg6[%get3A_632] {strides = array<i32>} : memref<4096xi32, #tpu.memory_space<vmem>>, vector<16xi32>,
        %add3A_634 = arith.constant 16 : i32
        %add3A_635 = vector.broadcast %add3A_634 : i32 to vector<16xi32>
        %add3A_636 = arith.addi %add3A_635, %iota3A : vector<16xi32>
        %mul3A_637 = arith.constant 1001 : i32
        %mul3A_638 = vector.broadcast %mul3A_637 : i32 to vector<16xi32>
        %mul3A_639 = arith.muli %mul3A_638, %add3A_636 : vector<16xi32>
        %sub3A_640 = arith.subi %get3A_633, %mul3A_639 : vector<16xi32>
        %convert_element_type3A_641 = arith.sitofp %sub3A_640 : vector<16xi32> to vector<16xf32>
        %get3A_642 = arith.constant 0 : index
        %get3A_643 = tpu.vector_load %arg7[%get3A_642] {strides = array<i32>} : memref<128xf32, #tpu.memory_space<vmem>>, vector<16xf32>,
        %mul3A_644 = arith.mulf %convert_element_type3A_629, %get3A_643 : vector<16xf32>
        %get3A_645 = arith.constant 16 : index
        %get3A_646 = tpu.vector_load %arg7[%get3A_645] {strides = array<i32>} : memref<128xf32, #tpu.memory_space<vmem>>, vector<16xf32>,
        %mul3A_647 = arith.mulf %convert_element_type3A_641, %get3A_646 : vector<16xf32>
        %add3A_648 = arith.addf %mul3A_644, %mul3A_647 : vector<16xf32>
        %add3A_649 = arith.addf %add3A_648, %add3A_498 : vector<16xf32>
        %add3A_650 = arith.addf %add3A_649, %add3A_528 : vector<16xf32>
        %add3A_651 = arith.addf %add3A_650, %add3A_558 : vector<16xf32>
        %add3A_652 = arith.addf %add3A_651, %add3A_588 : vector<16xf32>
        %add3A_653 = arith.addf %add3A_652, %add3A_618 : vector<16xf32>
        %add3A_654 = arith.addf %add3A_653, %add3A_408 : vector<16xf32>
        %add3A_655 = arith.addf %add3A_654, %add3A_438 : vector<16xf32>
        %add3A_656 = arith.addf %add3A_655, %add3A_468 : vector<16xf32>
        %iota3A_657 = tpu.iota {dimensions = array<i32: 0>} : vector<16xi32>
        %xor3A = arith.constant 8 : i32
        %xor3A_658 = vector.broadcast %xor3A : i32 to vector<16xi32>
        %xor3A_659 = arith.xori %iota3A_657, %xor3A_658 : vector<16xi32>
        %broadcast_in_dim3A_660 = vector.shape_cast %xor3A_659 : vector<16xi32> to vector<16x1xi32>
        %gather3A = vector.shape_cast %broadcast_in_dim3A_660 : vector<16x1xi32> to vector<16xi32>
        %gather3A_661 = tpu.dynamic_gather %add3A_656[%gather3A] in [0] : vector<16xf32>, vector<16xi32> -> vector<16xf32>
        %add3A_662 = arith.addf %add3A_656, %gather3A_661 : vector<16xf32>
        %iota3A_663 = tpu.iota {dimensions = array<i32: 0>} : vector<16xi32>
        %xor3A_664 = arith.constant 4 : i32
        %xor3A_665 = vector.broadcast %xor3A_664 : i32 to vector<16xi32>
        %xor3A_666 = arith.xori %iota3A_663, %xor3A_665 : vector<16xi32>
        %broadcast_in_dim3A_667 = vector.shape_cast %xor3A_666 : vector<16xi32> to vector<16x1xi32>
        %gather3A_668 = vector.shape_cast %broadcast_in_dim3A_667 : vector<16x1xi32> to vector<16xi32>
        %gather3A_669 = tpu.dynamic_gather %add3A_662[%gather3A_668] in [0] : vector<16xf32>, vector<16xi32> -> vector<16xf32>
        %add3A_670 = arith.addf %add3A_662, %gather3A_669 : vector<16xf32>
        %iota3A_671 = tpu.iota {dimensions = array<i32: 0>} : vector<16xi32>
        %xor3A_672 = arith.constant 2 : i32
        %xor3A_673 = vector.broadcast %xor3A_672 : i32 to vector<16xi32>
        %xor3A_674 = arith.xori %iota3A_671, %xor3A_673 : vector<16xi32>
        %broadcast_in_dim3A_675 = vector.shape_cast %xor3A_674 : vector<16xi32> to vector<16x1xi32>
        %gather3A_676 = vector.shape_cast %broadcast_in_dim3A_675 : vector<16x1xi32> to vector<16xi32>
        %gather3A_677 = tpu.dynamic_gather %add3A_670[%gather3A_676] in [0] : vector<16xf32>, vector<16xi32> -> vector<16xf32>
        %add3A_678 = arith.addf %add3A_670, %gather3A_677 : vector<16xf32>
        %iota3A_679 = tpu.iota {dimensions = array<i32: 0>} : vector<16xi32>
        %xor3A_680 = arith.constant 1 : i32
        %xor3A_681 = vector.broadcast %xor3A_680 : i32 to vector<16xi32>
        %xor3A_682 = arith.xori %iota3A_679, %xor3A_681 : vector<16xi32>
        %broadcast_in_dim3A_683 = vector.shape_cast %xor3A_682 : vector<16xi32> to vector<16x1xi32>
        %gather3A_684 = vector.shape_cast %broadcast_in_dim3A_683 : vector<16x1xi32> to vector<16xi32>
        %gather3A_685 = tpu.dynamic_gather %add3A_678[%gather3A_684] in [0] : vector<16xf32>, vector<16xi32> -> vector<16xf32>
        %add3A_686 = arith.addf %add3A_678, %gather3A_685 : vector<16xf32>
        %mul3A_687 = arith.constant 4 : i32
        %mul3A_688 = arith.muli %mul3A_79, %mul3A_687 : i32
        %add3A_689 = arith.addi %mul3A_688, %scan3A_222 : i32
        %jit3A_690 = arith.constant 16 : i32
        %eq3A_691 = arith.constant 0 : i32
        %eq3A_692 = arith.cmpi eq, %jit3A_690, %eq3A_691 : i32
        %jit3A_693 = arith.constant 1 : i32
        %select_n3A_694 = arith.select %eq3A_692, %jit3A_693, %jit3A_690 : i32
        %rem3A_695 = arith.remsi %add3A_689, %select_n3A_694 : i32
        %ne3A_696 = arith.constant 0 : i32
        %ne3A_697 = arith.cmpi ne, %rem3A_695, %ne3A_696 : i32
        %lt3A_698 = arith.constant 0 : i32
        %lt3A_699 = arith.cmpi slt, %rem3A_695, %lt3A_698 : i32
        %lt3A_700 = arith.constant 0 : i32
        %lt3A_701 = arith.cmpi slt, %select_n3A_694, %lt3A_700 : i32
        %ne3A_702 = arith.xori %lt3A_699, %lt3A_701 : i1
        %and3A_703 = arith.andi %ne3A_702, %ne3A_697 : i1
        %add3A_704 = arith.addi %rem3A_695, %select_n3A_694 : i32
        %select_n3A_705 = arith.select %and3A_703, %add3A_704, %rem3A_695 : i32
        %eq3A_706 = vector.broadcast %select_n3A_705 : i32 to vector<16xi32>
        %eq3A_707 = arith.cmpi eq, %iota3A, %eq3A_706 : vector<16xi32>
        %select_n3A_708 = arith.select %eq3A_707, %add3A_686, %scan3A_223 : vector<16xi1>, vector<16xf32>
        scf.yield %select_n3A_708 : vector<16xf32>
      }
      %scan3A_140 = arith.constant 4 : i32
      %lt3A = arith.constant 15 : i32
      %lt3A_141 = arith.cmpi slt, %scan3A_76, %lt3A : i32
      %convert_element_type3A = arith.extui %lt3A_141 : i1 to i32
      %cond3A = arith.constant 0 : i32
      %cond3A_142 = arith.cmpi ne, %convert_element_type3A, %cond3A : i32
      scf.if %cond3A_142 {
        %add3A_222 = arith.constant 2 : i32
        %add3A_223 = arith.addi %mul3A_79, %add3A_222 : i32
        %mul3A_224 = arith.constant 4 : i32
        %mul3A_225 = arith.muli %add3A_223, %mul3A_224 : i32
        %add3A_226 = arith.constant 0 : i32
        %add3A_227 = arith.addi %mul3A_225, %add3A_226 : i32
        %mul3A_228 = arith.constant 32 : i32
        %mul3A_229 = arith.muli %add3A_227, %mul3A_228 : i32
        %dma_start3A_230 = arith.constant 0 : i32
        %dma_start3A_231 = arith.constant 0 : i32
        %dma_start3A_232 = tpu.memref_slice %arg8[%dma_start3A_230, %dma_start3A_231] : memref<104x208xi32, #tpu.memory_space<vmem>> -> memref<26x208xi32, #tpu.memory_space<vmem>>
        %dma_start3A_233 = tpu.memref_slice %arg6[%mul3A_229] : memref<4096xi32, #tpu.memory_space<vmem>> -> memref<26xi32, #tpu.memory_space<vmem>>
        %dma_start3A_234 = arith.constant 0 : i32
        %dma_start3A_235 = arith.constant 0 : i32
        %dma_start3A_236 = tpu.memref_slice %arg2[%dma_start3A_234, %dma_start3A_235] : memref<26026x208xi32, #tpu.memory_space<hbm>> -> memref<26026x208xi32, #tpu.memory_space<hbm>>
        tpu.enqueue_indirect_dma source(%dma_start3A_236 : memref<26026x208xi32, #tpu.memory_space<hbm>>) target(%dma_start3A_232 : memref<26x208xi32, #tpu.memory_space<vmem>>) offsets(%dma_start3A_233 : memref<26xi32, #tpu.memory_space<vmem>>) semaphore(%arg11 : memref<!tpu.dma_semaphore, #tpu.memory_space<semaphore_mem>>)
        %mul3A_237 = arith.constant 4 : i32
        %mul3A_238 = arith.muli %add3A_223, %mul3A_237 : i32
        %add3A_239 = arith.constant 1 : i32
        %add3A_240 = arith.addi %mul3A_238, %add3A_239 : i32
        %mul3A_241 = arith.constant 32 : i32
        %mul3A_242 = arith.muli %add3A_240, %mul3A_241 : i32
        %dma_start3A_243 = arith.constant 26 : i32
        %dma_start3A_244 = arith.constant 0 : i32
        %dma_start3A_245 = tpu.memref_slice %arg8[%dma_start3A_243, %dma_start3A_244] : memref<104x208xi32, #tpu.memory_space<vmem>> -> memref<26x208xi32, #tpu.memory_space<vmem>>
        %dma_start3A_246 = tpu.memref_slice %arg6[%mul3A_242] : memref<4096xi32, #tpu.memory_space<vmem>> -> memref<26xi32, #tpu.memory_space<vmem>>
        %dma_start3A_247 = arith.constant 0 : i32
        %dma_start3A_248 = arith.constant 0 : i32
        %dma_start3A_249 = tpu.memref_slice %arg2[%dma_start3A_247, %dma_start3A_248] : memref<26026x208xi32, #tpu.memory_space<hbm>> -> memref<26026x208xi32, #tpu.memory_space<hbm>>
        tpu.enqueue_indirect_dma source(%dma_start3A_249 : memref<26026x208xi32, #tpu.memory_space<hbm>>) target(%dma_start3A_245 : memref<26x208xi32, #tpu.memory_space<vmem>>) offsets(%dma_start3A_246 : memref<26xi32, #tpu.memory_space<vmem>>) semaphore(%arg11 : memref<!tpu.dma_semaphore, #tpu.memory_space<semaphore_mem>>)
        %mul3A_250 = arith.constant 4 : i32
        %mul3A_251 = arith.muli %add3A_223, %mul3A_250 : i32
        %add3A_252 = arith.constant 2 : i32
        %add3A_253 = arith.addi %mul3A_251, %add3A_252 : i32
        %mul3A_254 = arith.constant 32 : i32
        %mul3A_255 = arith.muli %add3A_253, %mul3A_254 : i32
        %dma_start3A_256 = arith.constant 52 : i32
        %dma_start3A_257 = arith.constant 0 : i32
        %dma_start3A_258 = tpu.memref_slice %arg8[%dma_start3A_256, %dma_start3A_257] : memref<104x208xi32, #tpu.memory_space<vmem>> -> memref<26x208xi32, #tpu.memory_space<vmem>>
        %dma_start3A_259 = tpu.memref_slice %arg6[%mul3A_255] : memref<4096xi32, #tpu.memory_space<vmem>> -> memref<26xi32, #tpu.memory_space<vmem>>
        %dma_start3A_260 = arith.constant 0 : i32
        %dma_start3A_261 = arith.constant 0 : i32
        %dma_start3A_262 = tpu.memref_slice %arg2[%dma_start3A_260, %dma_start3A_261] : memref<26026x208xi32, #tpu.memory_space<hbm>> -> memref<26026x208xi32, #tpu.memory_space<hbm>>
        tpu.enqueue_indirect_dma source(%dma_start3A_262 : memref<26026x208xi32, #tpu.memory_space<hbm>>) target(%dma_start3A_258 : memref<26x208xi32, #tpu.memory_space<vmem>>) offsets(%dma_start3A_259 : memref<26xi32, #tpu.memory_space<vmem>>) semaphore(%arg11 : memref<!tpu.dma_semaphore, #tpu.memory_space<semaphore_mem>>)
        %mul3A_263 = arith.constant 4 : i32
        %mul3A_264 = arith.muli %add3A_223, %mul3A_263 : i32
        %add3A_265 = arith.constant 3 : i32
        %add3A_266 = arith.addi %mul3A_264, %add3A_265 : i32
        %mul3A_267 = arith.constant 32 : i32
        %mul3A_268 = arith.muli %add3A_266, %mul3A_267 : i32
        %dma_start3A_269 = arith.constant 78 : i32
        %dma_start3A_270 = arith.constant 0 : i32
        %dma_start3A_271 = tpu.memref_slice %arg8[%dma_start3A_269, %dma_start3A_270] : memref<104x208xi32, #tpu.memory_space<vmem>> -> memref<26x208xi32, #tpu.memory_space<vmem>>
        %dma_start3A_272 = tpu.memref_slice %arg6[%mul3A_268] : memref<4096xi32, #tpu.memory_space<vmem>> -> memref<26xi32, #tpu.memory_space<vmem>>
        %dma_start3A_273 = arith.constant 0 : i32
        %dma_start3A_274 = arith.constant 0 : i32
        %dma_start3A_275 = tpu.memref_slice %arg2[%dma_start3A_273, %dma_start3A_274] : memref<26026x208xi32, #tpu.memory_space<hbm>> -> memref<26026x208xi32, #tpu.memory_space<hbm>>
        tpu.enqueue_indirect_dma source(%dma_start3A_275 : memref<26026x208xi32, #tpu.memory_space<hbm>>) target(%dma_start3A_271 : memref<26x208xi32, #tpu.memory_space<vmem>>) offsets(%dma_start3A_272 : memref<26xi32, #tpu.memory_space<vmem>>) semaphore(%arg11 : memref<!tpu.dma_semaphore, #tpu.memory_space<semaphore_mem>>)
      } else {
      }
      %mul3A_143 = arith.constant 4 : i32
      %mul3A_144 = arith.muli %add3A_83, %mul3A_143 : i32
      %add3A_145 = arith.constant 0 : i32
      %add3A_146 = arith.addi %mul3A_144, %add3A_145 : i32
      %mul3A_147 = arith.constant 32 : i32
      %mul3A_148 = arith.muli %add3A_146, %mul3A_147 : i32
      %dma_wait3A_149 = arith.constant 0 : i32
      %dma_wait3A_150 = arith.constant 0 : i32
      %dma_wait3A_151 = tpu.memref_slice %arg9[%dma_wait3A_149, %dma_wait3A_150] : memref<104x208xi32, #tpu.memory_space<vmem>> -> memref<26x208xi32, #tpu.memory_space<vmem>>
      %dma_wait3A_152 = tpu.memref_slice %arg6[%mul3A_148] : memref<4096xi32, #tpu.memory_space<vmem>> -> memref<26xi32, #tpu.memory_space<vmem>>
      %dma_wait3A_153 = arith.constant 0 : i32
      %dma_wait3A_154 = arith.constant 0 : i32
      %dma_wait3A_155 = tpu.memref_slice %arg2[%dma_wait3A_153, %dma_wait3A_154] : memref<26026x208xi32, #tpu.memory_space<hbm>> -> memref<26026x208xi32, #tpu.memory_space<hbm>>
      tpu.wait_indirect_dma semaphore(%arg12 : memref<!tpu.dma_semaphore, #tpu.memory_space<semaphore_mem>>) src(%dma_wait3A_155 : memref<26026x208xi32, #tpu.memory_space<hbm>>) dst(%dma_wait3A_151 : memref<26x208xi32, #tpu.memory_space<vmem>>)
      %mul3A_156 = arith.constant 4 : i32
      %mul3A_157 = arith.muli %add3A_83, %mul3A_156 : i32
      %add3A_158 = arith.constant 1 : i32
      %add3A_159 = arith.addi %mul3A_157, %add3A_158 : i32
      %mul3A_160 = arith.constant 32 : i32
      %mul3A_161 = arith.muli %add3A_159, %mul3A_160 : i32
      %dma_wait3A_162 = arith.constant 26 : i32
      %dma_wait3A_163 = arith.constant 0 : i32
      %dma_wait3A_164 = tpu.memref_slice %arg9[%dma_wait3A_162, %dma_wait3A_163] : memref<104x208xi32, #tpu.memory_space<vmem>> -> memref<26x208xi32, #tpu.memory_space<vmem>>
      %dma_wait3A_165 = tpu.memref_slice %arg6[%mul3A_161] : memref<4096xi32, #tpu.memory_space<vmem>> -> memref<26xi32, #tpu.memory_space<vmem>>
      %dma_wait3A_166 = arith.constant 0 : i32
      %dma_wait3A_167 = arith.constant 0 : i32
      %dma_wait3A_168 = tpu.memref_slice %arg2[%dma_wait3A_166, %dma_wait3A_167] : memref<26026x208xi32, #tpu.memory_space<hbm>> -> memref<26026x208xi32, #tpu.memory_space<hbm>>
      tpu.wait_indirect_dma semaphore(%arg12 : memref<!tpu.dma_semaphore, #tpu.memory_space<semaphore_mem>>) src(%dma_wait3A_168 : memref<26026x208xi32, #tpu.memory_space<hbm>>) dst(%dma_wait3A_164 : memref<26x208xi32, #tpu.memory_space<vmem>>)
      %mul3A_169 = arith.constant 4 : i32
      %mul3A_170 = arith.muli %add3A_83, %mul3A_169 : i32
      %add3A_171 = arith.constant 2 : i32
      %add3A_172 = arith.addi %mul3A_170, %add3A_171 : i32
      %mul3A_173 = arith.constant 32 : i32
      %mul3A_174 = arith.muli %add3A_172, %mul3A_173 : i32
      %dma_wait3A_175 = arith.constant 52 : i32
      %dma_wait3A_176 = arith.constant 0 : i32
      %dma_wait3A_177 = tpu.memref_slice %arg9[%dma_wait3A_175, %dma_wait3A_176] : memref<104x208xi32, #tpu.memory_space<vmem>> -> memref<26x208xi32, #tpu.memory_space<vmem>>
      %dma_wait3A_178 = tpu.memref_slice %arg6[%mul3A_174] : memref<4096xi32, #tpu.memory_space<vmem>> -> memref<26xi32, #tpu.memory_space<vmem>>
      %dma_wait3A_179 = arith.constant 0 : i32
      %dma_wait3A_180 = arith.constant 0 : i32
      %dma_wait3A_181 = tpu.memref_slice %arg2[%dma_wait3A_179, %dma_wait3A_180] : memref<26026x208xi32, #tpu.memory_space<hbm>> -> memref<26026x208xi32, #tpu.memory_space<hbm>>
      tpu.wait_indirect_dma semaphore(%arg12 : memref<!tpu.dma_semaphore, #tpu.memory_space<semaphore_mem>>) src(%dma_wait3A_181 : memref<26026x208xi32, #tpu.memory_space<hbm>>) dst(%dma_wait3A_177 : memref<26x208xi32, #tpu.memory_space<vmem>>)
      %mul3A_182 = arith.constant 4 : i32
      %mul3A_183 = arith.muli %add3A_83, %mul3A_182 : i32
      %add3A_184 = arith.constant 3 : i32
      %add3A_185 = arith.addi %mul3A_183, %add3A_184 : i32
      %mul3A_186 = arith.constant 32 : i32
      %mul3A_187 = arith.muli %add3A_185, %mul3A_186 : i32
      %dma_wait3A_188 = arith.constant 78 : i32
      %dma_wait3A_189 = arith.constant 0 : i32
      %dma_wait3A_190 = tpu.memref_slice %arg9[%dma_wait3A_188, %dma_wait3A_189] : memref<104x208xi32, #tpu.memory_space<vmem>> -> memref<26x208xi32, #tpu.memory_space<vmem>>
      %dma_wait3A_191 = tpu.memref_slice %arg6[%mul3A_187] : memref<4096xi32, #tpu.memory_space<vmem>> -> memref<26xi32, #tpu.memory_space<vmem>>
      %dma_wait3A_192 = arith.constant 0 : i32
      %dma_wait3A_193 = arith.constant 0 : i32
      %dma_wait3A_194 = tpu.memref_slice %arg2[%dma_wait3A_192, %dma_wait3A_193] : memref<26026x208xi32, #tpu.memory_space<hbm>> -> memref<26026x208xi32, #tpu.memory_space<hbm>>
      tpu.wait_indirect_dma semaphore(%arg12 : memref<!tpu.dma_semaphore, #tpu.memory_space<semaphore_mem>>) src(%dma_wait3A_194 : memref<26026x208xi32, #tpu.memory_space<hbm>>) dst(%dma_wait3A_190 : memref<26x208xi32, #tpu.memory_space<vmem>>)
      %scan3A_195 = arith.constant 0 : i32
      %scan3A_196 = arith.constant 4 : i32
      %scan3A_197 = arith.addi %scan3A_195, %scan3A_196 : i32
      %scan3A_198 = arith.constant 1 : i32
      %scan3A_199 = scf.for %scan3A_222 = %scan3A_195 to %scan3A_197 step %scan3A_198 iter_args(%scan3A_223 = %scan3A_139) -> (vector<16xf32>)  : i32 {
        %mul3A_224 = arith.constant 26 : i32
        %mul3A_225 = arith.muli %scan3A_222, %mul3A_224 : i32
        %scan3A_226 = arith.constant 1 : i32
        %scan3A_227 = arith.constant 6 : i32
        %scan3A_228 = arith.addi %scan3A_226, %scan3A_227 : i32
        %scan3A_229 = arith.constant 1 : i32
        %scan3A_230:8 = scf.for %scan3A_709 = %scan3A_226 to %scan3A_228 step %scan3A_229 iter_args(%scan3A_710 = %broadcast_in_dim3A_68, %scan3A_711 = %broadcast_in_dim3A_68, %scan3A_712 = %broadcast_in_dim3A_68, %scan3A_713 = %broadcast_in_dim3A_68, %scan3A_714 = %broadcast_in_dim3A_68, %scan3A_715 = %broadcast_in_dim3A_68, %scan3A_716 = %broadcast_in_dim3A_68, %scan3A_717 = %broadcast_in_dim3A_68) -> (vector<16xf32>, vector<16xf32>, vector<16xf32>, vector<16xf32>, vector<16xf32>, vector<16xf32>, vector<16xf32>, vector<16xf32>)  : i32 {
          %add3A_718 = arith.constant 0 : i32
          %add3A_719 = arith.addi %add3A_718, %scan3A_709 : i32
          %rem3A_720 = arith.constant 13 : i32
          %rem3A_721 = arith.remsi %add3A_719, %rem3A_720 : i32
          %add3A_722 = arith.constant 0 : i32
          %add3A_723 = arith.addi %mul3A_225, %add3A_722 : i32
          %mul3A_724 = arith.constant 16 : i32
          %mul3A_725 = arith.muli %mul3A_724, %rem3A_721 : i32
          %get3A_726 = arith.index_cast %add3A_723 : i32 to index
          %get3A_727 = arith.index_cast %mul3A_725 : i32 to index
          %get3A_728 = tpu.vector_load %arg9[%get3A_726, %get3A_727] {strides = array<i32>} : memref<104x208xi32, #tpu.memory_space<vmem>>, vector<16xi32>,
          %shift_left3A_729 = arith.constant 16 : i32
          %shift_left3A_730 = vector.broadcast %shift_left3A_729 : i32 to vector<16xi32>
          %shift_left3A_731 = arith.shli %get3A_728, %shift_left3A_730 : vector<16xi32>
          %bitcast3A_732 = vector.bitcast %shift_left3A_731 : vector<16xi32> to vector<16xf32>
          %and3A_733 = arith.constant -65536 : i32
          %and3A_734 = vector.broadcast %and3A_733 : i32 to vector<16xi32>
          %and3A_735 = arith.andi %get3A_728, %and3A_734 : vector<16xi32>
          %bitcast3A_736 = vector.bitcast %and3A_735 : vector<16xi32> to vector<16xf32>
          %add3A_737 = arith.constant 0 : i32
          %add3A_738 = arith.addi %mul3A_225, %add3A_737 : i32
          %add3A_739 = arith.constant 1 : i32
          %add3A_740 = arith.addi %add3A_738, %add3A_739 : i32
          %mul3A_741 = arith.constant 16 : i32
          %mul3A_742 = arith.muli %mul3A_741, %rem3A_721 : i32
          %get3A_743 = arith.index_cast %add3A_740 : i32 to index
          %get3A_744 = arith.index_cast %mul3A_742 : i32 to index
          %get3A_745 = tpu.vector_load %arg9[%get3A_743, %get3A_744] {strides = array<i32>} : memref<104x208xi32, #tpu.memory_space<vmem>>, vector<16xi32>,
          %shift_left3A_746 = arith.constant 16 : i32
          %shift_left3A_747 = vector.broadcast %shift_left3A_746 : i32 to vector<16xi32>
          %shift_left3A_748 = arith.shli %get3A_745, %shift_left3A_747 : vector<16xi32>
          %bitcast3A_749 = vector.bitcast %shift_left3A_748 : vector<16xi32> to vector<16xf32>
          %and3A_750 = arith.constant -65536 : i32
          %and3A_751 = vector.broadcast %and3A_750 : i32 to vector<16xi32>
          %and3A_752 = arith.andi %get3A_745, %and3A_751 : vector<16xi32>
          %bitcast3A_753 = vector.bitcast %and3A_752 : vector<16xi32> to vector<16xf32>
          %mul3A_754 = arith.constant 2 : i32
          %mul3A_755 = arith.muli %mul3A_754, %rem3A_721 : i32
          %add3A_756 = arith.addi %mul3A_225, %mul3A_755 : i32
          %get3A_757 = arith.index_cast %add3A_756 : i32 to index
          %get3A_758 = arith.constant 0 : index
          %get3A_759 = tpu.vector_load %arg9[%get3A_757, %get3A_758] {strides = array<i32>} : memref<104x208xi32, #tpu.memory_space<vmem>>, vector<16xi32>,
          %shift_left3A_760 = arith.constant 16 : i32
          %shift_left3A_761 = vector.broadcast %shift_left3A_760 : i32 to vector<16xi32>
          %shift_left3A_762 = arith.shli %get3A_759, %shift_left3A_761 : vector<16xi32>
          %bitcast3A_763 = vector.bitcast %shift_left3A_762 : vector<16xi32> to vector<16xf32>
          %and3A_764 = arith.constant -65536 : i32
          %and3A_765 = vector.broadcast %and3A_764 : i32 to vector<16xi32>
          %and3A_766 = arith.andi %get3A_759, %and3A_765 : vector<16xi32>
          %bitcast3A_767 = vector.bitcast %and3A_766 : vector<16xi32> to vector<16xf32>
          %mul3A_768 = arith.constant 2 : i32
          %mul3A_769 = arith.muli %mul3A_768, %rem3A_721 : i32
          %add3A_770 = arith.addi %mul3A_225, %mul3A_769 : i32
          %add3A_771 = arith.constant 1 : i32
          %add3A_772 = arith.addi %add3A_770, %add3A_771 : i32
          %get3A_773 = arith.index_cast %add3A_772 : i32 to index
          %get3A_774 = arith.constant 0 : index
          %get3A_775 = tpu.vector_load %arg9[%get3A_773, %get3A_774] {strides = array<i32>} : memref<104x208xi32, #tpu.memory_space<vmem>>, vector<16xi32>,
          %shift_left3A_776 = arith.constant 16 : i32
          %shift_left3A_777 = vector.broadcast %shift_left3A_776 : i32 to vector<16xi32>
          %shift_left3A_778 = arith.shli %get3A_775, %shift_left3A_777 : vector<16xi32>
          %bitcast3A_779 = vector.bitcast %shift_left3A_778 : vector<16xi32> to vector<16xf32>
          %and3A_780 = arith.constant -65536 : i32
          %and3A_781 = vector.broadcast %and3A_780 : i32 to vector<16xi32>
          %and3A_782 = arith.andi %get3A_775, %and3A_781 : vector<16xi32>
          %bitcast3A_783 = vector.bitcast %and3A_782 : vector<16xi32> to vector<16xf32>
          %mul3A_784 = arith.mulf %bitcast3A_732, %bitcast3A_763 : vector<16xf32>
          %add3A_785 = arith.addf %scan3A_710, %mul3A_784 : vector<16xf32>
          %mul3A_786 = arith.mulf %bitcast3A_736, %bitcast3A_779 : vector<16xf32>
          %add3A_787 = arith.addf %scan3A_711, %mul3A_786 : vector<16xf32>
          %mul3A_788 = arith.mulf %bitcast3A_749, %bitcast3A_767 : vector<16xf32>
          %add3A_789 = arith.addf %scan3A_712, %mul3A_788 : vector<16xf32>
          %mul3A_790 = arith.mulf %bitcast3A_753, %bitcast3A_783 : vector<16xf32>
          %add3A_791 = arith.addf %scan3A_713, %mul3A_790 : vector<16xf32>
          %add3A_792 = arith.constant 1 : i32
          %add3A_793 = arith.addi %add3A_792, %scan3A_709 : i32
          %rem3A_794 = arith.constant 13 : i32
          %rem3A_795 = arith.remsi %add3A_793, %rem3A_794 : i32
          %add3A_796 = arith.constant 2 : i32
          %add3A_797 = arith.addi %mul3A_225, %add3A_796 : i32
          %mul3A_798 = arith.constant 16 : i32
          %mul3A_799 = arith.muli %mul3A_798, %rem3A_795 : i32
          %get3A_800 = arith.index_cast %add3A_797 : i32 to index
          %get3A_801 = arith.index_cast %mul3A_799 : i32 to index
          %get3A_802 = tpu.vector_load %arg9[%get3A_800, %get3A_801] {strides = array<i32>} : memref<104x208xi32, #tpu.memory_space<vmem>>, vector<16xi32>,
          %shift_left3A_803 = arith.constant 16 : i32
          %shift_left3A_804 = vector.broadcast %shift_left3A_803 : i32 to vector<16xi32>
          %shift_left3A_805 = arith.shli %get3A_802, %shift_left3A_804 : vector<16xi32>
          %bitcast3A_806 = vector.bitcast %shift_left3A_805 : vector<16xi32> to vector<16xf32>
          %and3A_807 = arith.constant -65536 : i32
          %and3A_808 = vector.broadcast %and3A_807 : i32 to vector<16xi32>
          %and3A_809 = arith.andi %get3A_802, %and3A_808 : vector<16xi32>
          %bitcast3A_810 = vector.bitcast %and3A_809 : vector<16xi32> to vector<16xf32>
          %add3A_811 = arith.constant 2 : i32
          %add3A_812 = arith.addi %mul3A_225, %add3A_811 : i32
          %add3A_813 = arith.constant 1 : i32
          %add3A_814 = arith.addi %add3A_812, %add3A_813 : i32
          %mul3A_815 = arith.constant 16 : i32
          %mul3A_816 = arith.muli %mul3A_815, %rem3A_795 : i32
          %get3A_817 = arith.index_cast %add3A_814 : i32 to index
          %get3A_818 = arith.index_cast %mul3A_816 : i32 to index
          %get3A_819 = tpu.vector_load %arg9[%get3A_817, %get3A_818] {strides = array<i32>} : memref<104x208xi32, #tpu.memory_space<vmem>>, vector<16xi32>,
          %shift_left3A_820 = arith.constant 16 : i32
          %shift_left3A_821 = vector.broadcast %shift_left3A_820 : i32 to vector<16xi32>
          %shift_left3A_822 = arith.shli %get3A_819, %shift_left3A_821 : vector<16xi32>
          %bitcast3A_823 = vector.bitcast %shift_left3A_822 : vector<16xi32> to vector<16xf32>
          %and3A_824 = arith.constant -65536 : i32
          %and3A_825 = vector.broadcast %and3A_824 : i32 to vector<16xi32>
          %and3A_826 = arith.andi %get3A_819, %and3A_825 : vector<16xi32>
          %bitcast3A_827 = vector.bitcast %and3A_826 : vector<16xi32> to vector<16xf32>
          %mul3A_828 = arith.constant 2 : i32
          %mul3A_829 = arith.muli %mul3A_828, %rem3A_795 : i32
          %add3A_830 = arith.addi %mul3A_225, %mul3A_829 : i32
          %get3A_831 = arith.index_cast %add3A_830 : i32 to index
          %get3A_832 = arith.constant 16 : index
          %get3A_833 = tpu.vector_load %arg9[%get3A_831, %get3A_832] {strides = array<i32>} : memref<104x208xi32, #tpu.memory_space<vmem>>, vector<16xi32>,
          %shift_left3A_834 = arith.constant 16 : i32
          %shift_left3A_835 = vector.broadcast %shift_left3A_834 : i32 to vector<16xi32>
          %shift_left3A_836 = arith.shli %get3A_833, %shift_left3A_835 : vector<16xi32>
          %bitcast3A_837 = vector.bitcast %shift_left3A_836 : vector<16xi32> to vector<16xf32>
          %and3A_838 = arith.constant -65536 : i32
          %and3A_839 = vector.broadcast %and3A_838 : i32 to vector<16xi32>
          %and3A_840 = arith.andi %get3A_833, %and3A_839 : vector<16xi32>
          %bitcast3A_841 = vector.bitcast %and3A_840 : vector<16xi32> to vector<16xf32>
          %mul3A_842 = arith.constant 2 : i32
          %mul3A_843 = arith.muli %mul3A_842, %rem3A_795 : i32
          %add3A_844 = arith.addi %mul3A_225, %mul3A_843 : i32
          %add3A_845 = arith.constant 1 : i32
          %add3A_846 = arith.addi %add3A_844, %add3A_845 : i32
          %get3A_847 = arith.index_cast %add3A_846 : i32 to index
          %get3A_848 = arith.constant 16 : index
          %get3A_849 = tpu.vector_load %arg9[%get3A_847, %get3A_848] {strides = array<i32>} : memref<104x208xi32, #tpu.memory_space<vmem>>, vector<16xi32>,
          %shift_left3A_850 = arith.constant 16 : i32
          %shift_left3A_851 = vector.broadcast %shift_left3A_850 : i32 to vector<16xi32>
          %shift_left3A_852 = arith.shli %get3A_849, %shift_left3A_851 : vector<16xi32>
          %bitcast3A_853 = vector.bitcast %shift_left3A_852 : vector<16xi32> to vector<16xf32>
          %and3A_854 = arith.constant -65536 : i32
          %and3A_855 = vector.broadcast %and3A_854 : i32 to vector<16xi32>
          %and3A_856 = arith.andi %get3A_849, %and3A_855 : vector<16xi32>
          %bitcast3A_857 = vector.bitcast %and3A_856 : vector<16xi32> to vector<16xf32>
          %mul3A_858 = arith.mulf %bitcast3A_806, %bitcast3A_837 : vector<16xf32>
          %add3A_859 = arith.addf %scan3A_714, %mul3A_858 : vector<16xf32>
          %mul3A_860 = arith.mulf %bitcast3A_810, %bitcast3A_853 : vector<16xf32>
          %add3A_861 = arith.addf %scan3A_715, %mul3A_860 : vector<16xf32>
          %mul3A_862 = arith.mulf %bitcast3A_823, %bitcast3A_841 : vector<16xf32>
          %add3A_863 = arith.addf %scan3A_716, %mul3A_862 : vector<16xf32>
          %mul3A_864 = arith.mulf %bitcast3A_827, %bitcast3A_857 : vector<16xf32>
          %add3A_865 = arith.addf %scan3A_717, %mul3A_864 : vector<16xf32>
          %add3A_866 = arith.constant 2 : i32
          %add3A_867 = arith.addi %add3A_866, %scan3A_709 : i32
          %rem3A_868 = arith.constant 13 : i32
          %rem3A_869 = arith.remsi %add3A_867, %rem3A_868 : i32
          %add3A_870 = arith.constant 4 : i32
          %add3A_871 = arith.addi %mul3A_225, %add3A_870 : i32
          %mul3A_872 = arith.constant 16 : i32
          %mul3A_873 = arith.muli %mul3A_872, %rem3A_869 : i32
          %get3A_874 = arith.index_cast %add3A_871 : i32 to index
          %get3A_875 = arith.index_cast %mul3A_873 : i32 to index
          %get3A_876 = tpu.vector_load %arg9[%get3A_874, %get3A_875] {strides = array<i32>} : memref<104x208xi32, #tpu.memory_space<vmem>>, vector<16xi32>,
          %shift_left3A_877 = arith.constant 16 : i32
          %shift_left3A_878 = vector.broadcast %shift_left3A_877 : i32 to vector<16xi32>
          %shift_left3A_879 = arith.shli %get3A_876, %shift_left3A_878 : vector<16xi32>
          %bitcast3A_880 = vector.bitcast %shift_left3A_879 : vector<16xi32> to vector<16xf32>
          %and3A_881 = arith.constant -65536 : i32
          %and3A_882 = vector.broadcast %and3A_881 : i32 to vector<16xi32>
          %and3A_883 = arith.andi %get3A_876, %and3A_882 : vector<16xi32>
          %bitcast3A_884 = vector.bitcast %and3A_883 : vector<16xi32> to vector<16xf32>
          %add3A_885 = arith.constant 4 : i32
          %add3A_886 = arith.addi %mul3A_225, %add3A_885 : i32
          %add3A_887 = arith.constant 1 : i32
          %add3A_888 = arith.addi %add3A_886, %add3A_887 : i32
          %mul3A_889 = arith.constant 16 : i32
          %mul3A_890 = arith.muli %mul3A_889, %rem3A_869 : i32
          %get3A_891 = arith.index_cast %add3A_888 : i32 to index
          %get3A_892 = arith.index_cast %mul3A_890 : i32 to index
          %get3A_893 = tpu.vector_load %arg9[%get3A_891, %get3A_892] {strides = array<i32>} : memref<104x208xi32, #tpu.memory_space<vmem>>, vector<16xi32>,
          %shift_left3A_894 = arith.constant 16 : i32
          %shift_left3A_895 = vector.broadcast %shift_left3A_894 : i32 to vector<16xi32>
          %shift_left3A_896 = arith.shli %get3A_893, %shift_left3A_895 : vector<16xi32>
          %bitcast3A_897 = vector.bitcast %shift_left3A_896 : vector<16xi32> to vector<16xf32>
          %and3A_898 = arith.constant -65536 : i32
          %and3A_899 = vector.broadcast %and3A_898 : i32 to vector<16xi32>
          %and3A_900 = arith.andi %get3A_893, %and3A_899 : vector<16xi32>
          %bitcast3A_901 = vector.bitcast %and3A_900 : vector<16xi32> to vector<16xf32>
          %mul3A_902 = arith.constant 2 : i32
          %mul3A_903 = arith.muli %mul3A_902, %rem3A_869 : i32
          %add3A_904 = arith.addi %mul3A_225, %mul3A_903 : i32
          %get3A_905 = arith.index_cast %add3A_904 : i32 to index
          %get3A_906 = arith.constant 32 : index
          %get3A_907 = tpu.vector_load %arg9[%get3A_905, %get3A_906] {strides = array<i32>} : memref<104x208xi32, #tpu.memory_space<vmem>>, vector<16xi32>,
          %shift_left3A_908 = arith.constant 16 : i32
          %shift_left3A_909 = vector.broadcast %shift_left3A_908 : i32 to vector<16xi32>
          %shift_left3A_910 = arith.shli %get3A_907, %shift_left3A_909 : vector<16xi32>
          %bitcast3A_911 = vector.bitcast %shift_left3A_910 : vector<16xi32> to vector<16xf32>
          %and3A_912 = arith.constant -65536 : i32
          %and3A_913 = vector.broadcast %and3A_912 : i32 to vector<16xi32>
          %and3A_914 = arith.andi %get3A_907, %and3A_913 : vector<16xi32>
          %bitcast3A_915 = vector.bitcast %and3A_914 : vector<16xi32> to vector<16xf32>
          %mul3A_916 = arith.constant 2 : i32
          %mul3A_917 = arith.muli %mul3A_916, %rem3A_869 : i32
          %add3A_918 = arith.addi %mul3A_225, %mul3A_917 : i32
          %add3A_919 = arith.constant 1 : i32
          %add3A_920 = arith.addi %add3A_918, %add3A_919 : i32
          %get3A_921 = arith.index_cast %add3A_920 : i32 to index
          %get3A_922 = arith.constant 32 : index
          %get3A_923 = tpu.vector_load %arg9[%get3A_921, %get3A_922] {strides = array<i32>} : memref<104x208xi32, #tpu.memory_space<vmem>>, vector<16xi32>,
          %shift_left3A_924 = arith.constant 16 : i32
          %shift_left3A_925 = vector.broadcast %shift_left3A_924 : i32 to vector<16xi32>
          %shift_left3A_926 = arith.shli %get3A_923, %shift_left3A_925 : vector<16xi32>
          %bitcast3A_927 = vector.bitcast %shift_left3A_926 : vector<16xi32> to vector<16xf32>
          %and3A_928 = arith.constant -65536 : i32
          %and3A_929 = vector.broadcast %and3A_928 : i32 to vector<16xi32>
          %and3A_930 = arith.andi %get3A_923, %and3A_929 : vector<16xi32>
          %bitcast3A_931 = vector.bitcast %and3A_930 : vector<16xi32> to vector<16xf32>
          %mul3A_932 = arith.mulf %bitcast3A_880, %bitcast3A_911 : vector<16xf32>
          %add3A_933 = arith.addf %add3A_785, %mul3A_932 : vector<16xf32>
          %mul3A_934 = arith.mulf %bitcast3A_884, %bitcast3A_927 : vector<16xf32>
          %add3A_935 = arith.addf %add3A_787, %mul3A_934 : vector<16xf32>
          %mul3A_936 = arith.mulf %bitcast3A_897, %bitcast3A_915 : vector<16xf32>
          %add3A_937 = arith.addf %add3A_789, %mul3A_936 : vector<16xf32>
          %mul3A_938 = arith.mulf %bitcast3A_901, %bitcast3A_931 : vector<16xf32>
          %add3A_939 = arith.addf %add3A_791, %mul3A_938 : vector<16xf32>
          %add3A_940 = arith.constant 3 : i32
          %add3A_941 = arith.addi %add3A_940, %scan3A_709 : i32
          %rem3A_942 = arith.constant 13 : i32
          %rem3A_943 = arith.remsi %add3A_941, %rem3A_942 : i32
          %add3A_944 = arith.constant 6 : i32
          %add3A_945 = arith.addi %mul3A_225, %add3A_944 : i32
          %mul3A_946 = arith.constant 16 : i32
          %mul3A_947 = arith.muli %mul3A_946, %rem3A_943 : i32
          %get3A_948 = arith.index_cast %add3A_945 : i32 to index
          %get3A_949 = arith.index_cast %mul3A_947 : i32 to index
          %get3A_950 = tpu.vector_load %arg9[%get3A_948, %get3A_949] {strides = array<i32>} : memref<104x208xi32, #tpu.memory_space<vmem>>, vector<16xi32>,
          %shift_left3A_951 = arith.constant 16 : i32
          %shift_left3A_952 = vector.broadcast %shift_left3A_951 : i32 to vector<16xi32>
          %shift_left3A_953 = arith.shli %get3A_950, %shift_left3A_952 : vector<16xi32>
          %bitcast3A_954 = vector.bitcast %shift_left3A_953 : vector<16xi32> to vector<16xf32>
          %and3A_955 = arith.constant -65536 : i32
          %and3A_956 = vector.broadcast %and3A_955 : i32 to vector<16xi32>
          %and3A_957 = arith.andi %get3A_950, %and3A_956 : vector<16xi32>
          %bitcast3A_958 = vector.bitcast %and3A_957 : vector<16xi32> to vector<16xf32>
          %add3A_959 = arith.constant 6 : i32
          %add3A_960 = arith.addi %mul3A_225, %add3A_959 : i32
          %add3A_961 = arith.constant 1 : i32
          %add3A_962 = arith.addi %add3A_960, %add3A_961 : i32
          %mul3A_963 = arith.constant 16 : i32
          %mul3A_964 = arith.muli %mul3A_963, %rem3A_943 : i32
          %get3A_965 = arith.index_cast %add3A_962 : i32 to index
          %get3A_966 = arith.index_cast %mul3A_964 : i32 to index
          %get3A_967 = tpu.vector_load %arg9[%get3A_965, %get3A_966] {strides = array<i32>} : memref<104x208xi32, #tpu.memory_space<vmem>>, vector<16xi32>,
          %shift_left3A_968 = arith.constant 16 : i32
          %shift_left3A_969 = vector.broadcast %shift_left3A_968 : i32 to vector<16xi32>
          %shift_left3A_970 = arith.shli %get3A_967, %shift_left3A_969 : vector<16xi32>
          %bitcast3A_971 = vector.bitcast %shift_left3A_970 : vector<16xi32> to vector<16xf32>
          %and3A_972 = arith.constant -65536 : i32
          %and3A_973 = vector.broadcast %and3A_972 : i32 to vector<16xi32>
          %and3A_974 = arith.andi %get3A_967, %and3A_973 : vector<16xi32>
          %bitcast3A_975 = vector.bitcast %and3A_974 : vector<16xi32> to vector<16xf32>
          %mul3A_976 = arith.constant 2 : i32
          %mul3A_977 = arith.muli %mul3A_976, %rem3A_943 : i32
          %add3A_978 = arith.addi %mul3A_225, %mul3A_977 : i32
          %get3A_979 = arith.index_cast %add3A_978 : i32 to index
          %get3A_980 = arith.constant 48 : index
          %get3A_981 = tpu.vector_load %arg9[%get3A_979, %get3A_980] {strides = array<i32>} : memref<104x208xi32, #tpu.memory_space<vmem>>, vector<16xi32>,
          %shift_left3A_982 = arith.constant 16 : i32
          %shift_left3A_983 = vector.broadcast %shift_left3A_982 : i32 to vector<16xi32>
          %shift_left3A_984 = arith.shli %get3A_981, %shift_left3A_983 : vector<16xi32>
          %bitcast3A_985 = vector.bitcast %shift_left3A_984 : vector<16xi32> to vector<16xf32>
          %and3A_986 = arith.constant -65536 : i32
          %and3A_987 = vector.broadcast %and3A_986 : i32 to vector<16xi32>
          %and3A_988 = arith.andi %get3A_981, %and3A_987 : vector<16xi32>
          %bitcast3A_989 = vector.bitcast %and3A_988 : vector<16xi32> to vector<16xf32>
          %mul3A_990 = arith.constant 2 : i32
          %mul3A_991 = arith.muli %mul3A_990, %rem3A_943 : i32
          %add3A_992 = arith.addi %mul3A_225, %mul3A_991 : i32
          %add3A_993 = arith.constant 1 : i32
          %add3A_994 = arith.addi %add3A_992, %add3A_993 : i32
          %get3A_995 = arith.index_cast %add3A_994 : i32 to index
          %get3A_996 = arith.constant 48 : index
          %get3A_997 = tpu.vector_load %arg9[%get3A_995, %get3A_996] {strides = array<i32>} : memref<104x208xi32, #tpu.memory_space<vmem>>, vector<16xi32>,
          %shift_left3A_998 = arith.constant 16 : i32
          %shift_left3A_999 = vector.broadcast %shift_left3A_998 : i32 to vector<16xi32>
          %shift_left3A_1000 = arith.shli %get3A_997, %shift_left3A_999 : vector<16xi32>
          %bitcast3A_1001 = vector.bitcast %shift_left3A_1000 : vector<16xi32> to vector<16xf32>
          %and3A_1002 = arith.constant -65536 : i32
          %and3A_1003 = vector.broadcast %and3A_1002 : i32 to vector<16xi32>
          %and3A_1004 = arith.andi %get3A_997, %and3A_1003 : vector<16xi32>
          %bitcast3A_1005 = vector.bitcast %and3A_1004 : vector<16xi32> to vector<16xf32>
          %mul3A_1006 = arith.mulf %bitcast3A_954, %bitcast3A_985 : vector<16xf32>
          %add3A_1007 = arith.addf %add3A_859, %mul3A_1006 : vector<16xf32>
          %mul3A_1008 = arith.mulf %bitcast3A_958, %bitcast3A_1001 : vector<16xf32>
          %add3A_1009 = arith.addf %add3A_861, %mul3A_1008 : vector<16xf32>
          %mul3A_1010 = arith.mulf %bitcast3A_971, %bitcast3A_989 : vector<16xf32>
          %add3A_1011 = arith.addf %add3A_863, %mul3A_1010 : vector<16xf32>
          %mul3A_1012 = arith.mulf %bitcast3A_975, %bitcast3A_1005 : vector<16xf32>
          %add3A_1013 = arith.addf %add3A_865, %mul3A_1012 : vector<16xf32>
          %add3A_1014 = arith.constant 4 : i32
          %add3A_1015 = arith.addi %add3A_1014, %scan3A_709 : i32
          %rem3A_1016 = arith.constant 13 : i32
          %rem3A_1017 = arith.remsi %add3A_1015, %rem3A_1016 : i32
          %add3A_1018 = arith.constant 8 : i32
          %add3A_1019 = arith.addi %mul3A_225, %add3A_1018 : i32
          %mul3A_1020 = arith.constant 16 : i32
          %mul3A_1021 = arith.muli %mul3A_1020, %rem3A_1017 : i32
          %get3A_1022 = arith.index_cast %add3A_1019 : i32 to index
          %get3A_1023 = arith.index_cast %mul3A_1021 : i32 to index
          %get3A_1024 = tpu.vector_load %arg9[%get3A_1022, %get3A_1023] {strides = array<i32>} : memref<104x208xi32, #tpu.memory_space<vmem>>, vector<16xi32>,
          %shift_left3A_1025 = arith.constant 16 : i32
          %shift_left3A_1026 = vector.broadcast %shift_left3A_1025 : i32 to vector<16xi32>
          %shift_left3A_1027 = arith.shli %get3A_1024, %shift_left3A_1026 : vector<16xi32>
          %bitcast3A_1028 = vector.bitcast %shift_left3A_1027 : vector<16xi32> to vector<16xf32>
          %and3A_1029 = arith.constant -65536 : i32
          %and3A_1030 = vector.broadcast %and3A_1029 : i32 to vector<16xi32>
          %and3A_1031 = arith.andi %get3A_1024, %and3A_1030 : vector<16xi32>
          %bitcast3A_1032 = vector.bitcast %and3A_1031 : vector<16xi32> to vector<16xf32>
          %add3A_1033 = arith.constant 8 : i32
          %add3A_1034 = arith.addi %mul3A_225, %add3A_1033 : i32
          %add3A_1035 = arith.constant 1 : i32
          %add3A_1036 = arith.addi %add3A_1034, %add3A_1035 : i32
          %mul3A_1037 = arith.constant 16 : i32
          %mul3A_1038 = arith.muli %mul3A_1037, %rem3A_1017 : i32
          %get3A_1039 = arith.index_cast %add3A_1036 : i32 to index
          %get3A_1040 = arith.index_cast %mul3A_1038 : i32 to index
          %get3A_1041 = tpu.vector_load %arg9[%get3A_1039, %get3A_1040] {strides = array<i32>} : memref<104x208xi32, #tpu.memory_space<vmem>>, vector<16xi32>,
          %shift_left3A_1042 = arith.constant 16 : i32
          %shift_left3A_1043 = vector.broadcast %shift_left3A_1042 : i32 to vector<16xi32>
          %shift_left3A_1044 = arith.shli %get3A_1041, %shift_left3A_1043 : vector<16xi32>
          %bitcast3A_1045 = vector.bitcast %shift_left3A_1044 : vector<16xi32> to vector<16xf32>
          %and3A_1046 = arith.constant -65536 : i32
          %and3A_1047 = vector.broadcast %and3A_1046 : i32 to vector<16xi32>
          %and3A_1048 = arith.andi %get3A_1041, %and3A_1047 : vector<16xi32>
          %bitcast3A_1049 = vector.bitcast %and3A_1048 : vector<16xi32> to vector<16xf32>
          %mul3A_1050 = arith.constant 2 : i32
          %mul3A_1051 = arith.muli %mul3A_1050, %rem3A_1017 : i32
          %add3A_1052 = arith.addi %mul3A_225, %mul3A_1051 : i32
          %get3A_1053 = arith.index_cast %add3A_1052 : i32 to index
          %get3A_1054 = arith.constant 64 : index
          %get3A_1055 = tpu.vector_load %arg9[%get3A_1053, %get3A_1054] {strides = array<i32>} : memref<104x208xi32, #tpu.memory_space<vmem>>, vector<16xi32>,
          %shift_left3A_1056 = arith.constant 16 : i32
          %shift_left3A_1057 = vector.broadcast %shift_left3A_1056 : i32 to vector<16xi32>
          %shift_left3A_1058 = arith.shli %get3A_1055, %shift_left3A_1057 : vector<16xi32>
          %bitcast3A_1059 = vector.bitcast %shift_left3A_1058 : vector<16xi32> to vector<16xf32>
          %and3A_1060 = arith.constant -65536 : i32
          %and3A_1061 = vector.broadcast %and3A_1060 : i32 to vector<16xi32>
          %and3A_1062 = arith.andi %get3A_1055, %and3A_1061 : vector<16xi32>
          %bitcast3A_1063 = vector.bitcast %and3A_1062 : vector<16xi32> to vector<16xf32>
          %mul3A_1064 = arith.constant 2 : i32
          %mul3A_1065 = arith.muli %mul3A_1064, %rem3A_1017 : i32
          %add3A_1066 = arith.addi %mul3A_225, %mul3A_1065 : i32
          %add3A_1067 = arith.constant 1 : i32
          %add3A_1068 = arith.addi %add3A_1066, %add3A_1067 : i32
          %get3A_1069 = arith.index_cast %add3A_1068 : i32 to index
          %get3A_1070 = arith.constant 64 : index
          %get3A_1071 = tpu.vector_load %arg9[%get3A_1069, %get3A_1070] {strides = array<i32>} : memref<104x208xi32, #tpu.memory_space<vmem>>, vector<16xi32>,
          %shift_left3A_1072 = arith.constant 16 : i32
          %shift_left3A_1073 = vector.broadcast %shift_left3A_1072 : i32 to vector<16xi32>
          %shift_left3A_1074 = arith.shli %get3A_1071, %shift_left3A_1073 : vector<16xi32>
          %bitcast3A_1075 = vector.bitcast %shift_left3A_1074 : vector<16xi32> to vector<16xf32>
          %and3A_1076 = arith.constant -65536 : i32
          %and3A_1077 = vector.broadcast %and3A_1076 : i32 to vector<16xi32>
          %and3A_1078 = arith.andi %get3A_1071, %and3A_1077 : vector<16xi32>
          %bitcast3A_1079 = vector.bitcast %and3A_1078 : vector<16xi32> to vector<16xf32>
          %mul3A_1080 = arith.mulf %bitcast3A_1028, %bitcast3A_1059 : vector<16xf32>
          %add3A_1081 = arith.addf %add3A_933, %mul3A_1080 : vector<16xf32>
          %mul3A_1082 = arith.mulf %bitcast3A_1032, %bitcast3A_1075 : vector<16xf32>
          %add3A_1083 = arith.addf %add3A_935, %mul3A_1082 : vector<16xf32>
          %mul3A_1084 = arith.mulf %bitcast3A_1045, %bitcast3A_1063 : vector<16xf32>
          %add3A_1085 = arith.addf %add3A_937, %mul3A_1084 : vector<16xf32>
          %mul3A_1086 = arith.mulf %bitcast3A_1049, %bitcast3A_1079 : vector<16xf32>
          %add3A_1087 = arith.addf %add3A_939, %mul3A_1086 : vector<16xf32>
          %add3A_1088 = arith.constant 5 : i32
          %add3A_1089 = arith.addi %add3A_1088, %scan3A_709 : i32
          %rem3A_1090 = arith.constant 13 : i32
          %rem3A_1091 = arith.remsi %add3A_1089, %rem3A_1090 : i32
          %add3A_1092 = arith.constant 10 : i32
          %add3A_1093 = arith.addi %mul3A_225, %add3A_1092 : i32
          %mul3A_1094 = arith.constant 16 : i32
          %mul3A_1095 = arith.muli %mul3A_1094, %rem3A_1091 : i32
          %get3A_1096 = arith.index_cast %add3A_1093 : i32 to index
          %get3A_1097 = arith.index_cast %mul3A_1095 : i32 to index
          %get3A_1098 = tpu.vector_load %arg9[%get3A_1096, %get3A_1097] {strides = array<i32>} : memref<104x208xi32, #tpu.memory_space<vmem>>, vector<16xi32>,
          %shift_left3A_1099 = arith.constant 16 : i32
          %shift_left3A_1100 = vector.broadcast %shift_left3A_1099 : i32 to vector<16xi32>
          %shift_left3A_1101 = arith.shli %get3A_1098, %shift_left3A_1100 : vector<16xi32>
          %bitcast3A_1102 = vector.bitcast %shift_left3A_1101 : vector<16xi32> to vector<16xf32>
          %and3A_1103 = arith.constant -65536 : i32
          %and3A_1104 = vector.broadcast %and3A_1103 : i32 to vector<16xi32>
          %and3A_1105 = arith.andi %get3A_1098, %and3A_1104 : vector<16xi32>
          %bitcast3A_1106 = vector.bitcast %and3A_1105 : vector<16xi32> to vector<16xf32>
          %add3A_1107 = arith.constant 10 : i32
          %add3A_1108 = arith.addi %mul3A_225, %add3A_1107 : i32
          %add3A_1109 = arith.constant 1 : i32
          %add3A_1110 = arith.addi %add3A_1108, %add3A_1109 : i32
          %mul3A_1111 = arith.constant 16 : i32
          %mul3A_1112 = arith.muli %mul3A_1111, %rem3A_1091 : i32
          %get3A_1113 = arith.index_cast %add3A_1110 : i32 to index
          %get3A_1114 = arith.index_cast %mul3A_1112 : i32 to index
          %get3A_1115 = tpu.vector_load %arg9[%get3A_1113, %get3A_1114] {strides = array<i32>} : memref<104x208xi32, #tpu.memory_space<vmem>>, vector<16xi32>,
          %shift_left3A_1116 = arith.constant 16 : i32
          %shift_left3A_1117 = vector.broadcast %shift_left3A_1116 : i32 to vector<16xi32>
          %shift_left3A_1118 = arith.shli %get3A_1115, %shift_left3A_1117 : vector<16xi32>
          %bitcast3A_1119 = vector.bitcast %shift_left3A_1118 : vector<16xi32> to vector<16xf32>
          %and3A_1120 = arith.constant -65536 : i32
          %and3A_1121 = vector.broadcast %and3A_1120 : i32 to vector<16xi32>
          %and3A_1122 = arith.andi %get3A_1115, %and3A_1121 : vector<16xi32>
          %bitcast3A_1123 = vector.bitcast %and3A_1122 : vector<16xi32> to vector<16xf32>
          %mul3A_1124 = arith.constant 2 : i32
          %mul3A_1125 = arith.muli %mul3A_1124, %rem3A_1091 : i32
          %add3A_1126 = arith.addi %mul3A_225, %mul3A_1125 : i32
          %get3A_1127 = arith.index_cast %add3A_1126 : i32 to index
          %get3A_1128 = arith.constant 80 : index
          %get3A_1129 = tpu.vector_load %arg9[%get3A_1127, %get3A_1128] {strides = array<i32>} : memref<104x208xi32, #tpu.memory_space<vmem>>, vector<16xi32>,
          %shift_left3A_1130 = arith.constant 16 : i32
          %shift_left3A_1131 = vector.broadcast %shift_left3A_1130 : i32 to vector<16xi32>
          %shift_left3A_1132 = arith.shli %get3A_1129, %shift_left3A_1131 : vector<16xi32>
          %bitcast3A_1133 = vector.bitcast %shift_left3A_1132 : vector<16xi32> to vector<16xf32>
          %and3A_1134 = arith.constant -65536 : i32
          %and3A_1135 = vector.broadcast %and3A_1134 : i32 to vector<16xi32>
          %and3A_1136 = arith.andi %get3A_1129, %and3A_1135 : vector<16xi32>
          %bitcast3A_1137 = vector.bitcast %and3A_1136 : vector<16xi32> to vector<16xf32>
          %mul3A_1138 = arith.constant 2 : i32
          %mul3A_1139 = arith.muli %mul3A_1138, %rem3A_1091 : i32
          %add3A_1140 = arith.addi %mul3A_225, %mul3A_1139 : i32
          %add3A_1141 = arith.constant 1 : i32
          %add3A_1142 = arith.addi %add3A_1140, %add3A_1141 : i32
          %get3A_1143 = arith.index_cast %add3A_1142 : i32 to index
          %get3A_1144 = arith.constant 80 : index
          %get3A_1145 = tpu.vector_load %arg9[%get3A_1143, %get3A_1144] {strides = array<i32>} : memref<104x208xi32, #tpu.memory_space<vmem>>, vector<16xi32>,
          %shift_left3A_1146 = arith.constant 16 : i32
          %shift_left3A_1147 = vector.broadcast %shift_left3A_1146 : i32 to vector<16xi32>
          %shift_left3A_1148 = arith.shli %get3A_1145, %shift_left3A_1147 : vector<16xi32>
          %bitcast3A_1149 = vector.bitcast %shift_left3A_1148 : vector<16xi32> to vector<16xf32>
          %and3A_1150 = arith.constant -65536 : i32
          %and3A_1151 = vector.broadcast %and3A_1150 : i32 to vector<16xi32>
          %and3A_1152 = arith.andi %get3A_1145, %and3A_1151 : vector<16xi32>
          %bitcast3A_1153 = vector.bitcast %and3A_1152 : vector<16xi32> to vector<16xf32>
          %mul3A_1154 = arith.mulf %bitcast3A_1102, %bitcast3A_1133 : vector<16xf32>
          %add3A_1155 = arith.addf %add3A_1007, %mul3A_1154 : vector<16xf32>
          %mul3A_1156 = arith.mulf %bitcast3A_1106, %bitcast3A_1149 : vector<16xf32>
          %add3A_1157 = arith.addf %add3A_1009, %mul3A_1156 : vector<16xf32>
          %mul3A_1158 = arith.mulf %bitcast3A_1119, %bitcast3A_1137 : vector<16xf32>
          %add3A_1159 = arith.addf %add3A_1011, %mul3A_1158 : vector<16xf32>
          %mul3A_1160 = arith.mulf %bitcast3A_1123, %bitcast3A_1153 : vector<16xf32>
          %add3A_1161 = arith.addf %add3A_1013, %mul3A_1160 : vector<16xf32>
          %add3A_1162 = arith.constant 6 : i32
          %add3A_1163 = arith.addi %add3A_1162, %scan3A_709 : i32
          %rem3A_1164 = arith.constant 13 : i32
          %rem3A_1165 = arith.remsi %add3A_1163, %rem3A_1164 : i32
          %add3A_1166 = arith.constant 12 : i32
          %add3A_1167 = arith.addi %mul3A_225, %add3A_1166 : i32
          %mul3A_1168 = arith.constant 16 : i32
          %mul3A_1169 = arith.muli %mul3A_1168, %rem3A_1165 : i32
          %get3A_1170 = arith.index_cast %add3A_1167 : i32 to index
          %get3A_1171 = arith.index_cast %mul3A_1169 : i32 to index
          %get3A_1172 = tpu.vector_load %arg9[%get3A_1170, %get3A_1171] {strides = array<i32>} : memref<104x208xi32, #tpu.memory_space<vmem>>, vector<16xi32>,
          %shift_left3A_1173 = arith.constant 16 : i32
          %shift_left3A_1174 = vector.broadcast %shift_left3A_1173 : i32 to vector<16xi32>
          %shift_left3A_1175 = arith.shli %get3A_1172, %shift_left3A_1174 : vector<16xi32>
          %bitcast3A_1176 = vector.bitcast %shift_left3A_1175 : vector<16xi32> to vector<16xf32>
          %and3A_1177 = arith.constant -65536 : i32
          %and3A_1178 = vector.broadcast %and3A_1177 : i32 to vector<16xi32>
          %and3A_1179 = arith.andi %get3A_1172, %and3A_1178 : vector<16xi32>
          %bitcast3A_1180 = vector.bitcast %and3A_1179 : vector<16xi32> to vector<16xf32>
          %add3A_1181 = arith.constant 12 : i32
          %add3A_1182 = arith.addi %mul3A_225, %add3A_1181 : i32
          %add3A_1183 = arith.constant 1 : i32
          %add3A_1184 = arith.addi %add3A_1182, %add3A_1183 : i32
          %mul3A_1185 = arith.constant 16 : i32
          %mul3A_1186 = arith.muli %mul3A_1185, %rem3A_1165 : i32
          %get3A_1187 = arith.index_cast %add3A_1184 : i32 to index
          %get3A_1188 = arith.index_cast %mul3A_1186 : i32 to index
          %get3A_1189 = tpu.vector_load %arg9[%get3A_1187, %get3A_1188] {strides = array<i32>} : memref<104x208xi32, #tpu.memory_space<vmem>>, vector<16xi32>,
          %shift_left3A_1190 = arith.constant 16 : i32
          %shift_left3A_1191 = vector.broadcast %shift_left3A_1190 : i32 to vector<16xi32>
          %shift_left3A_1192 = arith.shli %get3A_1189, %shift_left3A_1191 : vector<16xi32>
          %bitcast3A_1193 = vector.bitcast %shift_left3A_1192 : vector<16xi32> to vector<16xf32>
          %and3A_1194 = arith.constant -65536 : i32
          %and3A_1195 = vector.broadcast %and3A_1194 : i32 to vector<16xi32>
          %and3A_1196 = arith.andi %get3A_1189, %and3A_1195 : vector<16xi32>
          %bitcast3A_1197 = vector.bitcast %and3A_1196 : vector<16xi32> to vector<16xf32>
          %mul3A_1198 = arith.constant 2 : i32
          %mul3A_1199 = arith.muli %mul3A_1198, %rem3A_1165 : i32
          %add3A_1200 = arith.addi %mul3A_225, %mul3A_1199 : i32
          %get3A_1201 = arith.index_cast %add3A_1200 : i32 to index
          %get3A_1202 = arith.constant 96 : index
          %get3A_1203 = tpu.vector_load %arg9[%get3A_1201, %get3A_1202] {strides = array<i32>} : memref<104x208xi32, #tpu.memory_space<vmem>>, vector<16xi32>,
          %shift_left3A_1204 = arith.constant 16 : i32
          %shift_left3A_1205 = vector.broadcast %shift_left3A_1204 : i32 to vector<16xi32>
          %shift_left3A_1206 = arith.shli %get3A_1203, %shift_left3A_1205 : vector<16xi32>
          %bitcast3A_1207 = vector.bitcast %shift_left3A_1206 : vector<16xi32> to vector<16xf32>
          %and3A_1208 = arith.constant -65536 : i32
          %and3A_1209 = vector.broadcast %and3A_1208 : i32 to vector<16xi32>
          %and3A_1210 = arith.andi %get3A_1203, %and3A_1209 : vector<16xi32>
          %bitcast3A_1211 = vector.bitcast %and3A_1210 : vector<16xi32> to vector<16xf32>
          %mul3A_1212 = arith.constant 2 : i32
          %mul3A_1213 = arith.muli %mul3A_1212, %rem3A_1165 : i32
          %add3A_1214 = arith.addi %mul3A_225, %mul3A_1213 : i32
          %add3A_1215 = arith.constant 1 : i32
          %add3A_1216 = arith.addi %add3A_1214, %add3A_1215 : i32
          %get3A_1217 = arith.index_cast %add3A_1216 : i32 to index
          %get3A_1218 = arith.constant 96 : index
          %get3A_1219 = tpu.vector_load %arg9[%get3A_1217, %get3A_1218] {strides = array<i32>} : memref<104x208xi32, #tpu.memory_space<vmem>>, vector<16xi32>,
          %shift_left3A_1220 = arith.constant 16 : i32
          %shift_left3A_1221 = vector.broadcast %shift_left3A_1220 : i32 to vector<16xi32>
          %shift_left3A_1222 = arith.shli %get3A_1219, %shift_left3A_1221 : vector<16xi32>
          %bitcast3A_1223 = vector.bitcast %shift_left3A_1222 : vector<16xi32> to vector<16xf32>
          %and3A_1224 = arith.constant -65536 : i32
          %and3A_1225 = vector.broadcast %and3A_1224 : i32 to vector<16xi32>
          %and3A_1226 = arith.andi %get3A_1219, %and3A_1225 : vector<16xi32>
          %bitcast3A_1227 = vector.bitcast %and3A_1226 : vector<16xi32> to vector<16xf32>
          %mul3A_1228 = arith.mulf %bitcast3A_1176, %bitcast3A_1207 : vector<16xf32>
          %add3A_1229 = arith.addf %add3A_1081, %mul3A_1228 : vector<16xf32>
          %mul3A_1230 = arith.mulf %bitcast3A_1180, %bitcast3A_1223 : vector<16xf32>
          %add3A_1231 = arith.addf %add3A_1083, %mul3A_1230 : vector<16xf32>
          %mul3A_1232 = arith.mulf %bitcast3A_1193, %bitcast3A_1211 : vector<16xf32>
          %add3A_1233 = arith.addf %add3A_1085, %mul3A_1232 : vector<16xf32>
          %mul3A_1234 = arith.mulf %bitcast3A_1197, %bitcast3A_1227 : vector<16xf32>
          %add3A_1235 = arith.addf %add3A_1087, %mul3A_1234 : vector<16xf32>
          %add3A_1236 = arith.constant 7 : i32
          %add3A_1237 = arith.addi %add3A_1236, %scan3A_709 : i32
          %rem3A_1238 = arith.constant 13 : i32
          %rem3A_1239 = arith.remsi %add3A_1237, %rem3A_1238 : i32
          %add3A_1240 = arith.constant 14 : i32
          %add3A_1241 = arith.addi %mul3A_225, %add3A_1240 : i32
          %mul3A_1242 = arith.constant 16 : i32
          %mul3A_1243 = arith.muli %mul3A_1242, %rem3A_1239 : i32
          %get3A_1244 = arith.index_cast %add3A_1241 : i32 to index
          %get3A_1245 = arith.index_cast %mul3A_1243 : i32 to index
          %get3A_1246 = tpu.vector_load %arg9[%get3A_1244, %get3A_1245] {strides = array<i32>} : memref<104x208xi32, #tpu.memory_space<vmem>>, vector<16xi32>,
          %shift_left3A_1247 = arith.constant 16 : i32
          %shift_left3A_1248 = vector.broadcast %shift_left3A_1247 : i32 to vector<16xi32>
          %shift_left3A_1249 = arith.shli %get3A_1246, %shift_left3A_1248 : vector<16xi32>
          %bitcast3A_1250 = vector.bitcast %shift_left3A_1249 : vector<16xi32> to vector<16xf32>
          %and3A_1251 = arith.constant -65536 : i32
          %and3A_1252 = vector.broadcast %and3A_1251 : i32 to vector<16xi32>
          %and3A_1253 = arith.andi %get3A_1246, %and3A_1252 : vector<16xi32>
          %bitcast3A_1254 = vector.bitcast %and3A_1253 : vector<16xi32> to vector<16xf32>
          %add3A_1255 = arith.constant 14 : i32
          %add3A_1256 = arith.addi %mul3A_225, %add3A_1255 : i32
          %add3A_1257 = arith.constant 1 : i32
          %add3A_1258 = arith.addi %add3A_1256, %add3A_1257 : i32
          %mul3A_1259 = arith.constant 16 : i32
          %mul3A_1260 = arith.muli %mul3A_1259, %rem3A_1239 : i32
          %get3A_1261 = arith.index_cast %add3A_1258 : i32 to index
          %get3A_1262 = arith.index_cast %mul3A_1260 : i32 to index
          %get3A_1263 = tpu.vector_load %arg9[%get3A_1261, %get3A_1262] {strides = array<i32>} : memref<104x208xi32, #tpu.memory_space<vmem>>, vector<16xi32>,
          %shift_left3A_1264 = arith.constant 16 : i32
          %shift_left3A_1265 = vector.broadcast %shift_left3A_1264 : i32 to vector<16xi32>
          %shift_left3A_1266 = arith.shli %get3A_1263, %shift_left3A_1265 : vector<16xi32>
          %bitcast3A_1267 = vector.bitcast %shift_left3A_1266 : vector<16xi32> to vector<16xf32>
          %and3A_1268 = arith.constant -65536 : i32
          %and3A_1269 = vector.broadcast %and3A_1268 : i32 to vector<16xi32>
          %and3A_1270 = arith.andi %get3A_1263, %and3A_1269 : vector<16xi32>
          %bitcast3A_1271 = vector.bitcast %and3A_1270 : vector<16xi32> to vector<16xf32>
          %mul3A_1272 = arith.constant 2 : i32
          %mul3A_1273 = arith.muli %mul3A_1272, %rem3A_1239 : i32
          %add3A_1274 = arith.addi %mul3A_225, %mul3A_1273 : i32
          %get3A_1275 = arith.index_cast %add3A_1274 : i32 to index
          %get3A_1276 = arith.constant 112 : index
          %get3A_1277 = tpu.vector_load %arg9[%get3A_1275, %get3A_1276] {strides = array<i32>} : memref<104x208xi32, #tpu.memory_space<vmem>>, vector<16xi32>,
          %shift_left3A_1278 = arith.constant 16 : i32
          %shift_left3A_1279 = vector.broadcast %shift_left3A_1278 : i32 to vector<16xi32>
          %shift_left3A_1280 = arith.shli %get3A_1277, %shift_left3A_1279 : vector<16xi32>
          %bitcast3A_1281 = vector.bitcast %shift_left3A_1280 : vector<16xi32> to vector<16xf32>
          %and3A_1282 = arith.constant -65536 : i32
          %and3A_1283 = vector.broadcast %and3A_1282 : i32 to vector<16xi32>
          %and3A_1284 = arith.andi %get3A_1277, %and3A_1283 : vector<16xi32>
          %bitcast3A_1285 = vector.bitcast %and3A_1284 : vector<16xi32> to vector<16xf32>
          %mul3A_1286 = arith.constant 2 : i32
          %mul3A_1287 = arith.muli %mul3A_1286, %rem3A_1239 : i32
          %add3A_1288 = arith.addi %mul3A_225, %mul3A_1287 : i32
          %add3A_1289 = arith.constant 1 : i32
          %add3A_1290 = arith.addi %add3A_1288, %add3A_1289 : i32
          %get3A_1291 = arith.index_cast %add3A_1290 : i32 to index
          %get3A_1292 = arith.constant 112 : index
          %get3A_1293 = tpu.vector_load %arg9[%get3A_1291, %get3A_1292] {strides = array<i32>} : memref<104x208xi32, #tpu.memory_space<vmem>>, vector<16xi32>,
          %shift_left3A_1294 = arith.constant 16 : i32
          %shift_left3A_1295 = vector.broadcast %shift_left3A_1294 : i32 to vector<16xi32>
          %shift_left3A_1296 = arith.shli %get3A_1293, %shift_left3A_1295 : vector<16xi32>
          %bitcast3A_1297 = vector.bitcast %shift_left3A_1296 : vector<16xi32> to vector<16xf32>
          %and3A_1298 = arith.constant -65536 : i32
          %and3A_1299 = vector.broadcast %and3A_1298 : i32 to vector<16xi32>
          %and3A_1300 = arith.andi %get3A_1293, %and3A_1299 : vector<16xi32>
          %bitcast3A_1301 = vector.bitcast %and3A_1300 : vector<16xi32> to vector<16xf32>
          %mul3A_1302 = arith.mulf %bitcast3A_1250, %bitcast3A_1281 : vector<16xf32>
          %add3A_1303 = arith.addf %add3A_1155, %mul3A_1302 : vector<16xf32>
          %mul3A_1304 = arith.mulf %bitcast3A_1254, %bitcast3A_1297 : vector<16xf32>
          %add3A_1305 = arith.addf %add3A_1157, %mul3A_1304 : vector<16xf32>
          %mul3A_1306 = arith.mulf %bitcast3A_1267, %bitcast3A_1285 : vector<16xf32>
          %add3A_1307 = arith.addf %add3A_1159, %mul3A_1306 : vector<16xf32>
          %mul3A_1308 = arith.mulf %bitcast3A_1271, %bitcast3A_1301 : vector<16xf32>
          %add3A_1309 = arith.addf %add3A_1161, %mul3A_1308 : vector<16xf32>
          %add3A_1310 = arith.constant 8 : i32
          %add3A_1311 = arith.addi %add3A_1310, %scan3A_709 : i32
          %rem3A_1312 = arith.constant 13 : i32
          %rem3A_1313 = arith.remsi %add3A_1311, %rem3A_1312 : i32
          %add3A_1314 = arith.constant 16 : i32
          %add3A_1315 = arith.addi %mul3A_225, %add3A_1314 : i32
          %mul3A_1316 = arith.constant 16 : i32
          %mul3A_1317 = arith.muli %mul3A_1316, %rem3A_1313 : i32
          %get3A_1318 = arith.index_cast %add3A_1315 : i32 to index
          %get3A_1319 = arith.index_cast %mul3A_1317 : i32 to index
          %get3A_1320 = tpu.vector_load %arg9[%get3A_1318, %get3A_1319] {strides = array<i32>} : memref<104x208xi32, #tpu.memory_space<vmem>>, vector<16xi32>,
          %shift_left3A_1321 = arith.constant 16 : i32
          %shift_left3A_1322 = vector.broadcast %shift_left3A_1321 : i32 to vector<16xi32>
          %shift_left3A_1323 = arith.shli %get3A_1320, %shift_left3A_1322 : vector<16xi32>
          %bitcast3A_1324 = vector.bitcast %shift_left3A_1323 : vector<16xi32> to vector<16xf32>
          %and3A_1325 = arith.constant -65536 : i32
          %and3A_1326 = vector.broadcast %and3A_1325 : i32 to vector<16xi32>
          %and3A_1327 = arith.andi %get3A_1320, %and3A_1326 : vector<16xi32>
          %bitcast3A_1328 = vector.bitcast %and3A_1327 : vector<16xi32> to vector<16xf32>
          %add3A_1329 = arith.constant 16 : i32
          %add3A_1330 = arith.addi %mul3A_225, %add3A_1329 : i32
          %add3A_1331 = arith.constant 1 : i32
          %add3A_1332 = arith.addi %add3A_1330, %add3A_1331 : i32
          %mul3A_1333 = arith.constant 16 : i32
          %mul3A_1334 = arith.muli %mul3A_1333, %rem3A_1313 : i32
          %get3A_1335 = arith.index_cast %add3A_1332 : i32 to index
          %get3A_1336 = arith.index_cast %mul3A_1334 : i32 to index
          %get3A_1337 = tpu.vector_load %arg9[%get3A_1335, %get3A_1336] {strides = array<i32>} : memref<104x208xi32, #tpu.memory_space<vmem>>, vector<16xi32>,
          %shift_left3A_1338 = arith.constant 16 : i32
          %shift_left3A_1339 = vector.broadcast %shift_left3A_1338 : i32 to vector<16xi32>
          %shift_left3A_1340 = arith.shli %get3A_1337, %shift_left3A_1339 : vector<16xi32>
          %bitcast3A_1341 = vector.bitcast %shift_left3A_1340 : vector<16xi32> to vector<16xf32>
          %and3A_1342 = arith.constant -65536 : i32
          %and3A_1343 = vector.broadcast %and3A_1342 : i32 to vector<16xi32>
          %and3A_1344 = arith.andi %get3A_1337, %and3A_1343 : vector<16xi32>
          %bitcast3A_1345 = vector.bitcast %and3A_1344 : vector<16xi32> to vector<16xf32>
          %mul3A_1346 = arith.constant 2 : i32
          %mul3A_1347 = arith.muli %mul3A_1346, %rem3A_1313 : i32
          %add3A_1348 = arith.addi %mul3A_225, %mul3A_1347 : i32
          %get3A_1349 = arith.index_cast %add3A_1348 : i32 to index
          %get3A_1350 = arith.constant 128 : index
          %get3A_1351 = tpu.vector_load %arg9[%get3A_1349, %get3A_1350] {strides = array<i32>} : memref<104x208xi32, #tpu.memory_space<vmem>>, vector<16xi32>,
          %shift_left3A_1352 = arith.constant 16 : i32
          %shift_left3A_1353 = vector.broadcast %shift_left3A_1352 : i32 to vector<16xi32>
          %shift_left3A_1354 = arith.shli %get3A_1351, %shift_left3A_1353 : vector<16xi32>
          %bitcast3A_1355 = vector.bitcast %shift_left3A_1354 : vector<16xi32> to vector<16xf32>
          %and3A_1356 = arith.constant -65536 : i32
          %and3A_1357 = vector.broadcast %and3A_1356 : i32 to vector<16xi32>
          %and3A_1358 = arith.andi %get3A_1351, %and3A_1357 : vector<16xi32>
          %bitcast3A_1359 = vector.bitcast %and3A_1358 : vector<16xi32> to vector<16xf32>
          %mul3A_1360 = arith.constant 2 : i32
          %mul3A_1361 = arith.muli %mul3A_1360, %rem3A_1313 : i32
          %add3A_1362 = arith.addi %mul3A_225, %mul3A_1361 : i32
          %add3A_1363 = arith.constant 1 : i32
          %add3A_1364 = arith.addi %add3A_1362, %add3A_1363 : i32
          %get3A_1365 = arith.index_cast %add3A_1364 : i32 to index
          %get3A_1366 = arith.constant 128 : index
          %get3A_1367 = tpu.vector_load %arg9[%get3A_1365, %get3A_1366] {strides = array<i32>} : memref<104x208xi32, #tpu.memory_space<vmem>>, vector<16xi32>,
          %shift_left3A_1368 = arith.constant 16 : i32
          %shift_left3A_1369 = vector.broadcast %shift_left3A_1368 : i32 to vector<16xi32>
          %shift_left3A_1370 = arith.shli %get3A_1367, %shift_left3A_1369 : vector<16xi32>
          %bitcast3A_1371 = vector.bitcast %shift_left3A_1370 : vector<16xi32> to vector<16xf32>
          %and3A_1372 = arith.constant -65536 : i32
          %and3A_1373 = vector.broadcast %and3A_1372 : i32 to vector<16xi32>
          %and3A_1374 = arith.andi %get3A_1367, %and3A_1373 : vector<16xi32>
          %bitcast3A_1375 = vector.bitcast %and3A_1374 : vector<16xi32> to vector<16xf32>
          %mul3A_1376 = arith.mulf %bitcast3A_1324, %bitcast3A_1355 : vector<16xf32>
          %add3A_1377 = arith.addf %add3A_1229, %mul3A_1376 : vector<16xf32>
          %mul3A_1378 = arith.mulf %bitcast3A_1328, %bitcast3A_1371 : vector<16xf32>
          %add3A_1379 = arith.addf %add3A_1231, %mul3A_1378 : vector<16xf32>
          %mul3A_1380 = arith.mulf %bitcast3A_1341, %bitcast3A_1359 : vector<16xf32>
          %add3A_1381 = arith.addf %add3A_1233, %mul3A_1380 : vector<16xf32>
          %mul3A_1382 = arith.mulf %bitcast3A_1345, %bitcast3A_1375 : vector<16xf32>
          %add3A_1383 = arith.addf %add3A_1235, %mul3A_1382 : vector<16xf32>
          %add3A_1384 = arith.constant 9 : i32
          %add3A_1385 = arith.addi %add3A_1384, %scan3A_709 : i32
          %rem3A_1386 = arith.constant 13 : i32
          %rem3A_1387 = arith.remsi %add3A_1385, %rem3A_1386 : i32
          %add3A_1388 = arith.constant 18 : i32
          %add3A_1389 = arith.addi %mul3A_225, %add3A_1388 : i32
          %mul3A_1390 = arith.constant 16 : i32
          %mul3A_1391 = arith.muli %mul3A_1390, %rem3A_1387 : i32
          %get3A_1392 = arith.index_cast %add3A_1389 : i32 to index
          %get3A_1393 = arith.index_cast %mul3A_1391 : i32 to index
          %get3A_1394 = tpu.vector_load %arg9[%get3A_1392, %get3A_1393] {strides = array<i32>} : memref<104x208xi32, #tpu.memory_space<vmem>>, vector<16xi32>,
          %shift_left3A_1395 = arith.constant 16 : i32
          %shift_left3A_1396 = vector.broadcast %shift_left3A_1395 : i32 to vector<16xi32>
          %shift_left3A_1397 = arith.shli %get3A_1394, %shift_left3A_1396 : vector<16xi32>
          %bitcast3A_1398 = vector.bitcast %shift_left3A_1397 : vector<16xi32> to vector<16xf32>
          %and3A_1399 = arith.constant -65536 : i32
          %and3A_1400 = vector.broadcast %and3A_1399 : i32 to vector<16xi32>
          %and3A_1401 = arith.andi %get3A_1394, %and3A_1400 : vector<16xi32>
          %bitcast3A_1402 = vector.bitcast %and3A_1401 : vector<16xi32> to vector<16xf32>
          %add3A_1403 = arith.constant 18 : i32
          %add3A_1404 = arith.addi %mul3A_225, %add3A_1403 : i32
          %add3A_1405 = arith.constant 1 : i32
          %add3A_1406 = arith.addi %add3A_1404, %add3A_1405 : i32
          %mul3A_1407 = arith.constant 16 : i32
          %mul3A_1408 = arith.muli %mul3A_1407, %rem3A_1387 : i32
          %get3A_1409 = arith.index_cast %add3A_1406 : i32 to index
          %get3A_1410 = arith.index_cast %mul3A_1408 : i32 to index
          %get3A_1411 = tpu.vector_load %arg9[%get3A_1409, %get3A_1410] {strides = array<i32>} : memref<104x208xi32, #tpu.memory_space<vmem>>, vector<16xi32>,
          %shift_left3A_1412 = arith.constant 16 : i32
          %shift_left3A_1413 = vector.broadcast %shift_left3A_1412 : i32 to vector<16xi32>
          %shift_left3A_1414 = arith.shli %get3A_1411, %shift_left3A_1413 : vector<16xi32>
          %bitcast3A_1415 = vector.bitcast %shift_left3A_1414 : vector<16xi32> to vector<16xf32>
          %and3A_1416 = arith.constant -65536 : i32
          %and3A_1417 = vector.broadcast %and3A_1416 : i32 to vector<16xi32>
          %and3A_1418 = arith.andi %get3A_1411, %and3A_1417 : vector<16xi32>
          %bitcast3A_1419 = vector.bitcast %and3A_1418 : vector<16xi32> to vector<16xf32>
          %mul3A_1420 = arith.constant 2 : i32
          %mul3A_1421 = arith.muli %mul3A_1420, %rem3A_1387 : i32
          %add3A_1422 = arith.addi %mul3A_225, %mul3A_1421 : i32
          %get3A_1423 = arith.index_cast %add3A_1422 : i32 to index
          %get3A_1424 = arith.constant 144 : index
          %get3A_1425 = tpu.vector_load %arg9[%get3A_1423, %get3A_1424] {strides = array<i32>} : memref<104x208xi32, #tpu.memory_space<vmem>>, vector<16xi32>,
          %shift_left3A_1426 = arith.constant 16 : i32
          %shift_left3A_1427 = vector.broadcast %shift_left3A_1426 : i32 to vector<16xi32>
          %shift_left3A_1428 = arith.shli %get3A_1425, %shift_left3A_1427 : vector<16xi32>
          %bitcast3A_1429 = vector.bitcast %shift_left3A_1428 : vector<16xi32> to vector<16xf32>
          %and3A_1430 = arith.constant -65536 : i32
          %and3A_1431 = vector.broadcast %and3A_1430 : i32 to vector<16xi32>
          %and3A_1432 = arith.andi %get3A_1425, %and3A_1431 : vector<16xi32>
          %bitcast3A_1433 = vector.bitcast %and3A_1432 : vector<16xi32> to vector<16xf32>
          %mul3A_1434 = arith.constant 2 : i32
          %mul3A_1435 = arith.muli %mul3A_1434, %rem3A_1387 : i32
          %add3A_1436 = arith.addi %mul3A_225, %mul3A_1435 : i32
          %add3A_1437 = arith.constant 1 : i32
          %add3A_1438 = arith.addi %add3A_1436, %add3A_1437 : i32
          %get3A_1439 = arith.index_cast %add3A_1438 : i32 to index
          %get3A_1440 = arith.constant 144 : index
          %get3A_1441 = tpu.vector_load %arg9[%get3A_1439, %get3A_1440] {strides = array<i32>} : memref<104x208xi32, #tpu.memory_space<vmem>>, vector<16xi32>,
          %shift_left3A_1442 = arith.constant 16 : i32
          %shift_left3A_1443 = vector.broadcast %shift_left3A_1442 : i32 to vector<16xi32>
          %shift_left3A_1444 = arith.shli %get3A_1441, %shift_left3A_1443 : vector<16xi32>
          %bitcast3A_1445 = vector.bitcast %shift_left3A_1444 : vector<16xi32> to vector<16xf32>
          %and3A_1446 = arith.constant -65536 : i32
          %and3A_1447 = vector.broadcast %and3A_1446 : i32 to vector<16xi32>
          %and3A_1448 = arith.andi %get3A_1441, %and3A_1447 : vector<16xi32>
          %bitcast3A_1449 = vector.bitcast %and3A_1448 : vector<16xi32> to vector<16xf32>
          %mul3A_1450 = arith.mulf %bitcast3A_1398, %bitcast3A_1429 : vector<16xf32>
          %add3A_1451 = arith.addf %add3A_1303, %mul3A_1450 : vector<16xf32>
          %mul3A_1452 = arith.mulf %bitcast3A_1402, %bitcast3A_1445 : vector<16xf32>
          %add3A_1453 = arith.addf %add3A_1305, %mul3A_1452 : vector<16xf32>
          %mul3A_1454 = arith.mulf %bitcast3A_1415, %bitcast3A_1433 : vector<16xf32>
          %add3A_1455 = arith.addf %add3A_1307, %mul3A_1454 : vector<16xf32>
          %mul3A_1456 = arith.mulf %bitcast3A_1419, %bitcast3A_1449 : vector<16xf32>
          %add3A_1457 = arith.addf %add3A_1309, %mul3A_1456 : vector<16xf32>
          %add3A_1458 = arith.constant 10 : i32
          %add3A_1459 = arith.addi %add3A_1458, %scan3A_709 : i32
          %rem3A_1460 = arith.constant 13 : i32
          %rem3A_1461 = arith.remsi %add3A_1459, %rem3A_1460 : i32
          %add3A_1462 = arith.constant 20 : i32
          %add3A_1463 = arith.addi %mul3A_225, %add3A_1462 : i32
          %mul3A_1464 = arith.constant 16 : i32
          %mul3A_1465 = arith.muli %mul3A_1464, %rem3A_1461 : i32
          %get3A_1466 = arith.index_cast %add3A_1463 : i32 to index
          %get3A_1467 = arith.index_cast %mul3A_1465 : i32 to index
          %get3A_1468 = tpu.vector_load %arg9[%get3A_1466, %get3A_1467] {strides = array<i32>} : memref<104x208xi32, #tpu.memory_space<vmem>>, vector<16xi32>,
          %shift_left3A_1469 = arith.constant 16 : i32
          %shift_left3A_1470 = vector.broadcast %shift_left3A_1469 : i32 to vector<16xi32>
          %shift_left3A_1471 = arith.shli %get3A_1468, %shift_left3A_1470 : vector<16xi32>
          %bitcast3A_1472 = vector.bitcast %shift_left3A_1471 : vector<16xi32> to vector<16xf32>
          %and3A_1473 = arith.constant -65536 : i32
          %and3A_1474 = vector.broadcast %and3A_1473 : i32 to vector<16xi32>
          %and3A_1475 = arith.andi %get3A_1468, %and3A_1474 : vector<16xi32>
          %bitcast3A_1476 = vector.bitcast %and3A_1475 : vector<16xi32> to vector<16xf32>
          %add3A_1477 = arith.constant 20 : i32
          %add3A_1478 = arith.addi %mul3A_225, %add3A_1477 : i32
          %add3A_1479 = arith.constant 1 : i32
          %add3A_1480 = arith.addi %add3A_1478, %add3A_1479 : i32
          %mul3A_1481 = arith.constant 16 : i32
          %mul3A_1482 = arith.muli %mul3A_1481, %rem3A_1461 : i32
          %get3A_1483 = arith.index_cast %add3A_1480 : i32 to index
          %get3A_1484 = arith.index_cast %mul3A_1482 : i32 to index
          %get3A_1485 = tpu.vector_load %arg9[%get3A_1483, %get3A_1484] {strides = array<i32>} : memref<104x208xi32, #tpu.memory_space<vmem>>, vector<16xi32>,
          %shift_left3A_1486 = arith.constant 16 : i32
          %shift_left3A_1487 = vector.broadcast %shift_left3A_1486 : i32 to vector<16xi32>
          %shift_left3A_1488 = arith.shli %get3A_1485, %shift_left3A_1487 : vector<16xi32>
          %bitcast3A_1489 = vector.bitcast %shift_left3A_1488 : vector<16xi32> to vector<16xf32>
          %and3A_1490 = arith.constant -65536 : i32
          %and3A_1491 = vector.broadcast %and3A_1490 : i32 to vector<16xi32>
          %and3A_1492 = arith.andi %get3A_1485, %and3A_1491 : vector<16xi32>
          %bitcast3A_1493 = vector.bitcast %and3A_1492 : vector<16xi32> to vector<16xf32>
          %mul3A_1494 = arith.constant 2 : i32
          %mul3A_1495 = arith.muli %mul3A_1494, %rem3A_1461 : i32
          %add3A_1496 = arith.addi %mul3A_225, %mul3A_1495 : i32
          %get3A_1497 = arith.index_cast %add3A_1496 : i32 to index
          %get3A_1498 = arith.constant 160 : index
          %get3A_1499 = tpu.vector_load %arg9[%get3A_1497, %get3A_1498] {strides = array<i32>} : memref<104x208xi32, #tpu.memory_space<vmem>>, vector<16xi32>,
          %shift_left3A_1500 = arith.constant 16 : i32
          %shift_left3A_1501 = vector.broadcast %shift_left3A_1500 : i32 to vector<16xi32>
          %shift_left3A_1502 = arith.shli %get3A_1499, %shift_left3A_1501 : vector<16xi32>
          %bitcast3A_1503 = vector.bitcast %shift_left3A_1502 : vector<16xi32> to vector<16xf32>
          %and3A_1504 = arith.constant -65536 : i32
          %and3A_1505 = vector.broadcast %and3A_1504 : i32 to vector<16xi32>
          %and3A_1506 = arith.andi %get3A_1499, %and3A_1505 : vector<16xi32>
          %bitcast3A_1507 = vector.bitcast %and3A_1506 : vector<16xi32> to vector<16xf32>
          %mul3A_1508 = arith.constant 2 : i32
          %mul3A_1509 = arith.muli %mul3A_1508, %rem3A_1461 : i32
          %add3A_1510 = arith.addi %mul3A_225, %mul3A_1509 : i32
          %add3A_1511 = arith.constant 1 : i32
          %add3A_1512 = arith.addi %add3A_1510, %add3A_1511 : i32
          %get3A_1513 = arith.index_cast %add3A_1512 : i32 to index
          %get3A_1514 = arith.constant 160 : index
          %get3A_1515 = tpu.vector_load %arg9[%get3A_1513, %get3A_1514] {strides = array<i32>} : memref<104x208xi32, #tpu.memory_space<vmem>>, vector<16xi32>,
          %shift_left3A_1516 = arith.constant 16 : i32
          %shift_left3A_1517 = vector.broadcast %shift_left3A_1516 : i32 to vector<16xi32>
          %shift_left3A_1518 = arith.shli %get3A_1515, %shift_left3A_1517 : vector<16xi32>
          %bitcast3A_1519 = vector.bitcast %shift_left3A_1518 : vector<16xi32> to vector<16xf32>
          %and3A_1520 = arith.constant -65536 : i32
          %and3A_1521 = vector.broadcast %and3A_1520 : i32 to vector<16xi32>
          %and3A_1522 = arith.andi %get3A_1515, %and3A_1521 : vector<16xi32>
          %bitcast3A_1523 = vector.bitcast %and3A_1522 : vector<16xi32> to vector<16xf32>
          %mul3A_1524 = arith.mulf %bitcast3A_1472, %bitcast3A_1503 : vector<16xf32>
          %add3A_1525 = arith.addf %add3A_1377, %mul3A_1524 : vector<16xf32>
          %mul3A_1526 = arith.mulf %bitcast3A_1476, %bitcast3A_1519 : vector<16xf32>
          %add3A_1527 = arith.addf %add3A_1379, %mul3A_1526 : vector<16xf32>
          %mul3A_1528 = arith.mulf %bitcast3A_1489, %bitcast3A_1507 : vector<16xf32>
          %add3A_1529 = arith.addf %add3A_1381, %mul3A_1528 : vector<16xf32>
          %mul3A_1530 = arith.mulf %bitcast3A_1493, %bitcast3A_1523 : vector<16xf32>
          %add3A_1531 = arith.addf %add3A_1383, %mul3A_1530 : vector<16xf32>
          %add3A_1532 = arith.constant 11 : i32
          %add3A_1533 = arith.addi %add3A_1532, %scan3A_709 : i32
          %rem3A_1534 = arith.constant 13 : i32
          %rem3A_1535 = arith.remsi %add3A_1533, %rem3A_1534 : i32
          %add3A_1536 = arith.constant 22 : i32
          %add3A_1537 = arith.addi %mul3A_225, %add3A_1536 : i32
          %mul3A_1538 = arith.constant 16 : i32
          %mul3A_1539 = arith.muli %mul3A_1538, %rem3A_1535 : i32
          %get3A_1540 = arith.index_cast %add3A_1537 : i32 to index
          %get3A_1541 = arith.index_cast %mul3A_1539 : i32 to index
          %get3A_1542 = tpu.vector_load %arg9[%get3A_1540, %get3A_1541] {strides = array<i32>} : memref<104x208xi32, #tpu.memory_space<vmem>>, vector<16xi32>,
          %shift_left3A_1543 = arith.constant 16 : i32
          %shift_left3A_1544 = vector.broadcast %shift_left3A_1543 : i32 to vector<16xi32>
          %shift_left3A_1545 = arith.shli %get3A_1542, %shift_left3A_1544 : vector<16xi32>
          %bitcast3A_1546 = vector.bitcast %shift_left3A_1545 : vector<16xi32> to vector<16xf32>
          %and3A_1547 = arith.constant -65536 : i32
          %and3A_1548 = vector.broadcast %and3A_1547 : i32 to vector<16xi32>
          %and3A_1549 = arith.andi %get3A_1542, %and3A_1548 : vector<16xi32>
          %bitcast3A_1550 = vector.bitcast %and3A_1549 : vector<16xi32> to vector<16xf32>
          %add3A_1551 = arith.constant 22 : i32
          %add3A_1552 = arith.addi %mul3A_225, %add3A_1551 : i32
          %add3A_1553 = arith.constant 1 : i32
          %add3A_1554 = arith.addi %add3A_1552, %add3A_1553 : i32
          %mul3A_1555 = arith.constant 16 : i32
          %mul3A_1556 = arith.muli %mul3A_1555, %rem3A_1535 : i32
          %get3A_1557 = arith.index_cast %add3A_1554 : i32 to index
          %get3A_1558 = arith.index_cast %mul3A_1556 : i32 to index
          %get3A_1559 = tpu.vector_load %arg9[%get3A_1557, %get3A_1558] {strides = array<i32>} : memref<104x208xi32, #tpu.memory_space<vmem>>, vector<16xi32>,
          %shift_left3A_1560 = arith.constant 16 : i32
          %shift_left3A_1561 = vector.broadcast %shift_left3A_1560 : i32 to vector<16xi32>
          %shift_left3A_1562 = arith.shli %get3A_1559, %shift_left3A_1561 : vector<16xi32>
          %bitcast3A_1563 = vector.bitcast %shift_left3A_1562 : vector<16xi32> to vector<16xf32>
          %and3A_1564 = arith.constant -65536 : i32
          %and3A_1565 = vector.broadcast %and3A_1564 : i32 to vector<16xi32>
          %and3A_1566 = arith.andi %get3A_1559, %and3A_1565 : vector<16xi32>
          %bitcast3A_1567 = vector.bitcast %and3A_1566 : vector<16xi32> to vector<16xf32>
          %mul3A_1568 = arith.constant 2 : i32
          %mul3A_1569 = arith.muli %mul3A_1568, %rem3A_1535 : i32
          %add3A_1570 = arith.addi %mul3A_225, %mul3A_1569 : i32
          %get3A_1571 = arith.index_cast %add3A_1570 : i32 to index
          %get3A_1572 = arith.constant 176 : index
          %get3A_1573 = tpu.vector_load %arg9[%get3A_1571, %get3A_1572] {strides = array<i32>} : memref<104x208xi32, #tpu.memory_space<vmem>>, vector<16xi32>,
          %shift_left3A_1574 = arith.constant 16 : i32
          %shift_left3A_1575 = vector.broadcast %shift_left3A_1574 : i32 to vector<16xi32>
          %shift_left3A_1576 = arith.shli %get3A_1573, %shift_left3A_1575 : vector<16xi32>
          %bitcast3A_1577 = vector.bitcast %shift_left3A_1576 : vector<16xi32> to vector<16xf32>
          %and3A_1578 = arith.constant -65536 : i32
          %and3A_1579 = vector.broadcast %and3A_1578 : i32 to vector<16xi32>
          %and3A_1580 = arith.andi %get3A_1573, %and3A_1579 : vector<16xi32>
          %bitcast3A_1581 = vector.bitcast %and3A_1580 : vector<16xi32> to vector<16xf32>
          %mul3A_1582 = arith.constant 2 : i32
          %mul3A_1583 = arith.muli %mul3A_1582, %rem3A_1535 : i32
          %add3A_1584 = arith.addi %mul3A_225, %mul3A_1583 : i32
          %add3A_1585 = arith.constant 1 : i32
          %add3A_1586 = arith.addi %add3A_1584, %add3A_1585 : i32
          %get3A_1587 = arith.index_cast %add3A_1586 : i32 to index
          %get3A_1588 = arith.constant 176 : index
          %get3A_1589 = tpu.vector_load %arg9[%get3A_1587, %get3A_1588] {strides = array<i32>} : memref<104x208xi32, #tpu.memory_space<vmem>>, vector<16xi32>,
          %shift_left3A_1590 = arith.constant 16 : i32
          %shift_left3A_1591 = vector.broadcast %shift_left3A_1590 : i32 to vector<16xi32>
          %shift_left3A_1592 = arith.shli %get3A_1589, %shift_left3A_1591 : vector<16xi32>
          %bitcast3A_1593 = vector.bitcast %shift_left3A_1592 : vector<16xi32> to vector<16xf32>
          %and3A_1594 = arith.constant -65536 : i32
          %and3A_1595 = vector.broadcast %and3A_1594 : i32 to vector<16xi32>
          %and3A_1596 = arith.andi %get3A_1589, %and3A_1595 : vector<16xi32>
          %bitcast3A_1597 = vector.bitcast %and3A_1596 : vector<16xi32> to vector<16xf32>
          %mul3A_1598 = arith.mulf %bitcast3A_1546, %bitcast3A_1577 : vector<16xf32>
          %add3A_1599 = arith.addf %add3A_1451, %mul3A_1598 : vector<16xf32>
          %mul3A_1600 = arith.mulf %bitcast3A_1550, %bitcast3A_1593 : vector<16xf32>
          %add3A_1601 = arith.addf %add3A_1453, %mul3A_1600 : vector<16xf32>
          %mul3A_1602 = arith.mulf %bitcast3A_1563, %bitcast3A_1581 : vector<16xf32>
          %add3A_1603 = arith.addf %add3A_1455, %mul3A_1602 : vector<16xf32>
          %mul3A_1604 = arith.mulf %bitcast3A_1567, %bitcast3A_1597 : vector<16xf32>
          %add3A_1605 = arith.addf %add3A_1457, %mul3A_1604 : vector<16xf32>
          %add3A_1606 = arith.constant 12 : i32
          %add3A_1607 = arith.addi %add3A_1606, %scan3A_709 : i32
          %rem3A_1608 = arith.constant 13 : i32
          %rem3A_1609 = arith.remsi %add3A_1607, %rem3A_1608 : i32
          %add3A_1610 = arith.constant 24 : i32
          %add3A_1611 = arith.addi %mul3A_225, %add3A_1610 : i32
          %mul3A_1612 = arith.constant 16 : i32
          %mul3A_1613 = arith.muli %mul3A_1612, %rem3A_1609 : i32
          %get3A_1614 = arith.index_cast %add3A_1611 : i32 to index
          %get3A_1615 = arith.index_cast %mul3A_1613 : i32 to index
          %get3A_1616 = tpu.vector_load %arg9[%get3A_1614, %get3A_1615] {strides = array<i32>} : memref<104x208xi32, #tpu.memory_space<vmem>>, vector<16xi32>,
          %shift_left3A_1617 = arith.constant 16 : i32
          %shift_left3A_1618 = vector.broadcast %shift_left3A_1617 : i32 to vector<16xi32>
          %shift_left3A_1619 = arith.shli %get3A_1616, %shift_left3A_1618 : vector<16xi32>
          %bitcast3A_1620 = vector.bitcast %shift_left3A_1619 : vector<16xi32> to vector<16xf32>
          %and3A_1621 = arith.constant -65536 : i32
          %and3A_1622 = vector.broadcast %and3A_1621 : i32 to vector<16xi32>
          %and3A_1623 = arith.andi %get3A_1616, %and3A_1622 : vector<16xi32>
          %bitcast3A_1624 = vector.bitcast %and3A_1623 : vector<16xi32> to vector<16xf32>
          %add3A_1625 = arith.constant 24 : i32
          %add3A_1626 = arith.addi %mul3A_225, %add3A_1625 : i32
          %add3A_1627 = arith.constant 1 : i32
          %add3A_1628 = arith.addi %add3A_1626, %add3A_1627 : i32
          %mul3A_1629 = arith.constant 16 : i32
          %mul3A_1630 = arith.muli %mul3A_1629, %rem3A_1609 : i32
          %get3A_1631 = arith.index_cast %add3A_1628 : i32 to index
          %get3A_1632 = arith.index_cast %mul3A_1630 : i32 to index
          %get3A_1633 = tpu.vector_load %arg9[%get3A_1631, %get3A_1632] {strides = array<i32>} : memref<104x208xi32, #tpu.memory_space<vmem>>, vector<16xi32>,
          %shift_left3A_1634 = arith.constant 16 : i32
          %shift_left3A_1635 = vector.broadcast %shift_left3A_1634 : i32 to vector<16xi32>
          %shift_left3A_1636 = arith.shli %get3A_1633, %shift_left3A_1635 : vector<16xi32>
          %bitcast3A_1637 = vector.bitcast %shift_left3A_1636 : vector<16xi32> to vector<16xf32>
          %and3A_1638 = arith.constant -65536 : i32
          %and3A_1639 = vector.broadcast %and3A_1638 : i32 to vector<16xi32>
          %and3A_1640 = arith.andi %get3A_1633, %and3A_1639 : vector<16xi32>
          %bitcast3A_1641 = vector.bitcast %and3A_1640 : vector<16xi32> to vector<16xf32>
          %mul3A_1642 = arith.constant 2 : i32
          %mul3A_1643 = arith.muli %mul3A_1642, %rem3A_1609 : i32
          %add3A_1644 = arith.addi %mul3A_225, %mul3A_1643 : i32
          %get3A_1645 = arith.index_cast %add3A_1644 : i32 to index
          %get3A_1646 = arith.constant 192 : index
          %get3A_1647 = tpu.vector_load %arg9[%get3A_1645, %get3A_1646] {strides = array<i32>} : memref<104x208xi32, #tpu.memory_space<vmem>>, vector<16xi32>,
          %shift_left3A_1648 = arith.constant 16 : i32
          %shift_left3A_1649 = vector.broadcast %shift_left3A_1648 : i32 to vector<16xi32>
          %shift_left3A_1650 = arith.shli %get3A_1647, %shift_left3A_1649 : vector<16xi32>
          %bitcast3A_1651 = vector.bitcast %shift_left3A_1650 : vector<16xi32> to vector<16xf32>
          %and3A_1652 = arith.constant -65536 : i32
          %and3A_1653 = vector.broadcast %and3A_1652 : i32 to vector<16xi32>
          %and3A_1654 = arith.andi %get3A_1647, %and3A_1653 : vector<16xi32>
          %bitcast3A_1655 = vector.bitcast %and3A_1654 : vector<16xi32> to vector<16xf32>
          %mul3A_1656 = arith.constant 2 : i32
          %mul3A_1657 = arith.muli %mul3A_1656, %rem3A_1609 : i32
          %add3A_1658 = arith.addi %mul3A_225, %mul3A_1657 : i32
          %add3A_1659 = arith.constant 1 : i32
          %add3A_1660 = arith.addi %add3A_1658, %add3A_1659 : i32
          %get3A_1661 = arith.index_cast %add3A_1660 : i32 to index
          %get3A_1662 = arith.constant 192 : index
          %get3A_1663 = tpu.vector_load %arg9[%get3A_1661, %get3A_1662] {strides = array<i32>} : memref<104x208xi32, #tpu.memory_space<vmem>>, vector<16xi32>,
          %shift_left3A_1664 = arith.constant 16 : i32
          %shift_left3A_1665 = vector.broadcast %shift_left3A_1664 : i32 to vector<16xi32>
          %shift_left3A_1666 = arith.shli %get3A_1663, %shift_left3A_1665 : vector<16xi32>
          %bitcast3A_1667 = vector.bitcast %shift_left3A_1666 : vector<16xi32> to vector<16xf32>
          %and3A_1668 = arith.constant -65536 : i32
          %and3A_1669 = vector.broadcast %and3A_1668 : i32 to vector<16xi32>
          %and3A_1670 = arith.andi %get3A_1663, %and3A_1669 : vector<16xi32>
          %bitcast3A_1671 = vector.bitcast %and3A_1670 : vector<16xi32> to vector<16xf32>
          %mul3A_1672 = arith.mulf %bitcast3A_1620, %bitcast3A_1651 : vector<16xf32>
          %add3A_1673 = arith.addf %add3A_1525, %mul3A_1672 : vector<16xf32>
          %mul3A_1674 = arith.mulf %bitcast3A_1624, %bitcast3A_1667 : vector<16xf32>
          %add3A_1675 = arith.addf %add3A_1527, %mul3A_1674 : vector<16xf32>
          %mul3A_1676 = arith.mulf %bitcast3A_1637, %bitcast3A_1655 : vector<16xf32>
          %add3A_1677 = arith.addf %add3A_1529, %mul3A_1676 : vector<16xf32>
          %mul3A_1678 = arith.mulf %bitcast3A_1641, %bitcast3A_1671 : vector<16xf32>
          %add3A_1679 = arith.addf %add3A_1531, %mul3A_1678 : vector<16xf32>
          scf.yield %add3A_1673, %add3A_1675, %add3A_1677, %add3A_1679, %add3A_1599, %add3A_1601, %add3A_1603, %add3A_1605 : vector<16xf32>, vector<16xf32>, vector<16xf32>, vector<16xf32>, vector<16xf32>, vector<16xf32>, vector<16xf32>, vector<16xf32>
        }
        %scan3A_231 = arith.constant 6 : i32
        %add3A_232 = arith.constant 0 : i32
        %add3A_233 = arith.addi %mul3A_225, %add3A_232 : i32
        %get3A = arith.index_cast %add3A_233 : i32 to index
        %get3A_234 = arith.constant 0 : index
        %get3A_235 = tpu.vector_load %arg9[%get3A, %get3A_234] {strides = array<i32>} : memref<104x208xi32, #tpu.memory_space<vmem>>, vector<16xi32>,
        %shift_left3A = arith.constant 16 : i32
        %shift_left3A_236 = vector.broadcast %shift_left3A : i32 to vector<16xi32>
        %shift_left3A_237 = arith.shli %get3A_235, %shift_left3A_236 : vector<16xi32>
        %bitcast3A = vector.bitcast %shift_left3A_237 : vector<16xi32> to vector<16xf32>
        %and3A_238 = arith.constant -65536 : i32
        %and3A_239 = vector.broadcast %and3A_238 : i32 to vector<16xi32>
        %and3A_240 = arith.andi %get3A_235, %and3A_239 : vector<16xi32>
        %bitcast3A_241 = vector.bitcast %and3A_240 : vector<16xi32> to vector<16xf32>
        %add3A_242 = arith.constant 0 : i32
        %add3A_243 = arith.addi %mul3A_225, %add3A_242 : i32
        %add3A_244 = arith.constant 1 : i32
        %add3A_245 = arith.addi %add3A_243, %add3A_244 : i32
        %get3A_246 = arith.index_cast %add3A_245 : i32 to index
        %get3A_247 = arith.constant 0 : index
        %get3A_248 = tpu.vector_load %arg9[%get3A_246, %get3A_247] {strides = array<i32>} : memref<104x208xi32, #tpu.memory_space<vmem>>, vector<16xi32>,
        %shift_left3A_249 = arith.constant 16 : i32
        %shift_left3A_250 = vector.broadcast %shift_left3A_249 : i32 to vector<16xi32>
        %shift_left3A_251 = arith.shli %get3A_248, %shift_left3A_250 : vector<16xi32>
        %bitcast3A_252 = vector.bitcast %shift_left3A_251 : vector<16xi32> to vector<16xf32>
        %and3A_253 = arith.constant -65536 : i32
        %and3A_254 = vector.broadcast %and3A_253 : i32 to vector<16xi32>
        %and3A_255 = arith.andi %get3A_248, %and3A_254 : vector<16xi32>
        %bitcast3A_256 = vector.bitcast %and3A_255 : vector<16xi32> to vector<16xf32>
        %mul3A_257 = arith.mulf %bitcast3A_241, %bitcast3A_252 : vector<16xf32>
        %add3A_258 = arith.addf %scan3A_230#0, %mul3A_257 : vector<16xf32>
        %add3A_259 = arith.constant 2 : i32
        %add3A_260 = arith.addi %mul3A_225, %add3A_259 : i32
        %get3A_261 = arith.index_cast %add3A_260 : i32 to index
        %get3A_262 = arith.constant 16 : index
        %get3A_263 = tpu.vector_load %arg9[%get3A_261, %get3A_262] {strides = array<i32>} : memref<104x208xi32, #tpu.memory_space<vmem>>, vector<16xi32>,
        %shift_left3A_264 = arith.constant 16 : i32
        %shift_left3A_265 = vector.broadcast %shift_left3A_264 : i32 to vector<16xi32>
        %shift_left3A_266 = arith.shli %get3A_263, %shift_left3A_265 : vector<16xi32>
        %bitcast3A_267 = vector.bitcast %shift_left3A_266 : vector<16xi32> to vector<16xf32>
        %and3A_268 = arith.constant -65536 : i32
        %and3A_269 = vector.broadcast %and3A_268 : i32 to vector<16xi32>
        %and3A_270 = arith.andi %get3A_263, %and3A_269 : vector<16xi32>
        %bitcast3A_271 = vector.bitcast %and3A_270 : vector<16xi32> to vector<16xf32>
        %add3A_272 = arith.constant 2 : i32
        %add3A_273 = arith.addi %mul3A_225, %add3A_272 : i32
        %add3A_274 = arith.constant 1 : i32
        %add3A_275 = arith.addi %add3A_273, %add3A_274 : i32
        %get3A_276 = arith.index_cast %add3A_275 : i32 to index
        %get3A_277 = arith.constant 16 : index
        %get3A_278 = tpu.vector_load %arg9[%get3A_276, %get3A_277] {strides = array<i32>} : memref<104x208xi32, #tpu.memory_space<vmem>>, vector<16xi32>,
        %shift_left3A_279 = arith.constant 16 : i32
        %shift_left3A_280 = vector.broadcast %shift_left3A_279 : i32 to vector<16xi32>
        %shift_left3A_281 = arith.shli %get3A_278, %shift_left3A_280 : vector<16xi32>
        %bitcast3A_282 = vector.bitcast %shift_left3A_281 : vector<16xi32> to vector<16xf32>
        %and3A_283 = arith.constant -65536 : i32
        %and3A_284 = vector.broadcast %and3A_283 : i32 to vector<16xi32>
        %and3A_285 = arith.andi %get3A_278, %and3A_284 : vector<16xi32>
        %bitcast3A_286 = vector.bitcast %and3A_285 : vector<16xi32> to vector<16xf32>
        %mul3A_287 = arith.mulf %bitcast3A_271, %bitcast3A_282 : vector<16xf32>
        %add3A_288 = arith.addf %scan3A_230#1, %mul3A_287 : vector<16xf32>
        %add3A_289 = arith.constant 4 : i32
        %add3A_290 = arith.addi %mul3A_225, %add3A_289 : i32
        %get3A_291 = arith.index_cast %add3A_290 : i32 to index
        %get3A_292 = arith.constant 32 : index
        %get3A_293 = tpu.vector_load %arg9[%get3A_291, %get3A_292] {strides = array<i32>} : memref<104x208xi32, #tpu.memory_space<vmem>>, vector<16xi32>,
        %shift_left3A_294 = arith.constant 16 : i32
        %shift_left3A_295 = vector.broadcast %shift_left3A_294 : i32 to vector<16xi32>
        %shift_left3A_296 = arith.shli %get3A_293, %shift_left3A_295 : vector<16xi32>
        %bitcast3A_297 = vector.bitcast %shift_left3A_296 : vector<16xi32> to vector<16xf32>
        %and3A_298 = arith.constant -65536 : i32
        %and3A_299 = vector.broadcast %and3A_298 : i32 to vector<16xi32>
        %and3A_300 = arith.andi %get3A_293, %and3A_299 : vector<16xi32>
        %bitcast3A_301 = vector.bitcast %and3A_300 : vector<16xi32> to vector<16xf32>
        %add3A_302 = arith.constant 4 : i32
        %add3A_303 = arith.addi %mul3A_225, %add3A_302 : i32
        %add3A_304 = arith.constant 1 : i32
        %add3A_305 = arith.addi %add3A_303, %add3A_304 : i32
        %get3A_306 = arith.index_cast %add3A_305 : i32 to index
        %get3A_307 = arith.constant 32 : index
        %get3A_308 = tpu.vector_load %arg9[%get3A_306, %get3A_307] {strides = array<i32>} : memref<104x208xi32, #tpu.memory_space<vmem>>, vector<16xi32>,
        %shift_left3A_309 = arith.constant 16 : i32
        %shift_left3A_310 = vector.broadcast %shift_left3A_309 : i32 to vector<16xi32>
        %shift_left3A_311 = arith.shli %get3A_308, %shift_left3A_310 : vector<16xi32>
        %bitcast3A_312 = vector.bitcast %shift_left3A_311 : vector<16xi32> to vector<16xf32>
        %and3A_313 = arith.constant -65536 : i32
        %and3A_314 = vector.broadcast %and3A_313 : i32 to vector<16xi32>
        %and3A_315 = arith.andi %get3A_308, %and3A_314 : vector<16xi32>
        %bitcast3A_316 = vector.bitcast %and3A_315 : vector<16xi32> to vector<16xf32>
        %mul3A_317 = arith.mulf %bitcast3A_301, %bitcast3A_312 : vector<16xf32>
        %add3A_318 = arith.addf %scan3A_230#2, %mul3A_317 : vector<16xf32>
        %add3A_319 = arith.constant 6 : i32
        %add3A_320 = arith.addi %mul3A_225, %add3A_319 : i32
        %get3A_321 = arith.index_cast %add3A_320 : i32 to index
        %get3A_322 = arith.constant 48 : index
        %get3A_323 = tpu.vector_load %arg9[%get3A_321, %get3A_322] {strides = array<i32>} : memref<104x208xi32, #tpu.memory_space<vmem>>, vector<16xi32>,
        %shift_left3A_324 = arith.constant 16 : i32
        %shift_left3A_325 = vector.broadcast %shift_left3A_324 : i32 to vector<16xi32>
        %shift_left3A_326 = arith.shli %get3A_323, %shift_left3A_325 : vector<16xi32>
        %bitcast3A_327 = vector.bitcast %shift_left3A_326 : vector<16xi32> to vector<16xf32>
        %and3A_328 = arith.constant -65536 : i32
        %and3A_329 = vector.broadcast %and3A_328 : i32 to vector<16xi32>
        %and3A_330 = arith.andi %get3A_323, %and3A_329 : vector<16xi32>
        %bitcast3A_331 = vector.bitcast %and3A_330 : vector<16xi32> to vector<16xf32>
        %add3A_332 = arith.constant 6 : i32
        %add3A_333 = arith.addi %mul3A_225, %add3A_332 : i32
        %add3A_334 = arith.constant 1 : i32
        %add3A_335 = arith.addi %add3A_333, %add3A_334 : i32
        %get3A_336 = arith.index_cast %add3A_335 : i32 to index
        %get3A_337 = arith.constant 48 : index
        %get3A_338 = tpu.vector_load %arg9[%get3A_336, %get3A_337] {strides = array<i32>} : memref<104x208xi32, #tpu.memory_space<vmem>>, vector<16xi32>,
        %shift_left3A_339 = arith.constant 16 : i32
        %shift_left3A_340 = vector.broadcast %shift_left3A_339 : i32 to vector<16xi32>
        %shift_left3A_341 = arith.shli %get3A_338, %shift_left3A_340 : vector<16xi32>
        %bitcast3A_342 = vector.bitcast %shift_left3A_341 : vector<16xi32> to vector<16xf32>
        %and3A_343 = arith.constant -65536 : i32
        %and3A_344 = vector.broadcast %and3A_343 : i32 to vector<16xi32>
        %and3A_345 = arith.andi %get3A_338, %and3A_344 : vector<16xi32>
        %bitcast3A_346 = vector.bitcast %and3A_345 : vector<16xi32> to vector<16xf32>
        %mul3A_347 = arith.mulf %bitcast3A_331, %bitcast3A_342 : vector<16xf32>
        %add3A_348 = arith.addf %scan3A_230#3, %mul3A_347 : vector<16xf32>
        %add3A_349 = arith.constant 8 : i32
        %add3A_350 = arith.addi %mul3A_225, %add3A_349 : i32
        %get3A_351 = arith.index_cast %add3A_350 : i32 to index
        %get3A_352 = arith.constant 64 : index
        %get3A_353 = tpu.vector_load %arg9[%get3A_351, %get3A_352] {strides = array<i32>} : memref<104x208xi32, #tpu.memory_space<vmem>>, vector<16xi32>,
        %shift_left3A_354 = arith.constant 16 : i32
        %shift_left3A_355 = vector.broadcast %shift_left3A_354 : i32 to vector<16xi32>
        %shift_left3A_356 = arith.shli %get3A_353, %shift_left3A_355 : vector<16xi32>
        %bitcast3A_357 = vector.bitcast %shift_left3A_356 : vector<16xi32> to vector<16xf32>
        %and3A_358 = arith.constant -65536 : i32
        %and3A_359 = vector.broadcast %and3A_358 : i32 to vector<16xi32>
        %and3A_360 = arith.andi %get3A_353, %and3A_359 : vector<16xi32>
        %bitcast3A_361 = vector.bitcast %and3A_360 : vector<16xi32> to vector<16xf32>
        %add3A_362 = arith.constant 8 : i32
        %add3A_363 = arith.addi %mul3A_225, %add3A_362 : i32
        %add3A_364 = arith.constant 1 : i32
        %add3A_365 = arith.addi %add3A_363, %add3A_364 : i32
        %get3A_366 = arith.index_cast %add3A_365 : i32 to index
        %get3A_367 = arith.constant 64 : index
        %get3A_368 = tpu.vector_load %arg9[%get3A_366, %get3A_367] {strides = array<i32>} : memref<104x208xi32, #tpu.memory_space<vmem>>, vector<16xi32>,
        %shift_left3A_369 = arith.constant 16 : i32
        %shift_left3A_370 = vector.broadcast %shift_left3A_369 : i32 to vector<16xi32>
        %shift_left3A_371 = arith.shli %get3A_368, %shift_left3A_370 : vector<16xi32>
        %bitcast3A_372 = vector.bitcast %shift_left3A_371 : vector<16xi32> to vector<16xf32>
        %and3A_373 = arith.constant -65536 : i32
        %and3A_374 = vector.broadcast %and3A_373 : i32 to vector<16xi32>
        %and3A_375 = arith.andi %get3A_368, %and3A_374 : vector<16xi32>
        %bitcast3A_376 = vector.bitcast %and3A_375 : vector<16xi32> to vector<16xf32>
        %mul3A_377 = arith.mulf %bitcast3A_361, %bitcast3A_372 : vector<16xf32>
        %add3A_378 = arith.addf %scan3A_230#4, %mul3A_377 : vector<16xf32>
        %add3A_379 = arith.constant 10 : i32
        %add3A_380 = arith.addi %mul3A_225, %add3A_379 : i32
        %get3A_381 = arith.index_cast %add3A_380 : i32 to index
        %get3A_382 = arith.constant 80 : index
        %get3A_383 = tpu.vector_load %arg9[%get3A_381, %get3A_382] {strides = array<i32>} : memref<104x208xi32, #tpu.memory_space<vmem>>, vector<16xi32>,
        %shift_left3A_384 = arith.constant 16 : i32
        %shift_left3A_385 = vector.broadcast %shift_left3A_384 : i32 to vector<16xi32>
        %shift_left3A_386 = arith.shli %get3A_383, %shift_left3A_385 : vector<16xi32>
        %bitcast3A_387 = vector.bitcast %shift_left3A_386 : vector<16xi32> to vector<16xf32>
        %and3A_388 = arith.constant -65536 : i32
        %and3A_389 = vector.broadcast %and3A_388 : i32 to vector<16xi32>
        %and3A_390 = arith.andi %get3A_383, %and3A_389 : vector<16xi32>
        %bitcast3A_391 = vector.bitcast %and3A_390 : vector<16xi32> to vector<16xf32>
        %add3A_392 = arith.constant 10 : i32
        %add3A_393 = arith.addi %mul3A_225, %add3A_392 : i32
        %add3A_394 = arith.constant 1 : i32
        %add3A_395 = arith.addi %add3A_393, %add3A_394 : i32
        %get3A_396 = arith.index_cast %add3A_395 : i32 to index
        %get3A_397 = arith.constant 80 : index
        %get3A_398 = tpu.vector_load %arg9[%get3A_396, %get3A_397] {strides = array<i32>} : memref<104x208xi32, #tpu.memory_space<vmem>>, vector<16xi32>,
        %shift_left3A_399 = arith.constant 16 : i32
        %shift_left3A_400 = vector.broadcast %shift_left3A_399 : i32 to vector<16xi32>
        %shift_left3A_401 = arith.shli %get3A_398, %shift_left3A_400 : vector<16xi32>
        %bitcast3A_402 = vector.bitcast %shift_left3A_401 : vector<16xi32> to vector<16xf32>
        %and3A_403 = arith.constant -65536 : i32
        %and3A_404 = vector.broadcast %and3A_403 : i32 to vector<16xi32>
        %and3A_405 = arith.andi %get3A_398, %and3A_404 : vector<16xi32>
        %bitcast3A_406 = vector.bitcast %and3A_405 : vector<16xi32> to vector<16xf32>
        %mul3A_407 = arith.mulf %bitcast3A_391, %bitcast3A_402 : vector<16xf32>
        %add3A_408 = arith.addf %scan3A_230#5, %mul3A_407 : vector<16xf32>
        %add3A_409 = arith.constant 12 : i32
        %add3A_410 = arith.addi %mul3A_225, %add3A_409 : i32
        %get3A_411 = arith.index_cast %add3A_410 : i32 to index
        %get3A_412 = arith.constant 96 : index
        %get3A_413 = tpu.vector_load %arg9[%get3A_411, %get3A_412] {strides = array<i32>} : memref<104x208xi32, #tpu.memory_space<vmem>>, vector<16xi32>,
        %shift_left3A_414 = arith.constant 16 : i32
        %shift_left3A_415 = vector.broadcast %shift_left3A_414 : i32 to vector<16xi32>
        %shift_left3A_416 = arith.shli %get3A_413, %shift_left3A_415 : vector<16xi32>
        %bitcast3A_417 = vector.bitcast %shift_left3A_416 : vector<16xi32> to vector<16xf32>
        %and3A_418 = arith.constant -65536 : i32
        %and3A_419 = vector.broadcast %and3A_418 : i32 to vector<16xi32>
        %and3A_420 = arith.andi %get3A_413, %and3A_419 : vector<16xi32>
        %bitcast3A_421 = vector.bitcast %and3A_420 : vector<16xi32> to vector<16xf32>
        %add3A_422 = arith.constant 12 : i32
        %add3A_423 = arith.addi %mul3A_225, %add3A_422 : i32
        %add3A_424 = arith.constant 1 : i32
        %add3A_425 = arith.addi %add3A_423, %add3A_424 : i32
        %get3A_426 = arith.index_cast %add3A_425 : i32 to index
        %get3A_427 = arith.constant 96 : index
        %get3A_428 = tpu.vector_load %arg9[%get3A_426, %get3A_427] {strides = array<i32>} : memref<104x208xi32, #tpu.memory_space<vmem>>, vector<16xi32>,
        %shift_left3A_429 = arith.constant 16 : i32
        %shift_left3A_430 = vector.broadcast %shift_left3A_429 : i32 to vector<16xi32>
        %shift_left3A_431 = arith.shli %get3A_428, %shift_left3A_430 : vector<16xi32>
        %bitcast3A_432 = vector.bitcast %shift_left3A_431 : vector<16xi32> to vector<16xf32>
        %and3A_433 = arith.constant -65536 : i32
        %and3A_434 = vector.broadcast %and3A_433 : i32 to vector<16xi32>
        %and3A_435 = arith.andi %get3A_428, %and3A_434 : vector<16xi32>
        %bitcast3A_436 = vector.bitcast %and3A_435 : vector<16xi32> to vector<16xf32>
        %mul3A_437 = arith.mulf %bitcast3A_421, %bitcast3A_432 : vector<16xf32>
        %add3A_438 = arith.addf %scan3A_230#6, %mul3A_437 : vector<16xf32>
        %add3A_439 = arith.constant 14 : i32
        %add3A_440 = arith.addi %mul3A_225, %add3A_439 : i32
        %get3A_441 = arith.index_cast %add3A_440 : i32 to index
        %get3A_442 = arith.constant 112 : index
        %get3A_443 = tpu.vector_load %arg9[%get3A_441, %get3A_442] {strides = array<i32>} : memref<104x208xi32, #tpu.memory_space<vmem>>, vector<16xi32>,
        %shift_left3A_444 = arith.constant 16 : i32
        %shift_left3A_445 = vector.broadcast %shift_left3A_444 : i32 to vector<16xi32>
        %shift_left3A_446 = arith.shli %get3A_443, %shift_left3A_445 : vector<16xi32>
        %bitcast3A_447 = vector.bitcast %shift_left3A_446 : vector<16xi32> to vector<16xf32>
        %and3A_448 = arith.constant -65536 : i32
        %and3A_449 = vector.broadcast %and3A_448 : i32 to vector<16xi32>
        %and3A_450 = arith.andi %get3A_443, %and3A_449 : vector<16xi32>
        %bitcast3A_451 = vector.bitcast %and3A_450 : vector<16xi32> to vector<16xf32>
        %add3A_452 = arith.constant 14 : i32
        %add3A_453 = arith.addi %mul3A_225, %add3A_452 : i32
        %add3A_454 = arith.constant 1 : i32
        %add3A_455 = arith.addi %add3A_453, %add3A_454 : i32
        %get3A_456 = arith.index_cast %add3A_455 : i32 to index
        %get3A_457 = arith.constant 112 : index
        %get3A_458 = tpu.vector_load %arg9[%get3A_456, %get3A_457] {strides = array<i32>} : memref<104x208xi32, #tpu.memory_space<vmem>>, vector<16xi32>,
        %shift_left3A_459 = arith.constant 16 : i32
        %shift_left3A_460 = vector.broadcast %shift_left3A_459 : i32 to vector<16xi32>
        %shift_left3A_461 = arith.shli %get3A_458, %shift_left3A_460 : vector<16xi32>
        %bitcast3A_462 = vector.bitcast %shift_left3A_461 : vector<16xi32> to vector<16xf32>
        %and3A_463 = arith.constant -65536 : i32
        %and3A_464 = vector.broadcast %and3A_463 : i32 to vector<16xi32>
        %and3A_465 = arith.andi %get3A_458, %and3A_464 : vector<16xi32>
        %bitcast3A_466 = vector.bitcast %and3A_465 : vector<16xi32> to vector<16xf32>
        %mul3A_467 = arith.mulf %bitcast3A_451, %bitcast3A_462 : vector<16xf32>
        %add3A_468 = arith.addf %scan3A_230#7, %mul3A_467 : vector<16xf32>
        %add3A_469 = arith.constant 16 : i32
        %add3A_470 = arith.addi %mul3A_225, %add3A_469 : i32
        %get3A_471 = arith.index_cast %add3A_470 : i32 to index
        %get3A_472 = arith.constant 128 : index
        %get3A_473 = tpu.vector_load %arg9[%get3A_471, %get3A_472] {strides = array<i32>} : memref<104x208xi32, #tpu.memory_space<vmem>>, vector<16xi32>,
        %shift_left3A_474 = arith.constant 16 : i32
        %shift_left3A_475 = vector.broadcast %shift_left3A_474 : i32 to vector<16xi32>
        %shift_left3A_476 = arith.shli %get3A_473, %shift_left3A_475 : vector<16xi32>
        %bitcast3A_477 = vector.bitcast %shift_left3A_476 : vector<16xi32> to vector<16xf32>
        %and3A_478 = arith.constant -65536 : i32
        %and3A_479 = vector.broadcast %and3A_478 : i32 to vector<16xi32>
        %and3A_480 = arith.andi %get3A_473, %and3A_479 : vector<16xi32>
        %bitcast3A_481 = vector.bitcast %and3A_480 : vector<16xi32> to vector<16xf32>
        %add3A_482 = arith.constant 16 : i32
        %add3A_483 = arith.addi %mul3A_225, %add3A_482 : i32
        %add3A_484 = arith.constant 1 : i32
        %add3A_485 = arith.addi %add3A_483, %add3A_484 : i32
        %get3A_486 = arith.index_cast %add3A_485 : i32 to index
        %get3A_487 = arith.constant 128 : index
        %get3A_488 = tpu.vector_load %arg9[%get3A_486, %get3A_487] {strides = array<i32>} : memref<104x208xi32, #tpu.memory_space<vmem>>, vector<16xi32>,
        %shift_left3A_489 = arith.constant 16 : i32
        %shift_left3A_490 = vector.broadcast %shift_left3A_489 : i32 to vector<16xi32>
        %shift_left3A_491 = arith.shli %get3A_488, %shift_left3A_490 : vector<16xi32>
        %bitcast3A_492 = vector.bitcast %shift_left3A_491 : vector<16xi32> to vector<16xf32>
        %and3A_493 = arith.constant -65536 : i32
        %and3A_494 = vector.broadcast %and3A_493 : i32 to vector<16xi32>
        %and3A_495 = arith.andi %get3A_488, %and3A_494 : vector<16xi32>
        %bitcast3A_496 = vector.bitcast %and3A_495 : vector<16xi32> to vector<16xf32>
        %mul3A_497 = arith.mulf %bitcast3A_481, %bitcast3A_492 : vector<16xf32>
        %add3A_498 = arith.addf %add3A_258, %mul3A_497 : vector<16xf32>
        %add3A_499 = arith.constant 18 : i32
        %add3A_500 = arith.addi %mul3A_225, %add3A_499 : i32
        %get3A_501 = arith.index_cast %add3A_500 : i32 to index
        %get3A_502 = arith.constant 144 : index
        %get3A_503 = tpu.vector_load %arg9[%get3A_501, %get3A_502] {strides = array<i32>} : memref<104x208xi32, #tpu.memory_space<vmem>>, vector<16xi32>,
        %shift_left3A_504 = arith.constant 16 : i32
        %shift_left3A_505 = vector.broadcast %shift_left3A_504 : i32 to vector<16xi32>
        %shift_left3A_506 = arith.shli %get3A_503, %shift_left3A_505 : vector<16xi32>
        %bitcast3A_507 = vector.bitcast %shift_left3A_506 : vector<16xi32> to vector<16xf32>
        %and3A_508 = arith.constant -65536 : i32
        %and3A_509 = vector.broadcast %and3A_508 : i32 to vector<16xi32>
        %and3A_510 = arith.andi %get3A_503, %and3A_509 : vector<16xi32>
        %bitcast3A_511 = vector.bitcast %and3A_510 : vector<16xi32> to vector<16xf32>
        %add3A_512 = arith.constant 18 : i32
        %add3A_513 = arith.addi %mul3A_225, %add3A_512 : i32
        %add3A_514 = arith.constant 1 : i32
        %add3A_515 = arith.addi %add3A_513, %add3A_514 : i32
        %get3A_516 = arith.index_cast %add3A_515 : i32 to index
        %get3A_517 = arith.constant 144 : index
        %get3A_518 = tpu.vector_load %arg9[%get3A_516, %get3A_517] {strides = array<i32>} : memref<104x208xi32, #tpu.memory_space<vmem>>, vector<16xi32>,
        %shift_left3A_519 = arith.constant 16 : i32
        %shift_left3A_520 = vector.broadcast %shift_left3A_519 : i32 to vector<16xi32>
        %shift_left3A_521 = arith.shli %get3A_518, %shift_left3A_520 : vector<16xi32>
        %bitcast3A_522 = vector.bitcast %shift_left3A_521 : vector<16xi32> to vector<16xf32>
        %and3A_523 = arith.constant -65536 : i32
        %and3A_524 = vector.broadcast %and3A_523 : i32 to vector<16xi32>
        %and3A_525 = arith.andi %get3A_518, %and3A_524 : vector<16xi32>
        %bitcast3A_526 = vector.bitcast %and3A_525 : vector<16xi32> to vector<16xf32>
        %mul3A_527 = arith.mulf %bitcast3A_511, %bitcast3A_522 : vector<16xf32>
        %add3A_528 = arith.addf %add3A_288, %mul3A_527 : vector<16xf32>
        %add3A_529 = arith.constant 20 : i32
        %add3A_530 = arith.addi %mul3A_225, %add3A_529 : i32
        %get3A_531 = arith.index_cast %add3A_530 : i32 to index
        %get3A_532 = arith.constant 160 : index
        %get3A_533 = tpu.vector_load %arg9[%get3A_531, %get3A_532] {strides = array<i32>} : memref<104x208xi32, #tpu.memory_space<vmem>>, vector<16xi32>,
        %shift_left3A_534 = arith.constant 16 : i32
        %shift_left3A_535 = vector.broadcast %shift_left3A_534 : i32 to vector<16xi32>
        %shift_left3A_536 = arith.shli %get3A_533, %shift_left3A_535 : vector<16xi32>
        %bitcast3A_537 = vector.bitcast %shift_left3A_536 : vector<16xi32> to vector<16xf32>
        %and3A_538 = arith.constant -65536 : i32
        %and3A_539 = vector.broadcast %and3A_538 : i32 to vector<16xi32>
        %and3A_540 = arith.andi %get3A_533, %and3A_539 : vector<16xi32>
        %bitcast3A_541 = vector.bitcast %and3A_540 : vector<16xi32> to vector<16xf32>
        %add3A_542 = arith.constant 20 : i32
        %add3A_543 = arith.addi %mul3A_225, %add3A_542 : i32
        %add3A_544 = arith.constant 1 : i32
        %add3A_545 = arith.addi %add3A_543, %add3A_544 : i32
        %get3A_546 = arith.index_cast %add3A_545 : i32 to index
        %get3A_547 = arith.constant 160 : index
        %get3A_548 = tpu.vector_load %arg9[%get3A_546, %get3A_547] {strides = array<i32>} : memref<104x208xi32, #tpu.memory_space<vmem>>, vector<16xi32>,
        %shift_left3A_549 = arith.constant 16 : i32
        %shift_left3A_550 = vector.broadcast %shift_left3A_549 : i32 to vector<16xi32>
        %shift_left3A_551 = arith.shli %get3A_548, %shift_left3A_550 : vector<16xi32>
        %bitcast3A_552 = vector.bitcast %shift_left3A_551 : vector<16xi32> to vector<16xf32>
        %and3A_553 = arith.constant -65536 : i32
        %and3A_554 = vector.broadcast %and3A_553 : i32 to vector<16xi32>
        %and3A_555 = arith.andi %get3A_548, %and3A_554 : vector<16xi32>
        %bitcast3A_556 = vector.bitcast %and3A_555 : vector<16xi32> to vector<16xf32>
        %mul3A_557 = arith.mulf %bitcast3A_541, %bitcast3A_552 : vector<16xf32>
        %add3A_558 = arith.addf %add3A_318, %mul3A_557 : vector<16xf32>
        %add3A_559 = arith.constant 22 : i32
        %add3A_560 = arith.addi %mul3A_225, %add3A_559 : i32
        %get3A_561 = arith.index_cast %add3A_560 : i32 to index
        %get3A_562 = arith.constant 176 : index
        %get3A_563 = tpu.vector_load %arg9[%get3A_561, %get3A_562] {strides = array<i32>} : memref<104x208xi32, #tpu.memory_space<vmem>>, vector<16xi32>,
        %shift_left3A_564 = arith.constant 16 : i32
        %shift_left3A_565 = vector.broadcast %shift_left3A_564 : i32 to vector<16xi32>
        %shift_left3A_566 = arith.shli %get3A_563, %shift_left3A_565 : vector<16xi32>
        %bitcast3A_567 = vector.bitcast %shift_left3A_566 : vector<16xi32> to vector<16xf32>
        %and3A_568 = arith.constant -65536 : i32
        %and3A_569 = vector.broadcast %and3A_568 : i32 to vector<16xi32>
        %and3A_570 = arith.andi %get3A_563, %and3A_569 : vector<16xi32>
        %bitcast3A_571 = vector.bitcast %and3A_570 : vector<16xi32> to vector<16xf32>
        %add3A_572 = arith.constant 22 : i32
        %add3A_573 = arith.addi %mul3A_225, %add3A_572 : i32
        %add3A_574 = arith.constant 1 : i32
        %add3A_575 = arith.addi %add3A_573, %add3A_574 : i32
        %get3A_576 = arith.index_cast %add3A_575 : i32 to index
        %get3A_577 = arith.constant 176 : index
        %get3A_578 = tpu.vector_load %arg9[%get3A_576, %get3A_577] {strides = array<i32>} : memref<104x208xi32, #tpu.memory_space<vmem>>, vector<16xi32>,
        %shift_left3A_579 = arith.constant 16 : i32
        %shift_left3A_580 = vector.broadcast %shift_left3A_579 : i32 to vector<16xi32>
        %shift_left3A_581 = arith.shli %get3A_578, %shift_left3A_580 : vector<16xi32>
        %bitcast3A_582 = vector.bitcast %shift_left3A_581 : vector<16xi32> to vector<16xf32>
        %and3A_583 = arith.constant -65536 : i32
        %and3A_584 = vector.broadcast %and3A_583 : i32 to vector<16xi32>
        %and3A_585 = arith.andi %get3A_578, %and3A_584 : vector<16xi32>
        %bitcast3A_586 = vector.bitcast %and3A_585 : vector<16xi32> to vector<16xf32>
        %mul3A_587 = arith.mulf %bitcast3A_571, %bitcast3A_582 : vector<16xf32>
        %add3A_588 = arith.addf %add3A_348, %mul3A_587 : vector<16xf32>
        %add3A_589 = arith.constant 24 : i32
        %add3A_590 = arith.addi %mul3A_225, %add3A_589 : i32
        %get3A_591 = arith.index_cast %add3A_590 : i32 to index
        %get3A_592 = arith.constant 192 : index
        %get3A_593 = tpu.vector_load %arg9[%get3A_591, %get3A_592] {strides = array<i32>} : memref<104x208xi32, #tpu.memory_space<vmem>>, vector<16xi32>,
        %shift_left3A_594 = arith.constant 16 : i32
        %shift_left3A_595 = vector.broadcast %shift_left3A_594 : i32 to vector<16xi32>
        %shift_left3A_596 = arith.shli %get3A_593, %shift_left3A_595 : vector<16xi32>
        %bitcast3A_597 = vector.bitcast %shift_left3A_596 : vector<16xi32> to vector<16xf32>
        %and3A_598 = arith.constant -65536 : i32
        %and3A_599 = vector.broadcast %and3A_598 : i32 to vector<16xi32>
        %and3A_600 = arith.andi %get3A_593, %and3A_599 : vector<16xi32>
        %bitcast3A_601 = vector.bitcast %and3A_600 : vector<16xi32> to vector<16xf32>
        %add3A_602 = arith.constant 24 : i32
        %add3A_603 = arith.addi %mul3A_225, %add3A_602 : i32
        %add3A_604 = arith.constant 1 : i32
        %add3A_605 = arith.addi %add3A_603, %add3A_604 : i32
        %get3A_606 = arith.index_cast %add3A_605 : i32 to index
        %get3A_607 = arith.constant 192 : index
        %get3A_608 = tpu.vector_load %arg9[%get3A_606, %get3A_607] {strides = array<i32>} : memref<104x208xi32, #tpu.memory_space<vmem>>, vector<16xi32>,
        %shift_left3A_609 = arith.constant 16 : i32
        %shift_left3A_610 = vector.broadcast %shift_left3A_609 : i32 to vector<16xi32>
        %shift_left3A_611 = arith.shli %get3A_608, %shift_left3A_610 : vector<16xi32>
        %bitcast3A_612 = vector.bitcast %shift_left3A_611 : vector<16xi32> to vector<16xf32>
        %and3A_613 = arith.constant -65536 : i32
        %and3A_614 = vector.broadcast %and3A_613 : i32 to vector<16xi32>
        %and3A_615 = arith.andi %get3A_608, %and3A_614 : vector<16xi32>
        %bitcast3A_616 = vector.bitcast %and3A_615 : vector<16xi32> to vector<16xf32>
        %mul3A_617 = arith.mulf %bitcast3A_601, %bitcast3A_612 : vector<16xf32>
        %add3A_618 = arith.addf %add3A_378, %mul3A_617 : vector<16xf32>
        %mul3A_619 = arith.constant 4 : i32
        %mul3A_620 = arith.muli %add3A_83, %mul3A_619 : i32
        %add3A_621 = arith.addi %mul3A_620, %scan3A_222 : i32
        %mul3A_622 = arith.constant 32 : i32
        %mul3A_623 = arith.muli %add3A_621, %mul3A_622 : i32
        %get3A_624 = arith.index_cast %mul3A_623 : i32 to index
        %get3A_625 = tpu.vector_load %arg6[%get3A_624] {strides = array<i32>} : memref<4096xi32, #tpu.memory_space<vmem>>, vector<16xi32>,
        %mul3A_626 = arith.constant 1001 : i32
        %mul3A_627 = vector.broadcast %mul3A_626 : i32 to vector<16xi32>
        %mul3A_628 = arith.muli %mul3A_627, %iota3A : vector<16xi32>
        %sub3A = arith.subi %get3A_625, %mul3A_628 : vector<16xi32>
        %convert_element_type3A_629 = arith.sitofp %sub3A : vector<16xi32> to vector<16xf32>
        %add3A_630 = arith.constant 16 : i32
        %add3A_631 = arith.addi %mul3A_623, %add3A_630 : i32
        %get3A_632 = arith.index_cast %add3A_631 : i32 to index
        %get3A_633 = tpu.vector_load %arg6[%get3A_632] {strides = array<i32>} : memref<4096xi32, #tpu.memory_space<vmem>>, vector<16xi32>,
        %add3A_634 = arith.constant 16 : i32
        %add3A_635 = vector.broadcast %add3A_634 : i32 to vector<16xi32>
        %add3A_636 = arith.addi %add3A_635, %iota3A : vector<16xi32>
        %mul3A_637 = arith.constant 1001 : i32
        %mul3A_638 = vector.broadcast %mul3A_637 : i32 to vector<16xi32>
        %mul3A_639 = arith.muli %mul3A_638, %add3A_636 : vector<16xi32>
        %sub3A_640 = arith.subi %get3A_633, %mul3A_639 : vector<16xi32>
        %convert_element_type3A_641 = arith.sitofp %sub3A_640 : vector<16xi32> to vector<16xf32>
        %get3A_642 = arith.constant 0 : index
        %get3A_643 = tpu.vector_load %arg7[%get3A_642] {strides = array<i32>} : memref<128xf32, #tpu.memory_space<vmem>>, vector<16xf32>,
        %mul3A_644 = arith.mulf %convert_element_type3A_629, %get3A_643 : vector<16xf32>
        %get3A_645 = arith.constant 16 : index
        %get3A_646 = tpu.vector_load %arg7[%get3A_645] {strides = array<i32>} : memref<128xf32, #tpu.memory_space<vmem>>, vector<16xf32>,
        %mul3A_647 = arith.mulf %convert_element_type3A_641, %get3A_646 : vector<16xf32>
        %add3A_648 = arith.addf %mul3A_644, %mul3A_647 : vector<16xf32>
        %add3A_649 = arith.addf %add3A_648, %add3A_498 : vector<16xf32>
        %add3A_650 = arith.addf %add3A_649, %add3A_528 : vector<16xf32>
        %add3A_651 = arith.addf %add3A_650, %add3A_558 : vector<16xf32>
        %add3A_652 = arith.addf %add3A_651, %add3A_588 : vector<16xf32>
        %add3A_653 = arith.addf %add3A_652, %add3A_618 : vector<16xf32>
        %add3A_654 = arith.addf %add3A_653, %add3A_408 : vector<16xf32>
        %add3A_655 = arith.addf %add3A_654, %add3A_438 : vector<16xf32>
        %add3A_656 = arith.addf %add3A_655, %add3A_468 : vector<16xf32>
        %iota3A_657 = tpu.iota {dimensions = array<i32: 0>} : vector<16xi32>
        %xor3A = arith.constant 8 : i32
        %xor3A_658 = vector.broadcast %xor3A : i32 to vector<16xi32>
        %xor3A_659 = arith.xori %iota3A_657, %xor3A_658 : vector<16xi32>
        %broadcast_in_dim3A_660 = vector.shape_cast %xor3A_659 : vector<16xi32> to vector<16x1xi32>
        %gather3A = vector.shape_cast %broadcast_in_dim3A_660 : vector<16x1xi32> to vector<16xi32>
        %gather3A_661 = tpu.dynamic_gather %add3A_656[%gather3A] in [0] : vector<16xf32>, vector<16xi32> -> vector<16xf32>
        %add3A_662 = arith.addf %add3A_656, %gather3A_661 : vector<16xf32>
        %iota3A_663 = tpu.iota {dimensions = array<i32: 0>} : vector<16xi32>
        %xor3A_664 = arith.constant 4 : i32
        %xor3A_665 = vector.broadcast %xor3A_664 : i32 to vector<16xi32>
        %xor3A_666 = arith.xori %iota3A_663, %xor3A_665 : vector<16xi32>
        %broadcast_in_dim3A_667 = vector.shape_cast %xor3A_666 : vector<16xi32> to vector<16x1xi32>
        %gather3A_668 = vector.shape_cast %broadcast_in_dim3A_667 : vector<16x1xi32> to vector<16xi32>
        %gather3A_669 = tpu.dynamic_gather %add3A_662[%gather3A_668] in [0] : vector<16xf32>, vector<16xi32> -> vector<16xf32>
        %add3A_670 = arith.addf %add3A_662, %gather3A_669 : vector<16xf32>
        %iota3A_671 = tpu.iota {dimensions = array<i32: 0>} : vector<16xi32>
        %xor3A_672 = arith.constant 2 : i32
        %xor3A_673 = vector.broadcast %xor3A_672 : i32 to vector<16xi32>
        %xor3A_674 = arith.xori %iota3A_671, %xor3A_673 : vector<16xi32>
        %broadcast_in_dim3A_675 = vector.shape_cast %xor3A_674 : vector<16xi32> to vector<16x1xi32>
        %gather3A_676 = vector.shape_cast %broadcast_in_dim3A_675 : vector<16x1xi32> to vector<16xi32>
        %gather3A_677 = tpu.dynamic_gather %add3A_670[%gather3A_676] in [0] : vector<16xf32>, vector<16xi32> -> vector<16xf32>
        %add3A_678 = arith.addf %add3A_670, %gather3A_677 : vector<16xf32>
        %iota3A_679 = tpu.iota {dimensions = array<i32: 0>} : vector<16xi32>
        %xor3A_680 = arith.constant 1 : i32
        %xor3A_681 = vector.broadcast %xor3A_680 : i32 to vector<16xi32>
        %xor3A_682 = arith.xori %iota3A_679, %xor3A_681 : vector<16xi32>
        %broadcast_in_dim3A_683 = vector.shape_cast %xor3A_682 : vector<16xi32> to vector<16x1xi32>
        %gather3A_684 = vector.shape_cast %broadcast_in_dim3A_683 : vector<16x1xi32> to vector<16xi32>
        %gather3A_685 = tpu.dynamic_gather %add3A_678[%gather3A_684] in [0] : vector<16xf32>, vector<16xi32> -> vector<16xf32>
        %add3A_686 = arith.addf %add3A_678, %gather3A_685 : vector<16xf32>
        %mul3A_687 = arith.constant 4 : i32
        %mul3A_688 = arith.muli %add3A_83, %mul3A_687 : i32
        %add3A_689 = arith.addi %mul3A_688, %scan3A_222 : i32
        %jit3A_690 = arith.constant 16 : i32
        %eq3A_691 = arith.constant 0 : i32
        %eq3A_692 = arith.cmpi eq, %jit3A_690, %eq3A_691 : i32
        %jit3A_693 = arith.constant 1 : i32
        %select_n3A_694 = arith.select %eq3A_692, %jit3A_693, %jit3A_690 : i32
        %rem3A_695 = arith.remsi %add3A_689, %select_n3A_694 : i32
        %ne3A_696 = arith.constant 0 : i32
        %ne3A_697 = arith.cmpi ne, %rem3A_695, %ne3A_696 : i32
        %lt3A_698 = arith.constant 0 : i32
        %lt3A_699 = arith.cmpi slt, %rem3A_695, %lt3A_698 : i32
        %lt3A_700 = arith.constant 0 : i32
        %lt3A_701 = arith.cmpi slt, %select_n3A_694, %lt3A_700 : i32
        %ne3A_702 = arith.xori %lt3A_699, %lt3A_701 : i1
        %and3A_703 = arith.andi %ne3A_702, %ne3A_697 : i1
        %add3A_704 = arith.addi %rem3A_695, %select_n3A_694 : i32
        %select_n3A_705 = arith.select %and3A_703, %add3A_704, %rem3A_695 : i32
        %eq3A_706 = vector.broadcast %select_n3A_705 : i32 to vector<16xi32>
        %eq3A_707 = arith.cmpi eq, %iota3A, %eq3A_706 : vector<16xi32>
        %select_n3A_708 = arith.select %eq3A_707, %add3A_686, %scan3A_223 : vector<16xi1>, vector<16xf32>
        scf.yield %select_n3A_708 : vector<16xf32>
      }
      %scan3A_200 = arith.constant 4 : i32
      %lt3A_201 = arith.constant 15 : i32
      %lt3A_202 = arith.cmpi slt, %scan3A_76, %lt3A_201 : i32
      %convert_element_type3A_203 = arith.extui %lt3A_202 : i1 to i32
      %cond3A_204 = arith.constant 0 : i32
      %cond3A_205 = arith.cmpi ne, %convert_element_type3A_203, %cond3A_204 : i32
      scf.if %cond3A_205 {
        %add3A_222 = arith.constant 2 : i32
        %add3A_223 = arith.addi %add3A_83, %add3A_222 : i32
        %mul3A_224 = arith.constant 4 : i32
        %mul3A_225 = arith.muli %add3A_223, %mul3A_224 : i32
        %add3A_226 = arith.constant 0 : i32
        %add3A_227 = arith.addi %mul3A_225, %add3A_226 : i32
        %mul3A_228 = arith.constant 32 : i32
        %mul3A_229 = arith.muli %add3A_227, %mul3A_228 : i32
        %dma_start3A_230 = arith.constant 0 : i32
        %dma_start3A_231 = arith.constant 0 : i32
        %dma_start3A_232 = tpu.memref_slice %arg9[%dma_start3A_230, %dma_start3A_231] : memref<104x208xi32, #tpu.memory_space<vmem>> -> memref<26x208xi32, #tpu.memory_space<vmem>>
        %dma_start3A_233 = tpu.memref_slice %arg6[%mul3A_229] : memref<4096xi32, #tpu.memory_space<vmem>> -> memref<26xi32, #tpu.memory_space<vmem>>
        %dma_start3A_234 = arith.constant 0 : i32
        %dma_start3A_235 = arith.constant 0 : i32
        %dma_start3A_236 = tpu.memref_slice %arg2[%dma_start3A_234, %dma_start3A_235] : memref<26026x208xi32, #tpu.memory_space<hbm>> -> memref<26026x208xi32, #tpu.memory_space<hbm>>
        tpu.enqueue_indirect_dma source(%dma_start3A_236 : memref<26026x208xi32, #tpu.memory_space<hbm>>) target(%dma_start3A_232 : memref<26x208xi32, #tpu.memory_space<vmem>>) offsets(%dma_start3A_233 : memref<26xi32, #tpu.memory_space<vmem>>) semaphore(%arg12 : memref<!tpu.dma_semaphore, #tpu.memory_space<semaphore_mem>>)
        %mul3A_237 = arith.constant 4 : i32
        %mul3A_238 = arith.muli %add3A_223, %mul3A_237 : i32
        %add3A_239 = arith.constant 1 : i32
        %add3A_240 = arith.addi %mul3A_238, %add3A_239 : i32
        %mul3A_241 = arith.constant 32 : i32
        %mul3A_242 = arith.muli %add3A_240, %mul3A_241 : i32
        %dma_start3A_243 = arith.constant 26 : i32
        %dma_start3A_244 = arith.constant 0 : i32
        %dma_start3A_245 = tpu.memref_slice %arg9[%dma_start3A_243, %dma_start3A_244] : memref<104x208xi32, #tpu.memory_space<vmem>> -> memref<26x208xi32, #tpu.memory_space<vmem>>
        %dma_start3A_246 = tpu.memref_slice %arg6[%mul3A_242] : memref<4096xi32, #tpu.memory_space<vmem>> -> memref<26xi32, #tpu.memory_space<vmem>>
        %dma_start3A_247 = arith.constant 0 : i32
        %dma_start3A_248 = arith.constant 0 : i32
        %dma_start3A_249 = tpu.memref_slice %arg2[%dma_start3A_247, %dma_start3A_248] : memref<26026x208xi32, #tpu.memory_space<hbm>> -> memref<26026x208xi32, #tpu.memory_space<hbm>>
        tpu.enqueue_indirect_dma source(%dma_start3A_249 : memref<26026x208xi32, #tpu.memory_space<hbm>>) target(%dma_start3A_245 : memref<26x208xi32, #tpu.memory_space<vmem>>) offsets(%dma_start3A_246 : memref<26xi32, #tpu.memory_space<vmem>>) semaphore(%arg12 : memref<!tpu.dma_semaphore, #tpu.memory_space<semaphore_mem>>)
        %mul3A_250 = arith.constant 4 : i32
        %mul3A_251 = arith.muli %add3A_223, %mul3A_250 : i32
        %add3A_252 = arith.constant 2 : i32
        %add3A_253 = arith.addi %mul3A_251, %add3A_252 : i32
        %mul3A_254 = arith.constant 32 : i32
        %mul3A_255 = arith.muli %add3A_253, %mul3A_254 : i32
        %dma_start3A_256 = arith.constant 52 : i32
        %dma_start3A_257 = arith.constant 0 : i32
        %dma_start3A_258 = tpu.memref_slice %arg9[%dma_start3A_256, %dma_start3A_257] : memref<104x208xi32, #tpu.memory_space<vmem>> -> memref<26x208xi32, #tpu.memory_space<vmem>>
        %dma_start3A_259 = tpu.memref_slice %arg6[%mul3A_255] : memref<4096xi32, #tpu.memory_space<vmem>> -> memref<26xi32, #tpu.memory_space<vmem>>
        %dma_start3A_260 = arith.constant 0 : i32
        %dma_start3A_261 = arith.constant 0 : i32
        %dma_start3A_262 = tpu.memref_slice %arg2[%dma_start3A_260, %dma_start3A_261] : memref<26026x208xi32, #tpu.memory_space<hbm>> -> memref<26026x208xi32, #tpu.memory_space<hbm>>
        tpu.enqueue_indirect_dma source(%dma_start3A_262 : memref<26026x208xi32, #tpu.memory_space<hbm>>) target(%dma_start3A_258 : memref<26x208xi32, #tpu.memory_space<vmem>>) offsets(%dma_start3A_259 : memref<26xi32, #tpu.memory_space<vmem>>) semaphore(%arg12 : memref<!tpu.dma_semaphore, #tpu.memory_space<semaphore_mem>>)
        %mul3A_263 = arith.constant 4 : i32
        %mul3A_264 = arith.muli %add3A_223, %mul3A_263 : i32
        %add3A_265 = arith.constant 3 : i32
        %add3A_266 = arith.addi %mul3A_264, %add3A_265 : i32
        %mul3A_267 = arith.constant 32 : i32
        %mul3A_268 = arith.muli %add3A_266, %mul3A_267 : i32
        %dma_start3A_269 = arith.constant 78 : i32
        %dma_start3A_270 = arith.constant 0 : i32
        %dma_start3A_271 = tpu.memref_slice %arg9[%dma_start3A_269, %dma_start3A_270] : memref<104x208xi32, #tpu.memory_space<vmem>> -> memref<26x208xi32, #tpu.memory_space<vmem>>
        %dma_start3A_272 = tpu.memref_slice %arg6[%mul3A_268] : memref<4096xi32, #tpu.memory_space<vmem>> -> memref<26xi32, #tpu.memory_space<vmem>>
        %dma_start3A_273 = arith.constant 0 : i32
        %dma_start3A_274 = arith.constant 0 : i32
        %dma_start3A_275 = tpu.memref_slice %arg2[%dma_start3A_273, %dma_start3A_274] : memref<26026x208xi32, #tpu.memory_space<hbm>> -> memref<26026x208xi32, #tpu.memory_space<hbm>>
        tpu.enqueue_indirect_dma source(%dma_start3A_275 : memref<26026x208xi32, #tpu.memory_space<hbm>>) target(%dma_start3A_271 : memref<26x208xi32, #tpu.memory_space<vmem>>) offsets(%dma_start3A_272 : memref<26xi32, #tpu.memory_space<vmem>>) semaphore(%arg12 : memref<!tpu.dma_semaphore, #tpu.memory_space<semaphore_mem>>)
      } else {
      }
      %jit3A = arith.constant 4 : i32
      %eq3A = arith.constant 0 : i32
      %eq3A_206 = arith.cmpi eq, %jit3A, %eq3A : i32
      %jit3A_207 = arith.constant 1 : i32
      %select_n3A = arith.select %eq3A_206, %jit3A_207, %jit3A : i32
      %rem3A = arith.remsi %add3A_83, %select_n3A : i32
      %ne3A = arith.constant 0 : i32
      %ne3A_208 = arith.cmpi ne, %rem3A, %ne3A : i32
      %lt3A_209 = arith.constant 0 : i32
      %lt3A_210 = arith.cmpi slt, %rem3A, %lt3A_209 : i32
      %lt3A_211 = arith.constant 0 : i32
      %lt3A_212 = arith.cmpi slt, %select_n3A, %lt3A_211 : i32
      %ne3A_213 = arith.xori %lt3A_210, %lt3A_212 : i1
      %and3A = arith.andi %ne3A_213, %ne3A_208 : i1
      %add3A_214 = arith.addi %rem3A, %select_n3A : i32
      %select_n3A_215 = arith.select %and3A, %add3A_214, %rem3A : i32
      %eq3A_216 = arith.constant 3 : i32
      %eq3A_217 = arith.cmpi eq, %select_n3A_215, %eq3A_216 : i32
      %convert_element_type3A_218 = arith.extui %eq3A_217 : i1 to i32
      %cond3A_219 = arith.constant 0 : i32
      %cond3A_220 = arith.cmpi ne, %convert_element_type3A_218, %cond3A_219 : i32
      scf.if %cond3A_220 {
        %sub3A = arith.constant 3 : i32
        %sub3A_222 = arith.subi %add3A_83, %sub3A : i32
        %mul3A_223 = arith.constant 4 : i32
        %mul3A_224 = arith.muli %sub3A_222, %mul3A_223 : i32
        %swap3A = arith.index_cast %mul3A_224 : i32 to index
        %swap3A_225 = tpu.vector_load %arg10[%swap3A] {strides = array<i32>} : memref<128xf32, #tpu.memory_space<vmem>>, vector<16xf32>,
        tpu.vector_store %arg10[%swap3A], %scan3A_199 {strides = array<i32>} : memref<128xf32, #tpu.memory_space<vmem>>, vector<16xf32>,
      } else {
      }
      %select_n3A_221 = arith.select %eq3A_217, %broadcast_in_dim3A_68, %scan3A_199 : vector<16xf32>
      scf.yield %select_n3A_221 : vector<16xf32>
    }
    %scan3A_73 = arith.constant 16 : i32
    %mul3A_74 = arith.constant 128 : i32
    %mul3A_75 = arith.muli %add3A, %mul3A_74 : i32
    "tpu.region"() ({
      %run_scoped3A = tpu.sem_alloc : memref<!tpu.dma_semaphore, #tpu.memory_space<semaphore_mem>>
      %dma_start3A_76 = tpu.memref_slice %arg5[%mul3A_75] : memref<4096xf32, #tpu.memory_space<hbm>> -> memref<128xf32, #tpu.memory_space<hbm>>
      %dma_start3A_77 = tpu.memref_slice %arg5[%mul3A_75] : memref<4096xf32, #tpu.memory_space<hbm>> -> memref<128xf32, #tpu.memory_space<hbm>>
      tpu.enqueue_dma source(%arg10 : memref<128xf32, #tpu.memory_space<vmem>>) target(%dma_start3A_77 : memref<128xf32, #tpu.memory_space<hbm>>) target_semaphore(%run_scoped3A : memref<!tpu.dma_semaphore, #tpu.memory_space<semaphore_mem>>)
      %dma_wait3A = tpu.memref_slice %arg5[%mul3A_75] : memref<4096xf32, #tpu.memory_space<hbm>> -> memref<128xf32, #tpu.memory_space<hbm>>
      %dma_wait3A_78 = tpu.memref_slice %arg5[%mul3A_75] : memref<4096xf32, #tpu.memory_space<hbm>> -> memref<128xf32, #tpu.memory_space<hbm>>
      tpu.wait_dma2 semaphore(%run_scoped3A : memref<!tpu.dma_semaphore, #tpu.memory_space<semaphore_mem>>) src(%arg10 : memref<128xf32, #tpu.memory_space<vmem>>) dst(%dma_wait3A_78 : memref<128xf32, #tpu.memory_space<hbm>>)
      tpu.yield
    }) : () -> ()
    return
  }
}

</mosaic_0001>

<sc_bundles>
// kernel: kernel.3.cloned.1.call-start
scs
__scs_entry_jumppad:
0x0: {  	(pc) =	sbr.rel $0x88, $3  }
0x1: {  	(tag) =	ssettag $0x0;
	lr =	simm.s32 $0x1  }
0x2: {  	[smem:$0x3F9D] =	sst lr;
	_ =	strace $0xD0000000  }
0x3: {  	_ = 	snop  }
0x4: {  	_ = 	snop  }
0x5: {  	_ = 	snop  }
0x6: {  	_ = 	snop  }
0x7: {  	_ = 	snop  }
__scs_overlays_trampoline_lowered:
0x8: {  	[smem:$0x3FAC] =	sst s0  }
0x9: {  	[smem:$0x3FAD] =	sst s1  }
0xa: {  	[smem:$0x3FAE] =	sst s2  }
0xb: {  	[smem:$0x3FAF] =	sst s3  }
0xc: {  	[smem:$0x3FB0] =	sst s4  }
0xd: {  	[smem:$0x3FB1] =	sst s5  }
0xe: {  	[smem:$0x3FB2] =	sst s6  }
0xf: {  	[smem:$0x3FB3] =	sst s7  }
0x10: {  	[smem:$0x3FB4] =	sst s8  }
0x11: {  	[smem:$0x3FB5] =	sst s9;
	s0 =	simm.s32 @!p0 $0x0  }
0x12: {  	s1 =	sld [smem:$0x3F9B];
	s0 =	simm.s32 @p0 $0x1  }
0x13: {  	[smem:$0x3FB6] =	sst s0;
	s0 =	simm.s32 @!p1 $0x0  }
0x14: {  	s2 =	sld [smem:$0x3F9A];
	s0 =	simm.s32 @p1 $0x1  }
0x15: {  	[smem:$0x3FB7] =	sst s0;
	s0 =	simm.s32 @!p2 $0x0  }
0x16: {  	s3 =	sld [smem:$0x3FDB];
	s0 =	simm.s32 @p2 $0x1  }
0x17: {  	s4 =	simm.s32 $0x1BF5;
	[smem:$0x3FB9] =	sst s0  }
0x18: {  	s0 =	sld [smem:$0x3F9C];
	_ =	swait.ge [sflag:s4], $0x0  }
0x19: {  	s7 =	sld [smem:$0x3F9D]  }
0x1a: {  	s8 =	sadd.s32 $0xFFFFE003, lr  }
0x1b: {  	s9 =	sadd.s32 $0xFFFFFEF7, lr;
	s5 =	simm.s32 $0xFFFFFFFF;
	p2 =	slt.u32 s8, $0xFFFFF086  }
0x1c: {  	p1 =	slt.u32 s9, $0xF7A;
	s5 =	simm.s32 @!p2 $0x0  }
0x1d: {  	s5 =	simm.s32 @p1 $0x1;
	p0 =	seq.s32 s7, s2  }
0x1e: {  	s7 =	smul.u32 @!p0 $0xF7A, s2;
	p2 =	seq.s32 @!p0 s5, $0x0  }
0x1f: {  	s9 =	smul.u32 $0xF7A, s1;
	s8 =	simm.s32 @!p0 $0x1BF5;
	p2 =	por !p2, p0  }
0x20: {  	[sflag:s8] =	ssyncset.s32 @!p0 $0xFFFFF086;
	s6 =	sadd.s32 @!p0 s3, s7;
	s7 =	simm.s32 @!p0 $0x108  }
0x21: {  	s3 =	sadd.s32 s3, s9;
	s6 =	sadd.s32 @!p0 $0x88, s6;
	s7 =	simm.s32 @p2 $0x1082  }
0x22: {  	[simem:s7], [sflag:s8] =	dma.local @!p0 [hbm:s6], $0xF7A  }
0x23: {  	s9 =	sor.u32 $0xD0000000, s2;
	s6 =	simm.s32 $0x108;
	_ =	swait.ge @!p0 [sflag:s8], $0x0  }
0x24: {  	s3 =	sadd.s32 $0x88, s3;
	s6 =	simm.s32 @!p1 $0x1082;
	[sflag:s4] =	ssyncset.s32 $0xFFFFF086  }
0x25: {  	[simem:s6], [sflag:s4] =	dma.local [hbm:s3], $0xF7A  }
0x26: {  	[smem:$0x3F9D] =	sst s1;
	(tag) =	ssettag s2;
	_ =	strace s9  }
0x27: {  	s1 =	sld [smem:$0x3FAD]  }
0x28: {  	s2 =	sld [smem:$0x3FAE]  }
0x29: {  	s4 =	sld [smem:$0x3FB0]  }
0x2a: {  	p0 =	seq.s32 s5, $0x0;
	s5 =	sld [smem:$0x3FB1]  }
0x2b: {  	s6 =	sld [smem:$0x3FB2]  }
0x2c: {  	s7 =	sld [smem:$0x3FB3]  }
0x2d: {  	s3 =	simm.s32 $0x108;
	s8 =	sld [smem:$0x3FB4]  }
0x2e: {  	s3 =	simm.s32 @!p0 $0x1082;
	s9 =	sld [smem:$0x3FB5]  }
0x2f: {  	lr =	sadd.s32 s0, s3;
	s0 =	sld [smem:$0x3FAC]  }
0x30: {  	s3 =	sld [smem:$0x3FAF]  }
0x31: {  	[smem:$0x3FB8] =	sst s10  }
0x32: {  	s10 =	sld [smem:$0x3FB6];
	_ =	sdelay $0x3  }
0x33: {  	p0 =	seq.s32 s10, $0x1;
	s10 =	sld [smem:$0x3FB8];
	_ =	sdelay $0x3  }
0x34: {  	[smem:$0x3FB8] =	sst s10  }
0x35: {  	s10 =	sld [smem:$0x3FB7];
	_ =	sdelay $0x3  }
0x36: {  	p1 =	seq.s32 s10, $0x1;
	s10 =	sld [smem:$0x3FB8];
	_ =	sdelay $0x3  }
0x37: {  	[smem:$0x3FB8] =	sst s10  }
0x38: {  	s10 =	sld [smem:$0x3FB9]  }
0x39: {  	_ = 	snop;
	(pc) =	sbr.ind lr, $3  }
0x3a: {  	_ = 	snop  }
0x3b: {  	_ = 	snop  }
0x3c: {  	p2 =	seq.s32 s10, $0x1;
	s10 =	sld [smem:$0x3FB8]  }
0x3d: {  	_ =	shalt  }
0x3e: {  	_ =	shalt  }
0x3f: {  	_ =	shalt  }
0x40: {  	_ =	shalt  }
0x41: {  	_ =	shalt  }
0x42: {  	_ =	shalt  }
0x43: {  	_ =	shalt  }
0x44: {  	_ =	shalt  }
0x45: {  	_ =	shalt  }
0x46: {  	_ =	shalt  }
0x47: {  	_ =	shalt  }
0x48: {  	_ =	shalt  }
0x49: {  	_ =	shalt  }
0x4a: {  	_ =	shalt  }
0x4b: {  	_ =	shalt  }
0x4c: {  	_ =	shalt  }
0x4d: {  	_ =	shalt  }
0x4e: {  	_ =	shalt  }
0x4f: {  	_ =	shalt  }
0x50: {  	_ =	shalt  }
0x51: {  	_ =	shalt  }
0x52: {  	_ =	shalt  }
0x53: {  	_ =	shalt  }
0x54: {  	_ =	shalt  }
0x55: {  	_ =	shalt  }
0x56: {  	_ =	shalt  }
0x57: {  	_ =	shalt  }
0x58: {  	_ =	shalt  }
0x59: {  	_ =	shalt  }
0x5a: {  	_ =	shalt  }
0x5b: {  	_ =	shalt  }
0x5c: {  	_ =	shalt  }
0x5d: {  	_ =	shalt  }
0x5e: {  	_ =	shalt  }
0x5f: {  	_ =	shalt  }
0x60: {  	_ =	shalt  }
0x61: {  	_ =	shalt  }
0x62: {  	_ =	shalt  }
0x63: {  	_ =	shalt  }
0x64: {  	_ =	shalt  }
0x65: {  	_ =	shalt  }
0x66: {  	_ =	shalt  }
0x67: {  	_ =	shalt  }
0x68: {  	_ =	shalt  }
0x69: {  	_ =	shalt  }
0x6a: {  	_ =	shalt  }
0x6b: {  	_ =	shalt  }
0x6c: {  	_ =	shalt  }
0x6d: {  	_ =	shalt  }
0x6e: {  	_ =	shalt  }
0x6f: {  	_ =	shalt  }
0x70: {  	_ =	shalt  }
0x71: {  	_ =	shalt  }
0x72: {  	_ =	shalt  }
0x73: {  	_ =	shalt  }
0x74: {  	_ =	shalt  }
0x75: {  	_ =	shalt  }
0x76: {  	_ =	shalt  }
0x77: {  	_ =	shalt  }
0x78: {  	_ =	shalt  }
0x79: {  	_ =	shalt  }
0x7a: {  	_ =	shalt  }
0x7b: {  	_ =	shalt  }
0x7c: {  	_ =	shalt  }
0x7d: {  	_ =	shalt  }
0x7e: {  	_ =	shalt  }
0x7f: {  	_ =	shalt  }
0x80: {  	_ =	shalt  }
0x81: {  	_ =	shalt  }
0x82: {  	_ =	shalt  }
0x83: {  	_ =	shalt  }
0x84: {  	_ =	shalt  }
0x85: {  	_ =	shalt  }
0x86: {  	_ =	shalt  }
0x87: {  	_ =	shalt  }
.Lfunc_end0:
.L_simem_size_0:
called_computation.1_lowered:
.L_overlay_start_0:
0x88: {  	s2 =	sld [smem:$0x3FD9]  }
0x89: {  	s3 =	sld [smem:$0x3FFE];
	_ =	sdelay $0x1  }
0x8a: {  	s1 =	srdreg.scid  }
0x8b: {  	s0 =	sand.u32 $0x1, s1  }
0x8c: {  	s17 =	sshll.u32 s0, $0xA;
	s2 =	sadd.s32 s3, s2  }
0x8d: {  	s2 =	sadd.s32 s2, s17  }
0x8e: {  	[smem:$0x3FC4] =	sst s2  }
0x8f: {  	_ = 	snop  }
0x90: {  	s2 =	sld [smem:$0x3FD0];
	(tm) =	ssettm $0x1  }
0x91: {  	s18 =	sld [smem:$0x3FFB];
	_ =	sdelay $0x3  }
0x92: {  	_ =	strace s18  }
0x93: {  	s3 =	sld [smem:$0x3FFC];
	_ =	sdelay $0x3  }
0x94: {  	_ =	strace s3  }
0x95: {  	s3 =	sld [smem:$0x3FFD];
	_ =	sdelay $0x3  }
0x96: {  	_ =	strace s3  }
0x97: {  	_ =	strace $0x8FFFFFFF  }
0x98: {  	s19 =	sld [smem:$0x3FDB];
	_ =	sdelay $0x1  }
0x99: {  	s4 =	simm.s32 $_scs_section_size  }
0x9a: {  	s5 =	simm.s32 $_size__tile_overlayer_lowered;
	s6 =	simm.s32 $_tile_overlayer_lowered  }
0x9b: {  	s22 =	simm.s32 $0x1BFF;
	s21 =	sshll.u32 s6, $0x1;
	s3 =	sadd.s32 s4, s19  }
0x9c: {  	s7 =	simm.s32 $0x0;
	s20 =	sshll.u32 s5, $0x1;
	s5 =	sadd.s32 s21, s3  }
0x9d: {  	[timem:s7], [sflag:s22] =	dma.local [hbm:s5], s20  }
0x9e: {  	_ =	swait.ge [sflag:s22], s20  }
0x9f: {  	s4 =	ssub.s32 $0x0, s20;
	[sflag:s22] =	ssyncset.done $0x0  }
0xa0: {  	[sflag:s22] =	ssyncadd.s32 s4;
	_ =	sdelay $0x1  }
0xa1: {  	s23 =	simm.s32 $0x1B8B  }
0xa2: {  	_ =	swait.ge [sflag:s23], $0x1  }
0xa3: {  	[sflag:s23] =	ssyncset.done $0x0  }
0xa4: {  	s25 =	simm.s32 $0x1B8E;
	s24 =	sld [smem:$0x3FFE];
	[sflag:s23] =	ssyncadd.s32 $0xFFFFFFFF  }
0xa5: {  	s26 =	simm.s32 $execute0_lowered;
	[smem:$0x3FD2] =	sst s25  }
0xa6: {  	s5 =	sshll.u32 s26, $0x1;
	_ =	strace $0x80000049;
	[dreg:$0x1] =	wrdreg $0xFFFFFFFF  }
0xa7: {  	s28 =	simm.s32 $_size_execute0_lowered;
	s3 =	sadd.s32 s3, s5;
	[dreg:$0x0] =	wrdreg $0x0  }
0xa8: {  	s5 =	sshll.u32 s28, $0x1;
	[dreg:$0x2] =	wrdreg s3  }
0xa9: {  	[dreg:$0x3] =	wrdreg s5  }
0xaa: {  	[dreg:$0x4] =	wrdreg $0xC0  }
0xab: {  	_ =	task [dreg:s7], $0x5FFFF  }
0xac: {  	[dreg:$0x1] =	wrdreg $0xFFFFFFFF  }
0xad: {  	[dreg:$0x0] =	wrdreg $0x60  }
0xae: {  	[dreg:$0x2] =	wrdreg s24  }
0xaf: {  	[dreg:$0x3] =	wrdreg s2  }
0xb0: {  	[dreg:$0x4] =	wrdreg $0x9  }
0xb1: {  	_ =	task.clear_ibuf [dreg:s7], $0x5FFFF;
	_ =	strace $0x90000049  }
0xb2: {  	s29 =	simm.s32 $0x9;
	_ =	strace $0x8000004B  }
0xb3: {  	_ =	swait.ge [sflag:s29], $0x1  }
0xb4: {  	[sflag:s29] =	ssyncadd.s32 $0xFFFFFFFF  }
0xb5: {  	_ =	strace $0x9000004B  }
0xb6: {  	_ =	sfence  }
0xb7: {  	s30 =	sld [smem:$0x0];
	_ =	sdelay $0x2  }
0xb8: {  	s31 =	sshll.u32 s1, $0xD;
	s1 =	sshrl.u32 s1, $0x2  }
0xb9: {  	s3 =	sand.u32 $0x4000, s31;
	s1 =	sadd.s32 s1, s30  }
0xba: {  	s0 =	sor.u32 s3, s0;
	s1 =	sshll.u32 s1, $0x11  }
0xbb: {  	s0 =	sor.u32 s1, s0  }
0xbc: {  	s0 =	sadd.s32 $0x8F2B, s0  }
0xbd: {  	[sflag:s0] =	ssyncadd.remote.s32 $0x1  }
0xbe: {  	_ =	sfence.sel $0xFFFF  }
0xbf: {  	[dreg:$0x0] =	wrdreg $0xFFFFFFFF;
	(pc) =	sbr.abs _section_cstart, $3  }
0xc0: {  	[dreg:$0x1] =	wrdreg $0xFFFFFFFF  }
0xc1: {  	_ =	task.clear_ibuf [dreg:s7], $0x2FFFF;
	_ =	strace $0x9FFFFFFF  }
0xc2: {  	(tm) =	ssettm $0x7FFFFFFF  }
0xc3: {  	_ =	shalt  }
tec
execute0_lowered:
.L_overlay_start_1:
0x0: {  	(tag) =	ssettag $0x1  }
0x1: {  	v0 =	vimm.s32 $0xFEDCBA98;
	v1 =	vimm.s32 $0x76543210;
	v2 =	vimm.s32 $0xBA98FEDC  }
0x2: {  	v3 =	vimm.s32 $0x32107654;
	v4 =	vimm.s32 $0xDCFE98BA;
	v5 =	vimm.s32 $0x54761032  }
0x3: {  	v6 =	vimm.s32 $0xEFCDAB89;
	v7 =	vimm.s32 $0x67452301;
	v0 =	vunpack.c.l.s4.s8 v0  }
0x4: {  	s0 =	rddreg [dreg:$0x0];
	v1 =	vunpack.c.l.s4.s8 v1;
	v2 =	vunpack.c.l.s4.s8 v2;
	v3 =	vunpack.c.l.s4.s8 v3  }
0x5: {  	s1 =	rddreg [dreg:$0x1];
	s2 =	simm.s32 $0x0;
	v4 =	vunpack.c.l.s4.s8 v4;
	v5 =	vunpack.c.l.s4.s8 v5;
	v6 =	vunpack.c.l.s4.s8 v6  }
0x6: {  	s3 =	srdreg.scid;
	s4 =	stileid.u32;
	s9 =	simm.s32 $0x1A;
	v7 =	vunpack.c.l.s4.s8 v7;
	v2 =	vunpack.c.0.s8.s32 v2;
	v3 =	vunpack.c.0.s8.s32 v3  }
0x7: {  	s12 =	simm.s32 $0x3;
	s26 =	simm.s32 $0x1;
	s28 =	simm.s32 $0x2;
	v0 =	vunpack.c.0.s8.s32 v0;
	v4 =	vunpack.c.0.s8.s32 v4;
	v5 =	vunpack.c.0.s8.s32 v5  }
0x8: {  	s29 =	simm.s32 $0xB980;
	s30 =	simm.s32 $0x0;
	[smem:$0x7FF] =	sst s2;
	v6 =	vunpack.c.0.s8.s32 v6;
	v7 =	vunpack.c.0.s8.s32 v7;
	v61 =	vcombine.low v3, v2  }
0x9: {  	s3 =	sand.u32 $0x1, s3;
	s4 =	sshll.u32 s4, $0x1;
	_ =	strace $0x8000004A;
	v1 =	vunpack.c.0.s8.s32 v1;
	v62 =	vcombine.low v5, v4  }
0xa: {  	s6 =	sor.u32 s3, s4;
	s5 =	ssub.s32 $0x2, s3;
	s3 =	sadd.s32 $0x800, s0;
	v0 =	vand.u32 $0xF, v0;
	v63 =	vcombine.low v7, v6;
	[tilespmem:$0x1FFD0] =	vst v61  }
0xb: {  	s4 =	sshll.u32 s6, $0x9;
	s7 =	sshrl.u32 s5, $0x1;
	s6 =	sshll.u32 s6, $0x4;
	v0 =	vcombine.low v0, v1;
	[tilespmem:$0x1FFE0] =	vst v62  }
0xc: {  	s8 =	sadd.s32 s4, s0;
	s4 =	sadd.s32 $0x2F6800, s0;
	s31 =	ssub.s32 s5, s7;
	[tilespmem:$0x1FFF0] =	vst v63  }
0xd: {  	s7 =	sadd.s32 s1, s6;
	s5 =	sadd.s32 $0x2F2800, s8;
	s8 =	smax.u32 s31, $0x1;
	[tilespmem:$0x1FFC0] =	vst v0  }
.LBB2_1:
0xe: {  	[tilespmem:s2], [sflag:$0x3] =	stream.linear.gather [hbm4b:s5+s2], $0x1000, $0x38;
	[tilespmem:$0xBA00] =	vst v63  }
0xf: {  	_ =	swait.ge [sflag:s12], $0x1000  }
0x10: {  	[sflag:s12] =	ssyncset.done $0x0  }
0x11: {  	s0 =	simm.s32 $0x1000;
	[sflag:s12] =	ssyncadd.s32 $0xFFFFF000  }
0x12: {  	[tilespmem:s0], [sflag:$0x3] =	stream.linear.gather [hbm4b:s4+s2], $0x80, $0x38;
	[tilespmem:$0xBA00] =	vst v63  }
0x13: {  	_ =	swait.ge [sflag:s12], $0x80  }
0x14: {  	[sflag:s12] =	ssyncset.done $0x0  }
0x15: {  	s11 =	simm.s32 $0x1080;
	[sflag:s12] =	ssyncadd.s32 $0xFFFFFF80  }
0x16: {  	[tilespmem:s11], [sflag:$0x1] =	stream.indirect.gather [hbm4b:s3+s9], $0xD0, s2, s9, $0xb8;
	[tilespmem:$0xBA00] =	vst v63  }
0x17: {  	s13 =	simm.s32 $0x25A0;
	s1 =	simm.s32 $0x20  }
0x18: {  	[tilespmem:s13], [sflag:$0x1] =	stream.indirect.gather [hbm4b:s3+s9], $0xD0, s1, s9, $0xb8;
	[tilespmem:$0xBA00] =	vst v63  }
0x19: {  	s14 =	simm.s32 $0x40;
	s15 =	simm.s32 $0x3AC0  }
0x1a: {  	[tilespmem:s15], [sflag:$0x1] =	stream.indirect.gather [hbm4b:s3+s9], $0xD0, s14, s9, $0xb8;
	[tilespmem:$0xBA00] =	vst v63  }
0x1b: {  	s16 =	simm.s32 $0x60;
	s17 =	simm.s32 $0x4FE0  }
0x1c: {  	[tilespmem:s17], [sflag:$0x1] =	stream.indirect.gather [hbm4b:s3+s9], $0xD0, s16, s9, $0xb8;
	[tilespmem:$0xBA00] =	vst v63  }
0x1d: {  	s18 =	simm.s32 $0x80;
	s19 =	simm.s32 $0x6500  }
0x1e: {  	[tilespmem:s19], [sflag:$0x2] =	stream.indirect.gather [hbm4b:s3+s9], $0xD0, s18, s9, $0xb8;
	[tilespmem:$0xBA00] =	vst v63  }
0x1f: {  	s20 =	simm.s32 $0xA0;
	s21 =	simm.s32 $0x7A20  }
0x20: {  	[tilespmem:s21], [sflag:$0x2] =	stream.indirect.gather [hbm4b:s3+s9], $0xD0, s20, s9, $0xb8;
	[tilespmem:$0xBA00] =	vst v63  }
0x21: {  	s22 =	simm.s32 $0xC0;
	s23 =	simm.s32 $0x8F40  }
0x22: {  	[tilespmem:s23], [sflag:$0x2] =	stream.indirect.gather [hbm4b:s3+s9], $0xD0, s22, s9, $0xb8;
	[tilespmem:$0xBA00] =	vst v63  }
0x23: {  	s24 =	simm.s32 $0xE0;
	s25 =	simm.s32 $0xA460;
	s31 =	simm.s32 $0x0  }
0x24: {  	v0 =	vimm.f32 $0.0e+00;
	[tilespmem:s25], [sflag:$0x2] =	stream.indirect.gather [hbm4b:s3+s9], $0xD0, s24, s9, $0xb8;
	[tilespmem:$0xBA00] =	vst v63  }
.LBB2_2:
0x25: {  	_ =	swait.ge [sflag:s26], $0x1520  }
0x26: {  	[sflag:s26] =	ssyncset.done $0x0  }
0x27: {  	[sflag:s26] =	ssyncadd.s32 $0xFFFFEAE0  }
0x28: {  	_ =	swait.ge [sflag:s26], $0x1520  }
0x29: {  	[sflag:s26] =	ssyncset.done $0x0  }
0x2a: {  	[sflag:s26] =	ssyncadd.s32 $0xFFFFEAE0  }
0x2b: {  	_ =	swait.ge [sflag:s26], $0x1520  }
0x2c: {  	[sflag:s26] =	ssyncset.done $0x0  }
0x2d: {  	[sflag:s26] =	ssyncadd.s32 $0xFFFFEAE0  }
0x2e: {  	_ =	swait.ge [sflag:s26], $0x1520  }
0x2f: {  	[sflag:s26] =	ssyncset.done $0x0  }
0x30: {  	[sflag:s26] =	ssyncadd.s32 $0xFFFFEAE0  }
0x31: {  	v1 =	vld [tilespmem:$0x1000];
	_ =	sdelay $0x4  }
0x32: {  	[tilespmem:$0x1FFA0] =	vst v1;
	v1 =	vld [tilespmem:$0x1010];
	_ =	sdelay $0x3  }
0x33: {  	s0 =	sshll.u32 s31, $0x3  }
0x34: {  	s1 =	simm.s32 $0x0;
	s6 =	simm.s32 $0x1730;
	s10 =	simm.s32 $0x1AB0;
	[tilespmem:$0x1FFB0] =	vst v1  }
.LBB2_3:
0x35: {  	[tilespmem:$0x1FEC0] =	vst v0;
	v0 =	vld [tilespmem:s10+$0x950]  }
0x36: {  	v1 =	vld [tilespmem:s10+$0xA20]  }
0x37: {  	v2 =	vld [tilespmem:s6+$0xFFFFFA10]  }
0x38: {  	v3 =	vld [tilespmem:s6+$0xFFFFFAE0]  }
0x39: {  	v4 =	vld [tilespmem:s10+$0xFFFFFE50]  }
0x3a: {  	s11 =	smul.u32 $0x5480, s1;
	v5 =	vld [tilespmem:s10+$0xFFFFFF20]  }
0x3b: {  	v8 =	vld [tilespmem:s6+$0x360]  }
0x3c: {  	v9 =	vld [tilespmem:s6+$0x430];
	s11 =	sshra.s32 s11, $0x2  }
0x3d: {  	v12 =	vld [tilespmem:s10+$0x0];
	s13 =	sadd.s32 $0x1BE0, s11;
	s14 =	sadd.s32 $0x1CB0, s11  }
0x3e: {  	v13 =	vld [tilespmem:s10+$0xD0];
	s15 =	sadd.s32 $0x1D80, s11;
	s16 =	sadd.s32 $0x1E50, s11;
	s17 =	sadd.s32 $0x1FF0, s11;
	v6 =	vmov s13;
	v7 =	vmov s14  }
0x3f: {  	v14 =	vld [tilespmem:s6+$0x510];
	s25 =	sadd.s32 $0x1F20, s11;
	s18 =	sadd.s32 $0x20C0, s11;
	s21 =	sadd.s32 $0x2330, s11;
	v10 =	vmov s15;
	v19 =	vmov s16;
	v11 =	vmov s17  }
0x40: {  	v15 =	vld [tilespmem:s6+$0x5E0];
	v20 =	vmov s25;
	v18 =	vmov s21;
	[tilespmem:$0x1FF60] =	vst v11;
	v11 =	vmov s18  }
0x41: {  	v16 =	vld [tilespmem:s10+$0xFFFFFAF0];
	v23 =	vshll.u32 v0, $0x10;
	v0 =	vand.u32 $0xFFFF0000, v0;
	v22 =	vshll.u32 v1, $0x10  }
0x42: {  	v24 =	vld [tilespmem:s6+$0x0];
	v21 =	vand.u32 $0xFFFF0000, v1;
	v1 =	vshll.u32 v2, $0x10;
	v2 =	vand.u32 $0xFFFF0000, v2  }
0x43: {  	v28 =	vld [tilespmem:s10+$0xFFFFFD70];
	v25 =	vshll.u32 v4, $0x10;
	v26 =	vshll.u32 v3, $0x10;
	v3 =	vand.u32 $0xFFFF0000, v3  }
0x44: {  	v31 =	vld [tilespmem:s6+$0x1B0];
	v4 =	vand.u32 $0xFFFF0000, v4;
	v27 =	vshll.u32 v5, $0x10;
	v5 =	vand.u32 $0xFFFF0000, v5  }
0x45: {  	v33 =	vld [tilespmem:s6+$0x280];
	v29 =	vshll.u32 v8, $0x10;
	v8 =	vand.u32 $0xFFFF0000, v8;
	v30 =	vshll.u32 v9, $0x10  }
0x46: {  	v9 =	vand.u32 $0xFFFF0000, v9;
	v32 =	vshll.u32 v12, $0x10;
	v12 =	vand.u32 $0xFFFF0000, v12;
	[tilespmem:$0x1FED0] =	vst v2;
	v2 =	vld [tilespmem:s6+$0xD0]  }
0x47: {  	v34 =	vshll.u32 v13, $0x10;
	v13 =	vand.u32 $0xFFFF0000, v13;
	v35 =	vshll.u32 v14, $0x10;
	[tilespmem:$0x1FEE0] =	vst v3;
	v3 =	vld [tilespmem:s10+$0xFFFFFCA0]  }
0x48: {  	v57 =	vld [tilespmem:s6+$0xFFFFFF20];
	v14 =	vand.u32 $0xFFFF0000, v14;
	v37 =	vshll.u32 v15, $0x10;
	v15 =	vand.u32 $0xFFFF0000, v15  }
0x49: {  	v39 =	vshll.u32 v16, $0x10;
	v42 =	vshll.u32 v24, $0x10;
	v43 =	vand.u32 $0xFFFF0000, v24;
	v24 =	vld [tilespmem:s6+$0xFFFFFD70]  }
0x4a: {  	v16 =	vand.u32 $0xFFFF0000, v16;
	v48 =	vshll.u32 v28, $0x10;
	v49 =	vand.u32 $0xFFFF0000, v28;
	v28 =	vld [tilespmem:s6+$0xFFFFFE50]  }
0x4b: {  	v50 =	vshll.u32 v31, $0x10;
	v44 =	vshll.u32 v2, $0x10;
	v45 =	vand.u32 $0xFFFF0000, v2;
	v2 =	vld [tilespmem:s10+$0xFFFFF940]  }
0x4c: {  	v51 =	vand.u32 $0xFFFF0000, v31;
	v46 =	vshll.u32 v3, $0x10;
	v47 =	vand.u32 $0xFFFF0000, v3;
	v3 =	vld [tilespmem:s10+$0xFFFFFA10]  }
0x4d: {  	p0 =	por $0x0, $0x0;
	s15 =	simm.s32 $0x8;
	v31 =	vshll.u32 v33, $0x10;
	v33 =	vand.u32 $0xFFFF0000, v33;
	v23 =	vmul.f32 v1, v23  }
0x4e: {  	v38 =	vld [tilespmem:s10+$0xFFFFF860];
	s13 =	smul.u32 $0x1A, s1;
	s15 =	simm.s32 @p0 $0x0;
	v1 =	vmul.f32 v9, v5;
	v55 =	vshll.u32 v24, $0x10;
	v56 =	vand.u32 $0xFFFF0000, v24  }
0x4f: {  	v41 =	vld [tilespmem:s6+$0xFFFFFCA0];
	s22 =	sshll.u32 s15, $0x4;
	s15 =	sshll.u32 s15, $0x1;
	v24 =	vmul.f32 v26, v0;
	v0 =	vmul.f32 v8, v27;
	v8 =	vand.u32 $0xFFFF0000, v28  }
0x50: {  	v5 =	vld [tilespmem:s10+$0xFFFFF6B0];
	s15 =	sadd.s32 s13, s15;
	v27 =	vmul.f32 v37, v12;
	v26 =	vmul.f32 v14, v34;
	v12 =	vshll.u32 v57, $0x10  }
0x51: {  	[tilespmem:$0x1FF90] =	vst v1;
	s15 =	smul.u32 $0x340, s15;
	v1 =	vld [tilespmem:$0x1FF60];
	v58 =	vshll.u32 v2, $0x10;
	v60 =	vshll.u32 v3, $0x10;
	v62 =	vand.u32 $0xFFFF0000, v3  }
0x52: {  	v3 =	vmul.f32 v30, v4;
	v4 =	vshll.u32 v28, $0x10;
	v28 =	vmul.f32 v15, v13;
	v13 =	vld [tilespmem:s6+$0xFFFFFBC0]  }
0x53: {  	s17 =	simm.s32 $0xB;
	p0 =	por $0x1, $0x1;
	s15 =	sshra.s32 s15, $0x2;
	v59 =	vand.u32 $0xFFFF0000, v2;
	v2 =	vmul.f32 v29, v25;
	v25 =	vmul.f32 v35, v32;
	v35 =	vld.idx.msk [tilespmem:v6+s22+$0x0 ss:$0x1], $0xffff  }
0x54: {  	s19 =	sadd.s32 $0x2190, s11;
	v53 =	vshll.u32 v38, $0x10;
	s17 =	simm.s32 @!p0 $0xFFFFFFFE;
	v34 =	vmul.f32 v42, v39;
	v42 =	vmul.f32 v12, v59;
	v12 =	vld [tilespmem:s15+$0x10F0]  }
0x55: {  	v17 =	vld [tilespmem:s10+$0xFFFFFBC0];
	s20 =	sadd.s32 $0x2260, s11;
	v54 =	vshll.u32 v41, $0x10;
	v41 =	vand.u32 $0xFFFF0000, v41;
	[tilespmem:$0x1FF70] =	vst v11;
	v11 =	vmov s19;
	p0 =	por $0x1, $0x1;
	s17 =	sadd.s32 $0x1, s17  }
0x56: {  	v36 =	vld [tilespmem:s10+$0xFFFFF790];
	v53 =	vmul.f32 v41, v53;
	[tilespmem:$0x1FF80] =	vst v11;
	v11 =	vmov s20;
	s18 =	sshll.u32 s17, $0x4;
	s19 =	sshll.u32 s17, $0x1;
	s17 =	simm.s32 $0x9;
	v29 =	vmul.f32 v50, v46  }
0x57: {  	v61 =	vld [tilespmem:s10+$0xFFFFF5E0];
	s17 =	simm.s32 @!p0 $0xFFFFFFFC;
	v46 =	vshll.u32 v5, $0x10;
	v32 =	vmul.f32 v33, v49;
	v5 =	vand.u32 $0xFFFF0000, v5  }
0x58: {  	s23 =	simm.s32 $0x9;
	v9 =	vld [tilespmem:s6+$0xFFFFFAF0];
	s16 =	sadd.s32 s13, s19;
	s21 =	sadd.s32 $0x1, s17;
	v41 =	vmul.f32 v8, v60;
	v8 =	vshll.u32 v13, $0x10;
	v13 =	vand.u32 $0xFFFF0000, v13  }
0x59: {  	s24 =	simm.s32 $0xFFFFFFFC;
	v39 =	vld.idx.msk [tilespmem:v7+s22+$0x0 ss:$0x1], $0xffff;
	s20 =	smul.u32 $0x340, s16;
	s16 =	sshll.u32 s21, $0x4;
	v49 =	vmul.f32 v13, v5;
	v5 =	vshll.u32 v35, $0x10;
	v13 =	vshll.u32 v12, $0x10  }
0x5a: {  	s14 =	smin.u32 s23, s24;
	v40 =	vshll.u32 v17, $0x10;
	v17 =	vand.u32 $0xFFFF0000, v17;
	v13 =	vmul.f32 v13, v5;
	v5 =	vld.idx.msk [tilespmem:v1+s16+$0x0 ss:$0x1], $0xffff  }
0x5b: {  	v52 =	vshll.u32 v36, $0x10;
	v36 =	vand.u32 $0xFFFF0000, v36;
	v38 =	vand.u32 $0xFFFF0000, v38;
	s25 =	sshll.u32 s14, $0x4;
	v1 =	vld [tilespmem:$0x1FF70]  }
0x5c: {  	v54 =	vmul.f32 v54, v52;
	v31 =	vmul.f32 v31, v47;
	v47 =	vld.idx.msk [tilespmem:v10+s25+$0x0 ss:$0x1], $0xffff;
	v50 =	vand.u32 $0xFFFF0000, v61  }
0x5d: {  	v14 =	vand.u32 $0xFFFF0000, v57;
	v30 =	vmul.f32 v51, v48;
	v48 =	vmul.f32 v8, v50;
	v8 =	vld [tilespmem:s15+$0x11C0]  }
0x5e: {  	v37 =	vshll.u32 v61, $0x10;
	v36 =	vmul.f32 v55, v36;
	v55 =	vmul.f32 v56, v38;
	v52 =	vld.idx.msk [tilespmem:v11+s18+$0x0 ss:$0x1], $0xffff  }
0x5f: {  	p0 =	por $0x1, $0x1;
	v57 =	vshll.u32 v9, $0x10;
	v15 =	vmul.f32 v44, v16;
	v63 =	vmul.f32 v4, v58;
	v4 =	vld.idx.msk [tilespmem:v18+s18+$0x0 ss:$0x1], $0xffff;
	s18 =	simm.s32 $0xA  }
0x60: {  	v9 =	vand.u32 $0xFFFF0000, v9;
	v16 =	vmul.f32 v43, v40;
	v33 =	vld.idx.msk [tilespmem:v19+s25+$0x0 ss:$0x1], $0xffff;
	v44 =	vmul.f32 v57, v37;
	s18 =	simm.s32 @!p0 $0xFFFFFFFD  }
0x61: {  	[tilespmem:$0x1FF40] =	vst v18;
	v40 =	vand.u32 $0xFFFF0000, v39;
	v57 =	vld.idx.msk [tilespmem:v20+s16+$0x0 ss:$0x1], $0xffff;
	v18 =	vimm.f32 $0.0e+00;
	v43 =	vmul.f32 v14, v62;
	s22 =	sadd.s32 $0x1, s18;
	s15 =	sshra.s32 s20, $0x2  }
0x62: {  	v46 =	vmul.f32 v9, v46;
	s24 =	sshll.u32 s22, $0x4;
	v58 =	vld [tilespmem:s15+$0x1130];
	v14 =	vshll.u32 v8, $0x10;
	v8 =	vand.u32 $0xFFFF0000, v8  }
0x63: {  	v9 =	vand.u32 $0xFFFF0000, v35;
	v35 =	vshll.u32 v39, $0x10;
	v39 =	vmul.f32 v8, v40;
	v8 =	vld.idx.msk [tilespmem:v1+s24+$0x0 ss:$0x1], $0xffff  }
0x64: {  	[tilespmem:$0x1FF20] =	vst v19;
	s17 =	sshll.u32 s21, $0x1;
	v17 =	vmul.f32 v45, v17;
	v19 =	vimm.f32 $0.0e+00;
	v36 =	vadd.f32 v36, v18;
	v1 =	vld [tilespmem:$0x1FF80]  }
0x65: {  	[tilespmem:$0x1FF50] =	vst v20;
	s17 =	sadd.s32 s13, s17;
	v20 =	vimm.f32 $0.0e+00;
	v51 =	vshll.u32 v47, $0x10;
	v56 =	vand.u32 $0xFFFF0000, v52  }
0x66: {  	[tilespmem:$0x1FEF0] =	vst v6;
	s14 =	sshll.u32 s14, $0x1;
	s17 =	smul.u32 $0x340, s17;
	v59 =	vadd.f32 v15, v36;
	v45 =	vand.u32 $0xFFFF0000, v33;
	v6 =	vand.u32 $0xFFFF0000, v57  }
0x67: {  	s14 =	sadd.s32 s13, s14;
	v50 =	vand.u32 $0xFFFF0000, v47;
	v47 =	vshll.u32 v33, $0x10;
	v12 =	vand.u32 $0xFFFF0000, v12;
	v62 =	vld [tilespmem:s15+$0x1200]  }
0x68: {  	s14 =	smul.u32 $0x340, s14;
	s23 =	sshra.s32 s17, $0x2;
	v33 =	vshll.u32 v52, $0x10;
	v38 =	vmul.f32 v12, v35;
	v12 =	vadd.f32 v53, v18  }
0x69: {  	v52 =	vshll.u32 v4, $0x10;
	v60 =	vadd.f32 v3, v59;
	v35 =	vld [tilespmem:s23+$0x1110];
	v40 =	vshll.u32 v58, $0x10  }
0x6a: {  	s14 =	sshra.s32 s14, $0x2;
	v53 =	vadd.f32 v55, v18;
	v16 =	vadd.f32 v16, v12;
	v37 =	vmul.f32 v40, v33;
	v33 =	vld [tilespmem:s23+$0x11E0]  }
0x6b: {  	v55 =	vshll.u32 v57, $0x10;
	v14 =	vmul.f32 v14, v9;
	v9 =	vadd.f32 v54, v18;
	v40 =	vld [tilespmem:s14+$0x11D0]  }
0x6c: {  	v17 =	vadd.f32 v17, v53;
	v59 =	vadd.f32 v0, v16;
	v12 =	vshll.u32 v62, $0x10;
	v61 =	vld.idx.msk [tilespmem:v1+s24+$0x0 ss:$0x1], $0xffff  }
0x6d: {  	v0 =	vld [tilespmem:$0x1FF90];
	v54 =	vand.u32 $0xFFFF0000, v4;
	v15 =	vshll.u32 v5, $0x10;
	v9 =	vadd.f32 v34, v9  }
0x6e: {  	v62 =	vand.u32 $0xFFFF0000, v62;
	v36 =	vmul.f32 v12, v56;
	v12 =	vand.u32 $0xFFFF0000, v5;
	v1 =	vld [tilespmem:s14+$0x1100]  }
0x6f: {  	s25 =	sshll.u32 s22, $0x1;
	v5 =	vand.u32 $0xFFFF0000, v58;
	v4 =	vadd.f32 v2, v9;
	v2 =	vshll.u32 v35, $0x10  }
0x70: {  	v2 =	vmul.f32 v2, v55;
	v16 =	vand.u32 $0xFFFF0000, v33;
	v57 =	vshll.u32 v8, $0x10;
	s14 =	sadd.s32 s13, s25  }
0x71: {  	v56 =	vand.u32 $0xFFFF0000, v8;
	v8 =	vshll.u32 v40, $0x10;
	s14 =	smul.u32 $0x340, s14;
	v55 =	vshll.u32 v61, $0x10  }
0x72: {  	[tilespmem:$0x1FF00] =	vst v7;
	v53 =	vand.u32 $0xFFFF0000, v61;
	v61 =	vadd.f32 v0, v17;
	v0 =	vshll.u32 v33, $0x10  }
0x73: {  	[tilespmem:$0x1FF10] =	vst v10;
	s17 =	sshra.s32 s14, $0x2;
	v9 =	vshll.u32 v1, $0x10;
	v3 =	vand.u32 $0xFFFF0000, v1;
	v1 =	vand.u32 $0xFFFF0000, v40  }
0x74: {  	[tilespmem:$0x1FF30] =	vst v11;
	s15 =	smov.u32 s10;
	s16 =	smov.u32 s6;
	s14 =	simm.s32 $0x2;
	v58 =	vld [tilespmem:s17+$0x1120];
	v17 =	vand.u32 $0xFFFF0000, v35;
	v33 =	vimm.f32 $0.0e+00;
	v0 =	vmul.f32 v0, v6  }
.LBB2_4:
0x75: {  	v4 =	vadd.f32 v13, v4;
	v12 =	vmul.f32 v16, v12;
	v16 =	vld [tilespmem:s17+$0x11F0];
	s16 =	sadd.s32 $0x1A0, s16  }
0x76: {  	v13 =	vadd.f32 v14, v60;
	v14 =	vmul.f32 v17, v15;
	v15 =	vadd.f32 v38, v59;
	v40 =	vld [tilespmem:s16+$0xFFFFFA10]  }
0x77: {  	v17 =	vadd.f32 v39, v61;
	v35 =	vld [tilespmem:s16+$0xFFFFFAE0];
	v2 =	vadd.f32 v2, v4  }
0x78: {  	s15 =	sadd.s32 $0x10, s15;
	v34 =	vld [tilespmem:s16+$0xFFFFFCA0];
	v4 =	vmul.f32 v5, v52;
	v5 =	vadd.f32 v14, v15  }
0x79: {  	v12 =	vadd.f32 v12, v17;
	v17 =	vld [tilespmem:s15+$0xA20];
	v2 =	vadd.f32 v37, v2  }
0x7a: {  	v9 =	vmul.f32 v9, v51;
	v0 =	vadd.f32 v0, v13;
	v37 =	vld [tilespmem:s15+$0xFFFFF860]  }
0x7b: {  	v7 =	vld [tilespmem:s15+$0xFFFFF5E0];
	v13 =	vmul.f32 v62, v54;
	v15 =	vadd.f32 v49, v20;
	[tilespmem:$0x1FDF0] =	vst v2;
	v2 =	vadd.f32 v4, v5  }
0x7c: {  	v8 =	vmul.f32 v8, v50;
	v0 =	vadd.f32 v36, v0;
	v36 =	vld [tilespmem:s15+$0xFFFFFA10];
	v4 =	vadd.f32 v48, v33  }
0x7d: {  	v1 =	vmul.f32 v1, v45;
	v15 =	vadd.f32 v43, v15;
	v43 =	vld [tilespmem:s15+$0xFFFFF790];
	[tilespmem:$0x1FE10] =	vst v2;
	v2 =	vadd.f32 v13, v12  }
0x7e: {  	v12 =	vld [tilespmem:s15+$0x950];
	v13 =	vadd.f32 v46, v19;
	v4 =	vadd.f32 v42, v4;
	v39 =	vshll.u32 v17, $0x10  }
0x7f: {  	v38 =	vand.u32 $0xFFFF0000, v17;
	v17 =	vld [tilespmem:s15+$0xFFFFFCA0];
	v19 =	vshll.u32 v37, $0x10;
	[tilespmem:$0x1FE30] =	vst v2;
	v2 =	vadd.f32 v44, v18  }
0x80: {  	v45 =	vand.u32 $0xFFFF0000, v37;
	v37 =	vld [tilespmem:s16+$0xFFFFFE50];
	v13 =	vadd.f32 v41, v13;
	v4 =	vadd.f32 v31, v4  }
0x81: {  	v3 =	vmul.f32 v3, v47;
	v20 =	vshll.u32 v34, $0x10;
	v31 =	vld [tilespmem:s16+$0x1B0];
	v2 =	vadd.f32 v63, v2  }
0x82: {  	v18 =	vshll.u32 v43, $0x10;
	v13 =	vadd.f32 v30, v13;
	v30 =	vld [tilespmem:s15+$0xFFFFFF20];
	v4 =	vadd.f32 v27, v4  }
0x83: {  	v5 =	vshll.u32 v16, $0x10;
	v18 =	vmul.f32 v20, v18;
	v20 =	vld [tilespmem:$0x1FF40];
	v2 =	vadd.f32 v29, v2  }
0x84: {  	v5 =	vmul.f32 v5, v56;
	v29 =	vld [tilespmem:s15+$0xFFFFFE50];
	v13 =	vadd.f32 v26, v13;
	v4 =	vadd.f32 v8, v4  }
0x85: {  	v14 =	vshll.u32 v58, $0x10;
	[tilespmem:$0x1FE00] =	vst v0;
	v0 =	vand.u32 $0xFFFF0000, v58;
	v15 =	vadd.f32 v32, v15;
	v26 =	vld [tilespmem:s16+$0x430]  }
0x86: {  	v0 =	vmul.f32 v0, v55;
	v3 =	vadd.f32 v3, v13;
	v4 =	vadd.f32 v5, v4;
	v5 =	vld [tilespmem:$0x1FED0]  }
0x87: {  	v14 =	vmul.f32 v14, v57;
	v16 =	vand.u32 $0xFFFF0000, v16;
	v15 =	vadd.f32 v28, v15;
	v8 =	vld [tilespmem:s15+$0x0]  }
0x88: {  	p1 =	seq.s32 s14, $0x6;
	s17 =	sadd.s32 $0x7, s14;
	v48 =	vand.u32 $0xFFFF0000, v34;
	v2 =	vadd.f32 v25, v2;
	v0 =	vadd.f32 v0, v3;
	v3 =	vld [tilespmem:$0x1FEE0]  }
0x89: {  	s19 =	sadd.s32 $0x8, s14;
	s20 =	sadd.s32 $0xFFFFFFFB, s14;
	s17 =	simm.s32 @p1 $0x0;
	v6 =	vand.u32 $0xFFFF0000, v40;
	v19 =	vmul.f32 v48, v19;
	v43 =	vand.u32 $0xFFFF0000, v43;
	v25 =	vld [tilespmem:s16+$0x360]  }
0x8a: {  	s19 =	smin.u32 s19, s20;
	p1 =	slt.u32 s14, $0x2;
	s20 =	simm.s32 $0xB;
	v1 =	vadd.f32 v1, v15;
	v13 =	vld [tilespmem:s15+$0xD0];
	[tilespmem:$0x1FED0] =	vst v6;
	v6 =	vand.u32 $0xFFFF0000, v35;
	v2 =	vadd.f32 v9, v2  }
0x8b: {  	s20 =	simm.s32 @!p1 $0xFFFFFFFE;
	v9 =	vmul.f32 v16, v53;
	v16 =	vshll.u32 v35, $0x10;
	v35 =	vld [tilespmem:s15+$0xFFFFF940];
	v5 =	vmul.f32 v5, v22  }
0x8c: {  	s20 =	sadd.s32 s14, s20;
	v52 =	vshll.u32 v17, $0x10;
	v17 =	vand.u32 $0xFFFF0000, v17;
	v2 =	vadd.f32 v14, v2;
	v14 =	vld [tilespmem:s16+$0x510]  }
0x8d: {  	s21 =	sshll.u32 s20, $0x4;
	v1 =	vadd.f32 v9, v1;
	v9 =	vld [tilespmem:s16+$0x5E0];
	v3 =	vmul.f32 v3, v21;
	v0 =	vadd.f32 v5, v0  }
0x8e: {  	v56 =	vshll.u32 v37, $0x10;
	v57 =	vshll.u32 v31, $0x10;
	v20 =	vld.idx.msk [tilespmem:v20+s21+$0x0 ss:$0x1], $0xffff;
	v2 =	vadd.f32 v23, v2  }
0x8f: {  	v62 =	vand.u32 $0xFFFF0000, v31;
	v28 =	vshll.u32 v30, $0x10;
	v22 =	vld [tilespmem:$0x1FF10];
	[tilespmem:$0x1FE20] =	vst v0;
	v0 =	vadd.f32 v3, v1  }
0x90: {  	v15 =	vshll.u32 v29, $0x10;
	v27 =	vand.u32 $0xFFFF0000, v29;
	[tilespmem:$0x1FE50] =	vst v2;
	v2 =	vadd.f32 v24, v4;
	v4 =	vld [tilespmem:s16+$0x0]  }
0x91: {  	v29 =	vand.u32 $0xFFFF0000, v30;
	v30 =	vshll.u32 v26, $0x10;
	v26 =	vand.u32 $0xFFFF0000, v26;
	[tilespmem:$0x1FDE0] =	vst v0;
	v0 =	vld [tilespmem:s15+$0xFFFFFBC0]  }
0x92: {  	v32 =	vshll.u32 v8, $0x10;
	v8 =	vand.u32 $0xFFFF0000, v8;
	v5 =	vshll.u32 v40, $0x10;
	v40 =	vld [tilespmem:s16+$0x280]  }
0x93: {  	v41 =	vshll.u32 v13, $0x10;
	v1 =	vshll.u32 v12, $0x10;
	v3 =	vand.u32 $0xFFFF0000, v12;
	v12 =	vld [tilespmem:s16+$0xD0]  }
0x94: {  	v13 =	vand.u32 $0xFFFF0000, v13;
	v24 =	vshll.u32 v25, $0x10;
	v44 =	vshll.u32 v9, $0x10;
	[tilespmem:$0x1FE80] =	vst v2;
	v2 =	vld [tilespmem:s15+$0xFFFFFAF0]  }
0x95: {  	v23 =	vld [tilespmem:s15+$0xFFFFFD70];
	v9 =	vand.u32 $0xFFFF0000, v9;
	v8 =	vmul.f32 v44, v8;
	v50 =	vand.u32 $0xFFFF0000, v4  }
0x96: {  	v47 =	vshll.u32 v0, $0x10;
	v49 =	vand.u32 $0xFFFF0000, v0;
	v0 =	vshll.u32 v4, $0x10;
	v4 =	vld [tilespmem:s16+$0xFFFFFD70]  }
0x97: {  	v11 =	vmul.f32 v24, v15;
	v15 =	vand.u32 $0xFFFF0000, v36;
	v1 =	vmul.f32 v5, v1;
	[tilespmem:$0x1FEB0] =	vst v8;
	v8 =	vld [tilespmem:$0x1FEF0]  }
0x98: {  	v61 =	vmul.f32 v16, v3;
	v3 =	vld [tilespmem:s16+$0xFFFFFAF0];
	v34 =	vmul.f32 v9, v13;
	v31 =	vshll.u32 v40, $0x10  }
0x99: {  	v9 =	vld [tilespmem:$0x1FF00];
	v51 =	vshll.u32 v12, $0x10;
	v33 =	vshll.u32 v2, $0x10;
	v2 =	vand.u32 $0xFFFF0000, v2  }
0x9a: {  	[tilespmem:$0x1FEE0] =	vst v6;
	v5 =	vshll.u32 v36, $0x10;
	v36 =	vmul.f32 v51, v2;
	v2 =	vmul.f32 v31, v17;
	v17 =	vld [tilespmem:$0x1FF30]  }
0x9b: {  	[tilespmem:$0x1FE60] =	vst v11;
	v11 =	vmul.f32 v30, v27;
	v21 =	vshll.u32 v4, $0x10;
	v6 =	vand.u32 $0xFFFF0000, v4;
	v4 =	vld [tilespmem:s16+$0xFFFFFF20]  }
0x9c: {  	v10 =	vshll.u32 v35, $0x10;
	v53 =	vand.u32 $0xFFFF0000, v35;
	v25 =	vand.u32 $0xFFFF0000, v25;
	v16 =	vld [tilespmem:s16+$0xFFFFFBC0];
	[tilespmem:$0x1FE40] =	vst v1  }
0x9d: {  	s25 =	sshll.u32 s19, $0x4;
	v35 =	vmul.f32 v57, v52;
	v42 =	vshll.u32 v14, $0x10;
	v1 =	vld [tilespmem:s15+$0xFFFFF6B0];
	[tilespmem:$0x1FE70] =	vst v11;
	v11 =	vmul.f32 v25, v28  }
0x9e: {  	s18 =	sshll.u32 s17, $0x4;
	v14 =	vand.u32 $0xFFFF0000, v14;
	v60 =	vmul.f32 v42, v32;
	v58 =	vmul.f32 v50, v47;
	v47 =	vld.idx.msk [tilespmem:v22+s25+$0x0 ss:$0x1], $0xffff  }
0x9f: {  	s19 =	sshll.u32 s19, $0x1;
	v59 =	vmul.f32 v14, v41;
	v12 =	vand.u32 $0xFFFF0000, v12;
	[tilespmem:$0x1FE90] =	vst v11;
	v11 =	vmul.f32 v26, v29;
	v8 =	vld.idx.msk [tilespmem:v8+s18+$0x0 ss:$0x1], $0xffff  }
0xa0: {  	s19 =	sadd.s32 s13, s19;
	v51 =	vshll.u32 v7, $0x10;
	v7 =	vand.u32 $0xFFFF0000, v7;
	v22 =	vld [tilespmem:$0x1FF50];
	v13 =	vand.u32 $0xFFFF0000, v4  }
0xa1: {  	s17 =	sshll.u32 s17, $0x1;
	s19 =	smul.u32 $0x340, s19;
	[tilespmem:$0x1FEA0] =	vst v11;
	v11 =	vand.u32 $0xFFFF0000, v37;
	v21 =	vmul.f32 v21, v43;
	v43 =	vmul.f32 v13, v15;
	v13 =	vld [tilespmem:$0x1FF80]  }
0xa2: {  	s17 =	sadd.s32 s13, s17;
	v37 =	vmul.f32 v0, v33;
	v57 =	vshll.u32 v1, $0x10;
	v1 =	vand.u32 $0xFFFF0000, v1;
	v9 =	vld.idx.msk [tilespmem:v9+s18+$0x0 ss:$0x1], $0xffff  }
0xa3: {  	s19 =	sshra.s32 s19, $0x2;
	v33 =	vshll.u32 v3, $0x10;
	v41 =	vmul.f32 v11, v5;
	v11 =	vshll.u32 v16, $0x10;
	v17 =	vld.idx.msk [tilespmem:v17+s21+$0x0 ss:$0x1], $0xffff;
	s21 =	smul.u32 $0x340, s17  }
0xa4: {  	s23 =	simm.s32 $0xA;
	p1 =	slt.u32 s14, $0x4;
	v48 =	vmul.f32 v11, v7;
	s18 =	simm.s32 $0x9;
	v7 =	vshll.u32 v8, $0x10;
	v11 =	vand.u32 $0xFFFF0000, v8;
	v8 =	vld [tilespmem:s19+$0x1100]  }
0xa5: {  	v3 =	vand.u32 $0xFFFF0000, v3;
	s18 =	simm.s32 @!p1 $0xFFFFFFFC;
	p1 =	slt.u32 s14, $0x3;
	v14 =	vshll.u32 v4, $0x10;
	v4 =	vmul.f32 v12, v49;
	v12 =	vld [tilespmem:$0x1FF20];
	s21 =	sshra.s32 s21, $0x2  }
0xa6: {  	v46 =	vmul.f32 v3, v57;
	s23 =	simm.s32 @!p1 $0xFFFFFFFD;
	v42 =	vmul.f32 v14, v53;
	v14 =	vand.u32 $0xFFFF0000, v16;
	v3 =	vld [tilespmem:s21+$0x10F0]  }
0xa7: {  	s23 =	sadd.s32 s14, s23;
	v49 =	vmul.f32 v14, v1;
	v1 =	vld [tilespmem:s21+$0x11C0]  }
0xa8: {  	s24 =	sshll.u32 s23, $0x4;
	v14 =	vld [tilespmem:s19+$0x11D0]  }
0xa9: {  	v13 =	vld.idx.msk [tilespmem:v13+s24+$0x0 ss:$0x1], $0xffff  }
0xaa: {  	v63 =	vmul.f32 v56, v10;
	v55 =	vand.u32 $0xFFFF0000, v23;
	v40 =	vand.u32 $0xFFFF0000, v40;
	s18 =	sadd.s32 s14, s18  }
0xab: {  	v54 =	vshll.u32 v23, $0x10;
	v40 =	vmul.f32 v40, v55;
	s22 =	sshll.u32 s18, $0x4;
	v23 =	vand.u32 $0xFFFF0000, v9  }
0xac: {  	v32 =	vld.idx.msk [tilespmem:v22+s22+$0x0 ss:$0x1], $0xffff;
	v22 =	vshll.u32 v9, $0x10;
	v9 =	vshll.u32 v8, $0x10;
	v28 =	vand.u32 $0xFFFF0000, v3  }
0xad: {  	s20 =	sshll.u32 s20, $0x1;
	v29 =	vshll.u32 v1, $0x10;
	v30 =	vand.u32 $0xFFFF0000, v1;
	v1 =	vand.u32 $0xFFFF0000, v14  }
0xae: {  	s20 =	sadd.s32 s13, s20;
	v10 =	vld [tilespmem:$0x1FF60];
	v55 =	vshll.u32 v13, $0x10;
	v53 =	vand.u32 $0xFFFF0000, v13;
	v13 =	vshll.u32 v3, $0x10  }
0xaf: {  	s20 =	smul.u32 $0x340, s20;
	v3 =	vand.u32 $0xFFFF0000, v8;
	v8 =	vshll.u32 v14, $0x10;
	v14 =	vmul.f32 v29, v11;
	v11 =	vld [tilespmem:$0x1FE00]  }
0xb0: {  	v5 =	vld [tilespmem:$0x1FF70]  }
0xb1: {  	v12 =	vld.idx.msk [tilespmem:v12+s25+$0x0 ss:$0x1], $0xffff;
	s25 =	sshra.s32 s20, $0x2  }
0xb2: {  	v16 =	vld [tilespmem:s25+$0x1130]  }
0xb3: {  	v13 =	vmul.f32 v13, v7;
	v7 =	vld [tilespmem:$0x1FDF0]  }
0xb4: {  	v11 =	vadd.f32 v21, v11;
	v21 =	vmovc v38;
	v38 =	vmul.f32 v28, v22;
	v22 =	vmov v39;
	v39 =	vld [tilespmem:$0x1FE30];
	_ =	sdelay $0x2  }
0xb5: {  	v6 =	vmul.f32 v6, v45;
	v31 =	vshll.u32 v16, $0x10  }
0xb6: {  	v0 =	vmul.f32 v62, v54;
	s18 =	sshll.u32 s18, $0x1;
	v7 =	vadd.f32 v18, v7  }
0xb7: {  	s18 =	sadd.s32 s13, s18;
	v24 =	vshll.u32 v17, $0x10;
	v6 =	vadd.f32 v6, v39;
	v39 =	vmul.f32 v30, v23  }
0xb8: {  	s18 =	smul.u32 $0x340, s18;
	v30 =	vmovc v0;
	v0 =	vadd.f32 v37, v7;
	v37 =	vmul.f32 v31, v24;
	v31 =	vmov v2;
	v2 =	vld [tilespmem:$0x1FE60]  }
0xb9: {  	v10 =	vld.idx.msk [tilespmem:v10+s22+$0x0 ss:$0x1], $0xffff  }
0xba: {  	v5 =	vld.idx.msk [tilespmem:v5+s24+$0x0 ss:$0x1], $0xffff;
	s18 =	sshra.s32 s18, $0x2  }
0xbb: {  	v52 =	vshll.u32 v20, $0x10;
	v54 =	vand.u32 $0xFFFF0000, v20;
	v20 =	vld [tilespmem:s18+$0x11E0]  }
0xbc: {  	v25 =	vand.u32 $0xFFFF0000, v17;
	v17 =	vld [tilespmem:s25+$0x1200]  }
0xbd: {  	v44 =	vmul.f32 v33, v51;
	v6 =	vadd.f32 v4, v6;
	v4 =	vadd.f32 v2, v0;
	v0 =	vld [tilespmem:$0x1FE70]  }
0xbe: {  	v51 =	vshll.u32 v47, $0x10;
	v50 =	vand.u32 $0xFFFF0000, v47;
	v15 =	vshll.u32 v10, $0x10;
	v18 =	vld [tilespmem:$0x1FE10]  }
0xbf: {  	v47 =	vshll.u32 v12, $0x10;
	v45 =	vand.u32 $0xFFFF0000, v12;
	v12 =	vand.u32 $0xFFFF0000, v10;
	v10 =	vld [tilespmem:s18+$0x1110]  }
0xc0: {  	v7 =	vadd.f32 v36, v11  }
0xc1: {  	v26 =	vshll.u32 v32, $0x10;
	v27 =	vand.u32 $0xFFFF0000, v32;
	v32 =	vshll.u32 v17, $0x10  }
0xc2: {  	v57 =	vshll.u32 v5, $0x10;
	v36 =	vmul.f32 v32, v25;
	v25 =	vmovc v60;
	v60 =	vadd.f32 v0, v7;
	v0 =	vld [tilespmem:$0x1FE90]  }
0xc3: {  	v56 =	vand.u32 $0xFFFF0000, v5;
	v5 =	vand.u32 $0xFFFF0000, v16;
	v18 =	vadd.f32 v19, v18  }
0xc4: {  	v62 =	vand.u32 $0xFFFF0000, v17;
	v16 =	vand.u32 $0xFFFF0000, v20;
	v33 =	vshll.u32 v10, $0x10  }
0xc5: {  	s17 =	sshll.u32 s23, $0x1;
	v17 =	vand.u32 $0xFFFF0000, v10;
	v10 =	vshll.u32 v20, $0x10;
	v20 =	vld [tilespmem:$0x1FDE0];
	v11 =	vadd.f32 v58, v18  }
0xc6: {  	s17 =	sadd.s32 s13, s17;
	v23 =	vld [tilespmem:$0x1FE40]  }
0xc7: {  	p0 =	sne.s32 s14, $0x6;
	s17 =	smul.u32 $0x340, s17;
	v2 =	vmul.f32 v33, v26;
	v26 =	vmov v59;
	v59 =	vadd.f32 v0, v11;
	v0 =	vld [tilespmem:$0x1FEA0]  }
.Ltmp0:
0xc8: {  	v19 =	vld [tilespmem:$0x1FE20];
	(pc) =	sbr.rel @p0 .LBB2_4-.Ltmp0, $4  }
0xc9: {  	s17 =	sshra.s32 s17, $0x2;
	v18 =	vld [tilespmem:$0x1FE50]  }
0xca: {  	v58 =	vld [tilespmem:s17+$0x1120]  }
0xcb: {  	v29 =	vmov v35;
	v33 =	vld [tilespmem:$0x1FE80]  }
0xcc: {  	s14 =	sadd.s32 $0x1, s14;
	v28 =	vmovc v34;
	v24 =	vmovc v61;
	v32 =	vmov v40;
	v61 =	vadd.f32 v0, v6;
	v0 =	vmul.f32 v10, v27;
	v27 =	vld [tilespmem:$0x1FEB0]  }
0xcd: {  	v4 =	vadd.f32 v13, v4;
	v6 =	vadd.f32 v14, v60  }
0xce: {  	v7 =	vmul.f32 v17, v15;
	v10 =	vadd.f32 v38, v59;
	v12 =	vmul.f32 v16, v12  }
0xcf: {  	v40 =	vadd.f32 v49, v20;
	v9 =	vmul.f32 v9, v51;
	v8 =	vmul.f32 v8, v50;
	v50 =	vld [tilespmem:s11+$0x1230]  }
0xd0: {  	v3 =	vmul.f32 v3, v47;
	v59 =	vld [tilespmem:$0x1FED0];
	v11 =	vadd.f32 v39, v61;
	v39 =	vadd.f32 v46, v19  }
0xd1: {  	v1 =	vmul.f32 v1, v45;
	v46 =	vld [tilespmem:s11+$0x1080];
	v13 =	vadd.f32 v2, v4;
	v4 =	vadd.f32 v0, v6  }
0xd2: {  	v61 =	vld [tilespmem:$0x1FEE0];
	v2 =	vadd.f32 v7, v10;
	v45 =	vshll.u32 v58, $0x10;
	v38 =	vadd.f32 v48, v33  }
0xd3: {  	v49 =	vand.u32 $0xFFFF0000, v58;
	v58 =	vld [tilespmem:s11+$0x14B0];
	v0 =	vadd.f32 v12, v11;
	v11 =	vadd.f32 v41, v39  }
0xd4: {  	v5 =	vmul.f32 v5, v52;
	v12 =	vadd.f32 v43, v40;
	v10 =	vadd.f32 v42, v38;
	v42 =	vld [tilespmem:s17+$0x11F0]  }
0xd5: {  	v35 =	vlaneseq.u32;
	v48 =	vld [tilespmem:s11+$0x1150];
	v6 =	vadd.f32 v37, v13;
	v37 =	vadd.f32 v44, v18  }
0xd6: {  	v16 =	vmul.f32 v45, v57;
	v33 =	vld [tilespmem:s11+$0x1ED0];
	v11 =	vadd.f32 v30, v11;
	v10 =	vadd.f32 v31, v10  }
0xd7: {  	v55 =	vmul.f32 v49, v55;
	v41 =	vld [tilespmem:s11+$0x2230];
	v12 =	vadd.f32 v32, v12;
	v7 =	vadd.f32 v63, v37  }
0xd8: {  	s13 =	sadd.s32 s0, s1;
	v57 =	vld [tilespmem:s11+$0x13E0];
	v13 =	vmul.f32 v61, v21;
	v37 =	vmul.f32 v62, v54;
	v10 =	vadd.f32 v27, v10  }
0xd9: {  	v34 =	vld [tilespmem:s11+$0x1FB0];
	s14 =	sshll.u32 s13, $0x5;
	v11 =	vadd.f32 v26, v11;
	v12 =	vadd.f32 v28, v12;
	v47 =	vshll.u32 v42, $0x10  }
0xda: {  	s14 =	sand.u32 $0x3FFFFFE0, s14;
	v32 =	vld [tilespmem:s11+$0x1E00];
	v28 =	vand.u32 $0xFFFF0000, v46;
	v18 =	vmul.f32 v47, v56;
	v8 =	vadd.f32 v8, v10  }
0xdb: {  	v43 =	vld [tilespmem:s14+$0x0];
	v7 =	vadd.f32 v29, v7;
	v29 =	vshll.u32 v48, $0x10;
	v17 =	vshll.u32 v33, $0x10  }
0xdc: {  	v60 =	vld [tilespmem:s11+$0x1590];
	v46 =	vshll.u32 v41, $0x10;
	v3 =	vadd.f32 v3, v11;
	v8 =	vadd.f32 v18, v8  }
0xdd: {  	v30 =	vld [tilespmem:s11+$0x1740];
	v1 =	vadd.f32 v1, v12;
	v11 =	vand.u32 $0xFFFF0000, v57;
	v12 =	vshll.u32 v58, $0x10  }
0xde: {  	v26 =	vld [tilespmem:$0x1FFA0];
	v7 =	vadd.f32 v25, v7;
	v8 =	vadd.f32 v24, v8;
	v24 =	vmul.u32 $0xFFFFFC17, v35  }
0xdf: {  	v63 =	vld [tilespmem:s11+$0x1660];
	v51 =	vand.u32 $0xFFFF0000, v42;
	v11 =	vmul.f32 v12, v11;
	v40 =	vand.u32 $0xFFFF0000, v32  }
0xe0: {  	v44 =	vld [tilespmem:s14+$0x10];
	v12 =	vand.u32 $0xFFFF0000, v34;
	v10 =	vmul.f32 v51, v53;
	v14 =	vadd.s32 v24, v43  }
0xe1: {  	v56 =	vld [tilespmem:s11+$0x1300];
	v3 =	vadd.f32 v55, v3;
	v7 =	vadd.f32 v9, v7;
	v14 =	vcvt.s32.f32 v14  }
0xe2: {  	v38 =	vld [tilespmem:s11+$0x2080];
	v9 =	vand.u32 $0xFFFF0000, v50;
	v50 =	vand.u32 $0xFFFF0000, v30;
	v1 =	vadd.f32 v10, v1  }
0xe3: {  	v7 =	vadd.f32 v16, v7;
	v16 =	vmul.f32 v59, v22;
	v14 =	vmul.f32 v14, v26;
	v26 =	vld [tilespmem:$0x1FFB0]  }
0xe4: {  	v42 =	vld [tilespmem:s11+$0x1810];
	v10 =	vand.u32 $0xFFFF0000, v60;
	v18 =	vshll.u32 v63, $0x10;
	v25 =	vadd.s32 $0xFFFFC170, v24  }
0xe5: {  	v7 =	vadd.f32 v23, v7;
	v3 =	vadd.f32 v16, v3;
	v15 =	vadd.s32 v25, v44  }
0xe6: {  	v39 =	vld [tilespmem:s11+$0x2160];
	v16 =	vmul.f32 v29, v28;
	v31 =	vshll.u32 v56, $0x10;
	v15 =	vcvt.s32.f32 v15  }
0xe7: {  	v10 =	vmul.f32 v18, v10;
	v1 =	vadd.f32 v13, v1;
	v9 =	vmul.f32 v31, v9;
	v43 =	vld [tilespmem:s11+$0x2310]  }
0xe8: {  	v7 =	vadd.f32 v16, v7;
	v16 =	vmul.f32 v17, v40;
	v44 =	vld [tilespmem:s11+$0x23E0];
	v15 =	vmul.f32 v15, v26  }
0xe9: {  	v45 =	vld [tilespmem:s11+$0x24C0];
	v51 =	vshll.u32 v42, $0x10;
	v8 =	vadd.f32 v9, v8;
	v9 =	vshll.u32 v38, $0x10  }
0xea: {  	v47 =	vld [tilespmem:s11+$0x2590];
	v7 =	vadd.f32 v16, v7;
	v9 =	vmul.f32 v9, v12;
	v14 =	vadd.f32 v15, v14  }
0xeb: {  	v52 =	vld [tilespmem:s11+$0x19C0];
	v1 =	vadd.f32 v10, v1;
	v3 =	vadd.f32 v11, v3;
	v11 =	vand.u32 $0xFFFF0000, v39  }
0xec: {  	v49 =	vld [tilespmem:s11+$0x18F0];
	v48 =	vmul.f32 v46, v11;
	v8 =	vadd.f32 v9, v8;
	v7 =	vadd.f32 v14, v7  }
0xed: {  	v53 =	vld [tilespmem:s11+$0x1AA0];
	v11 =	vmul.f32 v51, v50;
	v17 =	vand.u32 $0xFFFF0000, v43;
	v54 =	vshll.u32 v44, $0x10  }
0xee: {  	v56 =	vld [tilespmem:s11+$0x1B70];
	v3 =	vadd.f32 v48, v3;
	v55 =	vmul.f32 v54, v17;
	v7 =	vadd.f32 v7, v8  }
0xef: {  	v57 =	vld [tilespmem:s11+$0x1C50];
	v12 =	vand.u32 $0xFFFF0000, v45;
	v6 =	vadd.f32 v11, v6;
	v15 =	vshll.u32 v47, $0x10  }
0xf0: {  	v59 =	vld [tilespmem:s11+$0x1D20];
	v1 =	vadd.f32 v55, v1;
	v58 =	vmul.f32 v15, v12;
	v3 =	vadd.f32 v7, v3  }
0xf1: {  	v4 =	vadd.f32 v36, v4;
	v60 =	vshll.u32 v52, $0x10;
	v10 =	vand.u32 $0xFFFF0000, v49  }
0xf2: {  	v10 =	vmul.f32 v60, v10;
	v6 =	vadd.f32 v58, v6;
	v1 =	vadd.f32 v3, v1  }
0xf3: {  	v2 =	vadd.f32 v5, v2;
	v61 =	vshll.u32 v56, $0x10;
	v3 =	vand.u32 $0xFFFF0000, v53  }
0xf4: {  	v4 =	vadd.f32 v10, v4;
	v3 =	vmul.f32 v61, v3;
	v1 =	vadd.f32 v1, v6  }
0xf5: {  	v0 =	vadd.f32 v37, v0;
	v62 =	vand.u32 $0xFFFF0000, v57;
	v63 =	vshll.u32 v59, $0x10  }
0xf6: {  	v2 =	vadd.f32 v3, v2;
	v3 =	vmul.f32 v63, v62;
	v1 =	vadd.f32 v1, v4;
	_ =	sdelay $0x1  }
0xf7: {  	v0 =	vadd.f32 v3, v0;
	v1 =	vadd.f32 v1, v2;
	_ =	sdelay $0x1  }
0xf8: {  	v0 =	vadd.f32 v1, v0;
	v1 =	vld [tilespmem:$0x1FFC0];
	_ =	sdelay $0x4  }
0xf9: {  	v1 =	vperm.xlane v0, v1;
	_ =	sdelay $0x1  }
0xfa: {  	v0 =	vadd.f32 v0, v1;
	v1 =	vld [tilespmem:$0x1FFD0];
	_ =	sdelay $0x4  }
0xfb: {  	v1 =	vperm.xlane v0, v1;
	_ =	sdelay $0x1  }
0xfc: {  	v0 =	vadd.f32 v0, v1;
	v1 =	vld [tilespmem:$0x1FFE0];
	_ =	sdelay $0x4  }
0xfd: {  	v1 =	vperm.xlane v0, v1;
	_ =	sdelay $0x1  }
0xfe: {  	v0 =	vadd.f32 v0, v1;
	v1 =	vld [tilespmem:$0x1FFF0];
	_ =	sdelay $0x4  }
0xff: {  	v1 =	vperm.xlane v0, v1  }
0x100: {  	s25 =	sand.u32 $0xB, s13  }
0x101: {  	s1 =	sadd.s32 $0x1, s1;
	v0 =	vadd.f32 v0, v1;
	v1 =	vmov s25  }
0x102: {  	p0 =	sne.s32 s1, $0x4;
	vm0 =	veq.s32 v1, v35;
	v1 =	vld [tilespmem:$0x1FEC0]  }
.Ltmp1:
0x103: {  	_ = 	snop;
	(pc) =	sbr.rel @p0 .LBB2_3-.Ltmp1, $2  }
0x104: {  	_ =	sdelay $0x2  }
0x105: {  	s6 =	sadd.s32 $0x1520, s6;
	s10 =	sadd.s32 $0x1520, s10;
	v0 =	vsel vm0, v0, v1  }
0x106: {  	p0 =	seq.s32 s31, $0xF  }
0x107: {  	s0 =	sshll.u32 @!p0 s31, $0x8  }
0x108: {  	s0 =	sand.u32 @!p0 $0x3FFFFF00, s0  }
0x109: {  	s6 =	simm.s32 @!p0 $0x1A;
	s10 =	simm.s32 @!p0 $0x1080;
	s1 =	sadd.s32 @!p0 $0x100, s0  }
0x10a: {  	[tilespmem:s10], [sflag:$0x1] =	stream.indirect.gather @!p0 [hbm4b:s3+s6], $0xD0, s1, s6, $0xb8;
	[tilespmem:$0xBA00] =	vst v63  }
0x10b: {  	s1 =	sadd.s32 @!p0 $0x120, s0;
	s10 =	simm.s32 @!p0 $0x25A0  }
0x10c: {  	[tilespmem:s10], [sflag:$0x1] =	stream.indirect.gather @!p0 [hbm4b:s3+s6], $0xD0, s1, s6, $0xb8;
	[tilespmem:$0xBA00] =	vst v63  }
0x10d: {  	s1 =	sadd.s32 @!p0 $0x140, s0;
	s10 =	simm.s32 @!p0 $0x3AC0  }
0x10e: {  	[tilespmem:s10], [sflag:$0x1] =	stream.indirect.gather @!p0 [hbm4b:s3+s6], $0xD0, s1, s6, $0xb8;
	[tilespmem:$0xBA00] =	vst v63  }
0x10f: {  	s1 =	sadd.s32 @!p0 $0x160, s0;
	s10 =	simm.s32 @!p0 $0x4FE0  }
0x110: {  	[tilespmem:s10], [sflag:$0x1] =	stream.indirect.gather @!p0 [hbm4b:s3+s6], $0xD0, s1, s6, $0xb8;
	[tilespmem:$0xBA00] =	vst v63  }
0x111: {  	_ =	swait.ge [sflag:s28], $0x1520  }
0x112: {  	[sflag:s28] =	ssyncset.done $0x0  }
0x113: {  	[sflag:s28] =	ssyncadd.s32 $0xFFFFEAE0  }
0x114: {  	_ =	swait.ge [sflag:s28], $0x1520  }
0x115: {  	[sflag:s28] =	ssyncset.done $0x0  }
0x116: {  	[sflag:s28] =	ssyncadd.s32 $0xFFFFEAE0  }
0x117: {  	_ =	swait.ge [sflag:s28], $0x1520  }
0x118: {  	[sflag:s28] =	ssyncset.done $0x0  }
0x119: {  	[sflag:s28] =	ssyncadd.s32 $0xFFFFEAE0  }
0x11a: {  	_ =	swait.ge [sflag:s28], $0x1520  }
0x11b: {  	[sflag:s28] =	ssyncset.done $0x0  }
0x11c: {  	[sflag:s28] =	ssyncadd.s32 $0xFFFFEAE0  }
0x11d: {  	v1 =	vld [tilespmem:$0x1000];
	_ =	sdelay $0x4  }
0x11e: {  	[tilespmem:$0x1FDA0] =	vst v1;
	v1 =	vld [tilespmem:$0x1010];
	_ =	sdelay $0x2  }
0x11f: {  	[tilespmem:$0x1FDC0] =	vst v24  }
0x120: {  	s18 =	simm.s32 $0x6BB0;
	s1 =	sshllo.u32 s31, $0x1;
	[tilespmem:$0x1FDD0] =	vst v25  }
0x121: {  	s17 =	simm.s32 $0x6F30;
	s10 =	simm.s32 $0x0;
	s6 =	sshll.u32 s1, $0x2;
	[tilespmem:$0x1FDB0] =	vst v1  }
.LBB2_7:
0x122: {  	[tilespmem:$0x1FEC0] =	vst v0;
	v0 =	vld [tilespmem:s17+$0x950]  }
0x123: {  	v1 =	vld [tilespmem:s17+$0xA20]  }
0x124: {  	v2 =	vld [tilespmem:s18+$0xFFFFFA10]  }
0x125: {  	v3 =	vld [tilespmem:s18+$0xFFFFFAE0]  }
0x126: {  	v4 =	vld [tilespmem:s17+$0xFFFFFE50]  }
0x127: {  	s11 =	smul.u32 $0x5480, s10;
	v5 =	vld [tilespmem:s17+$0xFFFFFF20]  }
0x128: {  	v6 =	vld [tilespmem:s18+$0x360]  }
0x129: {  	v7 =	vld [tilespmem:s18+$0x430];
	s14 =	sshra.s32 s11, $0x2  }
0x12a: {  	v8 =	vld [tilespmem:s17+$0x0];
	s11 =	sadd.s32 $0x7060, s14;
	s13 =	sadd.s32 $0x7130, s14;
	s15 =	sadd.s32 $0x7200, s14  }
0x12b: {  	v9 =	vld [tilespmem:s17+$0xD0];
	s16 =	sadd.s32 $0x72D0, s14;
	s22 =	sadd.s32 $0x73A0, s14;
	s20 =	sadd.s32 $0x7540, s14;
	v10 =	vmov s11;
	v11 =	vmov s13;
	v12 =	vmov s15  }
0x12c: {  	v14 =	vld [tilespmem:s18+$0x510];
	s19 =	sadd.s32 $0x7470, s14;
	s23 =	sadd.s32 $0x7610, s14;
	s25 =	sadd.s32 $0x77B0, s14;
	v21 =	vmov s16;
	v22 =	vmov s22;
	v13 =	vmov s20  }
0x12d: {  	v15 =	vld [tilespmem:s18+$0x5E0];
	v62 =	vmov s19;
	v20 =	vmov s25;
	[tilespmem:$0x1FD60] =	vst v13;
	v13 =	vmov s23  }
0x12e: {  	v16 =	vld [tilespmem:s17+$0xFFFFFAF0];
	v18 =	vshll.u32 v0, $0x10;
	v0 =	vand.u32 $0xFFFF0000, v0;
	v24 =	vshll.u32 v1, $0x10  }
0x12f: {  	v17 =	vld [tilespmem:s17+$0xFFFFFBC0];
	v23 =	vand.u32 $0xFFFF0000, v1;
	v1 =	vshll.u32 v2, $0x10;
	v63 =	vand.u32 $0xFFFF0000, v2  }
0x130: {  	v19 =	vld [tilespmem:s18+$0x0];
	v26 =	vshll.u32 v4, $0x10;
	v27 =	vshll.u32 v3, $0x10;
	v3 =	vand.u32 $0xFFFF0000, v3  }
0x131: {  	v25 =	vld [tilespmem:s17+$0xFFFFFD70];
	v4 =	vand.u32 $0xFFFF0000, v4;
	v28 =	vshll.u32 v5, $0x10;
	v5 =	vand.u32 $0xFFFF0000, v5  }
0x132: {  	v31 =	vld [tilespmem:s18+$0x1B0];
	v29 =	vshll.u32 v6, $0x10;
	v6 =	vand.u32 $0xFFFF0000, v6;
	v30 =	vshll.u32 v7, $0x10  }
0x133: {  	v33 =	vld [tilespmem:s18+$0x280];
	v7 =	vand.u32 $0xFFFF0000, v7;
	v32 =	vshll.u32 v8, $0x10;
	v8 =	vand.u32 $0xFFFF0000, v8  }
0x134: {  	v36 =	vld [tilespmem:s17+$0xFFFFF790];
	v34 =	vshll.u32 v9, $0x10;
	v9 =	vand.u32 $0xFFFF0000, v9;
	v35 =	vshll.u32 v14, $0x10  }
0x135: {  	v38 =	vld [tilespmem:s17+$0xFFFFF860];
	v14 =	vand.u32 $0xFFFF0000, v14;
	v37 =	vshll.u32 v15, $0x10;
	v15 =	vand.u32 $0xFFFF0000, v15  }
0x136: {  	v41 =	vld [tilespmem:s18+$0xFFFFFCA0];
	v39 =	vshll.u32 v16, $0x10;
	v16 =	vand.u32 $0xFFFF0000, v16;
	v40 =	vshll.u32 v17, $0x10  }
0x137: {  	v2 =	vld [tilespmem:s18+$0xD0];
	v17 =	vand.u32 $0xFFFF0000, v17;
	v42 =	vshll.u32 v19, $0x10;
	v19 =	vand.u32 $0xFFFF0000, v19  }
0x138: {  	v43 =	vld [tilespmem:s18+$0xFFFFFD70];
	v48 =	vshll.u32 v25, $0x10;
	v49 =	vand.u32 $0xFFFF0000, v25;
	v50 =	vshll.u32 v31, $0x10  }
0x139: {  	v51 =	vand.u32 $0xFFFF0000, v31;
	v52 =	vshll.u32 v33, $0x10;
	v53 =	vshll.u32 v36, $0x10  }
0x13a: {  	v36 =	vand.u32 $0xFFFF0000, v36;
	v55 =	vshll.u32 v38, $0x10;
	v38 =	vand.u32 $0xFFFF0000, v38  }
0x13b: {  	v56 =	vshll.u32 v41, $0x10;
	v41 =	vand.u32 $0xFFFF0000, v41;
	v1 =	vmul.f32 v1, v18  }
0x13c: {  	v25 =	vmul.f32 v30, v4;
	v44 =	vshll.u32 v2, $0x10;
	v45 =	vand.u32 $0xFFFF0000, v2;
	v2 =	vld [tilespmem:s17+$0xFFFFF940]  }
0x13d: {  	v57 =	vshll.u32 v43, $0x10;
	[tilespmem:$0x1FCC0] =	vst v3;
	v3 =	vld [tilespmem:s17+$0xFFFFFCA0];
	v30 =	vmul.f32 v15, v9;
	v19 =	vmul.f32 v19, v40  }
0x13e: {  	v60 =	vld [tilespmem:s17+$0xFFFFF5E0];
	v43 =	vand.u32 $0xFFFF0000, v43;
	v56 =	vmul.f32 v56, v53;
	v36 =	vmul.f32 v57, v36  }
0x13f: {  	p1 =	por $0x0, $0x0;
	s24 =	sadd.s32 $0x76E0, s14;
	s13 =	simm.s32 $0x8;
	v54 =	vand.u32 $0xFFFF0000, v33;
	v31 =	vld [tilespmem:s18+$0xFFFFFE50];
	v41 =	vmul.f32 v41, v55;
	v38 =	vmul.f32 v43, v38  }
0x140: {  	s21 =	simm.s32 $0x9;
	v33 =	vld [tilespmem:s18+$0xFFFFFF20];
	s13 =	simm.s32 @p1 $0x0;
	[tilespmem:$0x1FD70] =	vst v13;
	v13 =	vmov s24;
	v16 =	vmul.f32 v44, v16;
	v17 =	vmul.f32 v45, v17  }
0x141: {  	s15 =	smul.u32 $0x1A, s10;
	s22 =	simm.s32 $0xFFFFFFFC;
	v9 =	vld [tilespmem:s18+$0xFFFFFBC0];
	s20 =	sshll.u32 s13, $0x4;
	v58 =	vshll.u32 v2, $0x10;
	v59 =	vand.u32 $0xFFFF0000, v2;
	v2 =	vmul.f32 v29, v26  }
0x142: {  	s19 =	simm.s32 $0xB;
	p1 =	por $0x1, $0x1;
	s13 =	sshll.u32 s13, $0x1;
	v15 =	vld.idx.msk [tilespmem:v10+s20+$0x0 ss:$0x1], $0xffff;
	v46 =	vshll.u32 v3, $0x10;
	v26 =	vmul.f32 v27, v0;
	v0 =	vmul.f32 v6, v28  }
0x143: {  	s11 =	smin.u32 s21, s22;
	s19 =	simm.s32 @!p1 $0xFFFFFFFE;
	s13 =	sadd.s32 s15, s13;
	v47 =	vand.u32 $0xFFFF0000, v3;
	v3 =	vld [tilespmem:s17+$0xFFFFFA10];
	v27 =	vmul.f32 v35, v32;
	v29 =	vmul.f32 v37, v8  }
0x144: {  	s23 =	sshll.u32 s11, $0x4;
	s19 =	sadd.s32 $0x1, s19;
	s13 =	smul.u32 $0x340, s13;
	v4 =	vshll.u32 v31, $0x10;
	v28 =	vmul.f32 v14, v34;
	v35 =	vmul.f32 v42, v39;
	v39 =	vld.idx.msk [tilespmem:v11+s20+$0x0 ss:$0x1], $0xffff  }
0x145: {  	s24 =	sshll.u32 s19, $0x4;
	v8 =	vshll.u32 v33, $0x10;
	v14 =	vand.u32 $0xFFFF0000, v33;
	v33 =	vmul.f32 v52, v47;
	v47 =	vld.idx.msk [tilespmem:v12+s23+$0x0 ss:$0x1], $0xffff  }
0x146: {  	s13 =	sshra.s32 s13, $0x2;
	v6 =	vand.u32 $0xFFFF0000, v31;
	v31 =	vmul.f32 v50, v46;
	v42 =	vmul.f32 v4, v58;
	v4 =	vld.idx.msk [tilespmem:v20+s24+$0x0 ss:$0x1], $0xffff  }
0x147: {  	v40 =	vand.u32 $0xFFFF0000, v60;
	v32 =	vmul.f32 v51, v48;
	v44 =	vmul.f32 v8, v59;
	v8 =	vld [tilespmem:s13+$0x6570]  }
0x148: {  	p1 =	por $0x1, $0x1;
	s25 =	sshll.u32 s19, $0x1;
	s19 =	simm.s32 $0x9;
	v37 =	vshll.u32 v60, $0x10;
	v34 =	vmul.f32 v54, v49;
	[tilespmem:$0x1FD80] =	vst v0;
	v0 =	vmul.f32 v7, v5;
	v5 =	vld [tilespmem:s17+$0xFFFFF6B0]  }
0x149: {  	[tilespmem:$0x1FD30] =	vst v20;
	s19 =	simm.s32 @!p1 $0xFFFFFFFC;
	v18 =	vshll.u32 v3, $0x10;
	v61 =	vand.u32 $0xFFFF0000, v3;
	v20 =	vimm.f32 $0.0e+00;
	v7 =	vld [tilespmem:s18+$0xFFFFFAF0]  }
0x14a: {  	s21 =	sadd.s32 $0x1, s19;
	v43 =	vmul.f32 v6, v18;
	v6 =	vshll.u32 v9, $0x10;
	v38 =	vadd.f32 v38, v20;
	[tilespmem:$0x1FD90] =	vst v0;
	v0 =	vld [tilespmem:$0x1FD60]  }
0x14b: {  	s16 =	sadd.s32 s15, s25;
	s19 =	sshll.u32 s21, $0x1;
	v45 =	vmul.f32 v14, v61;
	v9 =	vand.u32 $0xFFFF0000, v9;
	v50 =	vmul.f32 v6, v40;
	v6 =	vld [tilespmem:s13+$0x6640]  }
0x14c: {  	s19 =	sadd.s32 s15, s19;
	s20 =	smul.u32 $0x340, s16;
	v17 =	vadd.f32 v17, v38;
	v18 =	vand.u32 $0xFFFF0000, v39;
	v53 =	vshll.u32 v47, $0x10  }
0x14d: {  	p1 =	por $0x1, $0x1;
	s19 =	smul.u32 $0x340, s19;
	v54 =	vld.idx.msk [tilespmem:v21+s23+$0x0 ss:$0x1], $0xffff;
	v14 =	vshll.u32 v8, $0x10;
	v8 =	vand.u32 $0xFFFF0000, v8;
	v48 =	vshll.u32 v5, $0x10  }
0x14e: {  	v60 =	vld.idx.msk [tilespmem:v13+s24+$0x0 ss:$0x1], $0xffff;
	s16 =	sshll.u32 s21, $0x4;
	s13 =	sshra.s32 s20, $0x2;
	s20 =	simm.s32 $0xA;
	v5 =	vand.u32 $0xFFFF0000, v5;
	v57 =	vshll.u32 v7, $0x10;
	v7 =	vand.u32 $0xFFFF0000, v7  }
0x14f: {  	v59 =	vld.idx.msk [tilespmem:v22+s16+$0x0 ss:$0x1], $0xffff;
	s20 =	simm.s32 @!p1 $0xFFFFFFFD;
	v49 =	vmul.f32 v7, v48;
	v51 =	vmul.f32 v9, v5;
	v5 =	vshll.u32 v15, $0x10  }
0x150: {  	s23 =	sshra.s32 s19, $0x2;
	v3 =	vld [tilespmem:s13+$0x6680];
	s22 =	sadd.s32 $0x1, s20;
	v7 =	vand.u32 $0xFFFF0000, v15;
	v9 =	vshll.u32 v39, $0x10;
	v15 =	vshll.u32 v6, $0x10  }
0x151: {  	s24 =	sshll.u32 s22, $0x4;
	v6 =	vand.u32 $0xFFFF0000, v6;
	v15 =	vmul.f32 v15, v7;
	v40 =	vmul.f32 v8, v9;
	v9 =	vld [tilespmem:s23+$0x6590]  }
0x152: {  	v7 =	vadd.f32 v56, v20;
	v8 =	vadd.f32 v41, v20;
	v41 =	vmul.f32 v6, v18;
	v6 =	vld.idx.msk [tilespmem:v0+s24+$0x0 ss:$0x1], $0xffff  }
0x153: {  	v52 =	vand.u32 $0xFFFF0000, v47;
	v47 =	vand.u32 $0xFFFF0000, v54;
	v48 =	vshll.u32 v54, $0x10;
	v0 =	vld [tilespmem:$0x1FD70]  }
0x154: {  	[tilespmem:$0x1FCE0] =	vst v10;
	s11 =	sshll.u32 s11, $0x1;
	v10 =	vld [tilespmem:s13+$0x65B0];
	v54 =	vand.u32 $0xFFFF0000, v60;
	v14 =	vmul.f32 v14, v5;
	v7 =	vadd.f32 v35, v7  }
0x155: {  	[tilespmem:$0x1FD50] =	vst v62;
	s11 =	sadd.s32 s15, s11;
	v5 =	vld.idx.msk [tilespmem:v62+s16+$0x0 ss:$0x1], $0xffff;
	v62 =	vshll.u32 v59, $0x10;
	v19 =	vadd.f32 v19, v8;
	v8 =	vshll.u32 v3, $0x10  }
0x156: {  	s11 =	smul.u32 $0x340, s11;
	v38 =	vmul.f32 v8, v54;
	v8 =	vadd.f32 v2, v7;
	v2 =	vshll.u32 v9, $0x10  }
0x157: {  	v61 =	vshll.u32 v4, $0x10;
	v56 =	vand.u32 $0xFFFF0000, v4;
	v4 =	vmul.f32 v2, v62;
	v2 =	vld [tilespmem:$0x1FD80]  }
0x158: {  	s11 =	sshra.s32 s11, $0x2;
	v36 =	vadd.f32 v36, v20  }
0x159: {  	v58 =	vshll.u32 v60, $0x10;
	v46 =	vmul.f32 v57, v37;
	v37 =	vld [tilespmem:s11+$0x6580];
	v18 =	vshll.u32 v10, $0x10  }
0x15a: {  	v60 =	vadd.f32 v16, v36;
	v39 =	vmul.f32 v18, v58;
	v18 =	vld [tilespmem:s23+$0x6660]  }
0x15b: {  	[tilespmem:$0x1FD10] =	vst v21;
	v36 =	vld.idx.msk [tilespmem:v0+s24+$0x0 ss:$0x1], $0xffff  }
0x15c: {  	[tilespmem:$0x1FCD0] =	vst v1;
	v1 =	vand.u32 $0xFFFF0000, v59;
	v59 =	vadd.f32 v25, v60;
	v60 =	vadd.f32 v2, v19;
	v2 =	vld [tilespmem:$0x1FD90]  }
0x15d: {  	[tilespmem:$0x1FD40] =	vst v22;
	v21 =	vimm.f32 $0.0e+00;
	v22 =	vimm.f32 $0.0e+00;
	v0 =	vld [tilespmem:s11+$0x6650]  }
0x15e: {  	s25 =	sshll.u32 s22, $0x1;
	v25 =	vimm.f32 $0.0e+00;
	v3 =	vand.u32 $0xFFFF0000, v3;
	v16 =	vshll.u32 v5, $0x10  }
0x15f: {  	v5 =	vand.u32 $0xFFFF0000, v5;
	v58 =	vshll.u32 v6, $0x10;
	v57 =	vand.u32 $0xFFFF0000, v6;
	s11 =	sadd.s32 s15, s25  }
0x160: {  	v6 =	vshll.u32 v37, $0x10;
	v19 =	vand.u32 $0xFFFF0000, v9;
	s11 =	smul.u32 $0x340, s11;
	v55 =	vshll.u32 v36, $0x10  }
0x161: {  	[tilespmem:$0x1FCF0] =	vst v11;
	v54 =	vand.u32 $0xFFFF0000, v36;
	v62 =	vadd.f32 v2, v17;
	v2 =	vshll.u32 v18, $0x10  }
0x162: {  	[tilespmem:$0x1FD00] =	vst v12;
	s19 =	sshra.s32 s11, $0x2;
	v7 =	vshll.u32 v0, $0x10;
	v0 =	vand.u32 $0xFFFF0000, v0;
	v17 =	vand.u32 $0xFFFF0000, v10  }
0x163: {  	[tilespmem:$0x1FD20] =	vst v13;
	s13 =	smov.u32 s17;
	s16 =	simm.s32 $0x2;
	s11 =	smov.u32 s18;
	v9 =	vld [tilespmem:s19+$0x65A0];
	v18 =	vand.u32 $0xFFFF0000, v18;
	v1 =	vmul.f32 v2, v1;
	v2 =	vand.u32 $0xFFFF0000, v37  }
.LBB2_8:
0x164: {  	v8 =	vadd.f32 v14, v8  }
0x165: {  	v14 =	vadd.f32 v15, v59;
	v15 =	vmul.f32 v19, v16  }
0x166: {  	v16 =	vadd.f32 v40, v60;
	v5 =	vmul.f32 v18, v5;
	v18 =	vld [tilespmem:s19+$0x6670];
	v4 =	vadd.f32 v4, v8  }
0x167: {  	s13 =	sadd.s32 $0x10, s13;
	v10 =	vld [tilespmem:$0x1FCD0];
	v19 =	vadd.f32 v41, v62;
	v1 =	vadd.f32 v1, v14  }
0x168: {  	v62 =	vld [tilespmem:s13+$0xFFFFFF20];
	v8 =	vmul.f32 v17, v61;
	v14 =	vadd.f32 v15, v16;
	v4 =	vadd.f32 v39, v4  }
0x169: {  	v3 =	vmul.f32 v3, v56;
	v36 =	vld [tilespmem:s13+$0xFFFFF790];
	v5 =	vadd.f32 v5, v19;
	v1 =	vadd.f32 v38, v1  }
0x16a: {  	v6 =	vmul.f32 v6, v53;
	v7 =	vmul.f32 v7, v52;
	v37 =	vld [tilespmem:s13+$0xFFFFF860];
	[tilespmem:$0x1FBF0] =	vst v4;
	v4 =	vadd.f32 v8, v14  }
0x16b: {  	v2 =	vmul.f32 v2, v48;
	v56 =	vld [tilespmem:s13+$0xFFFFFA10];
	v15 =	vshll.u32 v9, $0x10;
	v3 =	vadd.f32 v3, v5;
	[tilespmem:$0x1FC00] =	vst v1  }
0x16c: {  	v11 =	vld [tilespmem:s13+$0xFFFFF5E0];
	v1 =	vand.u32 $0xFFFF0000, v9;
	v9 =	vadd.f32 v49, v22;
	[tilespmem:$0x1FC10] =	vst v4;
	v4 =	vadd.f32 v50, v25  }
0x16d: {  	s11 =	sadd.s32 $0x1A0, s11;
	v17 =	vld [tilespmem:s13+$0xA20];
	v5 =	vshll.u32 v18, $0x10;
	v14 =	vadd.f32 v51, v21;
	[tilespmem:$0x1FC30] =	vst v3;
	v3 =	vadd.f32 v46, v20  }
0x16e: {  	v16 =	vand.u32 $0xFFFF0000, v18;
	v18 =	vld [tilespmem:s11+$0xFFFFFA10];
	v9 =	vadd.f32 v43, v9;
	v4 =	vadd.f32 v44, v4  }
0x16f: {  	v0 =	vmul.f32 v0, v47;
	v14 =	vadd.f32 v45, v14;
	v25 =	vld [tilespmem:s13+$0xFFFFFD70];
	v3 =	vadd.f32 v42, v3  }
0x170: {  	v15 =	vmul.f32 v15, v58;
	v8 =	vld [tilespmem:s13+$0x950];
	v9 =	vadd.f32 v32, v9;
	v4 =	vadd.f32 v33, v4  }
0x171: {  	v5 =	vmul.f32 v5, v57;
	v14 =	vadd.f32 v34, v14;
	v3 =	vadd.f32 v31, v3;
	v31 =	vld [tilespmem:s13+$0xFFFFFE50]  }
0x172: {  	v1 =	vmul.f32 v1, v55;
	v9 =	vadd.f32 v28, v9;
	v28 =	vld [tilespmem:s11+$0x430];
	v4 =	vadd.f32 v29, v4  }
0x173: {  	v41 =	vshll.u32 v17, $0x10;
	v14 =	vadd.f32 v30, v14;
	v33 =	vld [tilespmem:s11+$0x280];
	v3 =	vadd.f32 v27, v3  }
0x174: {  	v55 =	vand.u32 $0xFFFF0000, v25;
	v2 =	vadd.f32 v2, v9;
	v9 =	vld [tilespmem:s13+$0xD0];
	v4 =	vadd.f32 v7, v4  }
0x175: {  	v0 =	vadd.f32 v0, v14;
	v14 =	vld [tilespmem:s11+$0x510];
	v3 =	vadd.f32 v6, v3;
	v7 =	vmul.f32 v16, v54  }
0x176: {  	v1 =	vadd.f32 v1, v2;
	v2 =	vld [tilespmem:$0x1FCC0];
	v4 =	vadd.f32 v5, v4;
	v5 =	vmul.f32 v63, v24  }
0x177: {  	v27 =	vld [tilespmem:s11+$0x360];
	v3 =	vadd.f32 v15, v3;
	v15 =	vshll.u32 v31, $0x10;
	v30 =	vshll.u32 v28, $0x10  }
0x178: {  	v19 =	vld [tilespmem:s11+$0xFFFFFAE0];
	v61 =	vshll.u32 v33, $0x10;
	v1 =	vadd.f32 v5, v1;
	v5 =	vand.u32 $0xFFFF0000, v17  }
0x179: {  	v38 =	vld [tilespmem:s11+$0xFFFFFCA0];
	v21 =	vand.u32 $0xFFFF0000, v33;
	v0 =	vadd.f32 v7, v0;
	v3 =	vadd.f32 v10, v3;
	[tilespmem:$0x1FCB0] =	vst v5  }
0x17a: {  	v39 =	vld [tilespmem:s11+$0xFFFFFD70];
	v34 =	vshll.u32 v9, $0x10;
	v5 =	vshll.u32 v18, $0x10;
	[tilespmem:$0x1FC20] =	vst v1;
	v1 =	vshll.u32 v8, $0x10  }
0x17b: {  	v6 =	vld [tilespmem:s13+$0x0];
	v42 =	vshll.u32 v14, $0x10;
	v2 =	vmul.f32 v2, v23;
	v1 =	vmul.f32 v5, v1  }
0x17c: {  	v33 =	vld [tilespmem:s11+$0xFFFFFF20];
	v14 =	vand.u32 $0xFFFF0000, v14;
	[tilespmem:$0x1FC60] =	vst v3;
	v3 =	vadd.f32 v26, v4;
	v26 =	vshll.u32 v27, $0x10  }
0x17d: {  	v7 =	vld [tilespmem:s11+$0x5E0];
	v59 =	vmul.f32 v14, v34;
	v40 =	vadd.f32 v2, v0;
	[tilespmem:$0x1FCD0] =	vst v1;
	v1 =	vmul.f32 v26, v15  }
0x17e: {  	v17 =	vld [tilespmem:s13+$0xFFFFFCA0];
	v2 =	vand.u32 $0xFFFF0000, v8;
	v8 =	vand.u32 $0xFFFF0000, v18;
	v18 =	vand.u32 $0xFFFF0000, v31  }
0x17f: {  	v16 =	vshll.u32 v19, $0x10;
	v34 =	vmul.f32 v21, v55;
	v21 =	vld [tilespmem:$0x1FD30];
	[tilespmem:$0x1FC70] =	vst v1;
	v1 =	vmul.f32 v30, v18  }
0x180: {  	v10 =	vand.u32 $0xFFFF0000, v19;
	v19 =	vshll.u32 v62, $0x10;
	v4 =	vld [tilespmem:s11+$0x0];
	v27 =	vand.u32 $0xFFFF0000, v27;
	[tilespmem:$0x1FC40] =	vst v3  }
0x181: {  	v3 =	vld [tilespmem:s13+$0xFFFFFAF0];
	[tilespmem:$0x1FC80] =	vst v1;
	v1 =	vmul.f32 v27, v19  }
0x182: {  	v29 =	vand.u32 $0xFFFF0000, v62;
	v28 =	vand.u32 $0xFFFF0000, v28;
	v0 =	vld [tilespmem:s13+$0xFFFFFBC0]  }
0x183: {  	v31 =	vld [tilespmem:s11+$0x1B0];
	[tilespmem:$0x1FC90] =	vst v1;
	v1 =	vmul.f32 v28, v29  }
0x184: {  	[tilespmem:$0x1FC50] =	vst v8;
	v8 =	vld [tilespmem:s11+$0xD0]  }
0x185: {  	[tilespmem:$0x1FCA0] =	vst v1;
	v1 =	vld [tilespmem:$0x1FCE0]  }
0x186: {  	p2 =	seq.s32 s16, $0x6;
	s19 =	sadd.s32 $0x7, s16;
	v50 =	vand.u32 $0xFFFF0000, v39;
	[tilespmem:$0x1FCC0] =	vst v10;
	v10 =	vshll.u32 v39, $0x10;
	v5 =	vld [tilespmem:s13+$0xFFFFF6B0]  }
0x187: {  	s21 =	sadd.s32 $0x8, s16;
	s22 =	sadd.s32 $0xFFFFFFFB, s16;
	s19 =	simm.s32 @p2 $0x0;
	v39 =	vmul.f32 v16, v2;
	v2 =	vld [tilespmem:s11+$0xFFFFFAF0];
	v53 =	vshll.u32 v17, $0x10;
	v17 =	vand.u32 $0xFFFF0000, v17  }
0x188: {  	s21 =	smin.u32 s21, s22;
	p2 =	slt.u32 s16, $0x2;
	s22 =	simm.s32 $0xB;
	v45 =	vand.u32 $0xFFFF0000, v37;
	v35 =	vmul.f32 v61, v17;
	v17 =	vld [tilespmem:$0x1FD20]  }
0x189: {  	s22 =	simm.s32 @!p2 $0xFFFFFFFE;
	v48 =	vand.u32 $0xFFFF0000, v38;
	v54 =	vshll.u32 v25, $0x10;
	v25 =	vmul.f32 v50, v45;
	v16 =	vld [tilespmem:s11+$0xFFFFFBC0]  }
0x18a: {  	s22 =	sadd.s32 s16, s22;
	v9 =	vand.u32 $0xFFFF0000, v9;
	v51 =	vshll.u32 v8, $0x10;
	v52 =	vand.u32 $0xFFFF0000, v8;
	v8 =	vld [tilespmem:s13+$0xFFFFF940]  }
0x18b: {  	s23 =	sshll.u32 s22, $0x4;
	v32 =	vshll.u32 v6, $0x10;
	v57 =	vshll.u32 v31, $0x10;
	v58 =	vand.u32 $0xFFFF0000, v31;
	v31 =	vld [tilespmem:s11+$0xFFFFFE50]  }
0x18c: {  	s20 =	sshll.u32 s19, $0x4;
	v6 =	vand.u32 $0xFFFF0000, v6;
	v23 =	vshll.u32 v38, $0x10;
	v44 =	vshll.u32 v7, $0x10;
	v21 =	vld.idx.msk [tilespmem:v21+s23+$0x0 ss:$0x1], $0xffff  }
0x18d: {  	v60 =	vmul.f32 v42, v32;
	v7 =	vand.u32 $0xFFFF0000, v7;
	v62 =	vmul.f32 v44, v6;
	v6 =	vld.idx.msk [tilespmem:v1+s20+$0x0 ss:$0x1], $0xffff  }
0x18e: {  	v46 =	vshll.u32 v3, $0x10;
	v3 =	vand.u32 $0xFFFF0000, v3;
	v1 =	vmul.f32 v7, v9;
	v7 =	vld [tilespmem:$0x1FCF0]  }
0x18f: {  	v12 =	vshll.u32 v8, $0x10;
	v13 =	vand.u32 $0xFFFF0000, v8;
	v8 =	vmul.f32 v51, v3;
	v3 =	vld [tilespmem:$0x1FD00]  }
0x190: {  	s19 =	sshll.u32 s19, $0x1;
	v14 =	vshll.u32 v33, $0x10;
	v47 =	vshll.u32 v0, $0x10;
	v0 =	vand.u32 $0xFFFF0000, v0;
	v17 =	vld.idx.msk [tilespmem:v17+s23+$0x0 ss:$0x1], $0xffff  }
0x191: {  	v15 =	vand.u32 $0xFFFF0000, v56;
	v18 =	vshll.u32 v31, $0x10;
	s23 =	sadd.s32 s15, s19;
	v9 =	vmul.f32 v52, v0;
	v0 =	vld [tilespmem:$0x1FD10]  }
0x192: {  	v49 =	vshll.u32 v4, $0x10;
	v61 =	vshll.u32 v5, $0x10;
	v42 =	vmul.f32 v18, v12;
	s23 =	smul.u32 $0x340, s23;
	v12 =	vld [tilespmem:$0x1FD50]  }
0x193: {  	v38 =	vmul.f32 v49, v46;
	v49 =	vand.u32 $0xFFFF0000, v33;
	v44 =	vmul.f32 v14, v13;
	v13 =	vld [tilespmem:$0x1FD60]  }
0x194: {  	v63 =	vshll.u32 v2, $0x10;
	v2 =	vand.u32 $0xFFFF0000, v2;
	v45 =	vmul.f32 v49, v15;
	v15 =	vld [tilespmem:$0x1FD70];
	s23 =	sshra.s32 s23, $0x2  }
0x195: {  	v49 =	vmul.f32 v2, v61;
	v2 =	vld [tilespmem:s23+$0x6570]  }
0x196: {  	s24 =	sshll.u32 s21, $0x4;
	p2 =	slt.u32 s16, $0x4;
	v24 =	vshll.u32 v56, $0x10;
	v7 =	vld.idx.msk [tilespmem:v7+s20+$0x0 ss:$0x1], $0xffff;
	s20 =	simm.s32 $0x9  }
0x197: {  	s25 =	simm.s32 $0xA;
	v56 =	vshll.u32 v11, $0x10;
	v11 =	vand.u32 $0xFFFF0000, v11;
	v14 =	vshll.u32 v16, $0x10;
	v3 =	vld.idx.msk [tilespmem:v3+s24+$0x0 ss:$0x1], $0xffff;
	s20 =	simm.s32 @!p2 $0xFFFFFFFC;
	p2 =	slt.u32 s16, $0x3  }
0x198: {  	s22 =	sshll.u32 s22, $0x1;
	v50 =	vmul.f32 v14, v11;
	v11 =	vshll.u32 v6, $0x10;
	v18 =	vand.u32 $0xFFFF0000, v6;
	v6 =	vld [tilespmem:s23+$0x6640];
	s20 =	sadd.s32 s16, s20;
	s25 =	simm.s32 @!p2 $0xFFFFFFFD  }
0x199: {  	s22 =	sadd.s32 s15, s22;
	v0 =	vld.idx.msk [tilespmem:v0+s24+$0x0 ss:$0x1], $0xffff;
	s24 =	sshll.u32 s20, $0x4;
	s19 =	sadd.s32 s16, s25  }
0x19a: {  	v22 =	vshll.u32 v37, $0x10;
	s22 =	smul.u32 $0x340, s22;
	v20 =	vshll.u32 v36, $0x10;
	v43 =	vand.u32 $0xFFFF0000, v36;
	s20 =	sshll.u32 s20, $0x1;
	v12 =	vld.idx.msk [tilespmem:v12+s24+$0x0 ss:$0x1], $0xffff;
	s25 =	sshll.u32 s19, $0x4  }
0x19b: {  	v10 =	vmul.f32 v10, v43;
	v5 =	vand.u32 $0xFFFF0000, v5;
	v36 =	vmul.f32 v57, v53;
	s20 =	sadd.s32 s15, s20;
	v13 =	vld.idx.msk [tilespmem:v13+s25+$0x0 ss:$0x1], $0xffff  }
0x19c: {  	v37 =	vmul.f32 v58, v54;
	v46 =	vmul.f32 v63, v56;
	v19 =	vand.u32 $0xFFFF0000, v31;
	v15 =	vld.idx.msk [tilespmem:v15+s25+$0x0 ss:$0x1], $0xffff;
	s20 =	smul.u32 $0x340, s20;
	s25 =	sshra.s32 s22, $0x2  }
0x19d: {  	v61 =	vshll.u32 v21, $0x10;
	v53 =	vshll.u32 v3, $0x10;
	v52 =	vand.u32 $0xFFFF0000, v3;
	v3 =	vld [tilespmem:s25+$0x65B0]  }
0x19e: {  	v56 =	vand.u32 $0xFFFF0000, v21;
	v43 =	vmul.f32 v19, v24;
	v16 =	vand.u32 $0xFFFF0000, v16;
	v14 =	vld [tilespmem:s25+$0x6680];
	s20 =	sshra.s32 s20, $0x2  }
0x19f: {  	v51 =	vmul.f32 v16, v5;
	v27 =	vshll.u32 v17, $0x10;
	v28 =	vand.u32 $0xFFFF0000, v17;
	v21 =	vld [tilespmem:s20+$0x6660]  }
0x1a0: {  	v30 =	vand.u32 $0xFFFF0000, v2;
	v16 =	vshll.u32 v12, $0x10;
	v5 =	vand.u32 $0xFFFF0000, v12;
	v12 =	vld [tilespmem:s20+$0x6590]  }
0x1a1: {  	v24 =	vshll.u32 v7, $0x10;
	v58 =	vshll.u32 v13, $0x10;
	v57 =	vand.u32 $0xFFFF0000, v13  }
0x1a2: {  	v55 =	vshll.u32 v15, $0x10;
	v54 =	vand.u32 $0xFFFF0000, v15;
	v13 =	vshll.u32 v2, $0x10  }
0x1a3: {  	v15 =	vshll.u32 v6, $0x10;
	v63 =	vshll.u32 v3, $0x10;
	v17 =	vand.u32 $0xFFFF0000, v3  }
0x1a4: {  	v32 =	vshll.u32 v14, $0x10;
	v3 =	vand.u32 $0xFFFF0000, v14;
	v14 =	vmul.f32 v13, v11  }
0x1a5: {  	v15 =	vmul.f32 v15, v18;
	v13 =	vld [tilespmem:$0x1FC00];
	v18 =	vand.u32 $0xFFFF0000, v21;
	v33 =	vshll.u32 v12, $0x10  }
0x1a6: {  	v19 =	vand.u32 $0xFFFF0000, v12;
	v12 =	vshll.u32 v21, $0x10;
	v21 =	vmovc v40;
	v40 =	vmul.f32 v30, v24;
	v30 =	vmovc v1;
	v1 =	vld [tilespmem:$0x1FC10];
	_ =	sdelay $0x2  }
0x1a7: {  	v22 =	vmul.f32 v48, v22  }
0x1a8: {  	v11 =	vld [tilespmem:$0x1FBF0]  }
0x1a9: {  	v10 =	vadd.f32 v10, v13;
	v13 =	vadd.f32 v22, v1;
	v1 =	vld [tilespmem:$0x1FC30];
	_ =	sdelay $0x1  }
0x1aa: {  	v20 =	vmul.f32 v23, v20  }
0x1ab: {  	v4 =	vand.u32 $0xFFFF0000, v4  }
0x1ac: {  	v4 =	vmul.f32 v4, v47;
	v11 =	vadd.f32 v20, v11  }
0x1ad: {  	v20 =	vadd.f32 v25, v1  }
0x1ae: {  	v1 =	vadd.f32 v38, v11;
	v11 =	vadd.f32 v4, v13;
	v4 =	vld [tilespmem:$0x1FC70];
	_ =	sdelay $0x3  }
0x1af: {  	v23 =	vld [tilespmem:$0x1FD40]  }
0x1b0: {  	v10 =	vadd.f32 v8, v10;
	v8 =	vadd.f32 v4, v1;
	v1 =	vld [tilespmem:$0x1FC80];
	_ =	sdelay $0x2  }
0x1b1: {  	s21 =	sshll.u32 s21, $0x1  }
0x1b2: {  	s21 =	sadd.s32 s15, s21  }
0x1b3: {  	s21 =	smul.u32 $0x340, s21;
	v38 =	vmul.f32 v32, v28;
	v28 =	vmov v59;
	v59 =	vadd.f32 v1, v10;
	v1 =	vld [tilespmem:$0x1FC90];
	_ =	sdelay $0x1  }
0x1b4: {  	s21 =	sshra.s32 s21, $0x2;
	v23 =	vld.idx.msk [tilespmem:v23+s24+$0x0 ss:$0x1], $0xffff;
	v26 =	vand.u32 $0xFFFF0000, v7  }
0x1b5: {  	v31 =	vand.u32 $0xFFFF0000, v6;
	v7 =	vld [tilespmem:s21+$0x6580]  }
0x1b6: {  	v48 =	vshll.u32 v0, $0x10;
	v47 =	vand.u32 $0xFFFF0000, v0;
	v0 =	vld [tilespmem:s21+$0x6650];
	v24 =	vmovc v41;
	v41 =	vmul.f32 v31, v26  }
0x1b7: {  	v26 =	vmovc v39;
	v39 =	vmul.f32 v63, v27;
	v27 =	vmov v60;
	v60 =	vadd.f32 v1, v11;
	v1 =	vld [tilespmem:$0x1FCA0]  }
0x1b8: {  	p1 =	sne.s32 s16, $0x6;
	s19 =	sshll.u32 s19, $0x1;
	v63 =	vld [tilespmem:$0x1FC50]  }
.Ltmp2:
0x1b9: {  	s19 =	sadd.s32 s15, s19;
	v29 =	vshll.u32 v23, $0x10;
	v22 =	vld [tilespmem:$0x1FC20];
	(pc) =	sbr.rel @p1 .LBB2_8-.Ltmp2, $4  }
0x1ba: {  	s19 =	smul.u32 $0x340, s19;
	v25 =	vld [tilespmem:$0x1FC40];
	v9 =	vadd.f32 v9, v20  }
0x1bb: {  	v23 =	vand.u32 $0xFFFF0000, v23;
	v6 =	vshll.u32 v7, $0x10;
	v2 =	vand.u32 $0xFFFF0000, v7;
	v20 =	vld [tilespmem:$0x1FC60]  }
0x1bc: {  	s19 =	sshra.s32 s19, $0x2;
	v4 =	vmul.f32 v33, v29;
	v29 =	vmovc v62;
	v62 =	vadd.f32 v1, v9;
	v1 =	vmul.f32 v12, v23;
	v23 =	vld [tilespmem:$0x1FCB0]  }
0x1bd: {  	s16 =	sadd.s32 $0x1, s16;
	v7 =	vshll.u32 v0, $0x10;
	v0 =	vand.u32 $0xFFFF0000, v0;
	v31 =	vmovc v36;
	v32 =	vmovc v37;
	v33 =	vmov v35;
	v9 =	vld [tilespmem:s19+$0x65A0]  }
0x1be: {  	v0 =	vmul.f32 v0, v47;
	v47 =	vld [tilespmem:s14+$0x6500]  }
0x1bf: {  	v2 =	vmul.f32 v2, v48;
	v48 =	vld [tilespmem:s14+$0x65D0]  }
0x1c0: {  	v8 =	vadd.f32 v14, v8;
	v10 =	vadd.f32 v15, v59;
	v7 =	vmul.f32 v7, v52;
	v52 =	vld [tilespmem:s14+$0x6780]  }
0x1c1: {  	v11 =	vmul.f32 v19, v16;
	v12 =	vadd.f32 v40, v60;
	v13 =	vadd.f32 v41, v62;
	v59 =	vld [tilespmem:s14+$0x6A10]  }
0x1c2: {  	v5 =	vmul.f32 v18, v5;
	v40 =	vadd.f32 v49, v22;
	v41 =	vadd.f32 v51, v21;
	v60 =	vld [tilespmem:$0x1FCC0]  }
0x1c3: {  	v62 =	vld [tilespmem:$0x1FCD0];
	v14 =	vadd.f32 v4, v8;
	v8 =	vadd.f32 v1, v10  }
0x1c4: {  	v6 =	vmul.f32 v6, v53;
	v35 =	vld [tilespmem:$0x1FDC0];
	v4 =	vadd.f32 v11, v12;
	v1 =	vadd.f32 v5, v13  }
0x1c5: {  	s11 =	sadd.s32 s6, s10;
	v3 =	vmul.f32 v3, v56;
	v36 =	vld [tilespmem:$0x1FDD0];
	v37 =	vadd.f32 v46, v20;
	v12 =	vadd.f32 v43, v40  }
0x1c6: {  	s13 =	sshll.u32 s11, $0x5;
	v13 =	vmul.f32 v17, v61;
	v43 =	vld [tilespmem:s19+$0x6670];
	v5 =	vadd.f32 v39, v14;
	v39 =	vadd.f32 v50, v25  }
0x1c7: {  	s13 =	sand.u32 $0x3FFFFFE0, s13;
	v40 =	vld [tilespmem:s14+$0x7790];
	v10 =	vadd.f32 v42, v37;
	v14 =	vadd.f32 v45, v41;
	v46 =	vshll.u32 v9, $0x10  }
0x1c8: {  	v12 =	vadd.f32 v32, v12;
	v45 =	vld [tilespmem:s13+$0x10];
	v51 =	vand.u32 $0xFFFF0000, v9;
	v18 =	vmul.f32 v46, v58  }
0x1c9: {  	v37 =	vld [tilespmem:s14+$0x6C90];
	v9 =	vmul.f32 v51, v55;
	v58 =	vmul.f32 v63, v24;
	v19 =	vand.u32 $0xFFFF0000, v47  }
0x1ca: {  	v41 =	vld [tilespmem:s14+$0x7860];
	v20 =	vshll.u32 v48, $0x10;
	v11 =	vadd.f32 v44, v39;
	v10 =	vadd.f32 v31, v10  }
0x1cb: {  	v55 =	vld [tilespmem:s14+$0x6860];
	v14 =	vadd.f32 v34, v14;
	v12 =	vadd.f32 v28, v12;
	v19 =	vmul.f32 v20, v19  }
0x1cc: {  	v44 =	vld [tilespmem:s13+$0x0];
	v31 =	vand.u32 $0xFFFF0000, v59;
	v49 =	vshll.u32 v43, $0x10;
	v11 =	vadd.f32 v33, v11  }
0x1cd: {  	v28 =	vld [tilespmem:s14+$0x7350];
	v53 =	vand.u32 $0xFFFF0000, v43;
	v10 =	vadd.f32 v27, v10;
	v14 =	vadd.f32 v30, v14  }
0x1ce: {  	v34 =	vld [tilespmem:s14+$0x76B0];
	v21 =	vmul.f32 v49, v57;
	v2 =	vadd.f32 v2, v12;
	v17 =	vadd.s32 v36, v45  }
0x1cf: {  	v43 =	vld [tilespmem:$0x1FDB0];
	v51 =	vshll.u32 v37, $0x10;
	v11 =	vadd.f32 v29, v11;
	v6 =	vadd.f32 v6, v10  }
0x1d0: {  	v57 =	vld [tilespmem:s14+$0x6930];
	v0 =	vadd.f32 v0, v14;
	v2 =	vadd.f32 v9, v2;
	v9 =	vmul.f32 v60, v23  }
0x1d1: {  	v27 =	vld [tilespmem:s14+$0x7280];
	v10 =	vshll.u32 v52, $0x10;
	v15 =	vand.u32 $0xFFFF0000, v55;
	v17 =	vcvt.s32.f32 v17  }
0x1d2: {  	v42 =	vld [tilespmem:$0x1FDA0];
	v55 =	vshll.u32 v41, $0x10;
	v16 =	vadd.s32 v35, v44;
	v39 =	vshll.u32 v28, $0x10  }
0x1d3: {  	v29 =	vld [tilespmem:s14+$0x7430];
	v45 =	vshll.u32 v34, $0x10;
	v7 =	vadd.f32 v7, v11;
	v11 =	vmul.f32 v53, v54  }
0x1d4: {  	v50 =	vld [tilespmem:s14+$0x66B0];
	v6 =	vadd.f32 v18, v6;
	v2 =	vadd.f32 v58, v2;
	v16 =	vcvt.s32.f32 v16  }
0x1d5: {  	v32 =	vld [tilespmem:s14+$0x75E0];
	v17 =	vmul.f32 v17, v43;
	v54 =	vand.u32 $0xFFFF0000, v40;
	v12 =	vshll.u32 v57, $0x10  }
0x1d6: {  	v30 =	vld [tilespmem:s14+$0x7500];
	v33 =	vand.u32 $0xFFFF0000, v27;
	v56 =	vmul.f32 v55, v54;
	v7 =	vadd.f32 v21, v7  }
0x1d7: {  	v61 =	vld [tilespmem:s14+$0x6AE0];
	v0 =	vadd.f32 v11, v0;
	v6 =	vadd.f32 v62, v6;
	v12 =	vmul.f32 v12, v15  }
0x1d8: {  	v63 =	vld [tilespmem:s14+$0x6BC0];
	v15 =	vmul.f32 v39, v33;
	v16 =	vmul.f32 v16, v42;
	v14 =	vand.u32 $0xFFFF0000, v29  }
0x1d9: {  	v7 =	vadd.f32 v26, v7;
	v26 =	vand.u32 $0xFFFF0000, v50;
	v0 =	vadd.f32 v9, v0  }
0x1da: {  	v47 =	vld [tilespmem:s14+$0x7A10];
	v6 =	vadd.f32 v19, v6;
	v2 =	vadd.f32 v12, v2;
	v10 =	vmul.f32 v10, v26  }
0x1db: {  	v44 =	vld [tilespmem:s14+$0x7940];
	v9 =	vshll.u32 v30, $0x10;
	v12 =	vand.u32 $0xFFFF0000, v32;
	v46 =	vadd.f32 v17, v16  }
0x1dc: {  	v52 =	vld [tilespmem:s14+$0x6E40];
	v9 =	vmul.f32 v9, v14;
	v6 =	vadd.f32 v15, v6;
	v7 =	vadd.f32 v10, v7  }
0x1dd: {  	v49 =	vld [tilespmem:s14+$0x6D70];
	v11 =	vshll.u32 v61, $0x10;
	v50 =	vand.u32 $0xFFFF0000, v63;
	v48 =	vmul.f32 v45, v12  }
0x1de: {  	v10 =	vmul.f32 v11, v31;
	v6 =	vadd.f32 v46, v6;
	v7 =	vadd.f32 v9, v7  }
0x1df: {  	v53 =	vld [tilespmem:s14+$0x6F20];
	v16 =	vshll.u32 v47, $0x10;
	v12 =	vmul.f32 v51, v50;
	v2 =	vadd.f32 v48, v2  }
0x1e0: {  	v57 =	vld [tilespmem:s14+$0x6FF0];
	v11 =	vand.u32 $0xFFFF0000, v44;
	v0 =	vadd.f32 v10, v0;
	v6 =	vadd.f32 v6, v7  }
0x1e1: {  	v60 =	vld [tilespmem:s14+$0x71A0];
	v61 =	vshll.u32 v52, $0x10;
	v5 =	vadd.f32 v12, v5;
	v59 =	vmul.f32 v16, v11  }
0x1e2: {  	v58 =	vld [tilespmem:s14+$0x70D0];
	v10 =	vand.u32 $0xFFFF0000, v49;
	v0 =	vadd.f32 v56, v0;
	v2 =	vadd.f32 v6, v2  }
0x1e3: {  	v8 =	vadd.f32 v38, v8;
	v10 =	vmul.f32 v61, v10  }
0x1e4: {  	v5 =	vadd.f32 v59, v5;
	v0 =	vadd.f32 v2, v0  }
0x1e5: {  	v62 =	vand.u32 $0xFFFF0000, v53;
	v7 =	vshll.u32 v57, $0x10;
	v8 =	vadd.f32 v10, v8  }
0x1e6: {  	v2 =	vadd.f32 v13, v4;
	v4 =	vmul.f32 v7, v62;
	v0 =	vadd.f32 v0, v5  }
0x1e7: {  	v1 =	vadd.f32 v3, v1;
	v63 =	vshll.u32 v60, $0x10;
	v3 =	vand.u32 $0xFFFF0000, v58  }
0x1e8: {  	v3 =	vmul.f32 v63, v3;
	v2 =	vadd.f32 v4, v2;
	v0 =	vadd.f32 v0, v8;
	_ =	sdelay $0x1  }
0x1e9: {  	v1 =	vadd.f32 v3, v1;
	v0 =	vadd.f32 v0, v2;
	_ =	sdelay $0x1  }
0x1ea: {  	v0 =	vadd.f32 v0, v1;
	v1 =	vld [tilespmem:$0x1FFC0];
	_ =	sdelay $0x4  }
0x1eb: {  	v1 =	vperm.xlane v0, v1;
	_ =	sdelay $0x1  }
0x1ec: {  	v0 =	vadd.f32 v0, v1;
	v1 =	vld [tilespmem:$0x1FFD0];
	_ =	sdelay $0x4  }
0x1ed: {  	v1 =	vperm.xlane v0, v1;
	_ =	sdelay $0x1  }
0x1ee: {  	v0 =	vadd.f32 v0, v1;
	v1 =	vld [tilespmem:$0x1FFE0];
	_ =	sdelay $0x4  }
0x1ef: {  	v1 =	vperm.xlane v0, v1;
	_ =	sdelay $0x1  }
0x1f0: {  	v0 =	vadd.f32 v0, v1;
	v1 =	vld [tilespmem:$0x1FFF0];
	_ =	sdelay $0x4  }
0x1f1: {  	v1 =	vperm.xlane v0, v1  }
0x1f2: {  	s11 =	sand.u32 $0xF, s11  }
0x1f3: {  	s10 =	sadd.s32 $0x1, s10;
	v2 =	vlaneseq.u32;
	v0 =	vadd.f32 v0, v1;
	v1 =	vmov s11  }
0x1f4: {  	p1 =	sne.s32 s10, $0x4;
	vm0 =	veq.s32 v1, v2;
	v1 =	vld [tilespmem:$0x1FEC0]  }
.Ltmp3:
0x1f5: {  	_ = 	snop;
	(pc) =	sbr.rel @p1 .LBB2_7-.Ltmp3, $2  }
0x1f6: {  	_ =	sdelay $0x2  }
0x1f7: {  	s18 =	sadd.s32 $0x1520, s18;
	s17 =	sadd.s32 $0x1520, s17;
	v0 =	vsel vm0, v0, v1  }
0x1f8: {  	s6 =	sadd.s32 @!p0 $0x180, s0;
	s10 =	simm.s32 @!p0 $0x1A;
	s11 =	simm.s32 @!p0 $0x6500  }
0x1f9: {  	[tilespmem:s11], [sflag:$0x2] =	stream.indirect.gather @!p0 [hbm4b:s3+s10], $0xD0, s6, s10, $0xb8;
	[tilespmem:$0xBA00] =	vst v63  }
0x1fa: {  	s6 =	sadd.s32 @!p0 $0x1A0, s0;
	s11 =	simm.s32 @!p0 $0x7A20  }
0x1fb: {  	[tilespmem:s11], [sflag:$0x2] =	stream.indirect.gather @!p0 [hbm4b:s3+s10], $0xD0, s6, s10, $0xb8;
	[tilespmem:$0xBA00] =	vst v63  }
0x1fc: {  	s6 =	sadd.s32 @!p0 $0x1C0, s0;
	s11 =	simm.s32 @!p0 $0x8F40  }
0x1fd: {  	[tilespmem:s11], [sflag:$0x2] =	stream.indirect.gather @!p0 [hbm4b:s3+s10], $0xD0, s6, s10, $0xb8;
	[tilespmem:$0xBA00] =	vst v63  }
0x1fe: {  	s25 =	sand.u32 $0x3, s1;
	s0 =	sadd.s32 @!p0 $0x1E0, s0;
	s6 =	simm.s32 @!p0 $0xA460  }
0x1ff: {  	[tilespmem:s6], [sflag:$0x2] =	stream.indirect.gather @!p0 [hbm4b:s3+s10], $0xD0, s0, s10, $0xb8;
	[tilespmem:$0xBA00] =	vst v63  }
0x200: {  	p0 =	sne.s32 s25, $0x3  }
0x201: {  	s0 =	sshll.u32 @!p0 s31, $0x3;
	s31 =	sadd.s32 $0x1, s31  }
0x202: {  	p1 =	sne.s32 s31, $0x10  }
.Ltmp4:
0x203: {  	_ = 	snop;
	(pc) =	sbr.rel @p1 .LBB2_2-.Ltmp4, $3  }
0x204: {  	_ =	sdelay $0x1  }
0x205: {  	s0 =	sand.u32 @!p0 $0x3FFFFFF8, s0  }
0x206: {  	[tilespmem:s0+$0xB978] =	vst @!p0 v0;
	v0 =	vpsel !p0, $0x0, v0  }
0x207: {  	s30 =	sadd.s32 $0x1, s30  }
0x208: {  	p0 =	sne.s32 s30, s8  }
.Ltmp5:
0x209: {  	_ = 	snop;
	(pc) =	sbr.rel @p0 .LBB2_1-.Ltmp5, $4  }
0x20a: {  	[hbm4b:s7+s2] =	stream.linear.scatter [tilespmem:s29], [sflag:$0x3], $0x80, $0x38;
	[tilespmem:$0xBA00] =	vst v63  }
0x20b: {  	_ =	swait.ge [sflag:s12], $0x80  }
0x20c: {  	[sflag:s12] =	ssyncset.done $0x0  }
0x20d: {  	[sflag:s12] =	ssyncadd.s32 $0xFFFFFF80  }
0x20e: {  	_ =	sfence.sel $0x180000  }
0x20f: {  	[bflag:$0x0] =	sbarrier.arrive $0xFFFF  }
0x210: {  	_ =	strace $0x9000004A  }
0x211: {  	s0 =	stileid.u32;
	[bflag:$0x2] =	sbarrier.arrive $0xFFFF  }
0x212: {  	p0 =	sne.s32 s0, $0x0;
	s0 =	rddreg [dreg:$0x2]  }
0x213: {  	s0 =	sadd.s32 @!p0 $0x100000, s0  }
0x214: {  	[sflag:s0] =	ssyncadd.tile.s32 @!p0 $0x1;
	_ =	shalt  }
.Lfunc_end2:
_tile_overlayer_lowered:
.L_overlay_start_2:
0x215: {  	(tag) =	ssettag $0x2  }
0x216: {  	s0 =	rddreg [dreg:$0x0];
	s2 =	stileid.u32  }
0x217: {  	s1 =	rddreg [dreg:$0x1];
	p0 =	sne.s32 s2, $0x0  }
0x218: {  	s3 =	rddreg [dreg:$0x2];
	[bflag:$0x3] =	sbarrier.arrive $0xFFFF;
	s2 =	simm.s32 @!p0 $0x1C03  }
0x219: {  	[timem:s3], [sflag:s2] =	dma.local @!p0 [hbm:s0], s1  }
0x21a: {  	s0 =	simm.s32 @!p0 $0x3  }
0x21b: {  	_ =	swait.ge @!p0 [sflag:s0], s1  }
0x21c: {  	s1 =	ssub.s32 @!p0 $0x0, s1;
	[sflag:s0] =	ssyncset.done @!p0 $0x0  }
0x21d: {  	[sflag:s0] =	ssyncadd.s32 @!p0 s1  }
0x21e: {  	[bflag:$0x3] =	sbarrier.arrive $0xFFFF  }
0x21f: {  	_ =	shalt  }

// kernel: sparse-core-data-format-call.cloned.1.call-start
scs
called_computation_lowered:
.L_overlay_start_0:
0x0: {  	s1 =	sld [smem:$0x3FD9]  }
0x1: {  	s2 =	sld [smem:$0x3FFE];
	_ =	sdelay $0x1  }
0x2: {  	s3 =	srdreg.scid  }
0x3: {  	s0 =	sand.u32 $0x1, s3  }
0x4: {  	s17 =	sshll.u32 s0, $0xA;
	s1 =	sadd.s32 s2, s1  }
0x5: {  	s1 =	sadd.s32 s1, s17  }
0x6: {  	[smem:$0x3FC4] =	sst s1  }
0x7: {  	_ = 	snop  }
0x8: {  	(tm) =	ssettm $0x1  }
0x9: {  	s18 =	sld [smem:$0x3FFB];
	_ =	sdelay $0x3  }
0xa: {  	_ =	strace s18  }
0xb: {  	s1 =	sld [smem:$0x3FFC];
	_ =	sdelay $0x3  }
0xc: {  	_ =	strace s1  }
0xd: {  	s1 =	sld [smem:$0x3FFD];
	_ =	sdelay $0x3  }
0xe: {  	_ =	strace s1  }
0xf: {  	_ =	strace $0x8FFFFFFF  }
0x10: {  	s19 =	sld [smem:$0x3FDB];
	_ =	sdelay $0x1  }
0x11: {  	s20 =	simm.s32 $_scs_section_size  }
0x12: {  	s4 =	simm.s32 $_size__tile_overlayer_lowered;
	s5 =	simm.s32 $_tile_overlayer_lowered  }
0x13: {  	s23 =	simm.s32 $0x1BFF;
	s22 =	sshll.u32 s5, $0x1;
	s1 =	sadd.s32 s20, s19  }
0x14: {  	s6 =	simm.s32 $0x0;
	s21 =	sshll.u32 s4, $0x1;
	s4 =	sadd.s32 s22, s1  }
0x15: {  	[timem:s6], [sflag:s23] =	dma.local [hbm:s4], s21  }
0x16: {  	_ =	swait.ge [sflag:s23], s21  }
0x17: {  	s2 =	ssub.s32 $0x0, s21;
	[sflag:s23] =	ssyncset.done $0x0  }
0x18: {  	[sflag:s23] =	ssyncadd.s32 s2;
	_ =	sdelay $0x1  }
0x19: {  	s24 =	simm.s32 $0x1B8B  }
0x1a: {  	_ =	swait.ge [sflag:s24], $0x1  }
0x1b: {  	[sflag:s24] =	ssyncset.done $0x0  }
0x1c: {  	s26 =	simm.s32 $0x1B8E;
	s25 =	sld [smem:$0x3FFE];
	[sflag:s24] =	ssyncadd.s32 $0xFFFFFFFF  }
0x1d: {  	s27 =	simm.s32 $execute0_lowered;
	[smem:$0x3FD2] =	sst s26  }
0x1e: {  	s4 =	sshll.u32 s27, $0x1;
	_ =	strace $0x80000046;
	[dreg:$0x1] =	wrdreg $0xFFFFFFFF  }
0x1f: {  	s28 =	simm.s32 $_size_execute0_lowered;
	s1 =	sadd.s32 s1, s4;
	[dreg:$0x0] =	wrdreg $0x0  }
0x20: {  	s4 =	sshll.u32 s28, $0x1;
	[dreg:$0x2] =	wrdreg s1  }
0x21: {  	[dreg:$0x3] =	wrdreg s4  }
0x22: {  	[dreg:$0x4] =	wrdreg $0xC0  }
0x23: {  	_ =	task [dreg:s6], $0x5FFFF  }
0x24: {  	[dreg:$0x1] =	wrdreg $0xFFFFFFFF  }
0x25: {  	[dreg:$0x0] =	wrdreg $0x60  }
0x26: {  	[dreg:$0x2] =	wrdreg s25  }
0x27: {  	[dreg:$0x3] =	wrdreg $0x9  }
0x28: {  	_ =	task.clear_ibuf [dreg:s6], $0x4FFFF;
	_ =	strace $0x90000046  }
0x29: {  	s29 =	simm.s32 $0x9;
	_ =	strace $0x80000048  }
0x2a: {  	_ =	swait.ge [sflag:s29], $0x1  }
0x2b: {  	[sflag:s29] =	ssyncadd.s32 $0xFFFFFFFF  }
0x2c: {  	_ =	strace $0x90000048  }
0x2d: {  	_ =	sfence  }
0x2e: {  	s30 =	sld [smem:$0x0];
	_ =	sdelay $0x2  }
0x2f: {  	s31 =	sshll.u32 s3, $0xD;
	s3 =	sshrl.u32 s3, $0x2  }
0x30: {  	s2 =	sand.u32 $0x4000, s31;
	s1 =	sadd.s32 s3, s30  }
0x31: {  	s0 =	sor.u32 s2, s0;
	s1 =	sshll.u32 s1, $0x11  }
0x32: {  	s0 =	sor.u32 s1, s0  }
0x33: {  	s0 =	sadd.s32 $0x8F2B, s0  }
0x34: {  	[sflag:s0] =	ssyncadd.remote.s32 $0x1  }
0x35: {  	_ =	sfence.sel $0xFFFF  }
0x36: {  	[dreg:$0x0] =	wrdreg $0xFFFFFFFF;
	(pc) =	sbr.abs _section_cstart, $3  }
0x37: {  	[dreg:$0x1] =	wrdreg $0xFFFFFFFF  }
0x38: {  	_ =	task.clear_ibuf [dreg:s6], $0x2FFFF;
	_ =	strace $0x9FFFFFFF  }
0x39: {  	(tm) =	ssettm $0x7FFFFFFF  }
tec
execute0_lowered:
.L_overlay_start_1:
0x0: {  	(tag) =	ssettag $0x1  }
0x1: {  	s4 =	rddreg [dreg:$0x0]  }
0x2: {  	s0 =	stileid.u32;
	s1 =	rddreg [dreg:$0x1]  }
0x3: {  	s3 =	srdreg.scid;
	_ =	strace $0x80000047;
	s7 =	simm.s32 $0x1  }
0x4: {  	s31 =	simm.s32 $0x2;
	s16 =	simm.s32 $0x0;
	s10 =	simm.s32 $0x100  }
0x5: {  	s11 =	simm.s32 $0x8000;
	s12 =	simm.s32 $0x0;
	s2 =	sshll.u32 s0, $0x1  }
0x6: {  	s17 =	simm.s32 $0x0;
	s18 =	simm.s32 $0x0;
	s2 =	sand.u32 $0x6, s2  }
0x7: {  	s13 =	simm.s32 $0x0;
	s15 =	simm.s32 $0x0;
	s6 =	ssub.s32 $0x1A, s2  }
0x8: {  	s5 =	sshll.u32 s0, $0x5;
	s3 =	sshll.u32 s3, $0x9;
	s30 =	sand.u32 $0x6, s6  }
0x9: {  	s27 =	simm.s32 $0x0;
	s3 =	sor.u32 s5, s3;
	p0 =	sne.s32 s30, $0x0  }
.Ltmp0:
0xa: {  	s6 =	sshrl.u32 s6, $0x3;
	s7 =	simm.s32 @!p0 $0x0;
	(pc) =	sbr.rel .LBB1_1-.Ltmp0, $4  }
0xb: {  	s5 =	simm.s32 $0x1;
	s3 =	sand.u32 $0x380, s3;
	s6 =	sadd.s32 s7, s6  }
0xc: {  	[sflag:s5] =	ssyncpa.u1 $0x0;
	s14 =	smov.u32 s2;
	s6 =	smul.u32 $0xD, s6  }
0xd: {  	s8 =	sadd.s32 s3, s4;
	s4 =	sadd.s32 $0x152800, s4;
	[sflag:s31] =	ssyncpa.u1 $0x0  }
0xe: {  	s7 =	sadd.s32 $0x800, s8;
	s8 =	sadd.s32 $0xD800, s8;
	s9 =	sadd.s32 $0x1, s6  }
.LBB1_9:
0xf: {  	s19 =	sadd.s32 $0x2, s13  }
0x10: {  	s17 =	sadd.s32 $0x8, s14;
	s20 =	smov.u32 s14;
	p1 =	sgt.s32 s19, $0x19  }
0x11: {  	s20 =	smov.u32 @p1 s17  }
0x12: {  	s19 =	simm.s32 @p1 $0x0;
	p1 =	sgt.s32 s20, $0x19  }
0x13: {  	s20 =	smov.u32 @p1 s2;
	p1 =	sne.s32 s15, s9  }
.Ltmp1:
0x14: {  	p0 =	slt.u32 s15, $0x2;
	(pc) =	sbr.rel @!p1 .LBB1_10-.Ltmp1, $4  }
0x15: {  	s18 =	smov.u32 s14;
	s16 =	simm.s32 @!p0 $0x2  }
0x16: {  	s12 =	sadd.s32 $0x2000, s12;
	_ =	swait.ge @!p0 [sflag:s16], $0x2000;
	s17 =	smov.u32 s13  }
0x17: {  	[sflag:s16] =	ssyncset.done @!p0 $0x0;
	s13 =	smov.u32 s19;
	s15 =	sadd.s32 $0x1, s15  }
0x18: {  	[sflag:s16] =	ssyncadd.s32 @!p0 $0xFFFFE000;
	s16 =	smov.u32 s3;
	s14 =	smov.u32 s20  }
.LBB1_1:
0x19: {  	p0 =	sge.u32 s15, s6  }
0x1a: {  	s20 =	smul.u32 @!p0 $0xD000, s14  }
0x1b: {  	s19 =	sxor.u32 @!p0 $0xFFFFFFFF, s15;
	s21 =	sshll.u32 @!p0 s13, $0xB;
	s23 =	simm.s32 @!p0 $0x400  }
0x1c: {  	s24 =	simm.s32 @!p0 $0x2000;
	s19 =	sshll.u32 @!p0 s19, $0xD;
	s22 =	sadd.s32 @!p0 s20, s7  }
0x1d: {  	s19 =	sand.u32 @!p0 $0x2000, s19;
	s20 =	sadd.s32 @!p0 s20, s8;
	s22 =	sadd.s32 @!p0 s21, s22  }
0x1e: {  	[tilespmem:s19], [sflag:$0x1] =	stream.strided.gather @!p0 [hbm4b:s22+s23], $0x1000, s24, s23, $0x38;
	[tilespmem:$0x8000] =	vst v63  }
0x1f: {  	s31 =	sadd.s32 $0xFFFFFFFF, s15;
	s20 =	sadd.s32 @!p0 s21, s20;
	s19 =	sor.u32 @!p0 $0x1000, s19  }
0x20: {  	[tilespmem:s19], [sflag:$0x1] =	stream.strided.gather @!p0 [hbm4b:s20+s23], $0x1000, s24, s23, $0x38;
	[tilespmem:$0x8000] =	vst v63  }
0x21: {  	p0 =	sge.u32 s31, s6  }
.Ltmp2:
0x22: {  	_ = 	snop;
	(pc) =	sbr.rel @p0 .LBB1_9-.Ltmp2, $1  }
0x23: {  	_ =	sdelay $0x3  }
0x24: {  	s19 =	sshll.u32 s12, $0x2  }
0x25: {  	_ =	swait.ge [sflag:s5], $0x2000;
	s20 =	sshll.u32 s15, $0xD;
	s22 =	simm.s32 $0x0  }
0x26: {  	p1 =	por $0x1, $0x1;
	s19 =	sand.u32 $0x8000, s19;
	[sflag:s5] =	ssyncset.done $0x0  }
0x27: {  	s20 =	sand.u32 $0x2000, s20;
	s21 =	sshrl.u32 s19, $0x2;
	[sflag:s5] =	ssyncadd.s32 $0xFFFFE000  }
0x28: {  	s19 =	sor.u32 $0x4000, s20;
	s20 =	sadd.s32 $0x4040, s21;
	s21 =	sadd.s32 $0x40, s21  }
.LBB1_3:
0x29: {  	s23 =	sshll.u32 s22, $0x7;
	s24 =	sshll.u32 s22, $0xC;
	p0 =	por p1, p1  }
0x2a: {  	p2 =	por $0x1, $0x1;
	s23 =	sand.u32 $0x3FFFFF80, s23;
	s31 =	sand.u32 $0x3FFFF000, s24  }
0x2b: {  	s24 =	simm.s32 $0x0;
	s22 =	sadd.s32 s23, s20;
	s23 =	sadd.s32 s31, s21  }
.LBB1_4:
0x2c: {  	s25 =	sshll.u32 s24, $0xB  }
0x2d: {  	s25 =	sand.u32 $0x3FFFF800, s25  }
0x2e: {  	s25 =	sadd.s32 s25, s23  }
0x2f: {  	v0 =	vmov s25;
	_ =	sdelay $0x4  }
0x30: {  	v6 =	vld.idx.msk [tilespmem:v0+s27+$0x30 ss:$0x1], $0xffff  }
0x31: {  	v7 =	vld.idx.msk [tilespmem:v0+s27+$0xFFFFFFC0 ss:$0x1], $0xffff  }
0x32: {  	v1 =	vld.idx.msk [tilespmem:v0+s27+$0xFFFFFFD0 ss:$0x1], $0xffff  }
0x33: {  	s31 =	sshll.u32 s24, $0xC;
	v2 =	vld.idx.msk [tilespmem:v0+s27+$0xFFFFFFE0 ss:$0x1], $0xffff  }
0x34: {  	s24 =	sand.u32 $0x3FFFF000, s31;
	v3 =	vld.idx.msk [tilespmem:v0+s27+$0xFFFFFFF0 ss:$0x1], $0xffff  }
0x35: {  	s24 =	sadd.s32 s24, s22;
	v4 =	vld.idx.msk [tilespmem:v0+s27+$0x0 ss:$0x1], $0xffff  }
0x36: {  	v5 =	vld.idx.msk [tilespmem:v0+s27+$0x10 ss:$0x1], $0xffff;
	[tilespmem:s24+$0x30] =	vst v6  }
0x37: {  	p1 =	por p2, p2;
	s26 =	simm.s32 $0x400;
	s25 =	simm.s32 $0x80;
	[tilespmem:s24+$0xFFFFFFC0] =	vst v7;
	v6 =	vld.idx.msk [tilespmem:v0+s27+$0x20 ss:$0x1], $0xffff  }
.LBB1_5:
0x38: {  	p2 =	sne.s32 s26, $0x1E00;
	v7 =	vld.idx.msk [tilespmem:v0+s25+$0x30 ss:$0x1], $0xffff;
	[tilespmem:s24+$0xFFFFFFD0] =	vst v1  }
0x39: {  	v8 =	vld.idx.msk [tilespmem:v0+s25+$0xFFFFFFC0 ss:$0x1], $0xffff;
	[tilespmem:s24+$0xFFFFFFE0] =	vst v2  }
0x3a: {  	v1 =	vld.idx.msk [tilespmem:v0+s25+$0xFFFFFFD0 ss:$0x1], $0xffff;
	[tilespmem:s24+$0xFFFFFFF0] =	vst v3  }
.Ltmp3:
0x3b: {  	v2 =	vld.idx.msk [tilespmem:v0+s25+$0xFFFFFFE0 ss:$0x1], $0xffff;
	[tilespmem:s24+$0x0] =	vst v4;
	(pc) =	sbr.rel @p2 .LBB1_5-.Ltmp3, $4  }
0x3c: {  	v3 =	vld.idx.msk [tilespmem:v0+s25+$0xFFFFFFF0 ss:$0x1], $0xffff;
	[tilespmem:s24+$0x10] =	vst v5  }
0x3d: {  	v4 =	vld.idx.msk [tilespmem:v0+s25+$0x0 ss:$0x1], $0xffff;
	[tilespmem:s24+$0x20] =	vst v6;
	s24 =	sadd.s32 $0x100, s24  }
0x3e: {  	v5 =	vld.idx.msk [tilespmem:v0+s25+$0x10 ss:$0x1], $0xffff;
	[tilespmem:s24+$0x30] =	vst v7  }
0x3f: {  	[tilespmem:s24+$0xFFFFFFC0] =	vst v8;
	v6 =	vld.idx.msk [tilespmem:v0+s25+$0x20 ss:$0x1], $0xffff;
	s25 =	sshra.s32 s26, $0x2;
	s26 =	sadd.s32 $0x200, s26  }
0x40: {  	_ =	sdelay $0x2  }
0x41: {  	[tilespmem:s24+$0xFFFFFFD0] =	vst v1  }
0x42: {  	v56 =	vld.idx.msk [tilespmem:v0+s25+$0x30 ss:$0x1], $0xffff;
	[tilespmem:s24+$0xFFFFFFE0] =	vst v2  }
0x43: {  	v57 =	vld.idx.msk [tilespmem:v0+s25+$0xFFFFFFC0 ss:$0x1], $0xffff;
	[tilespmem:s24+$0xFFFFFFF0] =	vst v3  }
0x44: {  	v58 =	vld.idx.msk [tilespmem:v0+s25+$0xFFFFFFD0 ss:$0x1], $0xffff;
	[tilespmem:s24+$0x0] =	vst v4  }
0x45: {  	v59 =	vld.idx.msk [tilespmem:v0+s25+$0xFFFFFFE0 ss:$0x1], $0xffff;
	[tilespmem:s24+$0x10] =	vst v5  }
0x46: {  	v60 =	vld.idx.msk [tilespmem:v0+s25+$0xFFFFFFF0 ss:$0x1], $0xffff;
	s31 =	sadd.s32 $0x100, s24;
	[tilespmem:s24+$0x20] =	vst v6  }
0x47: {  	v61 =	vld.idx.msk [tilespmem:v0+s25+$0x0 ss:$0x1], $0xffff;
	[tilespmem:s31+$0x30] =	vst v56  }
0x48: {  	v62 =	vld.idx.msk [tilespmem:v0+s25+$0x10 ss:$0x1], $0xffff;
	[tilespmem:s31+$0xFFFFFFC0] =	vst v57  }
0x49: {  	v63 =	vld.idx.msk [tilespmem:v0+s25+$0x20 ss:$0x1], $0xffff;
	[tilespmem:s31+$0xFFFFFFD0] =	vst v58  }
.Ltmp4:
0x4a: {  	[tilespmem:s31+$0xFFFFFFE0] =	vst v59;
	(pc) =	sbr.rel @p1 .LBB1_4-.Ltmp4, $4  }
0x4b: {  	[tilespmem:s31+$0xFFFFFFF0] =	vst v60  }
0x4c: {  	[tilespmem:s31+$0x0] =	vst v61  }
0x4d: {  	[tilespmem:s31+$0x10] =	vst v62  }
0x4e: {  	p2 =	por $0x0, $0x0;
	s24 =	simm.s32 $0x1;
	[tilespmem:s31+$0x20] =	vst v63  }
.Ltmp5:
0x4f: {  	(pc) =	sbr.rel @p0 .LBB1_3-.Ltmp5, $2  }
0x50: {  	_ =	sdelay $0x2  }
0x51: {  	s22 =	simm.s32 $0x1;
	p1 =	por $0x0, $0x0  }
0x52: {  	s20 =	sshll.u32 s18, $0x7  }
.Ltmp6:
0x53: {  	s17 =	sshll.u32 s17, $0x10;
	s31 =	sshll.u32 s18, $0x4;
	(pc) =	sbr.rel .LBB1_9-.Ltmp6, $4  }
0x54: {  	s20 =	sand.u32 $0xC00, s20;
	s18 =	sand.u32 $0x70, s31;
	s17 =	sadd.s32 s4, s17  }
0x55: {  	s16 =	sor.u32 s16, s20;
	s17 =	sadd.s32 s18, s17  }
0x56: {  	s16 =	sadd.s32 s16, s17  }
0x57: {  	[hbm4b:s16+s10] =	stream.strided.scatter [tilespmem:s19], [sflag:$0x2], $0x2000, s11, s10, $0x38;
	[tilespmem:$0x8000] =	vst v63  }
.LBB1_10:
0x58: {  	_ =	sfence.sel $0x180000  }
0x59: {  	s2 =	simm.s32 $0x1;
	[bflag:$0x0] =	sbarrier.arrive $0xFFFF  }
0x5a: {  	s31 =	simm.s32 $0x2;
	[sflag:s2] =	ssyncpa.u1 $0x1  }
0x5b: {  	[sflag:s31] =	ssyncpa.u1 $0x1  }
0x5c: {  	p0 =	sne.s32 s0, $0x0;
	_ =	strace $0x90000047  }
0x5d: {  	s0 =	sadd.s32 @!p0 $0x100000, s1;
	[bflag:$0x2] =	sbarrier.arrive $0xFFFF  }
0x5e: {  	[sflag:s0] =	ssyncadd.tile.s32 @!p0 $0x1;
	_ =	shalt  }
.Lfunc_end1:
_tile_overlayer_lowered:
.L_overlay_start_2:
0x5f: {  	(tag) =	ssettag $0x2  }
0x60: {  	s0 =	rddreg [dreg:$0x0];
	s2 =	stileid.u32  }
0x61: {  	s1 =	rddreg [dreg:$0x1];
	p0 =	sne.s32 s2, $0x0  }
0x62: {  	s3 =	rddreg [dreg:$0x2];
	[bflag:$0x3] =	sbarrier.arrive $0xFFFF;
	s2 =	simm.s32 @!p0 $0x1C01  }
0x63: {  	[timem:s3], [sflag:s2] =	dma.local @!p0 [hbm:s0], s1  }
0x64: {  	s0 =	simm.s32 @!p0 $0x1  }
0x65: {  	_ =	swait.ge @!p0 [sflag:s0], s1  }
0x66: {  	s1 =	ssub.s32 @!p0 $0x0, s1;
	[sflag:s0] =	ssyncset.done @!p0 $0x0  }
0x67: {  	[sflag:s0] =	ssyncadd.s32 @!p0 s1  }
0x68: {  	[bflag:$0x3] =	sbarrier.arrive $0xFFFF  }
0x69: {  	_ =	shalt  }

</sc_bundles>
